<compile_context>
chip_gen: v7x
topology: tpu7x:2x2x1
jax: 0.10.2.dev20260603
libtpu: 0.0.44.dev20260713+nightly
codegen_flags: <defaults>
</compile_context>

<pallas_src>
import functools

import jax
import jax.numpy as jnp
from jax import lax
from jax.experimental import pallas as pl
from jax.experimental.pallas import tpu as pltpu
from jax.experimental.pallas import tpu_sc as plsc

B = 2
N = 10000
E = 160000
D = 128
NODE_DIM = 32
EPS = 1e-6

NC = 2
NS = 16
CH = 128
K = 79
E_PAD = NS * K * CH
N_PAD = 10112
ROWS_PER_SUB = N_PAD // NS
TRASH = N
R = B * N_PAD
CNT_W = 128



def _sc_mesh():
    return plsc.VectorSubcoreMesh(core_axis_name="c", subcore_axis_name="s")


def _sc_aggregate(t_flat, gat_idx, sct_idx, zeros_acc):

    @functools.partial(
        pl.kernel,
        mesh=_sc_mesh(),
        out_type=jax.ShapeDtypeStruct((B, N_PAD, D), jnp.float32),
        scratch_types=[
            pltpu.VMEM((K, CH), jnp.int32),
            pltpu.VMEM((K, CH), jnp.int32),
            pltpu.VMEM((CH, D), jnp.float32),
            pltpu.VMEM_SHARED((N_PAD, D), jnp.float32),
        ],
    )
    def k(t_hbm, g_hbm, s_hbm, z_hbm, out_hbm, gi_v, si_v, rows_v, acc_sh):
        b = lax.axis_index("c")
        s = lax.axis_index("s")
        row0 = s * ROWS_PER_SUB
        pltpu.sync_copy(z_hbm.at[pl.ds(row0, ROWS_PER_SUB)],
                        acc_sh.at[pl.ds(row0, ROWS_PER_SUB)])
        plsc.subcore_barrier()
        for d in range(2):
            pltpu.sync_copy(g_hbm.at[b].at[d].at[s], gi_v)
            pltpu.sync_copy(s_hbm.at[b].at[d].at[s], si_v)

            @pl.loop(0, K)
            def _(j):
                pltpu.sync_copy(t_hbm.at[gi_v.at[j]], rows_v)
                pltpu.sync_copy(rows_v, acc_sh.at[si_v.at[j]], add=True)

        plsc.subcore_barrier()
        pltpu.sync_copy(acc_sh.at[pl.ds(row0, ROWS_PER_SUB)],
                        out_hbm.at[b].at[pl.ds(row0, ROWS_PER_SUB)])

    return k(t_flat, gat_idx, sct_idx, zeros_acc)


def _sc_degree(cnt_idx, zeros_cnt, ones_rows):

    @functools.partial(
        pl.kernel,
        mesh=_sc_mesh(),
        out_type=jax.ShapeDtypeStruct((2, B, N_PAD, CNT_W), jnp.float32),
        scratch_types=[
            pltpu.VMEM((K, CH), jnp.int32),
            pltpu.VMEM((CH, CNT_W), jnp.float32),
            pltpu.VMEM_SHARED((N_PAD, CNT_W), jnp.float32),
        ],
    )
    def k(i_hbm, z_hbm, o_hbm, out_hbm, idx_v, ones_v, cnt_sh):
        b = lax.axis_index("c")
        s = lax.axis_index("s")
        row0 = s * ROWS_PER_SUB
        pltpu.sync_copy(o_hbm, ones_v)
        for e in range(2):
            pltpu.sync_copy(z_hbm.at[pl.ds(row0, ROWS_PER_SUB)],
                            cnt_sh.at[pl.ds(row0, ROWS_PER_SUB)])
            plsc.subcore_barrier()
            for d in range(2):
                pltpu.sync_copy(i_hbm.at[e].at[b].at[d].at[s], idx_v)

                @pl.loop(0, K)
                def _(j):
                    pltpu.sync_copy(ones_v, cnt_sh.at[idx_v.at[j]], add=True)

            plsc.subcore_barrier()
            pltpu.sync_copy(cnt_sh.at[pl.ds(row0, ROWS_PER_SUB)],
                            out_hbm.at[e].at[b].at[pl.ds(row0, ROWS_PER_SUB)])

    return k(cnt_idx, zeros_cnt, ones_rows)



TR = 1264


def _tc_init(nf, w_node, b_node, w0, b0):

    def body(nf_ref, wn_ref, bn_ref, w0_ref, b0_ref, t_ref):
        h = jnp.dot(nf_ref[...], wn_ref[...],
                    preferred_element_type=jnp.float32) + bn_ref[...]
        t_ref[...] = jnp.tanh(
            jnp.dot(h, w0_ref[...], preferred_element_type=jnp.float32)
            + b0_ref[...])

    return pl.pallas_call(
        body,
        grid=(R // TR,),
        in_specs=[
            pl.BlockSpec((TR, NODE_DIM), lambda i: (i, 0)),
            pl.BlockSpec((NODE_DIM, D), lambda i: (0, 0)),
            pl.BlockSpec((1, D), lambda i: (0, 0)),
            pl.BlockSpec((D, D), lambda i: (0, 0)),
            pl.BlockSpec((1, D), lambda i: (0, 0)),
        ],
        out_specs=pl.BlockSpec((TR, D), lambda i: (i, 0)),
        out_shape=jax.ShapeDtypeStruct((R, D), jnp.float32),
    )(nf, w_node, b_node, w0, b0)


def _tc_layer(acc, deg, w, b):

    def body(acc_ref, deg_ref, w_ref, b_ref, t_ref):
        h = acc_ref[...] / (deg_ref[:, 0:1] + EPS)
        t_ref[...] = jnp.tanh(
            jnp.dot(h, w_ref[...], preferred_element_type=jnp.float32)
            + b_ref[...])

    return pl.pallas_call(
        body,
        grid=(R // TR,),
        in_specs=[
            pl.BlockSpec((TR, D), lambda i: (i, 0)),
            pl.BlockSpec((TR, 8), lambda i: (i, 0)),
            pl.BlockSpec((D, D), lambda i: (0, 0)),
            pl.BlockSpec((1, D), lambda i: (0, 0)),
        ],
        out_specs=pl.BlockSpec((TR, D), lambda i: (i, 0)),
        out_shape=jax.ShapeDtypeStruct((R, D), jnp.float32),
    )(acc, deg, w, b)


def _tc_final(acc, deg):

    def body(acc_ref, deg_ref, h_ref):
        h_ref[...] = acc_ref[...] / (deg_ref[:, 0:1] + EPS)

    return pl.pallas_call(
        body,
        grid=(R // TR,),
        in_specs=[
            pl.BlockSpec((TR, D), lambda i: (i, 0)),
            pl.BlockSpec((TR, 8), lambda i: (i, 0)),
        ],
        out_specs=pl.BlockSpec((TR, D), lambda i: (i, 0)),
        out_shape=jax.ShapeDtypeStruct((R, D), jnp.float32),
    )(acc, deg)


def _tc_num(x, w0, b0, w1, b1):

    def body(x_ref, w0_ref, b0_ref, w1_ref, b1_ref, o_ref):
        h = jnp.tanh(jnp.dot(x_ref[...], w0_ref[...],
                             preferred_element_type=jnp.float32) + b0_ref[...])
        o_ref[...] = jnp.tanh(
            jnp.dot(h, w1_ref[...], preferred_element_type=jnp.float32)
            + b1_ref[...])

    return pl.pallas_call(
        body,
        out_shape=jax.ShapeDtypeStruct((8, w1.shape[1]), jnp.float32),
    )(x, w0, b0, w1, b1)



def _prep_edges(ei):
    idx0 = ei[:, :, 0]
    idx1 = ei[:, :, 1]
    pad_s = jnp.broadcast_to(
        TRASH + (jnp.arange(E_PAD - E, dtype=jnp.int32) % (N_PAD - N)),
        (B, E_PAD - E))
    pad_g = jnp.zeros((B, E_PAD - E), jnp.int32)
    base = (jnp.arange(B, dtype=jnp.int32) * N_PAD)[:, None]
    g0 = jnp.concatenate([idx1, pad_g], axis=1) + base
    g1 = jnp.concatenate([idx0, pad_g], axis=1) + base
    s0 = jnp.concatenate([idx0, pad_s], axis=1)
    s1 = jnp.concatenate([idx1, pad_s], axis=1)
    gat = jnp.stack([g0, g1], axis=1).reshape(B, 2, NS, K, CH)
    sct = jnp.stack([s0, s1], axis=1).reshape(B, 2, NS, K, CH)
    return gat, sct


def kernel(numerical, node_feature, edge_index_dis, edge_index_od,
           W_num0, b_num0, W_num1, b_num1, W_node, b_node,
           W_e1, b_e1, W_e2, b_e2):
    f32 = jnp.float32

    gat_dis, sct_dis = _prep_edges(edge_index_dis)
    gat_od, sct_od = _prep_edges(edge_index_od)
    cnt_idx = jnp.stack([sct_dis, sct_od], axis=0)
    zeros_acc = jnp.zeros((N_PAD, D), f32)
    zeros_cnt = zeros_acc
    ones_rows = jnp.ones((CH, CNT_W), f32)
    nf_pad = jnp.pad(node_feature.astype(f32),
                     ((0, 0), (0, N_PAD - N), (0, 0))).reshape(R, NODE_DIM)
    num_pad = jnp.pad(numerical.astype(f32), ((0, 8 - B), (0, 0)))

    h_num = _tc_num(num_pad, W_num0, b_num0.reshape(1, -1),
                    W_num1, b_num1.reshape(1, -1))[:B]

    deg = _sc_degree(cnt_idx, zeros_cnt, ones_rows)
    deg_dis = deg[0].reshape(R, CNT_W)[:, :8]
    deg_od = deg[1].reshape(R, CNT_W)[:, :8]

    ws = [W_e1[0], W_e2[0], W_e1[1], W_e2[1]]
    bs = [b_e1[0].reshape(1, -1), b_e2[0].reshape(1, -1),
          b_e1[1].reshape(1, -1), b_e2[1].reshape(1, -1)]
    edges = [(gat_dis, sct_dis), (gat_od, sct_od),
             (gat_dis, sct_dis), (gat_od, sct_od)]
    degs = [deg_dis, deg_od, deg_dis, deg_od]

    t = _tc_init(nf_pad, W_node, b_node.reshape(1, -1), ws[0], bs[0])
    h = None
    for k in range(4):
        g, s = edges[k]
        acc = _sc_aggregate(t, g, s, zeros_acc).reshape(R, D)
        if k < 3:
            t = _tc_layer(acc, degs[k], ws[k + 1], bs[k + 1])
        else:
            h = _tc_final(acc, degs[k])

    h_nodes = h.reshape(B, N_PAD, D)[:, :N, :]
    return (h_nodes, h_num)

# --- scband reference (transcript-rebuilt; emitter-appended) ---
"""Pipeline reference for scband-gnn1-state-encoder-32272384262197 (READ-ONLY COPY).

The authoritative reference and input builder live on the scoring server;
editing this copy changes nothing except your own understanding.
"""

import jax, jax.numpy as jnp
import numpy as np

B = 2
N = 10000
E = 160000
D = 128
NODE_DIM = 32
NUM_FEAT = 64
L = 2
EPS = 1e-6


def setup_inputs(seed: int = 0):
    key = jax.random.key(seed)
    ks = jax.random.split(key, 16)
    inp = {}
    inp['numerical'] = jax.random.normal(ks[0], (B, NUM_FEAT), dtype=jnp.float32)
    inp['node_feature'] = jax.random.normal(ks[1], (B, N, NODE_DIM), dtype=jnp.float32)
    inp['edge_index_dis'] = jax.random.randint(ks[2], (B, E, 2), 0, N, dtype=jnp.int32)
    inp['edge_index_od'] = jax.random.randint(ks[3], (B, E, 2), 0, N, dtype=jnp.int32)
    s = 0.05
    inp['W_num0'] = jax.random.normal(ks[4], (NUM_FEAT, 64), dtype=jnp.float32) * s
    inp['b_num0'] = jnp.zeros((64,), jnp.float32)
    inp['W_num1'] = jax.random.normal(ks[5], (64, 128), dtype=jnp.float32) * s
    inp['b_num1'] = jnp.zeros((128,), jnp.float32)
    inp['W_node'] = jax.random.normal(ks[6], (NODE_DIM, D), dtype=jnp.float32) * s
    inp['b_node'] = jnp.zeros((D,), jnp.float32)
    inp['W_e1'] = jax.random.normal(ks[7], (L, D, D), dtype=jnp.float32) * s
    inp['b_e1'] = jnp.zeros((L, D), jnp.float32)
    inp['W_e2'] = jax.random.normal(ks[8], (L, D, D), dtype=jnp.float32) * s
    inp['b_e2'] = jnp.zeros((L, D), jnp.float32)
    return inp


def _scatter_count(h_edges, idx, max_n):
    h = jnp.zeros((max_n, h_edges.shape[-1]), h_edges.dtype).at[idx].add(h_edges)
    c = jnp.zeros((max_n, h_edges.shape[-1]), h_edges.dtype).at[idx].add(jnp.ones_like(h_edges))
    return h, c


def _gnn_layer(h_nodes, edge_index, W, b):
    idx0 = edge_index[:, 0]
    idx1 = edge_index[:, 1]
    h12 = jnp.tanh(h_nodes[idx0] @ W + b)
    h21 = jnp.tanh(h_nodes[idx1] @ W + b)
    h1, c1 = _scatter_count(h21, idx0, h_nodes.shape[0])
    h2, c2 = _scatter_count(h12, idx1, h_nodes.shape[0])
    return (h1 + h2) / (c1 + c2 + EPS)


def reference(numerical, node_feature, edge_index_dis, edge_index_od, W_num0, b_num0, W_num1, b_num1, W_node, b_node, W_e1, b_e1, W_e2, b_e2):
    h_num = jnp.tanh(numerical.reshape(numerical.shape[0], -1) @ W_num0 + b_num0)
    h_num = jnp.tanh(h_num @ W_num1 + b_num1)
    h_nodes = node_feature @ W_node + b_node
    for l in range(L):
        h_nodes = jax.vmap(lambda h, e: _gnn_layer(h, e, W_e1[l], b_e1[l]))(h_nodes, edge_index_dis)
        h_nodes = jax.vmap(lambda h, e: _gnn_layer(h, e, W_e2[l], b_e2[l]))(h_nodes, edge_index_od)
    return (h_nodes, h_num)

if __name__ == "__main__":
    import jax
    _d = setup_inputs()
    print(jax.jit(kernel)(*tuple(_d.values())))

</pallas_src>

<mosaic_0001>
#map = affine_map<(d0, d1) -> (0, 0)>
#map1 = affine_map<(d0, d1) -> (0, 0, 0, 0, 0)>
#map2 = affine_map<(d0, d1) -> (0, 0, 0)>
module attributes {stable_mosaic.version = 14 : i64} {
  func.func @k(%arg0: i32, %arg1: i32, %arg2: memref<20224x128xf32, #tpu.memory_space<hbm>>, %arg3: memref<2x2x16x79x128xi32, #tpu.memory_space<hbm>>, %arg4: memref<2x2x16x79x128xi32, #tpu.memory_space<hbm>>, %arg5: memref<10112x128xf32, #tpu.memory_space<hbm>>, %arg6: memref<2x10112x128xf32, #tpu.memory_space<hbm>>, %arg7: memref<79x128xi32, #tpu.memory_space<vmem>>, %arg8: memref<79x128xi32, #tpu.memory_space<vmem>>, %arg9: memref<128x128xf32, #tpu.memory_space<vmem>>, %arg10: memref<10112x128xf32, #tpu.memory_space<vmem_shared>>) attributes {dimension_semantics = [#tpu.dimension_semantics<core_parallel>, #tpu.dimension_semantics<subcore_parallel>], iteration_bounds = array<i64: 2, 16>, scalar_prefetch = 0 : i64, scratch_operands = 4 : i64, tpu.core_type = #tpu.core_type<sc_vector_subcore>, window_params = [{transform_indices = #map}, {transform_indices = #map1}, {transform_indices = #map1}, {transform_indices = #map}, {transform_indices = #map2}]} {
    %mul3A = arith.constant 632 : i32
    %mul3A_0 = arith.muli %arg1, %mul3A : i32
    "tpu.region"() ({
      %run_scoped3A_14 = tpu.sem_alloc : memref<!tpu.dma_semaphore, #tpu.memory_space<semaphore_mem>>
      %dma_start3A = arith.constant 0 : i32
      %dma_start3A_15 = tpu.memref_slice %arg10[%mul3A_0, %dma_start3A] : memref<10112x128xf32, #tpu.memory_space<vmem_shared>> -> memref<632x128xf32, #tpu.memory_space<vmem_shared>>
      %dma_start3A_16 = arith.constant 0 : i32
      %dma_start3A_17 = tpu.memref_slice %arg5[%mul3A_0, %dma_start3A_16] : memref<10112x128xf32, #tpu.memory_space<hbm>> -> memref<632x128xf32, #tpu.memory_space<hbm>>
      tpu.enqueue_dma source(%dma_start3A_17 : memref<632x128xf32, #tpu.memory_space<hbm>>) target(%dma_start3A_15 : memref<632x128xf32, #tpu.memory_space<vmem_shared>>) target_semaphore(%run_scoped3A_14 : memref<!tpu.dma_semaphore, #tpu.memory_space<semaphore_mem>>)
      %dma_wait3A = arith.constant 0 : i32
      %dma_wait3A_18 = tpu.memref_slice %arg10[%mul3A_0, %dma_wait3A] : memref<10112x128xf32, #tpu.memory_space<vmem_shared>> -> memref<632x128xf32, #tpu.memory_space<vmem_shared>>
      %dma_wait3A_19 = arith.constant 0 : i32
      %dma_wait3A_20 = tpu.memref_slice %arg5[%mul3A_0, %dma_wait3A_19] : memref<10112x128xf32, #tpu.memory_space<hbm>> -> memref<632x128xf32, #tpu.memory_space<hbm>>
      tpu.wait_dma2 semaphore(%run_scoped3A_14 : memref<!tpu.dma_semaphore, #tpu.memory_space<semaphore_mem>>) src(%dma_wait3A_20 : memref<632x128xf32, #tpu.memory_space<hbm>>) dst(%dma_wait3A_18 : memref<632x128xf32, #tpu.memory_space<vmem_shared>>)
      tpu.yield
    }) : () -> ()
    %barrier3A = arith.constant 0 : index
    tpu.barrier barrier_id(%barrier3A)
    %run_scoped3A = arith.constant 0 : i32
    "tpu.region"() ({
      %run_scoped3A_14 = tpu.sem_alloc : memref<!tpu.dma_semaphore, #tpu.memory_space<semaphore_mem>>
      %dma_start3A = arith.constant 0 : i32
      %dma_start3A_15 = arith.constant 0 : i32
      %dma_start3A_16 = arith.constant 0 : i32
      %dma_start3A_17 = arith.constant 0 : i32
      %dma_start3A_18 = tpu.memref_slice %arg3[%arg0, %dma_start3A, %dma_start3A_15, %dma_start3A_16, %dma_start3A_17] : memref<2x2x16x79x128xi32, #tpu.memory_space<hbm>> -> memref<1x2x16x79x128xi32, #tpu.memory_space<hbm>>
      %dma_start3A_19 = tpu.memref_squeeze %dma_start3A_18 : memref<1x2x16x79x128xi32, #tpu.memory_space<hbm>> -> memref<2x16x79x128xi32, #tpu.memory_space<hbm>>
      %dma_start3A_20 = arith.constant 0 : i32
      %dma_start3A_21 = arith.constant 0 : i32
      %dma_start3A_22 = arith.constant 0 : i32
      %dma_start3A_23 = tpu.memref_slice %dma_start3A_19[%run_scoped3A, %dma_start3A_20, %dma_start3A_21, %dma_start3A_22] : memref<2x16x79x128xi32, #tpu.memory_space<hbm>> -> memref<1x16x79x128xi32, #tpu.memory_space<hbm>>
      %dma_start3A_24 = tpu.memref_squeeze %dma_start3A_23 : memref<1x16x79x128xi32, #tpu.memory_space<hbm>> -> memref<16x79x128xi32, #tpu.memory_space<hbm>>
      %dma_start3A_25 = arith.constant 0 : i32
      %dma_start3A_26 = arith.constant 0 : i32
      %dma_start3A_27 = tpu.memref_slice %dma_start3A_24[%arg1, %dma_start3A_25, %dma_start3A_26] : memref<16x79x128xi32, #tpu.memory_space<hbm>> -> memref<1x79x128xi32, #tpu.memory_space<hbm>>
      %dma_start3A_28 = tpu.memref_squeeze %dma_start3A_27 : memref<1x79x128xi32, #tpu.memory_space<hbm>> -> memref<79x128xi32, #tpu.memory_space<hbm>>
      %dma_start3A_29 = arith.constant 0 : i32
      %dma_start3A_30 = arith.constant 0 : i32
      %dma_start3A_31 = arith.constant 0 : i32
      %dma_start3A_32 = arith.constant 0 : i32
      %dma_start3A_33 = tpu.memref_slice %arg3[%arg0, %dma_start3A_29, %dma_start3A_30, %dma_start3A_31, %dma_start3A_32] : memref<2x2x16x79x128xi32, #tpu.memory_space<hbm>> -> memref<1x2x16x79x128xi32, #tpu.memory_space<hbm>>
      %dma_start3A_34 = tpu.memref_squeeze %dma_start3A_33 : memref<1x2x16x79x128xi32, #tpu.memory_space<hbm>> -> memref<2x16x79x128xi32, #tpu.memory_space<hbm>>
      %dma_start3A_35 = arith.constant 0 : i32
      %dma_start3A_36 = arith.constant 0 : i32
      %dma_start3A_37 = arith.constant 0 : i32
      %dma_start3A_38 = tpu.memref_slice %dma_start3A_34[%run_scoped3A, %dma_start3A_35, %dma_start3A_36, %dma_start3A_37] : memref<2x16x79x128xi32, #tpu.memory_space<hbm>> -> memref<1x16x79x128xi32, #tpu.memory_space<hbm>>
      %dma_start3A_39 = tpu.memref_squeeze %dma_start3A_38 : memref<1x16x79x128xi32, #tpu.memory_space<hbm>> -> memref<16x79x128xi32, #tpu.memory_space<hbm>>
      %dma_start3A_40 = arith.constant 0 : i32
      %dma_start3A_41 = arith.constant 0 : i32
      %dma_start3A_42 = tpu.memref_slice %dma_start3A_39[%arg1, %dma_start3A_40, %dma_start3A_41] : memref<16x79x128xi32, #tpu.memory_space<hbm>> -> memref<1x79x128xi32, #tpu.memory_space<hbm>>
      %dma_start3A_43 = tpu.memref_squeeze %dma_start3A_42 : memref<1x79x128xi32, #tpu.memory_space<hbm>> -> memref<79x128xi32, #tpu.memory_space<hbm>>
      tpu.enqueue_dma source(%dma_start3A_43 : memref<79x128xi32, #tpu.memory_space<hbm>>) target(%arg7 : memref<79x128xi32, #tpu.memory_space<vmem>>) target_semaphore(%run_scoped3A_14 : memref<!tpu.dma_semaphore, #tpu.memory_space<semaphore_mem>>)
      %dma_wait3A = arith.constant 0 : i32
      %dma_wait3A_44 = arith.constant 0 : i32
      %dma_wait3A_45 = arith.constant 0 : i32
      %dma_wait3A_46 = arith.constant 0 : i32
      %dma_wait3A_47 = tpu.memref_slice %arg3[%arg0, %dma_wait3A, %dma_wait3A_44, %dma_wait3A_45, %dma_wait3A_46] : memref<2x2x16x79x128xi32, #tpu.memory_space<hbm>> -> memref<1x2x16x79x128xi32, #tpu.memory_space<hbm>>
      %dma_wait3A_48 = tpu.memref_squeeze %dma_wait3A_47 : memref<1x2x16x79x128xi32, #tpu.memory_space<hbm>> -> memref<2x16x79x128xi32, #tpu.memory_space<hbm>>
      %dma_wait3A_49 = arith.constant 0 : i32
      %dma_wait3A_50 = arith.constant 0 : i32
      %dma_wait3A_51 = arith.constant 0 : i32
      %dma_wait3A_52 = tpu.memref_slice %dma_wait3A_48[%run_scoped3A, %dma_wait3A_49, %dma_wait3A_50, %dma_wait3A_51] : memref<2x16x79x128xi32, #tpu.memory_space<hbm>> -> memref<1x16x79x128xi32, #tpu.memory_space<hbm>>
      %dma_wait3A_53 = tpu.memref_squeeze %dma_wait3A_52 : memref<1x16x79x128xi32, #tpu.memory_space<hbm>> -> memref<16x79x128xi32, #tpu.memory_space<hbm>>
      %dma_wait3A_54 = arith.constant 0 : i32
      %dma_wait3A_55 = arith.constant 0 : i32
      %dma_wait3A_56 = tpu.memref_slice %dma_wait3A_53[%arg1, %dma_wait3A_54, %dma_wait3A_55] : memref<16x79x128xi32, #tpu.memory_space<hbm>> -> memref<1x79x128xi32, #tpu.memory_space<hbm>>
      %dma_wait3A_57 = tpu.memref_squeeze %dma_wait3A_56 : memref<1x79x128xi32, #tpu.memory_space<hbm>> -> memref<79x128xi32, #tpu.memory_space<hbm>>
      %dma_wait3A_58 = arith.constant 0 : i32
      %dma_wait3A_59 = arith.constant 0 : i32
      %dma_wait3A_60 = arith.constant 0 : i32
      %dma_wait3A_61 = arith.constant 0 : i32
      %dma_wait3A_62 = tpu.memref_slice %arg3[%arg0, %dma_wait3A_58, %dma_wait3A_59, %dma_wait3A_60, %dma_wait3A_61] : memref<2x2x16x79x128xi32, #tpu.memory_space<hbm>> -> memref<1x2x16x79x128xi32, #tpu.memory_space<hbm>>
      %dma_wait3A_63 = tpu.memref_squeeze %dma_wait3A_62 : memref<1x2x16x79x128xi32, #tpu.memory_space<hbm>> -> memref<2x16x79x128xi32, #tpu.memory_space<hbm>>
      %dma_wait3A_64 = arith.constant 0 : i32
      %dma_wait3A_65 = arith.constant 0 : i32
      %dma_wait3A_66 = arith.constant 0 : i32
      %dma_wait3A_67 = tpu.memref_slice %dma_wait3A_63[%run_scoped3A, %dma_wait3A_64, %dma_wait3A_65, %dma_wait3A_66] : memref<2x16x79x128xi32, #tpu.memory_space<hbm>> -> memref<1x16x79x128xi32, #tpu.memory_space<hbm>>
      %dma_wait3A_68 = tpu.memref_squeeze %dma_wait3A_67 : memref<1x16x79x128xi32, #tpu.memory_space<hbm>> -> memref<16x79x128xi32, #tpu.memory_space<hbm>>
      %dma_wait3A_69 = arith.constant 0 : i32
      %dma_wait3A_70 = arith.constant 0 : i32
      %dma_wait3A_71 = tpu.memref_slice %dma_wait3A_68[%arg1, %dma_wait3A_69, %dma_wait3A_70] : memref<16x79x128xi32, #tpu.memory_space<hbm>> -> memref<1x79x128xi32, #tpu.memory_space<hbm>>
      %dma_wait3A_72 = tpu.memref_squeeze %dma_wait3A_71 : memref<1x79x128xi32, #tpu.memory_space<hbm>> -> memref<79x128xi32, #tpu.memory_space<hbm>>
      tpu.wait_dma2 semaphore(%run_scoped3A_14 : memref<!tpu.dma_semaphore, #tpu.memory_space<semaphore_mem>>) src(%dma_wait3A_72 : memref<79x128xi32, #tpu.memory_space<hbm>>) dst(%arg7 : memref<79x128xi32, #tpu.memory_space<vmem>>)
      tpu.yield
    }) : () -> ()
    %run_scoped3A_1 = arith.constant 0 : i32
    "tpu.region"() ({
      %run_scoped3A_14 = tpu.sem_alloc : memref<!tpu.dma_semaphore, #tpu.memory_space<semaphore_mem>>
      %dma_start3A = arith.constant 0 : i32
      %dma_start3A_15 = arith.constant 0 : i32
      %dma_start3A_16 = arith.constant 0 : i32
      %dma_start3A_17 = arith.constant 0 : i32
      %dma_start3A_18 = tpu.memref_slice %arg4[%arg0, %dma_start3A, %dma_start3A_15, %dma_start3A_16, %dma_start3A_17] : memref<2x2x16x79x128xi32, #tpu.memory_space<hbm>> -> memref<1x2x16x79x128xi32, #tpu.memory_space<hbm>>
      %dma_start3A_19 = tpu.memref_squeeze %dma_start3A_18 : memref<1x2x16x79x128xi32, #tpu.memory_space<hbm>> -> memref<2x16x79x128xi32, #tpu.memory_space<hbm>>
      %dma_start3A_20 = arith.constant 0 : i32
      %dma_start3A_21 = arith.constant 0 : i32
      %dma_start3A_22 = arith.constant 0 : i32
      %dma_start3A_23 = tpu.memref_slice %dma_start3A_19[%run_scoped3A_1, %dma_start3A_20, %dma_start3A_21, %dma_start3A_22] : memref<2x16x79x128xi32, #tpu.memory_space<hbm>> -> memref<1x16x79x128xi32, #tpu.memory_space<hbm>>
      %dma_start3A_24 = tpu.memref_squeeze %dma_start3A_23 : memref<1x16x79x128xi32, #tpu.memory_space<hbm>> -> memref<16x79x128xi32, #tpu.memory_space<hbm>>
      %dma_start3A_25 = arith.constant 0 : i32
      %dma_start3A_26 = arith.constant 0 : i32
      %dma_start3A_27 = tpu.memref_slice %dma_start3A_24[%arg1, %dma_start3A_25, %dma_start3A_26] : memref<16x79x128xi32, #tpu.memory_space<hbm>> -> memref<1x79x128xi32, #tpu.memory_space<hbm>>
      %dma_start3A_28 = tpu.memref_squeeze %dma_start3A_27 : memref<1x79x128xi32, #tpu.memory_space<hbm>> -> memref<79x128xi32, #tpu.memory_space<hbm>>
      %dma_start3A_29 = arith.constant 0 : i32
      %dma_start3A_30 = arith.constant 0 : i32
      %dma_start3A_31 = arith.constant 0 : i32
      %dma_start3A_32 = arith.constant 0 : i32
      %dma_start3A_33 = tpu.memref_slice %arg4[%arg0, %dma_start3A_29, %dma_start3A_30, %dma_start3A_31, %dma_start3A_32] : memref<2x2x16x79x128xi32, #tpu.memory_space<hbm>> -> memref<1x2x16x79x128xi32, #tpu.memory_space<hbm>>
      %dma_start3A_34 = tpu.memref_squeeze %dma_start3A_33 : memref<1x2x16x79x128xi32, #tpu.memory_space<hbm>> -> memref<2x16x79x128xi32, #tpu.memory_space<hbm>>
      %dma_start3A_35 = arith.constant 0 : i32
      %dma_start3A_36 = arith.constant 0 : i32
      %dma_start3A_37 = arith.constant 0 : i32
      %dma_start3A_38 = tpu.memref_slice %dma_start3A_34[%run_scoped3A_1, %dma_start3A_35, %dma_start3A_36, %dma_start3A_37] : memref<2x16x79x128xi32, #tpu.memory_space<hbm>> -> memref<1x16x79x128xi32, #tpu.memory_space<hbm>>
      %dma_start3A_39 = tpu.memref_squeeze %dma_start3A_38 : memref<1x16x79x128xi32, #tpu.memory_space<hbm>> -> memref<16x79x128xi32, #tpu.memory_space<hbm>>
      %dma_start3A_40 = arith.constant 0 : i32
      %dma_start3A_41 = arith.constant 0 : i32
      %dma_start3A_42 = tpu.memref_slice %dma_start3A_39[%arg1, %dma_start3A_40, %dma_start3A_41] : memref<16x79x128xi32, #tpu.memory_space<hbm>> -> memref<1x79x128xi32, #tpu.memory_space<hbm>>
      %dma_start3A_43 = tpu.memref_squeeze %dma_start3A_42 : memref<1x79x128xi32, #tpu.memory_space<hbm>> -> memref<79x128xi32, #tpu.memory_space<hbm>>
      tpu.enqueue_dma source(%dma_start3A_43 : memref<79x128xi32, #tpu.memory_space<hbm>>) target(%arg8 : memref<79x128xi32, #tpu.memory_space<vmem>>) target_semaphore(%run_scoped3A_14 : memref<!tpu.dma_semaphore, #tpu.memory_space<semaphore_mem>>)
      %dma_wait3A = arith.constant 0 : i32
      %dma_wait3A_44 = arith.constant 0 : i32
      %dma_wait3A_45 = arith.constant 0 : i32
      %dma_wait3A_46 = arith.constant 0 : i32
      %dma_wait3A_47 = tpu.memref_slice %arg4[%arg0, %dma_wait3A, %dma_wait3A_44, %dma_wait3A_45, %dma_wait3A_46] : memref<2x2x16x79x128xi32, #tpu.memory_space<hbm>> -> memref<1x2x16x79x128xi32, #tpu.memory_space<hbm>>
      %dma_wait3A_48 = tpu.memref_squeeze %dma_wait3A_47 : memref<1x2x16x79x128xi32, #tpu.memory_space<hbm>> -> memref<2x16x79x128xi32, #tpu.memory_space<hbm>>
      %dma_wait3A_49 = arith.constant 0 : i32
      %dma_wait3A_50 = arith.constant 0 : i32
      %dma_wait3A_51 = arith.constant 0 : i32
      %dma_wait3A_52 = tpu.memref_slice %dma_wait3A_48[%run_scoped3A_1, %dma_wait3A_49, %dma_wait3A_50, %dma_wait3A_51] : memref<2x16x79x128xi32, #tpu.memory_space<hbm>> -> memref<1x16x79x128xi32, #tpu.memory_space<hbm>>
      %dma_wait3A_53 = tpu.memref_squeeze %dma_wait3A_52 : memref<1x16x79x128xi32, #tpu.memory_space<hbm>> -> memref<16x79x128xi32, #tpu.memory_space<hbm>>
      %dma_wait3A_54 = arith.constant 0 : i32
      %dma_wait3A_55 = arith.constant 0 : i32
      %dma_wait3A_56 = tpu.memref_slice %dma_wait3A_53[%arg1, %dma_wait3A_54, %dma_wait3A_55] : memref<16x79x128xi32, #tpu.memory_space<hbm>> -> memref<1x79x128xi32, #tpu.memory_space<hbm>>
      %dma_wait3A_57 = tpu.memref_squeeze %dma_wait3A_56 : memref<1x79x128xi32, #tpu.memory_space<hbm>> -> memref<79x128xi32, #tpu.memory_space<hbm>>
      %dma_wait3A_58 = arith.constant 0 : i32
      %dma_wait3A_59 = arith.constant 0 : i32
      %dma_wait3A_60 = arith.constant 0 : i32
      %dma_wait3A_61 = arith.constant 0 : i32
      %dma_wait3A_62 = tpu.memref_slice %arg4[%arg0, %dma_wait3A_58, %dma_wait3A_59, %dma_wait3A_60, %dma_wait3A_61] : memref<2x2x16x79x128xi32, #tpu.memory_space<hbm>> -> memref<1x2x16x79x128xi32, #tpu.memory_space<hbm>>
      %dma_wait3A_63 = tpu.memref_squeeze %dma_wait3A_62 : memref<1x2x16x79x128xi32, #tpu.memory_space<hbm>> -> memref<2x16x79x128xi32, #tpu.memory_space<hbm>>
      %dma_wait3A_64 = arith.constant 0 : i32
      %dma_wait3A_65 = arith.constant 0 : i32
      %dma_wait3A_66 = arith.constant 0 : i32
      %dma_wait3A_67 = tpu.memref_slice %dma_wait3A_63[%run_scoped3A_1, %dma_wait3A_64, %dma_wait3A_65, %dma_wait3A_66] : memref<2x16x79x128xi32, #tpu.memory_space<hbm>> -> memref<1x16x79x128xi32, #tpu.memory_space<hbm>>
      %dma_wait3A_68 = tpu.memref_squeeze %dma_wait3A_67 : memref<1x16x79x128xi32, #tpu.memory_space<hbm>> -> memref<16x79x128xi32, #tpu.memory_space<hbm>>
      %dma_wait3A_69 = arith.constant 0 : i32
      %dma_wait3A_70 = arith.constant 0 : i32
      %dma_wait3A_71 = tpu.memref_slice %dma_wait3A_68[%arg1, %dma_wait3A_69, %dma_wait3A_70] : memref<16x79x128xi32, #tpu.memory_space<hbm>> -> memref<1x79x128xi32, #tpu.memory_space<hbm>>
      %dma_wait3A_72 = tpu.memref_squeeze %dma_wait3A_71 : memref<1x79x128xi32, #tpu.memory_space<hbm>> -> memref<79x128xi32, #tpu.memory_space<hbm>>
      tpu.wait_dma2 semaphore(%run_scoped3A_14 : memref<!tpu.dma_semaphore, #tpu.memory_space<semaphore_mem>>) src(%dma_wait3A_72 : memref<79x128xi32, #tpu.memory_space<hbm>>) dst(%arg8 : memref<79x128xi32, #tpu.memory_space<vmem>>)
      tpu.yield
    }) : () -> ()
    %scan3A = arith.constant 0 : i32
    %scan3A_2 = arith.constant 79 : i32
    %scan3A_3 = arith.addi %scan3A, %scan3A_2 : i32
    %scan3A_4 = arith.constant 1 : i32
    scf.for %scan3A_14 = %scan3A to %scan3A_3 step %scan3A_4  : i32 {
      %mul3A_15 = arith.constant 1 : i32
      %mul3A_16 = arith.muli %scan3A_14, %mul3A_15 : i32
      %add3A = arith.constant 0 : i32
      %add3A_17 = arith.addi %add3A, %mul3A_16 : i32
      "tpu.region"() ({
        %run_scoped3A_18 = tpu.sem_alloc : memref<!tpu.dma_semaphore, #tpu.memory_space<semaphore_mem>>
        %dma_start3A = arith.constant 0 : i32
        %dma_start3A_19 = tpu.memref_slice %arg7[%add3A_17, %dma_start3A] : memref<79x128xi32, #tpu.memory_space<vmem>> -> memref<1x128xi32, #tpu.memory_space<vmem>>
        %dma_start3A_20 = tpu.memref_squeeze %dma_start3A_19 : memref<1x128xi32, #tpu.memory_space<vmem>> -> memref<128xi32, #tpu.memory_space<vmem>>
        %dma_start3A_21 = arith.constant 0 : i32
        %dma_start3A_22 = arith.constant 0 : i32
        %dma_start3A_23 = tpu.memref_slice %arg2[%dma_start3A_21, %dma_start3A_22] : memref<20224x128xf32, #tpu.memory_space<hbm>> -> memref<20224x128xf32, #tpu.memory_space<hbm>>
        tpu.enqueue_indirect_dma source(%dma_start3A_23 : memref<20224x128xf32, #tpu.memory_space<hbm>>) target(%arg9 : memref<128x128xf32, #tpu.memory_space<vmem>>) offsets(%dma_start3A_20 : memref<128xi32, #tpu.memory_space<vmem>>) semaphore(%run_scoped3A_18 : memref<!tpu.dma_semaphore, #tpu.memory_space<semaphore_mem>>)
        %dma_wait3A = arith.constant 0 : i32
        %dma_wait3A_24 = tpu.memref_slice %arg7[%add3A_17, %dma_wait3A] : memref<79x128xi32, #tpu.memory_space<vmem>> -> memref<1x128xi32, #tpu.memory_space<vmem>>
        %dma_wait3A_25 = tpu.memref_squeeze %dma_wait3A_24 : memref<1x128xi32, #tpu.memory_space<vmem>> -> memref<128xi32, #tpu.memory_space<vmem>>
        %dma_wait3A_26 = arith.constant 0 : i32
        %dma_wait3A_27 = arith.constant 0 : i32
        %dma_wait3A_28 = tpu.memref_slice %arg2[%dma_wait3A_26, %dma_wait3A_27] : memref<20224x128xf32, #tpu.memory_space<hbm>> -> memref<20224x128xf32, #tpu.memory_space<hbm>>
        tpu.wait_indirect_dma semaphore(%run_scoped3A_18 : memref<!tpu.dma_semaphore, #tpu.memory_space<semaphore_mem>>) src(%dma_wait3A_28 : memref<20224x128xf32, #tpu.memory_space<hbm>>) dst(%arg9 : memref<128x128xf32, #tpu.memory_space<vmem>>)
        tpu.yield
      }) : () -> ()
      "tpu.region"() ({
        %run_scoped3A_18 = tpu.sem_alloc : memref<!tpu.dma_semaphore, #tpu.memory_space<semaphore_mem>>
        %dma_start3A = arith.constant 0 : i32
        %dma_start3A_19 = tpu.memref_slice %arg8[%add3A_17, %dma_start3A] : memref<79x128xi32, #tpu.memory_space<vmem>> -> memref<1x128xi32, #tpu.memory_space<vmem>>
        %dma_start3A_20 = tpu.memref_squeeze %dma_start3A_19 : memref<1x128xi32, #tpu.memory_space<vmem>> -> memref<128xi32, #tpu.memory_space<vmem>>
        %dma_start3A_21 = arith.constant 0 : i32
        %dma_start3A_22 = arith.constant 0 : i32
        %dma_start3A_23 = tpu.memref_slice %arg10[%dma_start3A_21, %dma_start3A_22] : memref<10112x128xf32, #tpu.memory_space<vmem_shared>> -> memref<10112x128xf32, #tpu.memory_space<vmem_shared>>
        tpu.enqueue_indirect_dma source(%arg9 : memref<128x128xf32, #tpu.memory_space<vmem>>) target(%dma_start3A_23 : memref<10112x128xf32, #tpu.memory_space<vmem_shared>>) offsets(%dma_start3A_20 : memref<128xi32, #tpu.memory_space<vmem>>) semaphore(%run_scoped3A_18 : memref<!tpu.dma_semaphore, #tpu.memory_space<semaphore_mem>>) {add = true}
        %dma_wait3A = arith.constant 0 : i32
        %dma_wait3A_24 = tpu.memref_slice %arg8[%add3A_17, %dma_wait3A] : memref<79x128xi32, #tpu.memory_space<vmem>> -> memref<1x128xi32, #tpu.memory_space<vmem>>
        %dma_wait3A_25 = tpu.memref_squeeze %dma_wait3A_24 : memref<1x128xi32, #tpu.memory_space<vmem>> -> memref<128xi32, #tpu.memory_space<vmem>>
        %dma_wait3A_26 = arith.constant 0 : i32
        %dma_wait3A_27 = arith.constant 0 : i32
        %dma_wait3A_28 = tpu.memref_slice %arg10[%dma_wait3A_26, %dma_wait3A_27] : memref<10112x128xf32, #tpu.memory_space<vmem_shared>> -> memref<10112x128xf32, #tpu.memory_space<vmem_shared>>
        tpu.wait_indirect_dma semaphore(%run_scoped3A_18 : memref<!tpu.dma_semaphore, #tpu.memory_space<semaphore_mem>>) src(%arg9 : memref<128x128xf32, #tpu.memory_space<vmem>>) dst(%dma_wait3A_28 : memref<10112x128xf32, #tpu.memory_space<vmem_shared>>)
        tpu.yield
      }) : () -> ()
    }
    %scan3A_5 = arith.constant 79 : i32
    %run_scoped3A_6 = arith.constant 1 : i32
    "tpu.region"() ({
      %run_scoped3A_14 = tpu.sem_alloc : memref<!tpu.dma_semaphore, #tpu.memory_space<semaphore_mem>>
      %dma_start3A = arith.constant 0 : i32
      %dma_start3A_15 = arith.constant 0 : i32
      %dma_start3A_16 = arith.constant 0 : i32
      %dma_start3A_17 = arith.constant 0 : i32
      %dma_start3A_18 = tpu.memref_slice %arg3[%arg0, %dma_start3A, %dma_start3A_15, %dma_start3A_16, %dma_start3A_17] : memref<2x2x16x79x128xi32, #tpu.memory_space<hbm>> -> memref<1x2x16x79x128xi32, #tpu.memory_space<hbm>>
      %dma_start3A_19 = tpu.memref_squeeze %dma_start3A_18 : memref<1x2x16x79x128xi32, #tpu.memory_space<hbm>> -> memref<2x16x79x128xi32, #tpu.memory_space<hbm>>
      %dma_start3A_20 = arith.constant 0 : i32
      %dma_start3A_21 = arith.constant 0 : i32
      %dma_start3A_22 = arith.constant 0 : i32
      %dma_start3A_23 = tpu.memref_slice %dma_start3A_19[%run_scoped3A_6, %dma_start3A_20, %dma_start3A_21, %dma_start3A_22] : memref<2x16x79x128xi32, #tpu.memory_space<hbm>> -> memref<1x16x79x128xi32, #tpu.memory_space<hbm>>
      %dma_start3A_24 = tpu.memref_squeeze %dma_start3A_23 : memref<1x16x79x128xi32, #tpu.memory_space<hbm>> -> memref<16x79x128xi32, #tpu.memory_space<hbm>>
      %dma_start3A_25 = arith.constant 0 : i32
      %dma_start3A_26 = arith.constant 0 : i32
      %dma_start3A_27 = tpu.memref_slice %dma_start3A_24[%arg1, %dma_start3A_25, %dma_start3A_26] : memref<16x79x128xi32, #tpu.memory_space<hbm>> -> memref<1x79x128xi32, #tpu.memory_space<hbm>>
      %dma_start3A_28 = tpu.memref_squeeze %dma_start3A_27 : memref<1x79x128xi32, #tpu.memory_space<hbm>> -> memref<79x128xi32, #tpu.memory_space<hbm>>
      %dma_start3A_29 = arith.constant 0 : i32
      %dma_start3A_30 = arith.constant 0 : i32
      %dma_start3A_31 = arith.constant 0 : i32
      %dma_start3A_32 = arith.constant 0 : i32
      %dma_start3A_33 = tpu.memref_slice %arg3[%arg0, %dma_start3A_29, %dma_start3A_30, %dma_start3A_31, %dma_start3A_32] : memref<2x2x16x79x128xi32, #tpu.memory_space<hbm>> -> memref<1x2x16x79x128xi32, #tpu.memory_space<hbm>>
      %dma_start3A_34 = tpu.memref_squeeze %dma_start3A_33 : memref<1x2x16x79x128xi32, #tpu.memory_space<hbm>> -> memref<2x16x79x128xi32, #tpu.memory_space<hbm>>
      %dma_start3A_35 = arith.constant 0 : i32
      %dma_start3A_36 = arith.constant 0 : i32
      %dma_start3A_37 = arith.constant 0 : i32
      %dma_start3A_38 = tpu.memref_slice %dma_start3A_34[%run_scoped3A_6, %dma_start3A_35, %dma_start3A_36, %dma_start3A_37] : memref<2x16x79x128xi32, #tpu.memory_space<hbm>> -> memref<1x16x79x128xi32, #tpu.memory_space<hbm>>
      %dma_start3A_39 = tpu.memref_squeeze %dma_start3A_38 : memref<1x16x79x128xi32, #tpu.memory_space<hbm>> -> memref<16x79x128xi32, #tpu.memory_space<hbm>>
      %dma_start3A_40 = arith.constant 0 : i32
      %dma_start3A_41 = arith.constant 0 : i32
      %dma_start3A_42 = tpu.memref_slice %dma_start3A_39[%arg1, %dma_start3A_40, %dma_start3A_41] : memref<16x79x128xi32, #tpu.memory_space<hbm>> -> memref<1x79x128xi32, #tpu.memory_space<hbm>>
      %dma_start3A_43 = tpu.memref_squeeze %dma_start3A_42 : memref<1x79x128xi32, #tpu.memory_space<hbm>> -> memref<79x128xi32, #tpu.memory_space<hbm>>
      tpu.enqueue_dma source(%dma_start3A_43 : memref<79x128xi32, #tpu.memory_space<hbm>>) target(%arg7 : memref<79x128xi32, #tpu.memory_space<vmem>>) target_semaphore(%run_scoped3A_14 : memref<!tpu.dma_semaphore, #tpu.memory_space<semaphore_mem>>)
      %dma_wait3A = arith.constant 0 : i32
      %dma_wait3A_44 = arith.constant 0 : i32
      %dma_wait3A_45 = arith.constant 0 : i32
      %dma_wait3A_46 = arith.constant 0 : i32
      %dma_wait3A_47 = tpu.memref_slice %arg3[%arg0, %dma_wait3A, %dma_wait3A_44, %dma_wait3A_45, %dma_wait3A_46] : memref<2x2x16x79x128xi32, #tpu.memory_space<hbm>> -> memref<1x2x16x79x128xi32, #tpu.memory_space<hbm>>
      %dma_wait3A_48 = tpu.memref_squeeze %dma_wait3A_47 : memref<1x2x16x79x128xi32, #tpu.memory_space<hbm>> -> memref<2x16x79x128xi32, #tpu.memory_space<hbm>>
      %dma_wait3A_49 = arith.constant 0 : i32
      %dma_wait3A_50 = arith.constant 0 : i32
      %dma_wait3A_51 = arith.constant 0 : i32
      %dma_wait3A_52 = tpu.memref_slice %dma_wait3A_48[%run_scoped3A_6, %dma_wait3A_49, %dma_wait3A_50, %dma_wait3A_51] : memref<2x16x79x128xi32, #tpu.memory_space<hbm>> -> memref<1x16x79x128xi32, #tpu.memory_space<hbm>>
      %dma_wait3A_53 = tpu.memref_squeeze %dma_wait3A_52 : memref<1x16x79x128xi32, #tpu.memory_space<hbm>> -> memref<16x79x128xi32, #tpu.memory_space<hbm>>
      %dma_wait3A_54 = arith.constant 0 : i32
      %dma_wait3A_55 = arith.constant 0 : i32
      %dma_wait3A_56 = tpu.memref_slice %dma_wait3A_53[%arg1, %dma_wait3A_54, %dma_wait3A_55] : memref<16x79x128xi32, #tpu.memory_space<hbm>> -> memref<1x79x128xi32, #tpu.memory_space<hbm>>
      %dma_wait3A_57 = tpu.memref_squeeze %dma_wait3A_56 : memref<1x79x128xi32, #tpu.memory_space<hbm>> -> memref<79x128xi32, #tpu.memory_space<hbm>>
      %dma_wait3A_58 = arith.constant 0 : i32
      %dma_wait3A_59 = arith.constant 0 : i32
      %dma_wait3A_60 = arith.constant 0 : i32
      %dma_wait3A_61 = arith.constant 0 : i32
      %dma_wait3A_62 = tpu.memref_slice %arg3[%arg0, %dma_wait3A_58, %dma_wait3A_59, %dma_wait3A_60, %dma_wait3A_61] : memref<2x2x16x79x128xi32, #tpu.memory_space<hbm>> -> memref<1x2x16x79x128xi32, #tpu.memory_space<hbm>>
      %dma_wait3A_63 = tpu.memref_squeeze %dma_wait3A_62 : memref<1x2x16x79x128xi32, #tpu.memory_space<hbm>> -> memref<2x16x79x128xi32, #tpu.memory_space<hbm>>
      %dma_wait3A_64 = arith.constant 0 : i32
      %dma_wait3A_65 = arith.constant 0 : i32
      %dma_wait3A_66 = arith.constant 0 : i32
      %dma_wait3A_67 = tpu.memref_slice %dma_wait3A_63[%run_scoped3A_6, %dma_wait3A_64, %dma_wait3A_65, %dma_wait3A_66] : memref<2x16x79x128xi32, #tpu.memory_space<hbm>> -> memref<1x16x79x128xi32, #tpu.memory_space<hbm>>
      %dma_wait3A_68 = tpu.memref_squeeze %dma_wait3A_67 : memref<1x16x79x128xi32, #tpu.memory_space<hbm>> -> memref<16x79x128xi32, #tpu.memory_space<hbm>>
      %dma_wait3A_69 = arith.constant 0 : i32
      %dma_wait3A_70 = arith.constant 0 : i32
      %dma_wait3A_71 = tpu.memref_slice %dma_wait3A_68[%arg1, %dma_wait3A_69, %dma_wait3A_70] : memref<16x79x128xi32, #tpu.memory_space<hbm>> -> memref<1x79x128xi32, #tpu.memory_space<hbm>>
      %dma_wait3A_72 = tpu.memref_squeeze %dma_wait3A_71 : memref<1x79x128xi32, #tpu.memory_space<hbm>> -> memref<79x128xi32, #tpu.memory_space<hbm>>
      tpu.wait_dma2 semaphore(%run_scoped3A_14 : memref<!tpu.dma_semaphore, #tpu.memory_space<semaphore_mem>>) src(%dma_wait3A_72 : memref<79x128xi32, #tpu.memory_space<hbm>>) dst(%arg7 : memref<79x128xi32, #tpu.memory_space<vmem>>)
      tpu.yield
    }) : () -> ()
    %run_scoped3A_7 = arith.constant 1 : i32
    "tpu.region"() ({
      %run_scoped3A_14 = tpu.sem_alloc : memref<!tpu.dma_semaphore, #tpu.memory_space<semaphore_mem>>
      %dma_start3A = arith.constant 0 : i32
      %dma_start3A_15 = arith.constant 0 : i32
      %dma_start3A_16 = arith.constant 0 : i32
      %dma_start3A_17 = arith.constant 0 : i32
      %dma_start3A_18 = tpu.memref_slice %arg4[%arg0, %dma_start3A, %dma_start3A_15, %dma_start3A_16, %dma_start3A_17] : memref<2x2x16x79x128xi32, #tpu.memory_space<hbm>> -> memref<1x2x16x79x128xi32, #tpu.memory_space<hbm>>
      %dma_start3A_19 = tpu.memref_squeeze %dma_start3A_18 : memref<1x2x16x79x128xi32, #tpu.memory_space<hbm>> -> memref<2x16x79x128xi32, #tpu.memory_space<hbm>>
      %dma_start3A_20 = arith.constant 0 : i32
      %dma_start3A_21 = arith.constant 0 : i32
      %dma_start3A_22 = arith.constant 0 : i32
      %dma_start3A_23 = tpu.memref_slice %dma_start3A_19[%run_scoped3A_7, %dma_start3A_20, %dma_start3A_21, %dma_start3A_22] : memref<2x16x79x128xi32, #tpu.memory_space<hbm>> -> memref<1x16x79x128xi32, #tpu.memory_space<hbm>>
      %dma_start3A_24 = tpu.memref_squeeze %dma_start3A_23 : memref<1x16x79x128xi32, #tpu.memory_space<hbm>> -> memref<16x79x128xi32, #tpu.memory_space<hbm>>
      %dma_start3A_25 = arith.constant 0 : i32
      %dma_start3A_26 = arith.constant 0 : i32
      %dma_start3A_27 = tpu.memref_slice %dma_start3A_24[%arg1, %dma_start3A_25, %dma_start3A_26] : memref<16x79x128xi32, #tpu.memory_space<hbm>> -> memref<1x79x128xi32, #tpu.memory_space<hbm>>
      %dma_start3A_28 = tpu.memref_squeeze %dma_start3A_27 : memref<1x79x128xi32, #tpu.memory_space<hbm>> -> memref<79x128xi32, #tpu.memory_space<hbm>>
      %dma_start3A_29 = arith.constant 0 : i32
      %dma_start3A_30 = arith.constant 0 : i32
      %dma_start3A_31 = arith.constant 0 : i32
      %dma_start3A_32 = arith.constant 0 : i32
      %dma_start3A_33 = tpu.memref_slice %arg4[%arg0, %dma_start3A_29, %dma_start3A_30, %dma_start3A_31, %dma_start3A_32] : memref<2x2x16x79x128xi32, #tpu.memory_space<hbm>> -> memref<1x2x16x79x128xi32, #tpu.memory_space<hbm>>
      %dma_start3A_34 = tpu.memref_squeeze %dma_start3A_33 : memref<1x2x16x79x128xi32, #tpu.memory_space<hbm>> -> memref<2x16x79x128xi32, #tpu.memory_space<hbm>>
      %dma_start3A_35 = arith.constant 0 : i32
      %dma_start3A_36 = arith.constant 0 : i32
      %dma_start3A_37 = arith.constant 0 : i32
      %dma_start3A_38 = tpu.memref_slice %dma_start3A_34[%run_scoped3A_7, %dma_start3A_35, %dma_start3A_36, %dma_start3A_37] : memref<2x16x79x128xi32, #tpu.memory_space<hbm>> -> memref<1x16x79x128xi32, #tpu.memory_space<hbm>>
      %dma_start3A_39 = tpu.memref_squeeze %dma_start3A_38 : memref<1x16x79x128xi32, #tpu.memory_space<hbm>> -> memref<16x79x128xi32, #tpu.memory_space<hbm>>
      %dma_start3A_40 = arith.constant 0 : i32
      %dma_start3A_41 = arith.constant 0 : i32
      %dma_start3A_42 = tpu.memref_slice %dma_start3A_39[%arg1, %dma_start3A_40, %dma_start3A_41] : memref<16x79x128xi32, #tpu.memory_space<hbm>> -> memref<1x79x128xi32, #tpu.memory_space<hbm>>
      %dma_start3A_43 = tpu.memref_squeeze %dma_start3A_42 : memref<1x79x128xi32, #tpu.memory_space<hbm>> -> memref<79x128xi32, #tpu.memory_space<hbm>>
      tpu.enqueue_dma source(%dma_start3A_43 : memref<79x128xi32, #tpu.memory_space<hbm>>) target(%arg8 : memref<79x128xi32, #tpu.memory_space<vmem>>) target_semaphore(%run_scoped3A_14 : memref<!tpu.dma_semaphore, #tpu.memory_space<semaphore_mem>>)
      %dma_wait3A = arith.constant 0 : i32
      %dma_wait3A_44 = arith.constant 0 : i32
      %dma_wait3A_45 = arith.constant 0 : i32
      %dma_wait3A_46 = arith.constant 0 : i32
      %dma_wait3A_47 = tpu.memref_slice %arg4[%arg0, %dma_wait3A, %dma_wait3A_44, %dma_wait3A_45, %dma_wait3A_46] : memref<2x2x16x79x128xi32, #tpu.memory_space<hbm>> -> memref<1x2x16x79x128xi32, #tpu.memory_space<hbm>>
      %dma_wait3A_48 = tpu.memref_squeeze %dma_wait3A_47 : memref<1x2x16x79x128xi32, #tpu.memory_space<hbm>> -> memref<2x16x79x128xi32, #tpu.memory_space<hbm>>
      %dma_wait3A_49 = arith.constant 0 : i32
      %dma_wait3A_50 = arith.constant 0 : i32
      %dma_wait3A_51 = arith.constant 0 : i32
      %dma_wait3A_52 = tpu.memref_slice %dma_wait3A_48[%run_scoped3A_7, %dma_wait3A_49, %dma_wait3A_50, %dma_wait3A_51] : memref<2x16x79x128xi32, #tpu.memory_space<hbm>> -> memref<1x16x79x128xi32, #tpu.memory_space<hbm>>
      %dma_wait3A_53 = tpu.memref_squeeze %dma_wait3A_52 : memref<1x16x79x128xi32, #tpu.memory_space<hbm>> -> memref<16x79x128xi32, #tpu.memory_space<hbm>>
      %dma_wait3A_54 = arith.constant 0 : i32
      %dma_wait3A_55 = arith.constant 0 : i32
      %dma_wait3A_56 = tpu.memref_slice %dma_wait3A_53[%arg1, %dma_wait3A_54, %dma_wait3A_55] : memref<16x79x128xi32, #tpu.memory_space<hbm>> -> memref<1x79x128xi32, #tpu.memory_space<hbm>>
      %dma_wait3A_57 = tpu.memref_squeeze %dma_wait3A_56 : memref<1x79x128xi32, #tpu.memory_space<hbm>> -> memref<79x128xi32, #tpu.memory_space<hbm>>
      %dma_wait3A_58 = arith.constant 0 : i32
      %dma_wait3A_59 = arith.constant 0 : i32
      %dma_wait3A_60 = arith.constant 0 : i32
      %dma_wait3A_61 = arith.constant 0 : i32
      %dma_wait3A_62 = tpu.memref_slice %arg4[%arg0, %dma_wait3A_58, %dma_wait3A_59, %dma_wait3A_60, %dma_wait3A_61] : memref<2x2x16x79x128xi32, #tpu.memory_space<hbm>> -> memref<1x2x16x79x128xi32, #tpu.memory_space<hbm>>
      %dma_wait3A_63 = tpu.memref_squeeze %dma_wait3A_62 : memref<1x2x16x79x128xi32, #tpu.memory_space<hbm>> -> memref<2x16x79x128xi32, #tpu.memory_space<hbm>>
      %dma_wait3A_64 = arith.constant 0 : i32
      %dma_wait3A_65 = arith.constant 0 : i32
      %dma_wait3A_66 = arith.constant 0 : i32
      %dma_wait3A_67 = tpu.memref_slice %dma_wait3A_63[%run_scoped3A_7, %dma_wait3A_64, %dma_wait3A_65, %dma_wait3A_66] : memref<2x16x79x128xi32, #tpu.memory_space<hbm>> -> memref<1x16x79x128xi32, #tpu.memory_space<hbm>>
      %dma_wait3A_68 = tpu.memref_squeeze %dma_wait3A_67 : memref<1x16x79x128xi32, #tpu.memory_space<hbm>> -> memref<16x79x128xi32, #tpu.memory_space<hbm>>
      %dma_wait3A_69 = arith.constant 0 : i32
      %dma_wait3A_70 = arith.constant 0 : i32
      %dma_wait3A_71 = tpu.memref_slice %dma_wait3A_68[%arg1, %dma_wait3A_69, %dma_wait3A_70] : memref<16x79x128xi32, #tpu.memory_space<hbm>> -> memref<1x79x128xi32, #tpu.memory_space<hbm>>
      %dma_wait3A_72 = tpu.memref_squeeze %dma_wait3A_71 : memref<1x79x128xi32, #tpu.memory_space<hbm>> -> memref<79x128xi32, #tpu.memory_space<hbm>>
      tpu.wait_dma2 semaphore(%run_scoped3A_14 : memref<!tpu.dma_semaphore, #tpu.memory_space<semaphore_mem>>) src(%dma_wait3A_72 : memref<79x128xi32, #tpu.memory_space<hbm>>) dst(%arg8 : memref<79x128xi32, #tpu.memory_space<vmem>>)
      tpu.yield
    }) : () -> ()
    %scan3A_8 = arith.constant 0 : i32
    %scan3A_9 = arith.constant 79 : i32
    %scan3A_10 = arith.addi %scan3A_8, %scan3A_9 : i32
    %scan3A_11 = arith.constant 1 : i32
    scf.for %scan3A_14 = %scan3A_8 to %scan3A_10 step %scan3A_11  : i32 {
      %mul3A_15 = arith.constant 1 : i32
      %mul3A_16 = arith.muli %scan3A_14, %mul3A_15 : i32
      %add3A = arith.constant 0 : i32
      %add3A_17 = arith.addi %add3A, %mul3A_16 : i32
      "tpu.region"() ({
        %run_scoped3A_18 = tpu.sem_alloc : memref<!tpu.dma_semaphore, #tpu.memory_space<semaphore_mem>>
        %dma_start3A = arith.constant 0 : i32
        %dma_start3A_19 = tpu.memref_slice %arg7[%add3A_17, %dma_start3A] : memref<79x128xi32, #tpu.memory_space<vmem>> -> memref<1x128xi32, #tpu.memory_space<vmem>>
        %dma_start3A_20 = tpu.memref_squeeze %dma_start3A_19 : memref<1x128xi32, #tpu.memory_space<vmem>> -> memref<128xi32, #tpu.memory_space<vmem>>
        %dma_start3A_21 = arith.constant 0 : i32
        %dma_start3A_22 = arith.constant 0 : i32
        %dma_start3A_23 = tpu.memref_slice %arg2[%dma_start3A_21, %dma_start3A_22] : memref<20224x128xf32, #tpu.memory_space<hbm>> -> memref<20224x128xf32, #tpu.memory_space<hbm>>
        tpu.enqueue_indirect_dma source(%dma_start3A_23 : memref<20224x128xf32, #tpu.memory_space<hbm>>) target(%arg9 : memref<128x128xf32, #tpu.memory_space<vmem>>) offsets(%dma_start3A_20 : memref<128xi32, #tpu.memory_space<vmem>>) semaphore(%run_scoped3A_18 : memref<!tpu.dma_semaphore, #tpu.memory_space<semaphore_mem>>)
        %dma_wait3A = arith.constant 0 : i32
        %dma_wait3A_24 = tpu.memref_slice %arg7[%add3A_17, %dma_wait3A] : memref<79x128xi32, #tpu.memory_space<vmem>> -> memref<1x128xi32, #tpu.memory_space<vmem>>
        %dma_wait3A_25 = tpu.memref_squeeze %dma_wait3A_24 : memref<1x128xi32, #tpu.memory_space<vmem>> -> memref<128xi32, #tpu.memory_space<vmem>>
        %dma_wait3A_26 = arith.constant 0 : i32
        %dma_wait3A_27 = arith.constant 0 : i32
        %dma_wait3A_28 = tpu.memref_slice %arg2[%dma_wait3A_26, %dma_wait3A_27] : memref<20224x128xf32, #tpu.memory_space<hbm>> -> memref<20224x128xf32, #tpu.memory_space<hbm>>
        tpu.wait_indirect_dma semaphore(%run_scoped3A_18 : memref<!tpu.dma_semaphore, #tpu.memory_space<semaphore_mem>>) src(%dma_wait3A_28 : memref<20224x128xf32, #tpu.memory_space<hbm>>) dst(%arg9 : memref<128x128xf32, #tpu.memory_space<vmem>>)
        tpu.yield
      }) : () -> ()
      "tpu.region"() ({
        %run_scoped3A_18 = tpu.sem_alloc : memref<!tpu.dma_semaphore, #tpu.memory_space<semaphore_mem>>
        %dma_start3A = arith.constant 0 : i32
        %dma_start3A_19 = tpu.memref_slice %arg8[%add3A_17, %dma_start3A] : memref<79x128xi32, #tpu.memory_space<vmem>> -> memref<1x128xi32, #tpu.memory_space<vmem>>
        %dma_start3A_20 = tpu.memref_squeeze %dma_start3A_19 : memref<1x128xi32, #tpu.memory_space<vmem>> -> memref<128xi32, #tpu.memory_space<vmem>>
        %dma_start3A_21 = arith.constant 0 : i32
        %dma_start3A_22 = arith.constant 0 : i32
        %dma_start3A_23 = tpu.memref_slice %arg10[%dma_start3A_21, %dma_start3A_22] : memref<10112x128xf32, #tpu.memory_space<vmem_shared>> -> memref<10112x128xf32, #tpu.memory_space<vmem_shared>>
        tpu.enqueue_indirect_dma source(%arg9 : memref<128x128xf32, #tpu.memory_space<vmem>>) target(%dma_start3A_23 : memref<10112x128xf32, #tpu.memory_space<vmem_shared>>) offsets(%dma_start3A_20 : memref<128xi32, #tpu.memory_space<vmem>>) semaphore(%run_scoped3A_18 : memref<!tpu.dma_semaphore, #tpu.memory_space<semaphore_mem>>) {add = true}
        %dma_wait3A = arith.constant 0 : i32
        %dma_wait3A_24 = tpu.memref_slice %arg8[%add3A_17, %dma_wait3A] : memref<79x128xi32, #tpu.memory_space<vmem>> -> memref<1x128xi32, #tpu.memory_space<vmem>>
        %dma_wait3A_25 = tpu.memref_squeeze %dma_wait3A_24 : memref<1x128xi32, #tpu.memory_space<vmem>> -> memref<128xi32, #tpu.memory_space<vmem>>
        %dma_wait3A_26 = arith.constant 0 : i32
        %dma_wait3A_27 = arith.constant 0 : i32
        %dma_wait3A_28 = tpu.memref_slice %arg10[%dma_wait3A_26, %dma_wait3A_27] : memref<10112x128xf32, #tpu.memory_space<vmem_shared>> -> memref<10112x128xf32, #tpu.memory_space<vmem_shared>>
        tpu.wait_indirect_dma semaphore(%run_scoped3A_18 : memref<!tpu.dma_semaphore, #tpu.memory_space<semaphore_mem>>) src(%arg9 : memref<128x128xf32, #tpu.memory_space<vmem>>) dst(%dma_wait3A_28 : memref<10112x128xf32, #tpu.memory_space<vmem_shared>>)
        tpu.yield
      }) : () -> ()
    }
    %scan3A_12 = arith.constant 79 : i32
    %barrier3A_13 = arith.constant 0 : index
    tpu.barrier barrier_id(%barrier3A_13)
    "tpu.region"() ({
      %run_scoped3A_14 = tpu.sem_alloc : memref<!tpu.dma_semaphore, #tpu.memory_space<semaphore_mem>>
      %dma_start3A = arith.constant 0 : i32
      %dma_start3A_15 = arith.constant 0 : i32
      %dma_start3A_16 = tpu.memref_slice %arg6[%arg0, %dma_start3A, %dma_start3A_15] : memref<2x10112x128xf32, #tpu.memory_space<hbm>> -> memref<1x10112x128xf32, #tpu.memory_space<hbm>>
      %dma_start3A_17 = tpu.memref_squeeze %dma_start3A_16 : memref<1x10112x128xf32, #tpu.memory_space<hbm>> -> memref<10112x128xf32, #tpu.memory_space<hbm>>
      %dma_start3A_18 = arith.constant 0 : i32
      %dma_start3A_19 = tpu.memref_slice %dma_start3A_17[%mul3A_0, %dma_start3A_18] : memref<10112x128xf32, #tpu.memory_space<hbm>> -> memref<632x128xf32, #tpu.memory_space<hbm>>
      %dma_start3A_20 = arith.constant 0 : i32
      %dma_start3A_21 = tpu.memref_slice %arg10[%mul3A_0, %dma_start3A_20] : memref<10112x128xf32, #tpu.memory_space<vmem_shared>> -> memref<632x128xf32, #tpu.memory_space<vmem_shared>>
      tpu.enqueue_dma source(%dma_start3A_21 : memref<632x128xf32, #tpu.memory_space<vmem_shared>>) target(%dma_start3A_19 : memref<632x128xf32, #tpu.memory_space<hbm>>) target_semaphore(%run_scoped3A_14 : memref<!tpu.dma_semaphore, #tpu.memory_space<semaphore_mem>>)
      %dma_wait3A = arith.constant 0 : i32
      %dma_wait3A_22 = arith.constant 0 : i32
      %dma_wait3A_23 = tpu.memref_slice %arg6[%arg0, %dma_wait3A, %dma_wait3A_22] : memref<2x10112x128xf32, #tpu.memory_space<hbm>> -> memref<1x10112x128xf32, #tpu.memory_space<hbm>>
      %dma_wait3A_24 = tpu.memref_squeeze %dma_wait3A_23 : memref<1x10112x128xf32, #tpu.memory_space<hbm>> -> memref<10112x128xf32, #tpu.memory_space<hbm>>
      %dma_wait3A_25 = arith.constant 0 : i32
      %dma_wait3A_26 = tpu.memref_slice %dma_wait3A_24[%mul3A_0, %dma_wait3A_25] : memref<10112x128xf32, #tpu.memory_space<hbm>> -> memref<632x128xf32, #tpu.memory_space<hbm>>
      %dma_wait3A_27 = arith.constant 0 : i32
      %dma_wait3A_28 = tpu.memref_slice %arg10[%mul3A_0, %dma_wait3A_27] : memref<10112x128xf32, #tpu.memory_space<vmem_shared>> -> memref<632x128xf32, #tpu.memory_space<vmem_shared>>
      tpu.wait_dma2 semaphore(%run_scoped3A_14 : memref<!tpu.dma_semaphore, #tpu.memory_space<semaphore_mem>>) src(%dma_wait3A_28 : memref<632x128xf32, #tpu.memory_space<vmem_shared>>) dst(%dma_wait3A_26 : memref<632x128xf32, #tpu.memory_space<hbm>>)
      tpu.yield
    }) : () -> ()
    return
  }
}

#map = affine_map<(d0, d1) -> (0, 0, 0, 0, 0, 0)>
#map1 = affine_map<(d0, d1) -> (0, 0)>
#map2 = affine_map<(d0, d1) -> (0, 0, 0, 0)>
module attributes {stable_mosaic.version = 14 : i64} {
  func.func @k(%arg0: i32, %arg1: i32, %arg2: memref<2x2x2x16x79x128xi32, #tpu.memory_space<hbm>>, %arg3: memref<10112x128xf32, #tpu.memory_space<hbm>>, %arg4: memref<128x128xf32, #tpu.memory_space<hbm>>, %arg5: memref<2x2x10112x128xf32, #tpu.memory_space<hbm>>, %arg6: memref<79x128xi32, #tpu.memory_space<vmem>>, %arg7: memref<128x128xf32, #tpu.memory_space<vmem>>, %arg8: memref<10112x128xf32, #tpu.memory_space<vmem_shared>>) attributes {dimension_semantics = [#tpu.dimension_semantics<core_parallel>, #tpu.dimension_semantics<subcore_parallel>], iteration_bounds = array<i64: 2, 16>, scalar_prefetch = 0 : i64, scratch_operands = 3 : i64, tpu.core_type = #tpu.core_type<sc_vector_subcore>, window_params = [{transform_indices = #map}, {transform_indices = #map1}, {transform_indices = #map1}, {transform_indices = #map2}]} {
    %mul3A = arith.constant 632 : i32
    %mul3A_0 = arith.muli %arg1, %mul3A : i32
    "tpu.region"() ({
      %run_scoped3A_32 = tpu.sem_alloc : memref<!tpu.dma_semaphore, #tpu.memory_space<semaphore_mem>>
      tpu.enqueue_dma source(%arg4 : memref<128x128xf32, #tpu.memory_space<hbm>>) target(%arg7 : memref<128x128xf32, #tpu.memory_space<vmem>>) target_semaphore(%run_scoped3A_32 : memref<!tpu.dma_semaphore, #tpu.memory_space<semaphore_mem>>)
      tpu.wait_dma2 semaphore(%run_scoped3A_32 : memref<!tpu.dma_semaphore, #tpu.memory_space<semaphore_mem>>) src(%arg4 : memref<128x128xf32, #tpu.memory_space<hbm>>) dst(%arg7 : memref<128x128xf32, #tpu.memory_space<vmem>>)
      tpu.yield
    }) : () -> ()
    "tpu.region"() ({
      %run_scoped3A_32 = tpu.sem_alloc : memref<!tpu.dma_semaphore, #tpu.memory_space<semaphore_mem>>
      %dma_start3A = arith.constant 0 : i32
      %dma_start3A_33 = tpu.memref_slice %arg8[%mul3A_0, %dma_start3A] : memref<10112x128xf32, #tpu.memory_space<vmem_shared>> -> memref<632x128xf32, #tpu.memory_space<vmem_shared>>
      %dma_start3A_34 = arith.constant 0 : i32
      %dma_start3A_35 = tpu.memref_slice %arg3[%mul3A_0, %dma_start3A_34] : memref<10112x128xf32, #tpu.memory_space<hbm>> -> memref<632x128xf32, #tpu.memory_space<hbm>>
      tpu.enqueue_dma source(%dma_start3A_35 : memref<632x128xf32, #tpu.memory_space<hbm>>) target(%dma_start3A_33 : memref<632x128xf32, #tpu.memory_space<vmem_shared>>) target_semaphore(%run_scoped3A_32 : memref<!tpu.dma_semaphore, #tpu.memory_space<semaphore_mem>>)
      %dma_wait3A = arith.constant 0 : i32
      %dma_wait3A_36 = tpu.memref_slice %arg8[%mul3A_0, %dma_wait3A] : memref<10112x128xf32, #tpu.memory_space<vmem_shared>> -> memref<632x128xf32, #tpu.memory_space<vmem_shared>>
      %dma_wait3A_37 = arith.constant 0 : i32
      %dma_wait3A_38 = tpu.memref_slice %arg3[%mul3A_0, %dma_wait3A_37] : memref<10112x128xf32, #tpu.memory_space<hbm>> -> memref<632x128xf32, #tpu.memory_space<hbm>>
      tpu.wait_dma2 semaphore(%run_scoped3A_32 : memref<!tpu.dma_semaphore, #tpu.memory_space<semaphore_mem>>) src(%dma_wait3A_38 : memref<632x128xf32, #tpu.memory_space<hbm>>) dst(%dma_wait3A_36 : memref<632x128xf32, #tpu.memory_space<vmem_shared>>)
      tpu.yield
    }) : () -> ()
    %barrier3A = arith.constant 0 : index
    tpu.barrier barrier_id(%barrier3A)
    %run_scoped3A = arith.constant 0 : i32
    %run_scoped3A_1 = arith.constant 0 : i32
    "tpu.region"() ({
      %run_scoped3A_32 = tpu.sem_alloc : memref<!tpu.dma_semaphore, #tpu.memory_space<semaphore_mem>>
      %dma_start3A = arith.constant 0 : i32
      %dma_start3A_33 = arith.constant 0 : i32
      %dma_start3A_34 = arith.constant 0 : i32
      %dma_start3A_35 = arith.constant 0 : i32
      %dma_start3A_36 = arith.constant 0 : i32
      %dma_start3A_37 = tpu.memref_slice %arg2[%run_scoped3A, %dma_start3A, %dma_start3A_33, %dma_start3A_34, %dma_start3A_35, %dma_start3A_36] : memref<2x2x2x16x79x128xi32, #tpu.memory_space<hbm>> -> memref<1x2x2x16x79x128xi32, #tpu.memory_space<hbm>>
      %dma_start3A_38 = tpu.memref_squeeze %dma_start3A_37 : memref<1x2x2x16x79x128xi32, #tpu.memory_space<hbm>> -> memref<2x2x16x79x128xi32, #tpu.memory_space<hbm>>
      %dma_start3A_39 = arith.constant 0 : i32
      %dma_start3A_40 = arith.constant 0 : i32
      %dma_start3A_41 = arith.constant 0 : i32
      %dma_start3A_42 = arith.constant 0 : i32
      %dma_start3A_43 = tpu.memref_slice %dma_start3A_38[%arg0, %dma_start3A_39, %dma_start3A_40, %dma_start3A_41, %dma_start3A_42] : memref<2x2x16x79x128xi32, #tpu.memory_space<hbm>> -> memref<1x2x16x79x128xi32, #tpu.memory_space<hbm>>
      %dma_start3A_44 = tpu.memref_squeeze %dma_start3A_43 : memref<1x2x16x79x128xi32, #tpu.memory_space<hbm>> -> memref<2x16x79x128xi32, #tpu.memory_space<hbm>>
      %dma_start3A_45 = arith.constant 0 : i32
      %dma_start3A_46 = arith.constant 0 : i32
      %dma_start3A_47 = arith.constant 0 : i32
      %dma_start3A_48 = tpu.memref_slice %dma_start3A_44[%run_scoped3A_1, %dma_start3A_45, %dma_start3A_46, %dma_start3A_47] : memref<2x16x79x128xi32, #tpu.memory_space<hbm>> -> memref<1x16x79x128xi32, #tpu.memory_space<hbm>>
      %dma_start3A_49 = tpu.memref_squeeze %dma_start3A_48 : memref<1x16x79x128xi32, #tpu.memory_space<hbm>> -> memref<16x79x128xi32, #tpu.memory_space<hbm>>
      %dma_start3A_50 = arith.constant 0 : i32
      %dma_start3A_51 = arith.constant 0 : i32
      %dma_start3A_52 = tpu.memref_slice %dma_start3A_49[%arg1, %dma_start3A_50, %dma_start3A_51] : memref<16x79x128xi32, #tpu.memory_space<hbm>> -> memref<1x79x128xi32, #tpu.memory_space<hbm>>
      %dma_start3A_53 = tpu.memref_squeeze %dma_start3A_52 : memref<1x79x128xi32, #tpu.memory_space<hbm>> -> memref<79x128xi32, #tpu.memory_space<hbm>>
      %dma_start3A_54 = arith.constant 0 : i32
      %dma_start3A_55 = arith.constant 0 : i32
      %dma_start3A_56 = arith.constant 0 : i32
      %dma_start3A_57 = arith.constant 0 : i32
      %dma_start3A_58 = arith.constant 0 : i32
      %dma_start3A_59 = tpu.memref_slice %arg2[%run_scoped3A, %dma_start3A_54, %dma_start3A_55, %dma_start3A_56, %dma_start3A_57, %dma_start3A_58] : memref<2x2x2x16x79x128xi32, #tpu.memory_space<hbm>> -> memref<1x2x2x16x79x128xi32, #tpu.memory_space<hbm>>
      %dma_start3A_60 = tpu.memref_squeeze %dma_start3A_59 : memref<1x2x2x16x79x128xi32, #tpu.memory_space<hbm>> -> memref<2x2x16x79x128xi32, #tpu.memory_space<hbm>>
      %dma_start3A_61 = arith.constant 0 : i32
      %dma_start3A_62 = arith.constant 0 : i32
      %dma_start3A_63 = arith.constant 0 : i32
      %dma_start3A_64 = arith.constant 0 : i32
      %dma_start3A_65 = tpu.memref_slice %dma_start3A_60[%arg0, %dma_start3A_61, %dma_start3A_62, %dma_start3A_63, %dma_start3A_64] : memref<2x2x16x79x128xi32, #tpu.memory_space<hbm>> -> memref<1x2x16x79x128xi32, #tpu.memory_space<hbm>>
      %dma_start3A_66 = tpu.memref_squeeze %dma_start3A_65 : memref<1x2x16x79x128xi32, #tpu.memory_space<hbm>> -> memref<2x16x79x128xi32, #tpu.memory_space<hbm>>
      %dma_start3A_67 = arith.constant 0 : i32
      %dma_start3A_68 = arith.constant 0 : i32
      %dma_start3A_69 = arith.constant 0 : i32
      %dma_start3A_70 = tpu.memref_slice %dma_start3A_66[%run_scoped3A_1, %dma_start3A_67, %dma_start3A_68, %dma_start3A_69] : memref<2x16x79x128xi32, #tpu.memory_space<hbm>> -> memref<1x16x79x128xi32, #tpu.memory_space<hbm>>
      %dma_start3A_71 = tpu.memref_squeeze %dma_start3A_70 : memref<1x16x79x128xi32, #tpu.memory_space<hbm>> -> memref<16x79x128xi32, #tpu.memory_space<hbm>>
      %dma_start3A_72 = arith.constant 0 : i32
      %dma_start3A_73 = arith.constant 0 : i32
      %dma_start3A_74 = tpu.memref_slice %dma_start3A_71[%arg1, %dma_start3A_72, %dma_start3A_73] : memref<16x79x128xi32, #tpu.memory_space<hbm>> -> memref<1x79x128xi32, #tpu.memory_space<hbm>>
      %dma_start3A_75 = tpu.memref_squeeze %dma_start3A_74 : memref<1x79x128xi32, #tpu.memory_space<hbm>> -> memref<79x128xi32, #tpu.memory_space<hbm>>
      tpu.enqueue_dma source(%dma_start3A_75 : memref<79x128xi32, #tpu.memory_space<hbm>>) target(%arg6 : memref<79x128xi32, #tpu.memory_space<vmem>>) target_semaphore(%run_scoped3A_32 : memref<!tpu.dma_semaphore, #tpu.memory_space<semaphore_mem>>)
      %dma_wait3A = arith.constant 0 : i32
      %dma_wait3A_76 = arith.constant 0 : i32
      %dma_wait3A_77 = arith.constant 0 : i32
      %dma_wait3A_78 = arith.constant 0 : i32
      %dma_wait3A_79 = arith.constant 0 : i32
      %dma_wait3A_80 = tpu.memref_slice %arg2[%run_scoped3A, %dma_wait3A, %dma_wait3A_76, %dma_wait3A_77, %dma_wait3A_78, %dma_wait3A_79] : memref<2x2x2x16x79x128xi32, #tpu.memory_space<hbm>> -> memref<1x2x2x16x79x128xi32, #tpu.memory_space<hbm>>
      %dma_wait3A_81 = tpu.memref_squeeze %dma_wait3A_80 : memref<1x2x2x16x79x128xi32, #tpu.memory_space<hbm>> -> memref<2x2x16x79x128xi32, #tpu.memory_space<hbm>>
      %dma_wait3A_82 = arith.constant 0 : i32
      %dma_wait3A_83 = arith.constant 0 : i32
      %dma_wait3A_84 = arith.constant 0 : i32
      %dma_wait3A_85 = arith.constant 0 : i32
      %dma_wait3A_86 = tpu.memref_slice %dma_wait3A_81[%arg0, %dma_wait3A_82, %dma_wait3A_83, %dma_wait3A_84, %dma_wait3A_85] : memref<2x2x16x79x128xi32, #tpu.memory_space<hbm>> -> memref<1x2x16x79x128xi32, #tpu.memory_space<hbm>>
      %dma_wait3A_87 = tpu.memref_squeeze %dma_wait3A_86 : memref<1x2x16x79x128xi32, #tpu.memory_space<hbm>> -> memref<2x16x79x128xi32, #tpu.memory_space<hbm>>
      %dma_wait3A_88 = arith.constant 0 : i32
      %dma_wait3A_89 = arith.constant 0 : i32
      %dma_wait3A_90 = arith.constant 0 : i32
      %dma_wait3A_91 = tpu.memref_slice %dma_wait3A_87[%run_scoped3A_1, %dma_wait3A_88, %dma_wait3A_89, %dma_wait3A_90] : memref<2x16x79x128xi32, #tpu.memory_space<hbm>> -> memref<1x16x79x128xi32, #tpu.memory_space<hbm>>
      %dma_wait3A_92 = tpu.memref_squeeze %dma_wait3A_91 : memref<1x16x79x128xi32, #tpu.memory_space<hbm>> -> memref<16x79x128xi32, #tpu.memory_space<hbm>>
      %dma_wait3A_93 = arith.constant 0 : i32
      %dma_wait3A_94 = arith.constant 0 : i32
      %dma_wait3A_95 = tpu.memref_slice %dma_wait3A_92[%arg1, %dma_wait3A_93, %dma_wait3A_94] : memref<16x79x128xi32, #tpu.memory_space<hbm>> -> memref<1x79x128xi32, #tpu.memory_space<hbm>>
      %dma_wait3A_96 = tpu.memref_squeeze %dma_wait3A_95 : memref<1x79x128xi32, #tpu.memory_space<hbm>> -> memref<79x128xi32, #tpu.memory_space<hbm>>
      %dma_wait3A_97 = arith.constant 0 : i32
      %dma_wait3A_98 = arith.constant 0 : i32
      %dma_wait3A_99 = arith.constant 0 : i32
      %dma_wait3A_100 = arith.constant 0 : i32
      %dma_wait3A_101 = arith.constant 0 : i32
      %dma_wait3A_102 = tpu.memref_slice %arg2[%run_scoped3A, %dma_wait3A_97, %dma_wait3A_98, %dma_wait3A_99, %dma_wait3A_100, %dma_wait3A_101] : memref<2x2x2x16x79x128xi32, #tpu.memory_space<hbm>> -> memref<1x2x2x16x79x128xi32, #tpu.memory_space<hbm>>
      %dma_wait3A_103 = tpu.memref_squeeze %dma_wait3A_102 : memref<1x2x2x16x79x128xi32, #tpu.memory_space<hbm>> -> memref<2x2x16x79x128xi32, #tpu.memory_space<hbm>>
      %dma_wait3A_104 = arith.constant 0 : i32
      %dma_wait3A_105 = arith.constant 0 : i32
      %dma_wait3A_106 = arith.constant 0 : i32
      %dma_wait3A_107 = arith.constant 0 : i32
      %dma_wait3A_108 = tpu.memref_slice %dma_wait3A_103[%arg0, %dma_wait3A_104, %dma_wait3A_105, %dma_wait3A_106, %dma_wait3A_107] : memref<2x2x16x79x128xi32, #tpu.memory_space<hbm>> -> memref<1x2x16x79x128xi32, #tpu.memory_space<hbm>>
      %dma_wait3A_109 = tpu.memref_squeeze %dma_wait3A_108 : memref<1x2x16x79x128xi32, #tpu.memory_space<hbm>> -> memref<2x16x79x128xi32, #tpu.memory_space<hbm>>
      %dma_wait3A_110 = arith.constant 0 : i32
      %dma_wait3A_111 = arith.constant 0 : i32
      %dma_wait3A_112 = arith.constant 0 : i32
      %dma_wait3A_113 = tpu.memref_slice %dma_wait3A_109[%run_scoped3A_1, %dma_wait3A_110, %dma_wait3A_111, %dma_wait3A_112] : memref<2x16x79x128xi32, #tpu.memory_space<hbm>> -> memref<1x16x79x128xi32, #tpu.memory_space<hbm>>
      %dma_wait3A_114 = tpu.memref_squeeze %dma_wait3A_113 : memref<1x16x79x128xi32, #tpu.memory_space<hbm>> -> memref<16x79x128xi32, #tpu.memory_space<hbm>>
      %dma_wait3A_115 = arith.constant 0 : i32
      %dma_wait3A_116 = arith.constant 0 : i32
      %dma_wait3A_117 = tpu.memref_slice %dma_wait3A_114[%arg1, %dma_wait3A_115, %dma_wait3A_116] : memref<16x79x128xi32, #tpu.memory_space<hbm>> -> memref<1x79x128xi32, #tpu.memory_space<hbm>>
      %dma_wait3A_118 = tpu.memref_squeeze %dma_wait3A_117 : memref<1x79x128xi32, #tpu.memory_space<hbm>> -> memref<79x128xi32, #tpu.memory_space<hbm>>
      tpu.wait_dma2 semaphore(%run_scoped3A_32 : memref<!tpu.dma_semaphore, #tpu.memory_space<semaphore_mem>>) src(%dma_wait3A_118 : memref<79x128xi32, #tpu.memory_space<hbm>>) dst(%arg6 : memref<79x128xi32, #tpu.memory_space<vmem>>)
      tpu.yield
    }) : () -> ()
    %scan3A = arith.constant 0 : i32
    %scan3A_2 = arith.constant 79 : i32
    %scan3A_3 = arith.addi %scan3A, %scan3A_2 : i32
    %scan3A_4 = arith.constant 1 : i32
    scf.for %scan3A_32 = %scan3A to %scan3A_3 step %scan3A_4  : i32 {
      %mul3A_33 = arith.constant 1 : i32
      %mul3A_34 = arith.muli %scan3A_32, %mul3A_33 : i32
      %add3A = arith.constant 0 : i32
      %add3A_35 = arith.addi %add3A, %mul3A_34 : i32
      "tpu.region"() ({
        %run_scoped3A_36 = tpu.sem_alloc : memref<!tpu.dma_semaphore, #tpu.memory_space<semaphore_mem>>
        %dma_start3A = arith.constant 0 : i32
        %dma_start3A_37 = tpu.memref_slice %arg6[%add3A_35, %dma_start3A] : memref<79x128xi32, #tpu.memory_space<vmem>> -> memref<1x128xi32, #tpu.memory_space<vmem>>
        %dma_start3A_38 = tpu.memref_squeeze %dma_start3A_37 : memref<1x128xi32, #tpu.memory_space<vmem>> -> memref<128xi32, #tpu.memory_space<vmem>>
        %dma_start3A_39 = arith.constant 0 : i32
        %dma_start3A_40 = arith.constant 0 : i32
        %dma_start3A_41 = tpu.memref_slice %arg8[%dma_start3A_39, %dma_start3A_40] : memref<10112x128xf32, #tpu.memory_space<vmem_shared>> -> memref<10112x128xf32, #tpu.memory_space<vmem_shared>>
        tpu.enqueue_indirect_dma source(%arg7 : memref<128x128xf32, #tpu.memory_space<vmem>>) target(%dma_start3A_41 : memref<10112x128xf32, #tpu.memory_space<vmem_shared>>) offsets(%dma_start3A_38 : memref<128xi32, #tpu.memory_space<vmem>>) semaphore(%run_scoped3A_36 : memref<!tpu.dma_semaphore, #tpu.memory_space<semaphore_mem>>) {add = true}
        %dma_wait3A = arith.constant 0 : i32
        %dma_wait3A_42 = tpu.memref_slice %arg6[%add3A_35, %dma_wait3A] : memref<79x128xi32, #tpu.memory_space<vmem>> -> memref<1x128xi32, #tpu.memory_space<vmem>>
        %dma_wait3A_43 = tpu.memref_squeeze %dma_wait3A_42 : memref<1x128xi32, #tpu.memory_space<vmem>> -> memref<128xi32, #tpu.memory_space<vmem>>
        %dma_wait3A_44 = arith.constant 0 : i32
        %dma_wait3A_45 = arith.constant 0 : i32
        %dma_wait3A_46 = tpu.memref_slice %arg8[%dma_wait3A_44, %dma_wait3A_45] : memref<10112x128xf32, #tpu.memory_space<vmem_shared>> -> memref<10112x128xf32, #tpu.memory_space<vmem_shared>>
        tpu.wait_indirect_dma semaphore(%run_scoped3A_36 : memref<!tpu.dma_semaphore, #tpu.memory_space<semaphore_mem>>) src(%arg7 : memref<128x128xf32, #tpu.memory_space<vmem>>) dst(%dma_wait3A_46 : memref<10112x128xf32, #tpu.memory_space<vmem_shared>>)
        tpu.yield
      }) : () -> ()
    }
    %scan3A_5 = arith.constant 79 : i32
    %run_scoped3A_6 = arith.constant 0 : i32
    %run_scoped3A_7 = arith.constant 1 : i32
    "tpu.region"() ({
      %run_scoped3A_32 = tpu.sem_alloc : memref<!tpu.dma_semaphore, #tpu.memory_space<semaphore_mem>>
      %dma_start3A = arith.constant 0 : i32
      %dma_start3A_33 = arith.constant 0 : i32
      %dma_start3A_34 = arith.constant 0 : i32
      %dma_start3A_35 = arith.constant 0 : i32
      %dma_start3A_36 = arith.constant 0 : i32
      %dma_start3A_37 = tpu.memref_slice %arg2[%run_scoped3A_6, %dma_start3A, %dma_start3A_33, %dma_start3A_34, %dma_start3A_35, %dma_start3A_36] : memref<2x2x2x16x79x128xi32, #tpu.memory_space<hbm>> -> memref<1x2x2x16x79x128xi32, #tpu.memory_space<hbm>>
      %dma_start3A_38 = tpu.memref_squeeze %dma_start3A_37 : memref<1x2x2x16x79x128xi32, #tpu.memory_space<hbm>> -> memref<2x2x16x79x128xi32, #tpu.memory_space<hbm>>
      %dma_start3A_39 = arith.constant 0 : i32
      %dma_start3A_40 = arith.constant 0 : i32
      %dma_start3A_41 = arith.constant 0 : i32
      %dma_start3A_42 = arith.constant 0 : i32
      %dma_start3A_43 = tpu.memref_slice %dma_start3A_38[%arg0, %dma_start3A_39, %dma_start3A_40, %dma_start3A_41, %dma_start3A_42] : memref<2x2x16x79x128xi32, #tpu.memory_space<hbm>> -> memref<1x2x16x79x128xi32, #tpu.memory_space<hbm>>
      %dma_start3A_44 = tpu.memref_squeeze %dma_start3A_43 : memref<1x2x16x79x128xi32, #tpu.memory_space<hbm>> -> memref<2x16x79x128xi32, #tpu.memory_space<hbm>>
      %dma_start3A_45 = arith.constant 0 : i32
      %dma_start3A_46 = arith.constant 0 : i32
      %dma_start3A_47 = arith.constant 0 : i32
      %dma_start3A_48 = tpu.memref_slice %dma_start3A_44[%run_scoped3A_7, %dma_start3A_45, %dma_start3A_46, %dma_start3A_47] : memref<2x16x79x128xi32, #tpu.memory_space<hbm>> -> memref<1x16x79x128xi32, #tpu.memory_space<hbm>>
      %dma_start3A_49 = tpu.memref_squeeze %dma_start3A_48 : memref<1x16x79x128xi32, #tpu.memory_space<hbm>> -> memref<16x79x128xi32, #tpu.memory_space<hbm>>
      %dma_start3A_50 = arith.constant 0 : i32
      %dma_start3A_51 = arith.constant 0 : i32
      %dma_start3A_52 = tpu.memref_slice %dma_start3A_49[%arg1, %dma_start3A_50, %dma_start3A_51] : memref<16x79x128xi32, #tpu.memory_space<hbm>> -> memref<1x79x128xi32, #tpu.memory_space<hbm>>
      %dma_start3A_53 = tpu.memref_squeeze %dma_start3A_52 : memref<1x79x128xi32, #tpu.memory_space<hbm>> -> memref<79x128xi32, #tpu.memory_space<hbm>>
      %dma_start3A_54 = arith.constant 0 : i32
      %dma_start3A_55 = arith.constant 0 : i32
      %dma_start3A_56 = arith.constant 0 : i32
      %dma_start3A_57 = arith.constant 0 : i32
      %dma_start3A_58 = arith.constant 0 : i32
      %dma_start3A_59 = tpu.memref_slice %arg2[%run_scoped3A_6, %dma_start3A_54, %dma_start3A_55, %dma_start3A_56, %dma_start3A_57, %dma_start3A_58] : memref<2x2x2x16x79x128xi32, #tpu.memory_space<hbm>> -> memref<1x2x2x16x79x128xi32, #tpu.memory_space<hbm>>
      %dma_start3A_60 = tpu.memref_squeeze %dma_start3A_59 : memref<1x2x2x16x79x128xi32, #tpu.memory_space<hbm>> -> memref<2x2x16x79x128xi32, #tpu.memory_space<hbm>>
      %dma_start3A_61 = arith.constant 0 : i32
      %dma_start3A_62 = arith.constant 0 : i32
      %dma_start3A_63 = arith.constant 0 : i32
      %dma_start3A_64 = arith.constant 0 : i32
      %dma_start3A_65 = tpu.memref_slice %dma_start3A_60[%arg0, %dma_start3A_61, %dma_start3A_62, %dma_start3A_63, %dma_start3A_64] : memref<2x2x16x79x128xi32, #tpu.memory_space<hbm>> -> memref<1x2x16x79x128xi32, #tpu.memory_space<hbm>>
      %dma_start3A_66 = tpu.memref_squeeze %dma_start3A_65 : memref<1x2x16x79x128xi32, #tpu.memory_space<hbm>> -> memref<2x16x79x128xi32, #tpu.memory_space<hbm>>
      %dma_start3A_67 = arith.constant 0 : i32
      %dma_start3A_68 = arith.constant 0 : i32
      %dma_start3A_69 = arith.constant 0 : i32
      %dma_start3A_70 = tpu.memref_slice %dma_start3A_66[%run_scoped3A_7, %dma_start3A_67, %dma_start3A_68, %dma_start3A_69] : memref<2x16x79x128xi32, #tpu.memory_space<hbm>> -> memref<1x16x79x128xi32, #tpu.memory_space<hbm>>
      %dma_start3A_71 = tpu.memref_squeeze %dma_start3A_70 : memref<1x16x79x128xi32, #tpu.memory_space<hbm>> -> memref<16x79x128xi32, #tpu.memory_space<hbm>>
      %dma_start3A_72 = arith.constant 0 : i32
      %dma_start3A_73 = arith.constant 0 : i32
      %dma_start3A_74 = tpu.memref_slice %dma_start3A_71[%arg1, %dma_start3A_72, %dma_start3A_73] : memref<16x79x128xi32, #tpu.memory_space<hbm>> -> memref<1x79x128xi32, #tpu.memory_space<hbm>>
      %dma_start3A_75 = tpu.memref_squeeze %dma_start3A_74 : memref<1x79x128xi32, #tpu.memory_space<hbm>> -> memref<79x128xi32, #tpu.memory_space<hbm>>
      tpu.enqueue_dma source(%dma_start3A_75 : memref<79x128xi32, #tpu.memory_space<hbm>>) target(%arg6 : memref<79x128xi32, #tpu.memory_space<vmem>>) target_semaphore(%run_scoped3A_32 : memref<!tpu.dma_semaphore, #tpu.memory_space<semaphore_mem>>)
      %dma_wait3A = arith.constant 0 : i32
      %dma_wait3A_76 = arith.constant 0 : i32
      %dma_wait3A_77 = arith.constant 0 : i32
      %dma_wait3A_78 = arith.constant 0 : i32
      %dma_wait3A_79 = arith.constant 0 : i32
      %dma_wait3A_80 = tpu.memref_slice %arg2[%run_scoped3A_6, %dma_wait3A, %dma_wait3A_76, %dma_wait3A_77, %dma_wait3A_78, %dma_wait3A_79] : memref<2x2x2x16x79x128xi32, #tpu.memory_space<hbm>> -> memref<1x2x2x16x79x128xi32, #tpu.memory_space<hbm>>
      %dma_wait3A_81 = tpu.memref_squeeze %dma_wait3A_80 : memref<1x2x2x16x79x128xi32, #tpu.memory_space<hbm>> -> memref<2x2x16x79x128xi32, #tpu.memory_space<hbm>>
      %dma_wait3A_82 = arith.constant 0 : i32
      %dma_wait3A_83 = arith.constant 0 : i32
      %dma_wait3A_84 = arith.constant 0 : i32
      %dma_wait3A_85 = arith.constant 0 : i32
      %dma_wait3A_86 = tpu.memref_slice %dma_wait3A_81[%arg0, %dma_wait3A_82, %dma_wait3A_83, %dma_wait3A_84, %dma_wait3A_85] : memref<2x2x16x79x128xi32, #tpu.memory_space<hbm>> -> memref<1x2x16x79x128xi32, #tpu.memory_space<hbm>>
      %dma_wait3A_87 = tpu.memref_squeeze %dma_wait3A_86 : memref<1x2x16x79x128xi32, #tpu.memory_space<hbm>> -> memref<2x16x79x128xi32, #tpu.memory_space<hbm>>
      %dma_wait3A_88 = arith.constant 0 : i32
      %dma_wait3A_89 = arith.constant 0 : i32
      %dma_wait3A_90 = arith.constant 0 : i32
      %dma_wait3A_91 = tpu.memref_slice %dma_wait3A_87[%run_scoped3A_7, %dma_wait3A_88, %dma_wait3A_89, %dma_wait3A_90] : memref<2x16x79x128xi32, #tpu.memory_space<hbm>> -> memref<1x16x79x128xi32, #tpu.memory_space<hbm>>
      %dma_wait3A_92 = tpu.memref_squeeze %dma_wait3A_91 : memref<1x16x79x128xi32, #tpu.memory_space<hbm>> -> memref<16x79x128xi32, #tpu.memory_space<hbm>>
      %dma_wait3A_93 = arith.constant 0 : i32
      %dma_wait3A_94 = arith.constant 0 : i32
      %dma_wait3A_95 = tpu.memref_slice %dma_wait3A_92[%arg1, %dma_wait3A_93, %dma_wait3A_94] : memref<16x79x128xi32, #tpu.memory_space<hbm>> -> memref<1x79x128xi32, #tpu.memory_space<hbm>>
      %dma_wait3A_96 = tpu.memref_squeeze %dma_wait3A_95 : memref<1x79x128xi32, #tpu.memory_space<hbm>> -> memref<79x128xi32, #tpu.memory_space<hbm>>
      %dma_wait3A_97 = arith.constant 0 : i32
      %dma_wait3A_98 = arith.constant 0 : i32
      %dma_wait3A_99 = arith.constant 0 : i32
      %dma_wait3A_100 = arith.constant 0 : i32
      %dma_wait3A_101 = arith.constant 0 : i32
      %dma_wait3A_102 = tpu.memref_slice %arg2[%run_scoped3A_6, %dma_wait3A_97, %dma_wait3A_98, %dma_wait3A_99, %dma_wait3A_100, %dma_wait3A_101] : memref<2x2x2x16x79x128xi32, #tpu.memory_space<hbm>> -> memref<1x2x2x16x79x128xi32, #tpu.memory_space<hbm>>
      %dma_wait3A_103 = tpu.memref_squeeze %dma_wait3A_102 : memref<1x2x2x16x79x128xi32, #tpu.memory_space<hbm>> -> memref<2x2x16x79x128xi32, #tpu.memory_space<hbm>>
      %dma_wait3A_104 = arith.constant 0 : i32
      %dma_wait3A_105 = arith.constant 0 : i32
      %dma_wait3A_106 = arith.constant 0 : i32
      %dma_wait3A_107 = arith.constant 0 : i32
      %dma_wait3A_108 = tpu.memref_slice %dma_wait3A_103[%arg0, %dma_wait3A_104, %dma_wait3A_105, %dma_wait3A_106, %dma_wait3A_107] : memref<2x2x16x79x128xi32, #tpu.memory_space<hbm>> -> memref<1x2x16x79x128xi32, #tpu.memory_space<hbm>>
      %dma_wait3A_109 = tpu.memref_squeeze %dma_wait3A_108 : memref<1x2x16x79x128xi32, #tpu.memory_space<hbm>> -> memref<2x16x79x128xi32, #tpu.memory_space<hbm>>
      %dma_wait3A_110 = arith.constant 0 : i32
      %dma_wait3A_111 = arith.constant 0 : i32
      %dma_wait3A_112 = arith.constant 0 : i32
      %dma_wait3A_113 = tpu.memref_slice %dma_wait3A_109[%run_scoped3A_7, %dma_wait3A_110, %dma_wait3A_111, %dma_wait3A_112] : memref<2x16x79x128xi32, #tpu.memory_space<hbm>> -> memref<1x16x79x128xi32, #tpu.memory_space<hbm>>
      %dma_wait3A_114 = tpu.memref_squeeze %dma_wait3A_113 : memref<1x16x79x128xi32, #tpu.memory_space<hbm>> -> memref<16x79x128xi32, #tpu.memory_space<hbm>>
      %dma_wait3A_115 = arith.constant 0 : i32
      %dma_wait3A_116 = arith.constant 0 : i32
      %dma_wait3A_117 = tpu.memref_slice %dma_wait3A_114[%arg1, %dma_wait3A_115, %dma_wait3A_116] : memref<16x79x128xi32, #tpu.memory_space<hbm>> -> memref<1x79x128xi32, #tpu.memory_space<hbm>>
      %dma_wait3A_118 = tpu.memref_squeeze %dma_wait3A_117 : memref<1x79x128xi32, #tpu.memory_space<hbm>> -> memref<79x128xi32, #tpu.memory_space<hbm>>
      tpu.wait_dma2 semaphore(%run_scoped3A_32 : memref<!tpu.dma_semaphore, #tpu.memory_space<semaphore_mem>>) src(%dma_wait3A_118 : memref<79x128xi32, #tpu.memory_space<hbm>>) dst(%arg6 : memref<79x128xi32, #tpu.memory_space<vmem>>)
      tpu.yield
    }) : () -> ()
    %scan3A_8 = arith.constant 0 : i32
    %scan3A_9 = arith.constant 79 : i32
    %scan3A_10 = arith.addi %scan3A_8, %scan3A_9 : i32
    %scan3A_11 = arith.constant 1 : i32
    scf.for %scan3A_32 = %scan3A_8 to %scan3A_10 step %scan3A_11  : i32 {
      %mul3A_33 = arith.constant 1 : i32
      %mul3A_34 = arith.muli %scan3A_32, %mul3A_33 : i32
      %add3A = arith.constant 0 : i32
      %add3A_35 = arith.addi %add3A, %mul3A_34 : i32
      "tpu.region"() ({
        %run_scoped3A_36 = tpu.sem_alloc : memref<!tpu.dma_semaphore, #tpu.memory_space<semaphore_mem>>
        %dma_start3A = arith.constant 0 : i32
        %dma_start3A_37 = tpu.memref_slice %arg6[%add3A_35, %dma_start3A] : memref<79x128xi32, #tpu.memory_space<vmem>> -> memref<1x128xi32, #tpu.memory_space<vmem>>
        %dma_start3A_38 = tpu.memref_squeeze %dma_start3A_37 : memref<1x128xi32, #tpu.memory_space<vmem>> -> memref<128xi32, #tpu.memory_space<vmem>>
        %dma_start3A_39 = arith.constant 0 : i32
        %dma_start3A_40 = arith.constant 0 : i32
        %dma_start3A_41 = tpu.memref_slice %arg8[%dma_start3A_39, %dma_start3A_40] : memref<10112x128xf32, #tpu.memory_space<vmem_shared>> -> memref<10112x128xf32, #tpu.memory_space<vmem_shared>>
        tpu.enqueue_indirect_dma source(%arg7 : memref<128x128xf32, #tpu.memory_space<vmem>>) target(%dma_start3A_41 : memref<10112x128xf32, #tpu.memory_space<vmem_shared>>) offsets(%dma_start3A_38 : memref<128xi32, #tpu.memory_space<vmem>>) semaphore(%run_scoped3A_36 : memref<!tpu.dma_semaphore, #tpu.memory_space<semaphore_mem>>) {add = true}
        %dma_wait3A = arith.constant 0 : i32
        %dma_wait3A_42 = tpu.memref_slice %arg6[%add3A_35, %dma_wait3A] : memref<79x128xi32, #tpu.memory_space<vmem>> -> memref<1x128xi32, #tpu.memory_space<vmem>>
        %dma_wait3A_43 = tpu.memref_squeeze %dma_wait3A_42 : memref<1x128xi32, #tpu.memory_space<vmem>> -> memref<128xi32, #tpu.memory_space<vmem>>
        %dma_wait3A_44 = arith.constant 0 : i32
        %dma_wait3A_45 = arith.constant 0 : i32
        %dma_wait3A_46 = tpu.memref_slice %arg8[%dma_wait3A_44, %dma_wait3A_45] : memref<10112x128xf32, #tpu.memory_space<vmem_shared>> -> memref<10112x128xf32, #tpu.memory_space<vmem_shared>>
        tpu.wait_indirect_dma semaphore(%run_scoped3A_36 : memref<!tpu.dma_semaphore, #tpu.memory_space<semaphore_mem>>) src(%arg7 : memref<128x128xf32, #tpu.memory_space<vmem>>) dst(%dma_wait3A_46 : memref<10112x128xf32, #tpu.memory_space<vmem_shared>>)
        tpu.yield
      }) : () -> ()
    }
    %scan3A_12 = arith.constant 79 : i32
    %barrier3A_13 = arith.constant 0 : index
    tpu.barrier barrier_id(%barrier3A_13)
    %run_scoped3A_14 = arith.constant 0 : i32
    "tpu.region"() ({
      %run_scoped3A_32 = tpu.sem_alloc : memref<!tpu.dma_semaphore, #tpu.memory_space<semaphore_mem>>
      %dma_start3A = arith.constant 0 : i32
      %dma_start3A_33 = arith.constant 0 : i32
      %dma_start3A_34 = arith.constant 0 : i32
      %dma_start3A_35 = tpu.memref_slice %arg5[%run_scoped3A_14, %dma_start3A, %dma_start3A_33, %dma_start3A_34] : memref<2x2x10112x128xf32, #tpu.memory_space<hbm>> -> memref<1x2x10112x128xf32, #tpu.memory_space<hbm>>
      %dma_start3A_36 = tpu.memref_squeeze %dma_start3A_35 : memref<1x2x10112x128xf32, #tpu.memory_space<hbm>> -> memref<2x10112x128xf32, #tpu.memory_space<hbm>>
      %dma_start3A_37 = arith.constant 0 : i32
      %dma_start3A_38 = arith.constant 0 : i32
      %dma_start3A_39 = tpu.memref_slice %dma_start3A_36[%arg0, %dma_start3A_37, %dma_start3A_38] : memref<2x10112x128xf32, #tpu.memory_space<hbm>> -> memref<1x10112x128xf32, #tpu.memory_space<hbm>>
      %dma_start3A_40 = tpu.memref_squeeze %dma_start3A_39 : memref<1x10112x128xf32, #tpu.memory_space<hbm>> -> memref<10112x128xf32, #tpu.memory_space<hbm>>
      %dma_start3A_41 = arith.constant 0 : i32
      %dma_start3A_42 = tpu.memref_slice %dma_start3A_40[%mul3A_0, %dma_start3A_41] : memref<10112x128xf32, #tpu.memory_space<hbm>> -> memref<632x128xf32, #tpu.memory_space<hbm>>
      %dma_start3A_43 = arith.constant 0 : i32
      %dma_start3A_44 = tpu.memref_slice %arg8[%mul3A_0, %dma_start3A_43] : memref<10112x128xf32, #tpu.memory_space<vmem_shared>> -> memref<632x128xf32, #tpu.memory_space<vmem_shared>>
      tpu.enqueue_dma source(%dma_start3A_44 : memref<632x128xf32, #tpu.memory_space<vmem_shared>>) target(%dma_start3A_42 : memref<632x128xf32, #tpu.memory_space<hbm>>) target_semaphore(%run_scoped3A_32 : memref<!tpu.dma_semaphore, #tpu.memory_space<semaphore_mem>>)
      %dma_wait3A = arith.constant 0 : i32
      %dma_wait3A_45 = arith.constant 0 : i32
      %dma_wait3A_46 = arith.constant 0 : i32
      %dma_wait3A_47 = tpu.memref_slice %arg5[%run_scoped3A_14, %dma_wait3A, %dma_wait3A_45, %dma_wait3A_46] : memref<2x2x10112x128xf32, #tpu.memory_space<hbm>> -> memref<1x2x10112x128xf32, #tpu.memory_space<hbm>>
      %dma_wait3A_48 = tpu.memref_squeeze %dma_wait3A_47 : memref<1x2x10112x128xf32, #tpu.memory_space<hbm>> -> memref<2x10112x128xf32, #tpu.memory_space<hbm>>
      %dma_wait3A_49 = arith.constant 0 : i32
      %dma_wait3A_50 = arith.constant 0 : i32
      %dma_wait3A_51 = tpu.memref_slice %dma_wait3A_48[%arg0, %dma_wait3A_49, %dma_wait3A_50] : memref<2x10112x128xf32, #tpu.memory_space<hbm>> -> memref<1x10112x128xf32, #tpu.memory_space<hbm>>
      %dma_wait3A_52 = tpu.memref_squeeze %dma_wait3A_51 : memref<1x10112x128xf32, #tpu.memory_space<hbm>> -> memref<10112x128xf32, #tpu.memory_space<hbm>>
      %dma_wait3A_53 = arith.constant 0 : i32
      %dma_wait3A_54 = tpu.memref_slice %dma_wait3A_52[%mul3A_0, %dma_wait3A_53] : memref<10112x128xf32, #tpu.memory_space<hbm>> -> memref<632x128xf32, #tpu.memory_space<hbm>>
      %dma_wait3A_55 = arith.constant 0 : i32
      %dma_wait3A_56 = tpu.memref_slice %arg8[%mul3A_0, %dma_wait3A_55] : memref<10112x128xf32, #tpu.memory_space<vmem_shared>> -> memref<632x128xf32, #tpu.memory_space<vmem_shared>>
      tpu.wait_dma2 semaphore(%run_scoped3A_32 : memref<!tpu.dma_semaphore, #tpu.memory_space<semaphore_mem>>) src(%dma_wait3A_56 : memref<632x128xf32, #tpu.memory_space<vmem_shared>>) dst(%dma_wait3A_54 : memref<632x128xf32, #tpu.memory_space<hbm>>)
      tpu.yield
    }) : () -> ()
    "tpu.region"() ({
      %run_scoped3A_32 = tpu.sem_alloc : memref<!tpu.dma_semaphore, #tpu.memory_space<semaphore_mem>>
      %dma_start3A = arith.constant 0 : i32
      %dma_start3A_33 = tpu.memref_slice %arg8[%mul3A_0, %dma_start3A] : memref<10112x128xf32, #tpu.memory_space<vmem_shared>> -> memref<632x128xf32, #tpu.memory_space<vmem_shared>>
      %dma_start3A_34 = arith.constant 0 : i32
      %dma_start3A_35 = tpu.memref_slice %arg3[%mul3A_0, %dma_start3A_34] : memref<10112x128xf32, #tpu.memory_space<hbm>> -> memref<632x128xf32, #tpu.memory_space<hbm>>
      tpu.enqueue_dma source(%dma_start3A_35 : memref<632x128xf32, #tpu.memory_space<hbm>>) target(%dma_start3A_33 : memref<632x128xf32, #tpu.memory_space<vmem_shared>>) target_semaphore(%run_scoped3A_32 : memref<!tpu.dma_semaphore, #tpu.memory_space<semaphore_mem>>)
      %dma_wait3A = arith.constant 0 : i32
      %dma_wait3A_36 = tpu.memref_slice %arg8[%mul3A_0, %dma_wait3A] : memref<10112x128xf32, #tpu.memory_space<vmem_shared>> -> memref<632x128xf32, #tpu.memory_space<vmem_shared>>
      %dma_wait3A_37 = arith.constant 0 : i32
      %dma_wait3A_38 = tpu.memref_slice %arg3[%mul3A_0, %dma_wait3A_37] : memref<10112x128xf32, #tpu.memory_space<hbm>> -> memref<632x128xf32, #tpu.memory_space<hbm>>
      tpu.wait_dma2 semaphore(%run_scoped3A_32 : memref<!tpu.dma_semaphore, #tpu.memory_space<semaphore_mem>>) src(%dma_wait3A_38 : memref<632x128xf32, #tpu.memory_space<hbm>>) dst(%dma_wait3A_36 : memref<632x128xf32, #tpu.memory_space<vmem_shared>>)
      tpu.yield
    }) : () -> ()
    %barrier3A_15 = arith.constant 0 : index
    tpu.barrier barrier_id(%barrier3A_15)
    %run_scoped3A_16 = arith.constant 1 : i32
    %run_scoped3A_17 = arith.constant 0 : i32
    "tpu.region"() ({
      %run_scoped3A_32 = tpu.sem_alloc : memref<!tpu.dma_semaphore, #tpu.memory_space<semaphore_mem>>
      %dma_start3A = arith.constant 0 : i32
      %dma_start3A_33 = arith.constant 0 : i32
      %dma_start3A_34 = arith.constant 0 : i32
      %dma_start3A_35 = arith.constant 0 : i32
      %dma_start3A_36 = arith.constant 0 : i32
      %dma_start3A_37 = tpu.memref_slice %arg2[%run_scoped3A_16, %dma_start3A, %dma_start3A_33, %dma_start3A_34, %dma_start3A_35, %dma_start3A_36] : memref<2x2x2x16x79x128xi32, #tpu.memory_space<hbm>> -> memref<1x2x2x16x79x128xi32, #tpu.memory_space<hbm>>
      %dma_start3A_38 = tpu.memref_squeeze %dma_start3A_37 : memref<1x2x2x16x79x128xi32, #tpu.memory_space<hbm>> -> memref<2x2x16x79x128xi32, #tpu.memory_space<hbm>>
      %dma_start3A_39 = arith.constant 0 : i32
      %dma_start3A_40 = arith.constant 0 : i32
      %dma_start3A_41 = arith.constant 0 : i32
      %dma_start3A_42 = arith.constant 0 : i32
      %dma_start3A_43 = tpu.memref_slice %dma_start3A_38[%arg0, %dma_start3A_39, %dma_start3A_40, %dma_start3A_41, %dma_start3A_42] : memref<2x2x16x79x128xi32, #tpu.memory_space<hbm>> -> memref<1x2x16x79x128xi32, #tpu.memory_space<hbm>>
      %dma_start3A_44 = tpu.memref_squeeze %dma_start3A_43 : memref<1x2x16x79x128xi32, #tpu.memory_space<hbm>> -> memref<2x16x79x128xi32, #tpu.memory_space<hbm>>
      %dma_start3A_45 = arith.constant 0 : i32
      %dma_start3A_46 = arith.constant 0 : i32
      %dma_start3A_47 = arith.constant 0 : i32
      %dma_start3A_48 = tpu.memref_slice %dma_start3A_44[%run_scoped3A_17, %dma_start3A_45, %dma_start3A_46, %dma_start3A_47] : memref<2x16x79x128xi32, #tpu.memory_space<hbm>> -> memref<1x16x79x128xi32, #tpu.memory_space<hbm>>
      %dma_start3A_49 = tpu.memref_squeeze %dma_start3A_48 : memref<1x16x79x128xi32, #tpu.memory_space<hbm>> -> memref<16x79x128xi32, #tpu.memory_space<hbm>>
      %dma_start3A_50 = arith.constant 0 : i32
      %dma_start3A_51 = arith.constant 0 : i32
      %dma_start3A_52 = tpu.memref_slice %dma_start3A_49[%arg1, %dma_start3A_50, %dma_start3A_51] : memref<16x79x128xi32, #tpu.memory_space<hbm>> -> memref<1x79x128xi32, #tpu.memory_space<hbm>>
      %dma_start3A_53 = tpu.memref_squeeze %dma_start3A_52 : memref<1x79x128xi32, #tpu.memory_space<hbm>> -> memref<79x128xi32, #tpu.memory_space<hbm>>
      %dma_start3A_54 = arith.constant 0 : i32
      %dma_start3A_55 = arith.constant 0 : i32
      %dma_start3A_56 = arith.constant 0 : i32
      %dma_start3A_57 = arith.constant 0 : i32
      %dma_start3A_58 = arith.constant 0 : i32
      %dma_start3A_59 = tpu.memref_slice %arg2[%run_scoped3A_16, %dma_start3A_54, %dma_start3A_55, %dma_start3A_56, %dma_start3A_57, %dma_start3A_58] : memref<2x2x2x16x79x128xi32, #tpu.memory_space<hbm>> -> memref<1x2x2x16x79x128xi32, #tpu.memory_space<hbm>>
      %dma_start3A_60 = tpu.memref_squeeze %dma_start3A_59 : memref<1x2x2x16x79x128xi32, #tpu.memory_space<hbm>> -> memref<2x2x16x79x128xi32, #tpu.memory_space<hbm>>
      %dma_start3A_61 = arith.constant 0 : i32
      %dma_start3A_62 = arith.constant 0 : i32
      %dma_start3A_63 = arith.constant 0 : i32
      %dma_start3A_64 = arith.constant 0 : i32
      %dma_start3A_65 = tpu.memref_slice %dma_start3A_60[%arg0, %dma_start3A_61, %dma_start3A_62, %dma_start3A_63, %dma_start3A_64] : memref<2x2x16x79x128xi32, #tpu.memory_space<hbm>> -> memref<1x2x16x79x128xi32, #tpu.memory_space<hbm>>
      %dma_start3A_66 = tpu.memref_squeeze %dma_start3A_65 : memref<1x2x16x79x128xi32, #tpu.memory_space<hbm>> -> memref<2x16x79x128xi32, #tpu.memory_space<hbm>>
      %dma_start3A_67 = arith.constant 0 : i32
      %dma_start3A_68 = arith.constant 0 : i32
      %dma_start3A_69 = arith.constant 0 : i32
      %dma_start3A_70 = tpu.memref_slice %dma_start3A_66[%run_scoped3A_17, %dma_start3A_67, %dma_start3A_68, %dma_start3A_69] : memref<2x16x79x128xi32, #tpu.memory_space<hbm>> -> memref<1x16x79x128xi32, #tpu.memory_space<hbm>>
      %dma_start3A_71 = tpu.memref_squeeze %dma_start3A_70 : memref<1x16x79x128xi32, #tpu.memory_space<hbm>> -> memref<16x79x128xi32, #tpu.memory_space<hbm>>
      %dma_start3A_72 = arith.constant 0 : i32
      %dma_start3A_73 = arith.constant 0 : i32
      %dma_start3A_74 = tpu.memref_slice %dma_start3A_71[%arg1, %dma_start3A_72, %dma_start3A_73] : memref<16x79x128xi32, #tpu.memory_space<hbm>> -> memref<1x79x128xi32, #tpu.memory_space<hbm>>
      %dma_start3A_75 = tpu.memref_squeeze %dma_start3A_74 : memref<1x79x128xi32, #tpu.memory_space<hbm>> -> memref<79x128xi32, #tpu.memory_space<hbm>>
      tpu.enqueue_dma source(%dma_start3A_75 : memref<79x128xi32, #tpu.memory_space<hbm>>) target(%arg6 : memref<79x128xi32, #tpu.memory_space<vmem>>) target_semaphore(%run_scoped3A_32 : memref<!tpu.dma_semaphore, #tpu.memory_space<semaphore_mem>>)
      %dma_wait3A = arith.constant 0 : i32
      %dma_wait3A_76 = arith.constant 0 : i32
      %dma_wait3A_77 = arith.constant 0 : i32
      %dma_wait3A_78 = arith.constant 0 : i32
      %dma_wait3A_79 = arith.constant 0 : i32
      %dma_wait3A_80 = tpu.memref_slice %arg2[%run_scoped3A_16, %dma_wait3A, %dma_wait3A_76, %dma_wait3A_77, %dma_wait3A_78, %dma_wait3A_79] : memref<2x2x2x16x79x128xi32, #tpu.memory_space<hbm>> -> memref<1x2x2x16x79x128xi32, #tpu.memory_space<hbm>>
      %dma_wait3A_81 = tpu.memref_squeeze %dma_wait3A_80 : memref<1x2x2x16x79x128xi32, #tpu.memory_space<hbm>> -> memref<2x2x16x79x128xi32, #tpu.memory_space<hbm>>
      %dma_wait3A_82 = arith.constant 0 : i32
      %dma_wait3A_83 = arith.constant 0 : i32
      %dma_wait3A_84 = arith.constant 0 : i32
      %dma_wait3A_85 = arith.constant 0 : i32
      %dma_wait3A_86 = tpu.memref_slice %dma_wait3A_81[%arg0, %dma_wait3A_82, %dma_wait3A_83, %dma_wait3A_84, %dma_wait3A_85] : memref<2x2x16x79x128xi32, #tpu.memory_space<hbm>> -> memref<1x2x16x79x128xi32, #tpu.memory_space<hbm>>
      %dma_wait3A_87 = tpu.memref_squeeze %dma_wait3A_86 : memref<1x2x16x79x128xi32, #tpu.memory_space<hbm>> -> memref<2x16x79x128xi32, #tpu.memory_space<hbm>>
      %dma_wait3A_88 = arith.constant 0 : i32
      %dma_wait3A_89 = arith.constant 0 : i32
      %dma_wait3A_90 = arith.constant 0 : i32
      %dma_wait3A_91 = tpu.memref_slice %dma_wait3A_87[%run_scoped3A_17, %dma_wait3A_88, %dma_wait3A_89, %dma_wait3A_90] : memref<2x16x79x128xi32, #tpu.memory_space<hbm>> -> memref<1x16x79x128xi32, #tpu.memory_space<hbm>>
      %dma_wait3A_92 = tpu.memref_squeeze %dma_wait3A_91 : memref<1x16x79x128xi32, #tpu.memory_space<hbm>> -> memref<16x79x128xi32, #tpu.memory_space<hbm>>
      %dma_wait3A_93 = arith.constant 0 : i32
      %dma_wait3A_94 = arith.constant 0 : i32
      %dma_wait3A_95 = tpu.memref_slice %dma_wait3A_92[%arg1, %dma_wait3A_93, %dma_wait3A_94] : memref<16x79x128xi32, #tpu.memory_space<hbm>> -> memref<1x79x128xi32, #tpu.memory_space<hbm>>
      %dma_wait3A_96 = tpu.memref_squeeze %dma_wait3A_95 : memref<1x79x128xi32, #tpu.memory_space<hbm>> -> memref<79x128xi32, #tpu.memory_space<hbm>>
      %dma_wait3A_97 = arith.constant 0 : i32
      %dma_wait3A_98 = arith.constant 0 : i32
      %dma_wait3A_99 = arith.constant 0 : i32
      %dma_wait3A_100 = arith.constant 0 : i32
      %dma_wait3A_101 = arith.constant 0 : i32
      %dma_wait3A_102 = tpu.memref_slice %arg2[%run_scoped3A_16, %dma_wait3A_97, %dma_wait3A_98, %dma_wait3A_99, %dma_wait3A_100, %dma_wait3A_101] : memref<2x2x2x16x79x128xi32, #tpu.memory_space<hbm>> -> memref<1x2x2x16x79x128xi32, #tpu.memory_space<hbm>>
      %dma_wait3A_103 = tpu.memref_squeeze %dma_wait3A_102 : memref<1x2x2x16x79x128xi32, #tpu.memory_space<hbm>> -> memref<2x2x16x79x128xi32, #tpu.memory_space<hbm>>
      %dma_wait3A_104 = arith.constant 0 : i32
      %dma_wait3A_105 = arith.constant 0 : i32
      %dma_wait3A_106 = arith.constant 0 : i32
      %dma_wait3A_107 = arith.constant 0 : i32
      %dma_wait3A_108 = tpu.memref_slice %dma_wait3A_103[%arg0, %dma_wait3A_104, %dma_wait3A_105, %dma_wait3A_106, %dma_wait3A_107] : memref<2x2x16x79x128xi32, #tpu.memory_space<hbm>> -> memref<1x2x16x79x128xi32, #tpu.memory_space<hbm>>
      %dma_wait3A_109 = tpu.memref_squeeze %dma_wait3A_108 : memref<1x2x16x79x128xi32, #tpu.memory_space<hbm>> -> memref<2x16x79x128xi32, #tpu.memory_space<hbm>>
      %dma_wait3A_110 = arith.constant 0 : i32
      %dma_wait3A_111 = arith.constant 0 : i32
      %dma_wait3A_112 = arith.constant 0 : i32
      %dma_wait3A_113 = tpu.memref_slice %dma_wait3A_109[%run_scoped3A_17, %dma_wait3A_110, %dma_wait3A_111, %dma_wait3A_112] : memref<2x16x79x128xi32, #tpu.memory_space<hbm>> -> memref<1x16x79x128xi32, #tpu.memory_space<hbm>>
      %dma_wait3A_114 = tpu.memref_squeeze %dma_wait3A_113 : memref<1x16x79x128xi32, #tpu.memory_space<hbm>> -> memref<16x79x128xi32, #tpu.memory_space<hbm>>
      %dma_wait3A_115 = arith.constant 0 : i32
      %dma_wait3A_116 = arith.constant 0 : i32
      %dma_wait3A_117 = tpu.memref_slice %dma_wait3A_114[%arg1, %dma_wait3A_115, %dma_wait3A_116] : memref<16x79x128xi32, #tpu.memory_space<hbm>> -> memref<1x79x128xi32, #tpu.memory_space<hbm>>
      %dma_wait3A_118 = tpu.memref_squeeze %dma_wait3A_117 : memref<1x79x128xi32, #tpu.memory_space<hbm>> -> memref<79x128xi32, #tpu.memory_space<hbm>>
      tpu.wait_dma2 semaphore(%run_scoped3A_32 : memref<!tpu.dma_semaphore, #tpu.memory_space<semaphore_mem>>) src(%dma_wait3A_118 : memref<79x128xi32, #tpu.memory_space<hbm>>) dst(%arg6 : memref<79x128xi32, #tpu.memory_space<vmem>>)
      tpu.yield
    }) : () -> ()
    %scan3A_18 = arith.constant 0 : i32
    %scan3A_19 = arith.constant 79 : i32
    %scan3A_20 = arith.addi %scan3A_18, %scan3A_19 : i32
    %scan3A_21 = arith.constant 1 : i32
    scf.for %scan3A_32 = %scan3A_18 to %scan3A_20 step %scan3A_21  : i32 {
      %mul3A_33 = arith.constant 1 : i32
      %mul3A_34 = arith.muli %scan3A_32, %mul3A_33 : i32
      %add3A = arith.constant 0 : i32
      %add3A_35 = arith.addi %add3A, %mul3A_34 : i32
      "tpu.region"() ({
        %run_scoped3A_36 = tpu.sem_alloc : memref<!tpu.dma_semaphore, #tpu.memory_space<semaphore_mem>>
        %dma_start3A = arith.constant 0 : i32
        %dma_start3A_37 = tpu.memref_slice %arg6[%add3A_35, %dma_start3A] : memref<79x128xi32, #tpu.memory_space<vmem>> -> memref<1x128xi32, #tpu.memory_space<vmem>>
        %dma_start3A_38 = tpu.memref_squeeze %dma_start3A_37 : memref<1x128xi32, #tpu.memory_space<vmem>> -> memref<128xi32, #tpu.memory_space<vmem>>
        %dma_start3A_39 = arith.constant 0 : i32
        %dma_start3A_40 = arith.constant 0 : i32
        %dma_start3A_41 = tpu.memref_slice %arg8[%dma_start3A_39, %dma_start3A_40] : memref<10112x128xf32, #tpu.memory_space<vmem_shared>> -> memref<10112x128xf32, #tpu.memory_space<vmem_shared>>
        tpu.enqueue_indirect_dma source(%arg7 : memref<128x128xf32, #tpu.memory_space<vmem>>) target(%dma_start3A_41 : memref<10112x128xf32, #tpu.memory_space<vmem_shared>>) offsets(%dma_start3A_38 : memref<128xi32, #tpu.memory_space<vmem>>) semaphore(%run_scoped3A_36 : memref<!tpu.dma_semaphore, #tpu.memory_space<semaphore_mem>>) {add = true}
        %dma_wait3A = arith.constant 0 : i32
        %dma_wait3A_42 = tpu.memref_slice %arg6[%add3A_35, %dma_wait3A] : memref<79x128xi32, #tpu.memory_space<vmem>> -> memref<1x128xi32, #tpu.memory_space<vmem>>
        %dma_wait3A_43 = tpu.memref_squeeze %dma_wait3A_42 : memref<1x128xi32, #tpu.memory_space<vmem>> -> memref<128xi32, #tpu.memory_space<vmem>>
        %dma_wait3A_44 = arith.constant 0 : i32
        %dma_wait3A_45 = arith.constant 0 : i32
        %dma_wait3A_46 = tpu.memref_slice %arg8[%dma_wait3A_44, %dma_wait3A_45] : memref<10112x128xf32, #tpu.memory_space<vmem_shared>> -> memref<10112x128xf32, #tpu.memory_space<vmem_shared>>
        tpu.wait_indirect_dma semaphore(%run_scoped3A_36 : memref<!tpu.dma_semaphore, #tpu.memory_space<semaphore_mem>>) src(%arg7 : memref<128x128xf32, #tpu.memory_space<vmem>>) dst(%dma_wait3A_46 : memref<10112x128xf32, #tpu.memory_space<vmem_shared>>)
        tpu.yield
      }) : () -> ()
    }
    %scan3A_22 = arith.constant 79 : i32
    %run_scoped3A_23 = arith.constant 1 : i32
    %run_scoped3A_24 = arith.constant 1 : i32
    "tpu.region"() ({
      %run_scoped3A_32 = tpu.sem_alloc : memref<!tpu.dma_semaphore, #tpu.memory_space<semaphore_mem>>
      %dma_start3A = arith.constant 0 : i32
      %dma_start3A_33 = arith.constant 0 : i32
      %dma_start3A_34 = arith.constant 0 : i32
      %dma_start3A_35 = arith.constant 0 : i32
      %dma_start3A_36 = arith.constant 0 : i32
      %dma_start3A_37 = tpu.memref_slice %arg2[%run_scoped3A_23, %dma_start3A, %dma_start3A_33, %dma_start3A_34, %dma_start3A_35, %dma_start3A_36] : memref<2x2x2x16x79x128xi32, #tpu.memory_space<hbm>> -> memref<1x2x2x16x79x128xi32, #tpu.memory_space<hbm>>
      %dma_start3A_38 = tpu.memref_squeeze %dma_start3A_37 : memref<1x2x2x16x79x128xi32, #tpu.memory_space<hbm>> -> memref<2x2x16x79x128xi32, #tpu.memory_space<hbm>>
      %dma_start3A_39 = arith.constant 0 : i32
      %dma_start3A_40 = arith.constant 0 : i32
      %dma_start3A_41 = arith.constant 0 : i32
      %dma_start3A_42 = arith.constant 0 : i32
      %dma_start3A_43 = tpu.memref_slice %dma_start3A_38[%arg0, %dma_start3A_39, %dma_start3A_40, %dma_start3A_41, %dma_start3A_42] : memref<2x2x16x79x128xi32, #tpu.memory_space<hbm>> -> memref<1x2x16x79x128xi32, #tpu.memory_space<hbm>>
      %dma_start3A_44 = tpu.memref_squeeze %dma_start3A_43 : memref<1x2x16x79x128xi32, #tpu.memory_space<hbm>> -> memref<2x16x79x128xi32, #tpu.memory_space<hbm>>
      %dma_start3A_45 = arith.constant 0 : i32
      %dma_start3A_46 = arith.constant 0 : i32
      %dma_start3A_47 = arith.constant 0 : i32
      %dma_start3A_48 = tpu.memref_slice %dma_start3A_44[%run_scoped3A_24, %dma_start3A_45, %dma_start3A_46, %dma_start3A_47] : memref<2x16x79x128xi32, #tpu.memory_space<hbm>> -> memref<1x16x79x128xi32, #tpu.memory_space<hbm>>
      %dma_start3A_49 = tpu.memref_squeeze %dma_start3A_48 : memref<1x16x79x128xi32, #tpu.memory_space<hbm>> -> memref<16x79x128xi32, #tpu.memory_space<hbm>>
      %dma_start3A_50 = arith.constant 0 : i32
      %dma_start3A_51 = arith.constant 0 : i32
      %dma_start3A_52 = tpu.memref_slice %dma_start3A_49[%arg1, %dma_start3A_50, %dma_start3A_51] : memref<16x79x128xi32, #tpu.memory_space<hbm>> -> memref<1x79x128xi32, #tpu.memory_space<hbm>>
      %dma_start3A_53 = tpu.memref_squeeze %dma_start3A_52 : memref<1x79x128xi32, #tpu.memory_space<hbm>> -> memref<79x128xi32, #tpu.memory_space<hbm>>
      %dma_start3A_54 = arith.constant 0 : i32
      %dma_start3A_55 = arith.constant 0 : i32
      %dma_start3A_56 = arith.constant 0 : i32
      %dma_start3A_57 = arith.constant 0 : i32
      %dma_start3A_58 = arith.constant 0 : i32
      %dma_start3A_59 = tpu.memref_slice %arg2[%run_scoped3A_23, %dma_start3A_54, %dma_start3A_55, %dma_start3A_56, %dma_start3A_57, %dma_start3A_58] : memref<2x2x2x16x79x128xi32, #tpu.memory_space<hbm>> -> memref<1x2x2x16x79x128xi32, #tpu.memory_space<hbm>>
      %dma_start3A_60 = tpu.memref_squeeze %dma_start3A_59 : memref<1x2x2x16x79x128xi32, #tpu.memory_space<hbm>> -> memref<2x2x16x79x128xi32, #tpu.memory_space<hbm>>
      %dma_start3A_61 = arith.constant 0 : i32
      %dma_start3A_62 = arith.constant 0 : i32
      %dma_start3A_63 = arith.constant 0 : i32
      %dma_start3A_64 = arith.constant 0 : i32
      %dma_start3A_65 = tpu.memref_slice %dma_start3A_60[%arg0, %dma_start3A_61, %dma_start3A_62, %dma_start3A_63, %dma_start3A_64] : memref<2x2x16x79x128xi32, #tpu.memory_space<hbm>> -> memref<1x2x16x79x128xi32, #tpu.memory_space<hbm>>
      %dma_start3A_66 = tpu.memref_squeeze %dma_start3A_65 : memref<1x2x16x79x128xi32, #tpu.memory_space<hbm>> -> memref<2x16x79x128xi32, #tpu.memory_space<hbm>>
      %dma_start3A_67 = arith.constant 0 : i32
      %dma_start3A_68 = arith.constant 0 : i32
      %dma_start3A_69 = arith.constant 0 : i32
      %dma_start3A_70 = tpu.memref_slice %dma_start3A_66[%run_scoped3A_24, %dma_start3A_67, %dma_start3A_68, %dma_start3A_69] : memref<2x16x79x128xi32, #tpu.memory_space<hbm>> -> memref<1x16x79x128xi32, #tpu.memory_space<hbm>>
      %dma_start3A_71 = tpu.memref_squeeze %dma_start3A_70 : memref<1x16x79x128xi32, #tpu.memory_space<hbm>> -> memref<16x79x128xi32, #tpu.memory_space<hbm>>
      %dma_start3A_72 = arith.constant 0 : i32
      %dma_start3A_73 = arith.constant 0 : i32
      %dma_start3A_74 = tpu.memref_slice %dma_start3A_71[%arg1, %dma_start3A_72, %dma_start3A_73] : memref<16x79x128xi32, #tpu.memory_space<hbm>> -> memref<1x79x128xi32, #tpu.memory_space<hbm>>
      %dma_start3A_75 = tpu.memref_squeeze %dma_start3A_74 : memref<1x79x128xi32, #tpu.memory_space<hbm>> -> memref<79x128xi32, #tpu.memory_space<hbm>>
      tpu.enqueue_dma source(%dma_start3A_75 : memref<79x128xi32, #tpu.memory_space<hbm>>) target(%arg6 : memref<79x128xi32, #tpu.memory_space<vmem>>) target_semaphore(%run_scoped3A_32 : memref<!tpu.dma_semaphore, #tpu.memory_space<semaphore_mem>>)
      %dma_wait3A = arith.constant 0 : i32
      %dma_wait3A_76 = arith.constant 0 : i32
      %dma_wait3A_77 = arith.constant 0 : i32
      %dma_wait3A_78 = arith.constant 0 : i32
      %dma_wait3A_79 = arith.constant 0 : i32
      %dma_wait3A_80 = tpu.memref_slice %arg2[%run_scoped3A_23, %dma_wait3A, %dma_wait3A_76, %dma_wait3A_77, %dma_wait3A_78, %dma_wait3A_79] : memref<2x2x2x16x79x128xi32, #tpu.memory_space<hbm>> -> memref<1x2x2x16x79x128xi32, #tpu.memory_space<hbm>>
      %dma_wait3A_81 = tpu.memref_squeeze %dma_wait3A_80 : memref<1x2x2x16x79x128xi32, #tpu.memory_space<hbm>> -> memref<2x2x16x79x128xi32, #tpu.memory_space<hbm>>
      %dma_wait3A_82 = arith.constant 0 : i32
      %dma_wait3A_83 = arith.constant 0 : i32
      %dma_wait3A_84 = arith.constant 0 : i32
      %dma_wait3A_85 = arith.constant 0 : i32
      %dma_wait3A_86 = tpu.memref_slice %dma_wait3A_81[%arg0, %dma_wait3A_82, %dma_wait3A_83, %dma_wait3A_84, %dma_wait3A_85] : memref<2x2x16x79x128xi32, #tpu.memory_space<hbm>> -> memref<1x2x16x79x128xi32, #tpu.memory_space<hbm>>
      %dma_wait3A_87 = tpu.memref_squeeze %dma_wait3A_86 : memref<1x2x16x79x128xi32, #tpu.memory_space<hbm>> -> memref<2x16x79x128xi32, #tpu.memory_space<hbm>>
      %dma_wait3A_88 = arith.constant 0 : i32
      %dma_wait3A_89 = arith.constant 0 : i32
      %dma_wait3A_90 = arith.constant 0 : i32
      %dma_wait3A_91 = tpu.memref_slice %dma_wait3A_87[%run_scoped3A_24, %dma_wait3A_88, %dma_wait3A_89, %dma_wait3A_90] : memref<2x16x79x128xi32, #tpu.memory_space<hbm>> -> memref<1x16x79x128xi32, #tpu.memory_space<hbm>>
      %dma_wait3A_92 = tpu.memref_squeeze %dma_wait3A_91 : memref<1x16x79x128xi32, #tpu.memory_space<hbm>> -> memref<16x79x128xi32, #tpu.memory_space<hbm>>
      %dma_wait3A_93 = arith.constant 0 : i32
      %dma_wait3A_94 = arith.constant 0 : i32
      %dma_wait3A_95 = tpu.memref_slice %dma_wait3A_92[%arg1, %dma_wait3A_93, %dma_wait3A_94] : memref<16x79x128xi32, #tpu.memory_space<hbm>> -> memref<1x79x128xi32, #tpu.memory_space<hbm>>
      %dma_wait3A_96 = tpu.memref_squeeze %dma_wait3A_95 : memref<1x79x128xi32, #tpu.memory_space<hbm>> -> memref<79x128xi32, #tpu.memory_space<hbm>>
      %dma_wait3A_97 = arith.constant 0 : i32
      %dma_wait3A_98 = arith.constant 0 : i32
      %dma_wait3A_99 = arith.constant 0 : i32
      %dma_wait3A_100 = arith.constant 0 : i32
      %dma_wait3A_101 = arith.constant 0 : i32
      %dma_wait3A_102 = tpu.memref_slice %arg2[%run_scoped3A_23, %dma_wait3A_97, %dma_wait3A_98, %dma_wait3A_99, %dma_wait3A_100, %dma_wait3A_101] : memref<2x2x2x16x79x128xi32, #tpu.memory_space<hbm>> -> memref<1x2x2x16x79x128xi32, #tpu.memory_space<hbm>>
      %dma_wait3A_103 = tpu.memref_squeeze %dma_wait3A_102 : memref<1x2x2x16x79x128xi32, #tpu.memory_space<hbm>> -> memref<2x2x16x79x128xi32, #tpu.memory_space<hbm>>
      %dma_wait3A_104 = arith.constant 0 : i32
      %dma_wait3A_105 = arith.constant 0 : i32
      %dma_wait3A_106 = arith.constant 0 : i32
      %dma_wait3A_107 = arith.constant 0 : i32
      %dma_wait3A_108 = tpu.memref_slice %dma_wait3A_103[%arg0, %dma_wait3A_104, %dma_wait3A_105, %dma_wait3A_106, %dma_wait3A_107] : memref<2x2x16x79x128xi32, #tpu.memory_space<hbm>> -> memref<1x2x16x79x128xi32, #tpu.memory_space<hbm>>
      %dma_wait3A_109 = tpu.memref_squeeze %dma_wait3A_108 : memref<1x2x16x79x128xi32, #tpu.memory_space<hbm>> -> memref<2x16x79x128xi32, #tpu.memory_space<hbm>>
      %dma_wait3A_110 = arith.constant 0 : i32
      %dma_wait3A_111 = arith.constant 0 : i32
      %dma_wait3A_112 = arith.constant 0 : i32
      %dma_wait3A_113 = tpu.memref_slice %dma_wait3A_109[%run_scoped3A_24, %dma_wait3A_110, %dma_wait3A_111, %dma_wait3A_112] : memref<2x16x79x128xi32, #tpu.memory_space<hbm>> -> memref<1x16x79x128xi32, #tpu.memory_space<hbm>>
      %dma_wait3A_114 = tpu.memref_squeeze %dma_wait3A_113 : memref<1x16x79x128xi32, #tpu.memory_space<hbm>> -> memref<16x79x128xi32, #tpu.memory_space<hbm>>
      %dma_wait3A_115 = arith.constant 0 : i32
      %dma_wait3A_116 = arith.constant 0 : i32
      %dma_wait3A_117 = tpu.memref_slice %dma_wait3A_114[%arg1, %dma_wait3A_115, %dma_wait3A_116] : memref<16x79x128xi32, #tpu.memory_space<hbm>> -> memref<1x79x128xi32, #tpu.memory_space<hbm>>
      %dma_wait3A_118 = tpu.memref_squeeze %dma_wait3A_117 : memref<1x79x128xi32, #tpu.memory_space<hbm>> -> memref<79x128xi32, #tpu.memory_space<hbm>>
      tpu.wait_dma2 semaphore(%run_scoped3A_32 : memref<!tpu.dma_semaphore, #tpu.memory_space<semaphore_mem>>) src(%dma_wait3A_118 : memref<79x128xi32, #tpu.memory_space<hbm>>) dst(%arg6 : memref<79x128xi32, #tpu.memory_space<vmem>>)
      tpu.yield
    }) : () -> ()
    %scan3A_25 = arith.constant 0 : i32
    %scan3A_26 = arith.constant 79 : i32
    %scan3A_27 = arith.addi %scan3A_25, %scan3A_26 : i32
    %scan3A_28 = arith.constant 1 : i32
    scf.for %scan3A_32 = %scan3A_25 to %scan3A_27 step %scan3A_28  : i32 {
      %mul3A_33 = arith.constant 1 : i32
      %mul3A_34 = arith.muli %scan3A_32, %mul3A_33 : i32
      %add3A = arith.constant 0 : i32
      %add3A_35 = arith.addi %add3A, %mul3A_34 : i32
      "tpu.region"() ({
        %run_scoped3A_36 = tpu.sem_alloc : memref<!tpu.dma_semaphore, #tpu.memory_space<semaphore_mem>>
        %dma_start3A = arith.constant 0 : i32
        %dma_start3A_37 = tpu.memref_slice %arg6[%add3A_35, %dma_start3A] : memref<79x128xi32, #tpu.memory_space<vmem>> -> memref<1x128xi32, #tpu.memory_space<vmem>>
        %dma_start3A_38 = tpu.memref_squeeze %dma_start3A_37 : memref<1x128xi32, #tpu.memory_space<vmem>> -> memref<128xi32, #tpu.memory_space<vmem>>
        %dma_start3A_39 = arith.constant 0 : i32
        %dma_start3A_40 = arith.constant 0 : i32
        %dma_start3A_41 = tpu.memref_slice %arg8[%dma_start3A_39, %dma_start3A_40] : memref<10112x128xf32, #tpu.memory_space<vmem_shared>> -> memref<10112x128xf32, #tpu.memory_space<vmem_shared>>
        tpu.enqueue_indirect_dma source(%arg7 : memref<128x128xf32, #tpu.memory_space<vmem>>) target(%dma_start3A_41 : memref<10112x128xf32, #tpu.memory_space<vmem_shared>>) offsets(%dma_start3A_38 : memref<128xi32, #tpu.memory_space<vmem>>) semaphore(%run_scoped3A_36 : memref<!tpu.dma_semaphore, #tpu.memory_space<semaphore_mem>>) {add = true}
        %dma_wait3A = arith.constant 0 : i32
        %dma_wait3A_42 = tpu.memref_slice %arg6[%add3A_35, %dma_wait3A] : memref<79x128xi32, #tpu.memory_space<vmem>> -> memref<1x128xi32, #tpu.memory_space<vmem>>
        %dma_wait3A_43 = tpu.memref_squeeze %dma_wait3A_42 : memref<1x128xi32, #tpu.memory_space<vmem>> -> memref<128xi32, #tpu.memory_space<vmem>>
        %dma_wait3A_44 = arith.constant 0 : i32
        %dma_wait3A_45 = arith.constant 0 : i32
        %dma_wait3A_46 = tpu.memref_slice %arg8[%dma_wait3A_44, %dma_wait3A_45] : memref<10112x128xf32, #tpu.memory_space<vmem_shared>> -> memref<10112x128xf32, #tpu.memory_space<vmem_shared>>
        tpu.wait_indirect_dma semaphore(%run_scoped3A_36 : memref<!tpu.dma_semaphore, #tpu.memory_space<semaphore_mem>>) src(%arg7 : memref<128x128xf32, #tpu.memory_space<vmem>>) dst(%dma_wait3A_46 : memref<10112x128xf32, #tpu.memory_space<vmem_shared>>)
        tpu.yield
      }) : () -> ()
    }
    %scan3A_29 = arith.constant 79 : i32
    %barrier3A_30 = arith.constant 0 : index
    tpu.barrier barrier_id(%barrier3A_30)
    %run_scoped3A_31 = arith.constant 1 : i32
    "tpu.region"() ({
      %run_scoped3A_32 = tpu.sem_alloc : memref<!tpu.dma_semaphore, #tpu.memory_space<semaphore_mem>>
      %dma_start3A = arith.constant 0 : i32
      %dma_start3A_33 = arith.constant 0 : i32
      %dma_start3A_34 = arith.constant 0 : i32
      %dma_start3A_35 = tpu.memref_slice %arg5[%run_scoped3A_31, %dma_start3A, %dma_start3A_33, %dma_start3A_34] : memref<2x2x10112x128xf32, #tpu.memory_space<hbm>> -> memref<1x2x10112x128xf32, #tpu.memory_space<hbm>>
      %dma_start3A_36 = tpu.memref_squeeze %dma_start3A_35 : memref<1x2x10112x128xf32, #tpu.memory_space<hbm>> -> memref<2x10112x128xf32, #tpu.memory_space<hbm>>
      %dma_start3A_37 = arith.constant 0 : i32
      %dma_start3A_38 = arith.constant 0 : i32
      %dma_start3A_39 = tpu.memref_slice %dma_start3A_36[%arg0, %dma_start3A_37, %dma_start3A_38] : memref<2x10112x128xf32, #tpu.memory_space<hbm>> -> memref<1x10112x128xf32, #tpu.memory_space<hbm>>
      %dma_start3A_40 = tpu.memref_squeeze %dma_start3A_39 : memref<1x10112x128xf32, #tpu.memory_space<hbm>> -> memref<10112x128xf32, #tpu.memory_space<hbm>>
      %dma_start3A_41 = arith.constant 0 : i32
      %dma_start3A_42 = tpu.memref_slice %dma_start3A_40[%mul3A_0, %dma_start3A_41] : memref<10112x128xf32, #tpu.memory_space<hbm>> -> memref<632x128xf32, #tpu.memory_space<hbm>>
      %dma_start3A_43 = arith.constant 0 : i32
      %dma_start3A_44 = tpu.memref_slice %arg8[%mul3A_0, %dma_start3A_43] : memref<10112x128xf32, #tpu.memory_space<vmem_shared>> -> memref<632x128xf32, #tpu.memory_space<vmem_shared>>
      tpu.enqueue_dma source(%dma_start3A_44 : memref<632x128xf32, #tpu.memory_space<vmem_shared>>) target(%dma_start3A_42 : memref<632x128xf32, #tpu.memory_space<hbm>>) target_semaphore(%run_scoped3A_32 : memref<!tpu.dma_semaphore, #tpu.memory_space<semaphore_mem>>)
      %dma_wait3A = arith.constant 0 : i32
      %dma_wait3A_45 = arith.constant 0 : i32
      %dma_wait3A_46 = arith.constant 0 : i32
      %dma_wait3A_47 = tpu.memref_slice %arg5[%run_scoped3A_31, %dma_wait3A, %dma_wait3A_45, %dma_wait3A_46] : memref<2x2x10112x128xf32, #tpu.memory_space<hbm>> -> memref<1x2x10112x128xf32, #tpu.memory_space<hbm>>
      %dma_wait3A_48 = tpu.memref_squeeze %dma_wait3A_47 : memref<1x2x10112x128xf32, #tpu.memory_space<hbm>> -> memref<2x10112x128xf32, #tpu.memory_space<hbm>>
      %dma_wait3A_49 = arith.constant 0 : i32
      %dma_wait3A_50 = arith.constant 0 : i32
      %dma_wait3A_51 = tpu.memref_slice %dma_wait3A_48[%arg0, %dma_wait3A_49, %dma_wait3A_50] : memref<2x10112x128xf32, #tpu.memory_space<hbm>> -> memref<1x10112x128xf32, #tpu.memory_space<hbm>>
      %dma_wait3A_52 = tpu.memref_squeeze %dma_wait3A_51 : memref<1x10112x128xf32, #tpu.memory_space<hbm>> -> memref<10112x128xf32, #tpu.memory_space<hbm>>
      %dma_wait3A_53 = arith.constant 0 : i32
      %dma_wait3A_54 = tpu.memref_slice %dma_wait3A_52[%mul3A_0, %dma_wait3A_53] : memref<10112x128xf32, #tpu.memory_space<hbm>> -> memref<632x128xf32, #tpu.memory_space<hbm>>
      %dma_wait3A_55 = arith.constant 0 : i32
      %dma_wait3A_56 = tpu.memref_slice %arg8[%mul3A_0, %dma_wait3A_55] : memref<10112x128xf32, #tpu.memory_space<vmem_shared>> -> memref<632x128xf32, #tpu.memory_space<vmem_shared>>
      tpu.wait_dma2 semaphore(%run_scoped3A_32 : memref<!tpu.dma_semaphore, #tpu.memory_space<semaphore_mem>>) src(%dma_wait3A_56 : memref<632x128xf32, #tpu.memory_space<vmem_shared>>) dst(%dma_wait3A_54 : memref<632x128xf32, #tpu.memory_space<hbm>>)
      tpu.yield
    }) : () -> ()
    return
  }
}

#map = affine_map<(d0, d1) -> (0, 0)>
#map1 = affine_map<(d0, d1) -> (0, 0, 0, 0, 0)>
#map2 = affine_map<(d0, d1) -> (0, 0, 0)>
module attributes {stable_mosaic.version = 14 : i64} {
  func.func @k(%arg0: i32, %arg1: i32, %arg2: memref<20224x128xf32, #tpu.memory_space<hbm>>, %arg3: memref<2x2x16x79x128xi32, #tpu.memory_space<hbm>>, %arg4: memref<2x2x16x79x128xi32, #tpu.memory_space<hbm>>, %arg5: memref<10112x128xf32, #tpu.memory_space<hbm>>, %arg6: memref<2x10112x128xf32, #tpu.memory_space<hbm>>, %arg7: memref<79x128xi32, #tpu.memory_space<vmem>>, %arg8: memref<79x128xi32, #tpu.memory_space<vmem>>, %arg9: memref<128x128xf32, #tpu.memory_space<vmem>>, %arg10: memref<10112x128xf32, #tpu.memory_space<vmem_shared>>) attributes {dimension_semantics = [#tpu.dimension_semantics<core_parallel>, #tpu.dimension_semantics<subcore_parallel>], iteration_bounds = array<i64: 2, 16>, scalar_prefetch = 0 : i64, scratch_operands = 4 : i64, tpu.core_type = #tpu.core_type<sc_vector_subcore>, window_params = [{transform_indices = #map}, {transform_indices = #map1}, {transform_indices = #map1}, {transform_indices = #map}, {transform_indices = #map2}]} {
    %mul3A = arith.constant 632 : i32
    %mul3A_0 = arith.muli %arg1, %mul3A : i32
    "tpu.region"() ({
      %run_scoped3A_14 = tpu.sem_alloc : memref<!tpu.dma_semaphore, #tpu.memory_space<semaphore_mem>>
      %dma_start3A = arith.constant 0 : i32
      %dma_start3A_15 = tpu.memref_slice %arg10[%mul3A_0, %dma_start3A] : memref<10112x128xf32, #tpu.memory_space<vmem_shared>> -> memref<632x128xf32, #tpu.memory_space<vmem_shared>>
      %dma_start3A_16 = arith.constant 0 : i32
      %dma_start3A_17 = tpu.memref_slice %arg5[%mul3A_0, %dma_start3A_16] : memref<10112x128xf32, #tpu.memory_space<hbm>> -> memref<632x128xf32, #tpu.memory_space<hbm>>
      tpu.enqueue_dma source(%dma_start3A_17 : memref<632x128xf32, #tpu.memory_space<hbm>>) target(%dma_start3A_15 : memref<632x128xf32, #tpu.memory_space<vmem_shared>>) target_semaphore(%run_scoped3A_14 : memref<!tpu.dma_semaphore, #tpu.memory_space<semaphore_mem>>)
      %dma_wait3A = arith.constant 0 : i32
      %dma_wait3A_18 = tpu.memref_slice %arg10[%mul3A_0, %dma_wait3A] : memref<10112x128xf32, #tpu.memory_space<vmem_shared>> -> memref<632x128xf32, #tpu.memory_space<vmem_shared>>
      %dma_wait3A_19 = arith.constant 0 : i32
      %dma_wait3A_20 = tpu.memref_slice %arg5[%mul3A_0, %dma_wait3A_19] : memref<10112x128xf32, #tpu.memory_space<hbm>> -> memref<632x128xf32, #tpu.memory_space<hbm>>
      tpu.wait_dma2 semaphore(%run_scoped3A_14 : memref<!tpu.dma_semaphore, #tpu.memory_space<semaphore_mem>>) src(%dma_wait3A_20 : memref<632x128xf32, #tpu.memory_space<hbm>>) dst(%dma_wait3A_18 : memref<632x128xf32, #tpu.memory_space<vmem_shared>>)
      tpu.yield
    }) : () -> ()
    %barrier3A = arith.constant 0 : index
    tpu.barrier barrier_id(%barrier3A)
    %run_scoped3A = arith.constant 0 : i32
    "tpu.region"() ({
      %run_scoped3A_14 = tpu.sem_alloc : memref<!tpu.dma_semaphore, #tpu.memory_space<semaphore_mem>>
      %dma_start3A = arith.constant 0 : i32
      %dma_start3A_15 = arith.constant 0 : i32
      %dma_start3A_16 = arith.constant 0 : i32
      %dma_start3A_17 = arith.constant 0 : i32
      %dma_start3A_18 = tpu.memref_slice %arg3[%arg0, %dma_start3A, %dma_start3A_15, %dma_start3A_16, %dma_start3A_17] : memref<2x2x16x79x128xi32, #tpu.memory_space<hbm>> -> memref<1x2x16x79x128xi32, #tpu.memory_space<hbm>>
      %dma_start3A_19 = tpu.memref_squeeze %dma_start3A_18 : memref<1x2x16x79x128xi32, #tpu.memory_space<hbm>> -> memref<2x16x79x128xi32, #tpu.memory_space<hbm>>
      %dma_start3A_20 = arith.constant 0 : i32
      %dma_start3A_21 = arith.constant 0 : i32
      %dma_start3A_22 = arith.constant 0 : i32
      %dma_start3A_23 = tpu.memref_slice %dma_start3A_19[%run_scoped3A, %dma_start3A_20, %dma_start3A_21, %dma_start3A_22] : memref<2x16x79x128xi32, #tpu.memory_space<hbm>> -> memref<1x16x79x128xi32, #tpu.memory_space<hbm>>
      %dma_start3A_24 = tpu.memref_squeeze %dma_start3A_23 : memref<1x16x79x128xi32, #tpu.memory_space<hbm>> -> memref<16x79x128xi32, #tpu.memory_space<hbm>>
      %dma_start3A_25 = arith.constant 0 : i32
      %dma_start3A_26 = arith.constant 0 : i32
      %dma_start3A_27 = tpu.memref_slice %dma_start3A_24[%arg1, %dma_start3A_25, %dma_start3A_26] : memref<16x79x128xi32, #tpu.memory_space<hbm>> -> memref<1x79x128xi32, #tpu.memory_space<hbm>>
      %dma_start3A_28 = tpu.memref_squeeze %dma_start3A_27 : memref<1x79x128xi32, #tpu.memory_space<hbm>> -> memref<79x128xi32, #tpu.memory_space<hbm>>
      %dma_start3A_29 = arith.constant 0 : i32
      %dma_start3A_30 = arith.constant 0 : i32
      %dma_start3A_31 = arith.constant 0 : i32
      %dma_start3A_32 = arith.constant 0 : i32
      %dma_start3A_33 = tpu.memref_slice %arg3[%arg0, %dma_start3A_29, %dma_start3A_30, %dma_start3A_31, %dma_start3A_32] : memref<2x2x16x79x128xi32, #tpu.memory_space<hbm>> -> memref<1x2x16x79x128xi32, #tpu.memory_space<hbm>>
      %dma_start3A_34 = tpu.memref_squeeze %dma_start3A_33 : memref<1x2x16x79x128xi32, #tpu.memory_space<hbm>> -> memref<2x16x79x128xi32, #tpu.memory_space<hbm>>
      %dma_start3A_35 = arith.constant 0 : i32
      %dma_start3A_36 = arith.constant 0 : i32
      %dma_start3A_37 = arith.constant 0 : i32
      %dma_start3A_38 = tpu.memref_slice %dma_start3A_34[%run_scoped3A, %dma_start3A_35, %dma_start3A_36, %dma_start3A_37] : memref<2x16x79x128xi32, #tpu.memory_space<hbm>> -> memref<1x16x79x128xi32, #tpu.memory_space<hbm>>
      %dma_start3A_39 = tpu.memref_squeeze %dma_start3A_38 : memref<1x16x79x128xi32, #tpu.memory_space<hbm>> -> memref<16x79x128xi32, #tpu.memory_space<hbm>>
      %dma_start3A_40 = arith.constant 0 : i32
      %dma_start3A_41 = arith.constant 0 : i32
      %dma_start3A_42 = tpu.memref_slice %dma_start3A_39[%arg1, %dma_start3A_40, %dma_start3A_41] : memref<16x79x128xi32, #tpu.memory_space<hbm>> -> memref<1x79x128xi32, #tpu.memory_space<hbm>>
      %dma_start3A_43 = tpu.memref_squeeze %dma_start3A_42 : memref<1x79x128xi32, #tpu.memory_space<hbm>> -> memref<79x128xi32, #tpu.memory_space<hbm>>
      tpu.enqueue_dma source(%dma_start3A_43 : memref<79x128xi32, #tpu.memory_space<hbm>>) target(%arg7 : memref<79x128xi32, #tpu.memory_space<vmem>>) target_semaphore(%run_scoped3A_14 : memref<!tpu.dma_semaphore, #tpu.memory_space<semaphore_mem>>)
      %dma_wait3A = arith.constant 0 : i32
      %dma_wait3A_44 = arith.constant 0 : i32
      %dma_wait3A_45 = arith.constant 0 : i32
      %dma_wait3A_46 = arith.constant 0 : i32
      %dma_wait3A_47 = tpu.memref_slice %arg3[%arg0, %dma_wait3A, %dma_wait3A_44, %dma_wait3A_45, %dma_wait3A_46] : memref<2x2x16x79x128xi32, #tpu.memory_space<hbm>> -> memref<1x2x16x79x128xi32, #tpu.memory_space<hbm>>
      %dma_wait3A_48 = tpu.memref_squeeze %dma_wait3A_47 : memref<1x2x16x79x128xi32, #tpu.memory_space<hbm>> -> memref<2x16x79x128xi32, #tpu.memory_space<hbm>>
      %dma_wait3A_49 = arith.constant 0 : i32
      %dma_wait3A_50 = arith.constant 0 : i32
      %dma_wait3A_51 = arith.constant 0 : i32
      %dma_wait3A_52 = tpu.memref_slice %dma_wait3A_48[%run_scoped3A, %dma_wait3A_49, %dma_wait3A_50, %dma_wait3A_51] : memref<2x16x79x128xi32, #tpu.memory_space<hbm>> -> memref<1x16x79x128xi32, #tpu.memory_space<hbm>>
      %dma_wait3A_53 = tpu.memref_squeeze %dma_wait3A_52 : memref<1x16x79x128xi32, #tpu.memory_space<hbm>> -> memref<16x79x128xi32, #tpu.memory_space<hbm>>
      %dma_wait3A_54 = arith.constant 0 : i32
      %dma_wait3A_55 = arith.constant 0 : i32
      %dma_wait3A_56 = tpu.memref_slice %dma_wait3A_53[%arg1, %dma_wait3A_54, %dma_wait3A_55] : memref<16x79x128xi32, #tpu.memory_space<hbm>> -> memref<1x79x128xi32, #tpu.memory_space<hbm>>
      %dma_wait3A_57 = tpu.memref_squeeze %dma_wait3A_56 : memref<1x79x128xi32, #tpu.memory_space<hbm>> -> memref<79x128xi32, #tpu.memory_space<hbm>>
      %dma_wait3A_58 = arith.constant 0 : i32
      %dma_wait3A_59 = arith.constant 0 : i32
      %dma_wait3A_60 = arith.constant 0 : i32
      %dma_wait3A_61 = arith.constant 0 : i32
      %dma_wait3A_62 = tpu.memref_slice %arg3[%arg0, %dma_wait3A_58, %dma_wait3A_59, %dma_wait3A_60, %dma_wait3A_61] : memref<2x2x16x79x128xi32, #tpu.memory_space<hbm>> -> memref<1x2x16x79x128xi32, #tpu.memory_space<hbm>>
      %dma_wait3A_63 = tpu.memref_squeeze %dma_wait3A_62 : memref<1x2x16x79x128xi32, #tpu.memory_space<hbm>> -> memref<2x16x79x128xi32, #tpu.memory_space<hbm>>
      %dma_wait3A_64 = arith.constant 0 : i32
      %dma_wait3A_65 = arith.constant 0 : i32
      %dma_wait3A_66 = arith.constant 0 : i32
      %dma_wait3A_67 = tpu.memref_slice %dma_wait3A_63[%run_scoped3A, %dma_wait3A_64, %dma_wait3A_65, %dma_wait3A_66] : memref<2x16x79x128xi32, #tpu.memory_space<hbm>> -> memref<1x16x79x128xi32, #tpu.memory_space<hbm>>
      %dma_wait3A_68 = tpu.memref_squeeze %dma_wait3A_67 : memref<1x16x79x128xi32, #tpu.memory_space<hbm>> -> memref<16x79x128xi32, #tpu.memory_space<hbm>>
      %dma_wait3A_69 = arith.constant 0 : i32
      %dma_wait3A_70 = arith.constant 0 : i32
      %dma_wait3A_71 = tpu.memref_slice %dma_wait3A_68[%arg1, %dma_wait3A_69, %dma_wait3A_70] : memref<16x79x128xi32, #tpu.memory_space<hbm>> -> memref<1x79x128xi32, #tpu.memory_space<hbm>>
      %dma_wait3A_72 = tpu.memref_squeeze %dma_wait3A_71 : memref<1x79x128xi32, #tpu.memory_space<hbm>> -> memref<79x128xi32, #tpu.memory_space<hbm>>
      tpu.wait_dma2 semaphore(%run_scoped3A_14 : memref<!tpu.dma_semaphore, #tpu.memory_space<semaphore_mem>>) src(%dma_wait3A_72 : memref<79x128xi32, #tpu.memory_space<hbm>>) dst(%arg7 : memref<79x128xi32, #tpu.memory_space<vmem>>)
      tpu.yield
    }) : () -> ()
    %run_scoped3A_1 = arith.constant 0 : i32
    "tpu.region"() ({
      %run_scoped3A_14 = tpu.sem_alloc : memref<!tpu.dma_semaphore, #tpu.memory_space<semaphore_mem>>
      %dma_start3A = arith.constant 0 : i32
      %dma_start3A_15 = arith.constant 0 : i32
      %dma_start3A_16 = arith.constant 0 : i32
      %dma_start3A_17 = arith.constant 0 : i32
      %dma_start3A_18 = tpu.memref_slice %arg4[%arg0, %dma_start3A, %dma_start3A_15, %dma_start3A_16, %dma_start3A_17] : memref<2x2x16x79x128xi32, #tpu.memory_space<hbm>> -> memref<1x2x16x79x128xi32, #tpu.memory_space<hbm>>
      %dma_start3A_19 = tpu.memref_squeeze %dma_start3A_18 : memref<1x2x16x79x128xi32, #tpu.memory_space<hbm>> -> memref<2x16x79x128xi32, #tpu.memory_space<hbm>>
      %dma_start3A_20 = arith.constant 0 : i32
      %dma_start3A_21 = arith.constant 0 : i32
      %dma_start3A_22 = arith.constant 0 : i32
      %dma_start3A_23 = tpu.memref_slice %dma_start3A_19[%run_scoped3A_1, %dma_start3A_20, %dma_start3A_21, %dma_start3A_22] : memref<2x16x79x128xi32, #tpu.memory_space<hbm>> -> memref<1x16x79x128xi32, #tpu.memory_space<hbm>>
      %dma_start3A_24 = tpu.memref_squeeze %dma_start3A_23 : memref<1x16x79x128xi32, #tpu.memory_space<hbm>> -> memref<16x79x128xi32, #tpu.memory_space<hbm>>
      %dma_start3A_25 = arith.constant 0 : i32
      %dma_start3A_26 = arith.constant 0 : i32
      %dma_start3A_27 = tpu.memref_slice %dma_start3A_24[%arg1, %dma_start3A_25, %dma_start3A_26] : memref<16x79x128xi32, #tpu.memory_space<hbm>> -> memref<1x79x128xi32, #tpu.memory_space<hbm>>
      %dma_start3A_28 = tpu.memref_squeeze %dma_start3A_27 : memref<1x79x128xi32, #tpu.memory_space<hbm>> -> memref<79x128xi32, #tpu.memory_space<hbm>>
      %dma_start3A_29 = arith.constant 0 : i32
      %dma_start3A_30 = arith.constant 0 : i32
      %dma_start3A_31 = arith.constant 0 : i32
      %dma_start3A_32 = arith.constant 0 : i32
      %dma_start3A_33 = tpu.memref_slice %arg4[%arg0, %dma_start3A_29, %dma_start3A_30, %dma_start3A_31, %dma_start3A_32] : memref<2x2x16x79x128xi32, #tpu.memory_space<hbm>> -> memref<1x2x16x79x128xi32, #tpu.memory_space<hbm>>
      %dma_start3A_34 = tpu.memref_squeeze %dma_start3A_33 : memref<1x2x16x79x128xi32, #tpu.memory_space<hbm>> -> memref<2x16x79x128xi32, #tpu.memory_space<hbm>>
      %dma_start3A_35 = arith.constant 0 : i32
      %dma_start3A_36 = arith.constant 0 : i32
      %dma_start3A_37 = arith.constant 0 : i32
      %dma_start3A_38 = tpu.memref_slice %dma_start3A_34[%run_scoped3A_1, %dma_start3A_35, %dma_start3A_36, %dma_start3A_37] : memref<2x16x79x128xi32, #tpu.memory_space<hbm>> -> memref<1x16x79x128xi32, #tpu.memory_space<hbm>>
      %dma_start3A_39 = tpu.memref_squeeze %dma_start3A_38 : memref<1x16x79x128xi32, #tpu.memory_space<hbm>> -> memref<16x79x128xi32, #tpu.memory_space<hbm>>
      %dma_start3A_40 = arith.constant 0 : i32
      %dma_start3A_41 = arith.constant 0 : i32
      %dma_start3A_42 = tpu.memref_slice %dma_start3A_39[%arg1, %dma_start3A_40, %dma_start3A_41] : memref<16x79x128xi32, #tpu.memory_space<hbm>> -> memref<1x79x128xi32, #tpu.memory_space<hbm>>
      %dma_start3A_43 = tpu.memref_squeeze %dma_start3A_42 : memref<1x79x128xi32, #tpu.memory_space<hbm>> -> memref<79x128xi32, #tpu.memory_space<hbm>>
      tpu.enqueue_dma source(%dma_start3A_43 : memref<79x128xi32, #tpu.memory_space<hbm>>) target(%arg8 : memref<79x128xi32, #tpu.memory_space<vmem>>) target_semaphore(%run_scoped3A_14 : memref<!tpu.dma_semaphore, #tpu.memory_space<semaphore_mem>>)
      %dma_wait3A = arith.constant 0 : i32
      %dma_wait3A_44 = arith.constant 0 : i32
      %dma_wait3A_45 = arith.constant 0 : i32
      %dma_wait3A_46 = arith.constant 0 : i32
      %dma_wait3A_47 = tpu.memref_slice %arg4[%arg0, %dma_wait3A, %dma_wait3A_44, %dma_wait3A_45, %dma_wait3A_46] : memref<2x2x16x79x128xi32, #tpu.memory_space<hbm>> -> memref<1x2x16x79x128xi32, #tpu.memory_space<hbm>>
      %dma_wait3A_48 = tpu.memref_squeeze %dma_wait3A_47 : memref<1x2x16x79x128xi32, #tpu.memory_space<hbm>> -> memref<2x16x79x128xi32, #tpu.memory_space<hbm>>
      %dma_wait3A_49 = arith.constant 0 : i32
      %dma_wait3A_50 = arith.constant 0 : i32
      %dma_wait3A_51 = arith.constant 0 : i32
      %dma_wait3A_52 = tpu.memref_slice %dma_wait3A_48[%run_scoped3A_1, %dma_wait3A_49, %dma_wait3A_50, %dma_wait3A_51] : memref<2x16x79x128xi32, #tpu.memory_space<hbm>> -> memref<1x16x79x128xi32, #tpu.memory_space<hbm>>
      %dma_wait3A_53 = tpu.memref_squeeze %dma_wait3A_52 : memref<1x16x79x128xi32, #tpu.memory_space<hbm>> -> memref<16x79x128xi32, #tpu.memory_space<hbm>>
      %dma_wait3A_54 = arith.constant 0 : i32
      %dma_wait3A_55 = arith.constant 0 : i32
      %dma_wait3A_56 = tpu.memref_slice %dma_wait3A_53[%arg1, %dma_wait3A_54, %dma_wait3A_55] : memref<16x79x128xi32, #tpu.memory_space<hbm>> -> memref<1x79x128xi32, #tpu.memory_space<hbm>>
      %dma_wait3A_57 = tpu.memref_squeeze %dma_wait3A_56 : memref<1x79x128xi32, #tpu.memory_space<hbm>> -> memref<79x128xi32, #tpu.memory_space<hbm>>
      %dma_wait3A_58 = arith.constant 0 : i32
      %dma_wait3A_59 = arith.constant 0 : i32
      %dma_wait3A_60 = arith.constant 0 : i32
      %dma_wait3A_61 = arith.constant 0 : i32
      %dma_wait3A_62 = tpu.memref_slice %arg4[%arg0, %dma_wait3A_58, %dma_wait3A_59, %dma_wait3A_60, %dma_wait3A_61] : memref<2x2x16x79x128xi32, #tpu.memory_space<hbm>> -> memref<1x2x16x79x128xi32, #tpu.memory_space<hbm>>
      %dma_wait3A_63 = tpu.memref_squeeze %dma_wait3A_62 : memref<1x2x16x79x128xi32, #tpu.memory_space<hbm>> -> memref<2x16x79x128xi32, #tpu.memory_space<hbm>>
      %dma_wait3A_64 = arith.constant 0 : i32
      %dma_wait3A_65 = arith.constant 0 : i32
      %dma_wait3A_66 = arith.constant 0 : i32
      %dma_wait3A_67 = tpu.memref_slice %dma_wait3A_63[%run_scoped3A_1, %dma_wait3A_64, %dma_wait3A_65, %dma_wait3A_66] : memref<2x16x79x128xi32, #tpu.memory_space<hbm>> -> memref<1x16x79x128xi32, #tpu.memory_space<hbm>>
      %dma_wait3A_68 = tpu.memref_squeeze %dma_wait3A_67 : memref<1x16x79x128xi32, #tpu.memory_space<hbm>> -> memref<16x79x128xi32, #tpu.memory_space<hbm>>
      %dma_wait3A_69 = arith.constant 0 : i32
      %dma_wait3A_70 = arith.constant 0 : i32
      %dma_wait3A_71 = tpu.memref_slice %dma_wait3A_68[%arg1, %dma_wait3A_69, %dma_wait3A_70] : memref<16x79x128xi32, #tpu.memory_space<hbm>> -> memref<1x79x128xi32, #tpu.memory_space<hbm>>
      %dma_wait3A_72 = tpu.memref_squeeze %dma_wait3A_71 : memref<1x79x128xi32, #tpu.memory_space<hbm>> -> memref<79x128xi32, #tpu.memory_space<hbm>>
      tpu.wait_dma2 semaphore(%run_scoped3A_14 : memref<!tpu.dma_semaphore, #tpu.memory_space<semaphore_mem>>) src(%dma_wait3A_72 : memref<79x128xi32, #tpu.memory_space<hbm>>) dst(%arg8 : memref<79x128xi32, #tpu.memory_space<vmem>>)
      tpu.yield
    }) : () -> ()
    %scan3A = arith.constant 0 : i32
    %scan3A_2 = arith.constant 79 : i32
    %scan3A_3 = arith.addi %scan3A, %scan3A_2 : i32
    %scan3A_4 = arith.constant 1 : i32
    scf.for %scan3A_14 = %scan3A to %scan3A_3 step %scan3A_4  : i32 {
      %mul3A_15 = arith.constant 1 : i32
      %mul3A_16 = arith.muli %scan3A_14, %mul3A_15 : i32
      %add3A = arith.constant 0 : i32
      %add3A_17 = arith.addi %add3A, %mul3A_16 : i32
      "tpu.region"() ({
        %run_scoped3A_18 = tpu.sem_alloc : memref<!tpu.dma_semaphore, #tpu.memory_space<semaphore_mem>>
        %dma_start3A = arith.constant 0 : i32
        %dma_start3A_19 = tpu.memref_slice %arg7[%add3A_17, %dma_start3A] : memref<79x128xi32, #tpu.memory_space<vmem>> -> memref<1x128xi32, #tpu.memory_space<vmem>>
        %dma_start3A_20 = tpu.memref_squeeze %dma_start3A_19 : memref<1x128xi32, #tpu.memory_space<vmem>> -> memref<128xi32, #tpu.memory_space<vmem>>
        %dma_start3A_21 = arith.constant 0 : i32
        %dma_start3A_22 = arith.constant 0 : i32
        %dma_start3A_23 = tpu.memref_slice %arg2[%dma_start3A_21, %dma_start3A_22] : memref<20224x128xf32, #tpu.memory_space<hbm>> -> memref<20224x128xf32, #tpu.memory_space<hbm>>
        tpu.enqueue_indirect_dma source(%dma_start3A_23 : memref<20224x128xf32, #tpu.memory_space<hbm>>) target(%arg9 : memref<128x128xf32, #tpu.memory_space<vmem>>) offsets(%dma_start3A_20 : memref<128xi32, #tpu.memory_space<vmem>>) semaphore(%run_scoped3A_18 : memref<!tpu.dma_semaphore, #tpu.memory_space<semaphore_mem>>)
        %dma_wait3A = arith.constant 0 : i32
        %dma_wait3A_24 = tpu.memref_slice %arg7[%add3A_17, %dma_wait3A] : memref<79x128xi32, #tpu.memory_space<vmem>> -> memref<1x128xi32, #tpu.memory_space<vmem>>
        %dma_wait3A_25 = tpu.memref_squeeze %dma_wait3A_24 : memref<1x128xi32, #tpu.memory_space<vmem>> -> memref<128xi32, #tpu.memory_space<vmem>>
        %dma_wait3A_26 = arith.constant 0 : i32
        %dma_wait3A_27 = arith.constant 0 : i32
        %dma_wait3A_28 = tpu.memref_slice %arg2[%dma_wait3A_26, %dma_wait3A_27] : memref<20224x128xf32, #tpu.memory_space<hbm>> -> memref<20224x128xf32, #tpu.memory_space<hbm>>
        tpu.wait_indirect_dma semaphore(%run_scoped3A_18 : memref<!tpu.dma_semaphore, #tpu.memory_space<semaphore_mem>>) src(%dma_wait3A_28 : memref<20224x128xf32, #tpu.memory_space<hbm>>) dst(%arg9 : memref<128x128xf32, #tpu.memory_space<vmem>>)
        tpu.yield
      }) : () -> ()
      "tpu.region"() ({
        %run_scoped3A_18 = tpu.sem_alloc : memref<!tpu.dma_semaphore, #tpu.memory_space<semaphore_mem>>
        %dma_start3A = arith.constant 0 : i32
        %dma_start3A_19 = tpu.memref_slice %arg8[%add3A_17, %dma_start3A] : memref<79x128xi32, #tpu.memory_space<vmem>> -> memref<1x128xi32, #tpu.memory_space<vmem>>
        %dma_start3A_20 = tpu.memref_squeeze %dma_start3A_19 : memref<1x128xi32, #tpu.memory_space<vmem>> -> memref<128xi32, #tpu.memory_space<vmem>>
        %dma_start3A_21 = arith.constant 0 : i32
        %dma_start3A_22 = arith.constant 0 : i32
        %dma_start3A_23 = tpu.memref_slice %arg10[%dma_start3A_21, %dma_start3A_22] : memref<10112x128xf32, #tpu.memory_space<vmem_shared>> -> memref<10112x128xf32, #tpu.memory_space<vmem_shared>>
        tpu.enqueue_indirect_dma source(%arg9 : memref<128x128xf32, #tpu.memory_space<vmem>>) target(%dma_start3A_23 : memref<10112x128xf32, #tpu.memory_space<vmem_shared>>) offsets(%dma_start3A_20 : memref<128xi32, #tpu.memory_space<vmem>>) semaphore(%run_scoped3A_18 : memref<!tpu.dma_semaphore, #tpu.memory_space<semaphore_mem>>) {add = true}
        %dma_wait3A = arith.constant 0 : i32
        %dma_wait3A_24 = tpu.memref_slice %arg8[%add3A_17, %dma_wait3A] : memref<79x128xi32, #tpu.memory_space<vmem>> -> memref<1x128xi32, #tpu.memory_space<vmem>>
        %dma_wait3A_25 = tpu.memref_squeeze %dma_wait3A_24 : memref<1x128xi32, #tpu.memory_space<vmem>> -> memref<128xi32, #tpu.memory_space<vmem>>
        %dma_wait3A_26 = arith.constant 0 : i32
        %dma_wait3A_27 = arith.constant 0 : i32
        %dma_wait3A_28 = tpu.memref_slice %arg10[%dma_wait3A_26, %dma_wait3A_27] : memref<10112x128xf32, #tpu.memory_space<vmem_shared>> -> memref<10112x128xf32, #tpu.memory_space<vmem_shared>>
        tpu.wait_indirect_dma semaphore(%run_scoped3A_18 : memref<!tpu.dma_semaphore, #tpu.memory_space<semaphore_mem>>) src(%arg9 : memref<128x128xf32, #tpu.memory_space<vmem>>) dst(%dma_wait3A_28 : memref<10112x128xf32, #tpu.memory_space<vmem_shared>>)
        tpu.yield
      }) : () -> ()
    }
    %scan3A_5 = arith.constant 79 : i32
    %run_scoped3A_6 = arith.constant 1 : i32
    "tpu.region"() ({
      %run_scoped3A_14 = tpu.sem_alloc : memref<!tpu.dma_semaphore, #tpu.memory_space<semaphore_mem>>
      %dma_start3A = arith.constant 0 : i32
      %dma_start3A_15 = arith.constant 0 : i32
      %dma_start3A_16 = arith.constant 0 : i32
      %dma_start3A_17 = arith.constant 0 : i32
      %dma_start3A_18 = tpu.memref_slice %arg3[%arg0, %dma_start3A, %dma_start3A_15, %dma_start3A_16, %dma_start3A_17] : memref<2x2x16x79x128xi32, #tpu.memory_space<hbm>> -> memref<1x2x16x79x128xi32, #tpu.memory_space<hbm>>
      %dma_start3A_19 = tpu.memref_squeeze %dma_start3A_18 : memref<1x2x16x79x128xi32, #tpu.memory_space<hbm>> -> memref<2x16x79x128xi32, #tpu.memory_space<hbm>>
      %dma_start3A_20 = arith.constant 0 : i32
      %dma_start3A_21 = arith.constant 0 : i32
      %dma_start3A_22 = arith.constant 0 : i32
      %dma_start3A_23 = tpu.memref_slice %dma_start3A_19[%run_scoped3A_6, %dma_start3A_20, %dma_start3A_21, %dma_start3A_22] : memref<2x16x79x128xi32, #tpu.memory_space<hbm>> -> memref<1x16x79x128xi32, #tpu.memory_space<hbm>>
      %dma_start3A_24 = tpu.memref_squeeze %dma_start3A_23 : memref<1x16x79x128xi32, #tpu.memory_space<hbm>> -> memref<16x79x128xi32, #tpu.memory_space<hbm>>
      %dma_start3A_25 = arith.constant 0 : i32
      %dma_start3A_26 = arith.constant 0 : i32
      %dma_start3A_27 = tpu.memref_slice %dma_start3A_24[%arg1, %dma_start3A_25, %dma_start3A_26] : memref<16x79x128xi32, #tpu.memory_space<hbm>> -> memref<1x79x128xi32, #tpu.memory_space<hbm>>
      %dma_start3A_28 = tpu.memref_squeeze %dma_start3A_27 : memref<1x79x128xi32, #tpu.memory_space<hbm>> -> memref<79x128xi32, #tpu.memory_space<hbm>>
      %dma_start3A_29 = arith.constant 0 : i32
      %dma_start3A_30 = arith.constant 0 : i32
      %dma_start3A_31 = arith.constant 0 : i32
      %dma_start3A_32 = arith.constant 0 : i32
      %dma_start3A_33 = tpu.memref_slice %arg3[%arg0, %dma_start3A_29, %dma_start3A_30, %dma_start3A_31, %dma_start3A_32] : memref<2x2x16x79x128xi32, #tpu.memory_space<hbm>> -> memref<1x2x16x79x128xi32, #tpu.memory_space<hbm>>
      %dma_start3A_34 = tpu.memref_squeeze %dma_start3A_33 : memref<1x2x16x79x128xi32, #tpu.memory_space<hbm>> -> memref<2x16x79x128xi32, #tpu.memory_space<hbm>>
      %dma_start3A_35 = arith.constant 0 : i32
      %dma_start3A_36 = arith.constant 0 : i32
      %dma_start3A_37 = arith.constant 0 : i32
      %dma_start3A_38 = tpu.memref_slice %dma_start3A_34[%run_scoped3A_6, %dma_start3A_35, %dma_start3A_36, %dma_start3A_37] : memref<2x16x79x128xi32, #tpu.memory_space<hbm>> -> memref<1x16x79x128xi32, #tpu.memory_space<hbm>>
      %dma_start3A_39 = tpu.memref_squeeze %dma_start3A_38 : memref<1x16x79x128xi32, #tpu.memory_space<hbm>> -> memref<16x79x128xi32, #tpu.memory_space<hbm>>
      %dma_start3A_40 = arith.constant 0 : i32
      %dma_start3A_41 = arith.constant 0 : i32
      %dma_start3A_42 = tpu.memref_slice %dma_start3A_39[%arg1, %dma_start3A_40, %dma_start3A_41] : memref<16x79x128xi32, #tpu.memory_space<hbm>> -> memref<1x79x128xi32, #tpu.memory_space<hbm>>
      %dma_start3A_43 = tpu.memref_squeeze %dma_start3A_42 : memref<1x79x128xi32, #tpu.memory_space<hbm>> -> memref<79x128xi32, #tpu.memory_space<hbm>>
      tpu.enqueue_dma source(%dma_start3A_43 : memref<79x128xi32, #tpu.memory_space<hbm>>) target(%arg7 : memref<79x128xi32, #tpu.memory_space<vmem>>) target_semaphore(%run_scoped3A_14 : memref<!tpu.dma_semaphore, #tpu.memory_space<semaphore_mem>>)
      %dma_wait3A = arith.constant 0 : i32
      %dma_wait3A_44 = arith.constant 0 : i32
      %dma_wait3A_45 = arith.constant 0 : i32
      %dma_wait3A_46 = arith.constant 0 : i32
      %dma_wait3A_47 = tpu.memref_slice %arg3[%arg0, %dma_wait3A, %dma_wait3A_44, %dma_wait3A_45, %dma_wait3A_46] : memref<2x2x16x79x128xi32, #tpu.memory_space<hbm>> -> memref<1x2x16x79x128xi32, #tpu.memory_space<hbm>>
      %dma_wait3A_48 = tpu.memref_squeeze %dma_wait3A_47 : memref<1x2x16x79x128xi32, #tpu.memory_space<hbm>> -> memref<2x16x79x128xi32, #tpu.memory_space<hbm>>
      %dma_wait3A_49 = arith.constant 0 : i32
      %dma_wait3A_50 = arith.constant 0 : i32
      %dma_wait3A_51 = arith.constant 0 : i32
      %dma_wait3A_52 = tpu.memref_slice %dma_wait3A_48[%run_scoped3A_6, %dma_wait3A_49, %dma_wait3A_50, %dma_wait3A_51] : memref<2x16x79x128xi32, #tpu.memory_space<hbm>> -> memref<1x16x79x128xi32, #tpu.memory_space<hbm>>
      %dma_wait3A_53 = tpu.memref_squeeze %dma_wait3A_52 : memref<1x16x79x128xi32, #tpu.memory_space<hbm>> -> memref<16x79x128xi32, #tpu.memory_space<hbm>>
      %dma_wait3A_54 = arith.constant 0 : i32
      %dma_wait3A_55 = arith.constant 0 : i32
      %dma_wait3A_56 = tpu.memref_slice %dma_wait3A_53[%arg1, %dma_wait3A_54, %dma_wait3A_55] : memref<16x79x128xi32, #tpu.memory_space<hbm>> -> memref<1x79x128xi32, #tpu.memory_space<hbm>>
      %dma_wait3A_57 = tpu.memref_squeeze %dma_wait3A_56 : memref<1x79x128xi32, #tpu.memory_space<hbm>> -> memref<79x128xi32, #tpu.memory_space<hbm>>
      %dma_wait3A_58 = arith.constant 0 : i32
      %dma_wait3A_59 = arith.constant 0 : i32
      %dma_wait3A_60 = arith.constant 0 : i32
      %dma_wait3A_61 = arith.constant 0 : i32
      %dma_wait3A_62 = tpu.memref_slice %arg3[%arg0, %dma_wait3A_58, %dma_wait3A_59, %dma_wait3A_60, %dma_wait3A_61] : memref<2x2x16x79x128xi32, #tpu.memory_space<hbm>> -> memref<1x2x16x79x128xi32, #tpu.memory_space<hbm>>
      %dma_wait3A_63 = tpu.memref_squeeze %dma_wait3A_62 : memref<1x2x16x79x128xi32, #tpu.memory_space<hbm>> -> memref<2x16x79x128xi32, #tpu.memory_space<hbm>>
      %dma_wait3A_64 = arith.constant 0 : i32
      %dma_wait3A_65 = arith.constant 0 : i32
      %dma_wait3A_66 = arith.constant 0 : i32
      %dma_wait3A_67 = tpu.memref_slice %dma_wait3A_63[%run_scoped3A_6, %dma_wait3A_64, %dma_wait3A_65, %dma_wait3A_66] : memref<2x16x79x128xi32, #tpu.memory_space<hbm>> -> memref<1x16x79x128xi32, #tpu.memory_space<hbm>>
      %dma_wait3A_68 = tpu.memref_squeeze %dma_wait3A_67 : memref<1x16x79x128xi32, #tpu.memory_space<hbm>> -> memref<16x79x128xi32, #tpu.memory_space<hbm>>
      %dma_wait3A_69 = arith.constant 0 : i32
      %dma_wait3A_70 = arith.constant 0 : i32
      %dma_wait3A_71 = tpu.memref_slice %dma_wait3A_68[%arg1, %dma_wait3A_69, %dma_wait3A_70] : memref<16x79x128xi32, #tpu.memory_space<hbm>> -> memref<1x79x128xi32, #tpu.memory_space<hbm>>
      %dma_wait3A_72 = tpu.memref_squeeze %dma_wait3A_71 : memref<1x79x128xi32, #tpu.memory_space<hbm>> -> memref<79x128xi32, #tpu.memory_space<hbm>>
      tpu.wait_dma2 semaphore(%run_scoped3A_14 : memref<!tpu.dma_semaphore, #tpu.memory_space<semaphore_mem>>) src(%dma_wait3A_72 : memref<79x128xi32, #tpu.memory_space<hbm>>) dst(%arg7 : memref<79x128xi32, #tpu.memory_space<vmem>>)
      tpu.yield
    }) : () -> ()
    %run_scoped3A_7 = arith.constant 1 : i32
    "tpu.region"() ({
      %run_scoped3A_14 = tpu.sem_alloc : memref<!tpu.dma_semaphore, #tpu.memory_space<semaphore_mem>>
      %dma_start3A = arith.constant 0 : i32
      %dma_start3A_15 = arith.constant 0 : i32
      %dma_start3A_16 = arith.constant 0 : i32
      %dma_start3A_17 = arith.constant 0 : i32
      %dma_start3A_18 = tpu.memref_slice %arg4[%arg0, %dma_start3A, %dma_start3A_15, %dma_start3A_16, %dma_start3A_17] : memref<2x2x16x79x128xi32, #tpu.memory_space<hbm>> -> memref<1x2x16x79x128xi32, #tpu.memory_space<hbm>>
      %dma_start3A_19 = tpu.memref_squeeze %dma_start3A_18 : memref<1x2x16x79x128xi32, #tpu.memory_space<hbm>> -> memref<2x16x79x128xi32, #tpu.memory_space<hbm>>
      %dma_start3A_20 = arith.constant 0 : i32
      %dma_start3A_21 = arith.constant 0 : i32
      %dma_start3A_22 = arith.constant 0 : i32
      %dma_start3A_23 = tpu.memref_slice %dma_start3A_19[%run_scoped3A_7, %dma_start3A_20, %dma_start3A_21, %dma_start3A_22] : memref<2x16x79x128xi32, #tpu.memory_space<hbm>> -> memref<1x16x79x128xi32, #tpu.memory_space<hbm>>
      %dma_start3A_24 = tpu.memref_squeeze %dma_start3A_23 : memref<1x16x79x128xi32, #tpu.memory_space<hbm>> -> memref<16x79x128xi32, #tpu.memory_space<hbm>>
      %dma_start3A_25 = arith.constant 0 : i32
      %dma_start3A_26 = arith.constant 0 : i32
      %dma_start3A_27 = tpu.memref_slice %dma_start3A_24[%arg1, %dma_start3A_25, %dma_start3A_26] : memref<16x79x128xi32, #tpu.memory_space<hbm>> -> memref<1x79x128xi32, #tpu.memory_space<hbm>>
      %dma_start3A_28 = tpu.memref_squeeze %dma_start3A_27 : memref<1x79x128xi32, #tpu.memory_space<hbm>> -> memref<79x128xi32, #tpu.memory_space<hbm>>
      %dma_start3A_29 = arith.constant 0 : i32
      %dma_start3A_30 = arith.constant 0 : i32
      %dma_start3A_31 = arith.constant 0 : i32
      %dma_start3A_32 = arith.constant 0 : i32
      %dma_start3A_33 = tpu.memref_slice %arg4[%arg0, %dma_start3A_29, %dma_start3A_30, %dma_start3A_31, %dma_start3A_32] : memref<2x2x16x79x128xi32, #tpu.memory_space<hbm>> -> memref<1x2x16x79x128xi32, #tpu.memory_space<hbm>>
      %dma_start3A_34 = tpu.memref_squeeze %dma_start3A_33 : memref<1x2x16x79x128xi32, #tpu.memory_space<hbm>> -> memref<2x16x79x128xi32, #tpu.memory_space<hbm>>
      %dma_start3A_35 = arith.constant 0 : i32
      %dma_start3A_36 = arith.constant 0 : i32
      %dma_start3A_37 = arith.constant 0 : i32
      %dma_start3A_38 = tpu.memref_slice %dma_start3A_34[%run_scoped3A_7, %dma_start3A_35, %dma_start3A_36, %dma_start3A_37] : memref<2x16x79x128xi32, #tpu.memory_space<hbm>> -> memref<1x16x79x128xi32, #tpu.memory_space<hbm>>
      %dma_start3A_39 = tpu.memref_squeeze %dma_start3A_38 : memref<1x16x79x128xi32, #tpu.memory_space<hbm>> -> memref<16x79x128xi32, #tpu.memory_space<hbm>>
      %dma_start3A_40 = arith.constant 0 : i32
      %dma_start3A_41 = arith.constant 0 : i32
      %dma_start3A_42 = tpu.memref_slice %dma_start3A_39[%arg1, %dma_start3A_40, %dma_start3A_41] : memref<16x79x128xi32, #tpu.memory_space<hbm>> -> memref<1x79x128xi32, #tpu.memory_space<hbm>>
      %dma_start3A_43 = tpu.memref_squeeze %dma_start3A_42 : memref<1x79x128xi32, #tpu.memory_space<hbm>> -> memref<79x128xi32, #tpu.memory_space<hbm>>
      tpu.enqueue_dma source(%dma_start3A_43 : memref<79x128xi32, #tpu.memory_space<hbm>>) target(%arg8 : memref<79x128xi32, #tpu.memory_space<vmem>>) target_semaphore(%run_scoped3A_14 : memref<!tpu.dma_semaphore, #tpu.memory_space<semaphore_mem>>)
      %dma_wait3A = arith.constant 0 : i32
      %dma_wait3A_44 = arith.constant 0 : i32
      %dma_wait3A_45 = arith.constant 0 : i32
      %dma_wait3A_46 = arith.constant 0 : i32
      %dma_wait3A_47 = tpu.memref_slice %arg4[%arg0, %dma_wait3A, %dma_wait3A_44, %dma_wait3A_45, %dma_wait3A_46] : memref<2x2x16x79x128xi32, #tpu.memory_space<hbm>> -> memref<1x2x16x79x128xi32, #tpu.memory_space<hbm>>
      %dma_wait3A_48 = tpu.memref_squeeze %dma_wait3A_47 : memref<1x2x16x79x128xi32, #tpu.memory_space<hbm>> -> memref<2x16x79x128xi32, #tpu.memory_space<hbm>>
      %dma_wait3A_49 = arith.constant 0 : i32
      %dma_wait3A_50 = arith.constant 0 : i32
      %dma_wait3A_51 = arith.constant 0 : i32
      %dma_wait3A_52 = tpu.memref_slice %dma_wait3A_48[%run_scoped3A_7, %dma_wait3A_49, %dma_wait3A_50, %dma_wait3A_51] : memref<2x16x79x128xi32, #tpu.memory_space<hbm>> -> memref<1x16x79x128xi32, #tpu.memory_space<hbm>>
      %dma_wait3A_53 = tpu.memref_squeeze %dma_wait3A_52 : memref<1x16x79x128xi32, #tpu.memory_space<hbm>> -> memref<16x79x128xi32, #tpu.memory_space<hbm>>
      %dma_wait3A_54 = arith.constant 0 : i32
      %dma_wait3A_55 = arith.constant 0 : i32
      %dma_wait3A_56 = tpu.memref_slice %dma_wait3A_53[%arg1, %dma_wait3A_54, %dma_wait3A_55] : memref<16x79x128xi32, #tpu.memory_space<hbm>> -> memref<1x79x128xi32, #tpu.memory_space<hbm>>
      %dma_wait3A_57 = tpu.memref_squeeze %dma_wait3A_56 : memref<1x79x128xi32, #tpu.memory_space<hbm>> -> memref<79x128xi32, #tpu.memory_space<hbm>>
      %dma_wait3A_58 = arith.constant 0 : i32
      %dma_wait3A_59 = arith.constant 0 : i32
      %dma_wait3A_60 = arith.constant 0 : i32
      %dma_wait3A_61 = arith.constant 0 : i32
      %dma_wait3A_62 = tpu.memref_slice %arg4[%arg0, %dma_wait3A_58, %dma_wait3A_59, %dma_wait3A_60, %dma_wait3A_61] : memref<2x2x16x79x128xi32, #tpu.memory_space<hbm>> -> memref<1x2x16x79x128xi32, #tpu.memory_space<hbm>>
      %dma_wait3A_63 = tpu.memref_squeeze %dma_wait3A_62 : memref<1x2x16x79x128xi32, #tpu.memory_space<hbm>> -> memref<2x16x79x128xi32, #tpu.memory_space<hbm>>
      %dma_wait3A_64 = arith.constant 0 : i32
      %dma_wait3A_65 = arith.constant 0 : i32
      %dma_wait3A_66 = arith.constant 0 : i32
      %dma_wait3A_67 = tpu.memref_slice %dma_wait3A_63[%run_scoped3A_7, %dma_wait3A_64, %dma_wait3A_65, %dma_wait3A_66] : memref<2x16x79x128xi32, #tpu.memory_space<hbm>> -> memref<1x16x79x128xi32, #tpu.memory_space<hbm>>
      %dma_wait3A_68 = tpu.memref_squeeze %dma_wait3A_67 : memref<1x16x79x128xi32, #tpu.memory_space<hbm>> -> memref<16x79x128xi32, #tpu.memory_space<hbm>>
      %dma_wait3A_69 = arith.constant 0 : i32
      %dma_wait3A_70 = arith.constant 0 : i32
      %dma_wait3A_71 = tpu.memref_slice %dma_wait3A_68[%arg1, %dma_wait3A_69, %dma_wait3A_70] : memref<16x79x128xi32, #tpu.memory_space<hbm>> -> memref<1x79x128xi32, #tpu.memory_space<hbm>>
      %dma_wait3A_72 = tpu.memref_squeeze %dma_wait3A_71 : memref<1x79x128xi32, #tpu.memory_space<hbm>> -> memref<79x128xi32, #tpu.memory_space<hbm>>
      tpu.wait_dma2 semaphore(%run_scoped3A_14 : memref<!tpu.dma_semaphore, #tpu.memory_space<semaphore_mem>>) src(%dma_wait3A_72 : memref<79x128xi32, #tpu.memory_space<hbm>>) dst(%arg8 : memref<79x128xi32, #tpu.memory_space<vmem>>)
      tpu.yield
    }) : () -> ()
    %scan3A_8 = arith.constant 0 : i32
    %scan3A_9 = arith.constant 79 : i32
    %scan3A_10 = arith.addi %scan3A_8, %scan3A_9 : i32
    %scan3A_11 = arith.constant 1 : i32
    scf.for %scan3A_14 = %scan3A_8 to %scan3A_10 step %scan3A_11  : i32 {
      %mul3A_15 = arith.constant 1 : i32
      %mul3A_16 = arith.muli %scan3A_14, %mul3A_15 : i32
      %add3A = arith.constant 0 : i32
      %add3A_17 = arith.addi %add3A, %mul3A_16 : i32
      "tpu.region"() ({
        %run_scoped3A_18 = tpu.sem_alloc : memref<!tpu.dma_semaphore, #tpu.memory_space<semaphore_mem>>
        %dma_start3A = arith.constant 0 : i32
        %dma_start3A_19 = tpu.memref_slice %arg7[%add3A_17, %dma_start3A] : memref<79x128xi32, #tpu.memory_space<vmem>> -> memref<1x128xi32, #tpu.memory_space<vmem>>
        %dma_start3A_20 = tpu.memref_squeeze %dma_start3A_19 : memref<1x128xi32, #tpu.memory_space<vmem>> -> memref<128xi32, #tpu.memory_space<vmem>>
        %dma_start3A_21 = arith.constant 0 : i32
        %dma_start3A_22 = arith.constant 0 : i32
        %dma_start3A_23 = tpu.memref_slice %arg2[%dma_start3A_21, %dma_start3A_22] : memref<20224x128xf32, #tpu.memory_space<hbm>> -> memref<20224x128xf32, #tpu.memory_space<hbm>>
        tpu.enqueue_indirect_dma source(%dma_start3A_23 : memref<20224x128xf32, #tpu.memory_space<hbm>>) target(%arg9 : memref<128x128xf32, #tpu.memory_space<vmem>>) offsets(%dma_start3A_20 : memref<128xi32, #tpu.memory_space<vmem>>) semaphore(%run_scoped3A_18 : memref<!tpu.dma_semaphore, #tpu.memory_space<semaphore_mem>>)
        %dma_wait3A = arith.constant 0 : i32
        %dma_wait3A_24 = tpu.memref_slice %arg7[%add3A_17, %dma_wait3A] : memref<79x128xi32, #tpu.memory_space<vmem>> -> memref<1x128xi32, #tpu.memory_space<vmem>>
        %dma_wait3A_25 = tpu.memref_squeeze %dma_wait3A_24 : memref<1x128xi32, #tpu.memory_space<vmem>> -> memref<128xi32, #tpu.memory_space<vmem>>
        %dma_wait3A_26 = arith.constant 0 : i32
        %dma_wait3A_27 = arith.constant 0 : i32
        %dma_wait3A_28 = tpu.memref_slice %arg2[%dma_wait3A_26, %dma_wait3A_27] : memref<20224x128xf32, #tpu.memory_space<hbm>> -> memref<20224x128xf32, #tpu.memory_space<hbm>>
        tpu.wait_indirect_dma semaphore(%run_scoped3A_18 : memref<!tpu.dma_semaphore, #tpu.memory_space<semaphore_mem>>) src(%dma_wait3A_28 : memref<20224x128xf32, #tpu.memory_space<hbm>>) dst(%arg9 : memref<128x128xf32, #tpu.memory_space<vmem>>)
        tpu.yield
      }) : () -> ()
      "tpu.region"() ({
        %run_scoped3A_18 = tpu.sem_alloc : memref<!tpu.dma_semaphore, #tpu.memory_space<semaphore_mem>>
        %dma_start3A = arith.constant 0 : i32
        %dma_start3A_19 = tpu.memref_slice %arg8[%add3A_17, %dma_start3A] : memref<79x128xi32, #tpu.memory_space<vmem>> -> memref<1x128xi32, #tpu.memory_space<vmem>>
        %dma_start3A_20 = tpu.memref_squeeze %dma_start3A_19 : memref<1x128xi32, #tpu.memory_space<vmem>> -> memref<128xi32, #tpu.memory_space<vmem>>
        %dma_start3A_21 = arith.constant 0 : i32
        %dma_start3A_22 = arith.constant 0 : i32
        %dma_start3A_23 = tpu.memref_slice %arg10[%dma_start3A_21, %dma_start3A_22] : memref<10112x128xf32, #tpu.memory_space<vmem_shared>> -> memref<10112x128xf32, #tpu.memory_space<vmem_shared>>
        tpu.enqueue_indirect_dma source(%arg9 : memref<128x128xf32, #tpu.memory_space<vmem>>) target(%dma_start3A_23 : memref<10112x128xf32, #tpu.memory_space<vmem_shared>>) offsets(%dma_start3A_20 : memref<128xi32, #tpu.memory_space<vmem>>) semaphore(%run_scoped3A_18 : memref<!tpu.dma_semaphore, #tpu.memory_space<semaphore_mem>>) {add = true}
        %dma_wait3A = arith.constant 0 : i32
        %dma_wait3A_24 = tpu.memref_slice %arg8[%add3A_17, %dma_wait3A] : memref<79x128xi32, #tpu.memory_space<vmem>> -> memref<1x128xi32, #tpu.memory_space<vmem>>
        %dma_wait3A_25 = tpu.memref_squeeze %dma_wait3A_24 : memref<1x128xi32, #tpu.memory_space<vmem>> -> memref<128xi32, #tpu.memory_space<vmem>>
        %dma_wait3A_26 = arith.constant 0 : i32
        %dma_wait3A_27 = arith.constant 0 : i32
        %dma_wait3A_28 = tpu.memref_slice %arg10[%dma_wait3A_26, %dma_wait3A_27] : memref<10112x128xf32, #tpu.memory_space<vmem_shared>> -> memref<10112x128xf32, #tpu.memory_space<vmem_shared>>
        tpu.wait_indirect_dma semaphore(%run_scoped3A_18 : memref<!tpu.dma_semaphore, #tpu.memory_space<semaphore_mem>>) src(%arg9 : memref<128x128xf32, #tpu.memory_space<vmem>>) dst(%dma_wait3A_28 : memref<10112x128xf32, #tpu.memory_space<vmem_shared>>)
        tpu.yield
      }) : () -> ()
    }
    %scan3A_12 = arith.constant 79 : i32
    %barrier3A_13 = arith.constant 0 : index
    tpu.barrier barrier_id(%barrier3A_13)
    "tpu.region"() ({
      %run_scoped3A_14 = tpu.sem_alloc : memref<!tpu.dma_semaphore, #tpu.memory_space<semaphore_mem>>
      %dma_start3A = arith.constant 0 : i32
      %dma_start3A_15 = arith.constant 0 : i32
      %dma_start3A_16 = tpu.memref_slice %arg6[%arg0, %dma_start3A, %dma_start3A_15] : memref<2x10112x128xf32, #tpu.memory_space<hbm>> -> memref<1x10112x128xf32, #tpu.memory_space<hbm>>
      %dma_start3A_17 = tpu.memref_squeeze %dma_start3A_16 : memref<1x10112x128xf32, #tpu.memory_space<hbm>> -> memref<10112x128xf32, #tpu.memory_space<hbm>>
      %dma_start3A_18 = arith.constant 0 : i32
      %dma_start3A_19 = tpu.memref_slice %dma_start3A_17[%mul3A_0, %dma_start3A_18] : memref<10112x128xf32, #tpu.memory_space<hbm>> -> memref<632x128xf32, #tpu.memory_space<hbm>>
      %dma_start3A_20 = arith.constant 0 : i32
      %dma_start3A_21 = tpu.memref_slice %arg10[%mul3A_0, %dma_start3A_20] : memref<10112x128xf32, #tpu.memory_space<vmem_shared>> -> memref<632x128xf32, #tpu.memory_space<vmem_shared>>
      tpu.enqueue_dma source(%dma_start3A_21 : memref<632x128xf32, #tpu.memory_space<vmem_shared>>) target(%dma_start3A_19 : memref<632x128xf32, #tpu.memory_space<hbm>>) target_semaphore(%run_scoped3A_14 : memref<!tpu.dma_semaphore, #tpu.memory_space<semaphore_mem>>)
      %dma_wait3A = arith.constant 0 : i32
      %dma_wait3A_22 = arith.constant 0 : i32
      %dma_wait3A_23 = tpu.memref_slice %arg6[%arg0, %dma_wait3A, %dma_wait3A_22] : memref<2x10112x128xf32, #tpu.memory_space<hbm>> -> memref<1x10112x128xf32, #tpu.memory_space<hbm>>
      %dma_wait3A_24 = tpu.memref_squeeze %dma_wait3A_23 : memref<1x10112x128xf32, #tpu.memory_space<hbm>> -> memref<10112x128xf32, #tpu.memory_space<hbm>>
      %dma_wait3A_25 = arith.constant 0 : i32
      %dma_wait3A_26 = tpu.memref_slice %dma_wait3A_24[%mul3A_0, %dma_wait3A_25] : memref<10112x128xf32, #tpu.memory_space<hbm>> -> memref<632x128xf32, #tpu.memory_space<hbm>>
      %dma_wait3A_27 = arith.constant 0 : i32
      %dma_wait3A_28 = tpu.memref_slice %arg10[%mul3A_0, %dma_wait3A_27] : memref<10112x128xf32, #tpu.memory_space<vmem_shared>> -> memref<632x128xf32, #tpu.memory_space<vmem_shared>>
      tpu.wait_dma2 semaphore(%run_scoped3A_14 : memref<!tpu.dma_semaphore, #tpu.memory_space<semaphore_mem>>) src(%dma_wait3A_28 : memref<632x128xf32, #tpu.memory_space<vmem_shared>>) dst(%dma_wait3A_26 : memref<632x128xf32, #tpu.memory_space<hbm>>)
      tpu.yield
    }) : () -> ()
    return
  }
}

#map = affine_map<(d0, d1) -> (0, 0)>
#map1 = affine_map<(d0, d1) -> (0, 0, 0, 0, 0)>
#map2 = affine_map<(d0, d1) -> (0, 0, 0)>
module attributes {stable_mosaic.version = 14 : i64} {
  func.func @k(%arg0: i32, %arg1: i32, %arg2: memref<20224x128xf32, #tpu.memory_space<hbm>>, %arg3: memref<2x2x16x79x128xi32, #tpu.memory_space<hbm>>, %arg4: memref<2x2x16x79x128xi32, #tpu.memory_space<hbm>>, %arg5: memref<10112x128xf32, #tpu.memory_space<hbm>>, %arg6: memref<2x10112x128xf32, #tpu.memory_space<hbm>>, %arg7: memref<79x128xi32, #tpu.memory_space<vmem>>, %arg8: memref<79x128xi32, #tpu.memory_space<vmem>>, %arg9: memref<128x128xf32, #tpu.memory_space<vmem>>, %arg10: memref<10112x128xf32, #tpu.memory_space<vmem_shared>>) attributes {dimension_semantics = [#tpu.dimension_semantics<core_parallel>, #tpu.dimension_semantics<subcore_parallel>], iteration_bounds = array<i64: 2, 16>, scalar_prefetch = 0 : i64, scratch_operands = 4 : i64, tpu.core_type = #tpu.core_type<sc_vector_subcore>, window_params = [{transform_indices = #map}, {transform_indices = #map1}, {transform_indices = #map1}, {transform_indices = #map}, {transform_indices = #map2}]} {
    %mul3A = arith.constant 632 : i32
    %mul3A_0 = arith.muli %arg1, %mul3A : i32
    "tpu.region"() ({
      %run_scoped3A_14 = tpu.sem_alloc : memref<!tpu.dma_semaphore, #tpu.memory_space<semaphore_mem>>
      %dma_start3A = arith.constant 0 : i32
      %dma_start3A_15 = tpu.memref_slice %arg10[%mul3A_0, %dma_start3A] : memref<10112x128xf32, #tpu.memory_space<vmem_shared>> -> memref<632x128xf32, #tpu.memory_space<vmem_shared>>
      %dma_start3A_16 = arith.constant 0 : i32
      %dma_start3A_17 = tpu.memref_slice %arg5[%mul3A_0, %dma_start3A_16] : memref<10112x128xf32, #tpu.memory_space<hbm>> -> memref<632x128xf32, #tpu.memory_space<hbm>>
      tpu.enqueue_dma source(%dma_start3A_17 : memref<632x128xf32, #tpu.memory_space<hbm>>) target(%dma_start3A_15 : memref<632x128xf32, #tpu.memory_space<vmem_shared>>) target_semaphore(%run_scoped3A_14 : memref<!tpu.dma_semaphore, #tpu.memory_space<semaphore_mem>>)
      %dma_wait3A = arith.constant 0 : i32
      %dma_wait3A_18 = tpu.memref_slice %arg10[%mul3A_0, %dma_wait3A] : memref<10112x128xf32, #tpu.memory_space<vmem_shared>> -> memref<632x128xf32, #tpu.memory_space<vmem_shared>>
      %dma_wait3A_19 = arith.constant 0 : i32
      %dma_wait3A_20 = tpu.memref_slice %arg5[%mul3A_0, %dma_wait3A_19] : memref<10112x128xf32, #tpu.memory_space<hbm>> -> memref<632x128xf32, #tpu.memory_space<hbm>>
      tpu.wait_dma2 semaphore(%run_scoped3A_14 : memref<!tpu.dma_semaphore, #tpu.memory_space<semaphore_mem>>) src(%dma_wait3A_20 : memref<632x128xf32, #tpu.memory_space<hbm>>) dst(%dma_wait3A_18 : memref<632x128xf32, #tpu.memory_space<vmem_shared>>)
      tpu.yield
    }) : () -> ()
    %barrier3A = arith.constant 0 : index
    tpu.barrier barrier_id(%barrier3A)
    %run_scoped3A = arith.constant 0 : i32
    "tpu.region"() ({
      %run_scoped3A_14 = tpu.sem_alloc : memref<!tpu.dma_semaphore, #tpu.memory_space<semaphore_mem>>
      %dma_start3A = arith.constant 0 : i32
      %dma_start3A_15 = arith.constant 0 : i32
      %dma_start3A_16 = arith.constant 0 : i32
      %dma_start3A_17 = arith.constant 0 : i32
      %dma_start3A_18 = tpu.memref_slice %arg3[%arg0, %dma_start3A, %dma_start3A_15, %dma_start3A_16, %dma_start3A_17] : memref<2x2x16x79x128xi32, #tpu.memory_space<hbm>> -> memref<1x2x16x79x128xi32, #tpu.memory_space<hbm>>
      %dma_start3A_19 = tpu.memref_squeeze %dma_start3A_18 : memref<1x2x16x79x128xi32, #tpu.memory_space<hbm>> -> memref<2x16x79x128xi32, #tpu.memory_space<hbm>>
      %dma_start3A_20 = arith.constant 0 : i32
      %dma_start3A_21 = arith.constant 0 : i32
      %dma_start3A_22 = arith.constant 0 : i32
      %dma_start3A_23 = tpu.memref_slice %dma_start3A_19[%run_scoped3A, %dma_start3A_20, %dma_start3A_21, %dma_start3A_22] : memref<2x16x79x128xi32, #tpu.memory_space<hbm>> -> memref<1x16x79x128xi32, #tpu.memory_space<hbm>>
      %dma_start3A_24 = tpu.memref_squeeze %dma_start3A_23 : memref<1x16x79x128xi32, #tpu.memory_space<hbm>> -> memref<16x79x128xi32, #tpu.memory_space<hbm>>
      %dma_start3A_25 = arith.constant 0 : i32
      %dma_start3A_26 = arith.constant 0 : i32
      %dma_start3A_27 = tpu.memref_slice %dma_start3A_24[%arg1, %dma_start3A_25, %dma_start3A_26] : memref<16x79x128xi32, #tpu.memory_space<hbm>> -> memref<1x79x128xi32, #tpu.memory_space<hbm>>
      %dma_start3A_28 = tpu.memref_squeeze %dma_start3A_27 : memref<1x79x128xi32, #tpu.memory_space<hbm>> -> memref<79x128xi32, #tpu.memory_space<hbm>>
      %dma_start3A_29 = arith.constant 0 : i32
      %dma_start3A_30 = arith.constant 0 : i32
      %dma_start3A_31 = arith.constant 0 : i32
      %dma_start3A_32 = arith.constant 0 : i32
      %dma_start3A_33 = tpu.memref_slice %arg3[%arg0, %dma_start3A_29, %dma_start3A_30, %dma_start3A_31, %dma_start3A_32] : memref<2x2x16x79x128xi32, #tpu.memory_space<hbm>> -> memref<1x2x16x79x128xi32, #tpu.memory_space<hbm>>
      %dma_start3A_34 = tpu.memref_squeeze %dma_start3A_33 : memref<1x2x16x79x128xi32, #tpu.memory_space<hbm>> -> memref<2x16x79x128xi32, #tpu.memory_space<hbm>>
      %dma_start3A_35 = arith.constant 0 : i32
      %dma_start3A_36 = arith.constant 0 : i32
      %dma_start3A_37 = arith.constant 0 : i32
      %dma_start3A_38 = tpu.memref_slice %dma_start3A_34[%run_scoped3A, %dma_start3A_35, %dma_start3A_36, %dma_start3A_37] : memref<2x16x79x128xi32, #tpu.memory_space<hbm>> -> memref<1x16x79x128xi32, #tpu.memory_space<hbm>>
      %dma_start3A_39 = tpu.memref_squeeze %dma_start3A_38 : memref<1x16x79x128xi32, #tpu.memory_space<hbm>> -> memref<16x79x128xi32, #tpu.memory_space<hbm>>
      %dma_start3A_40 = arith.constant 0 : i32
      %dma_start3A_41 = arith.constant 0 : i32
      %dma_start3A_42 = tpu.memref_slice %dma_start3A_39[%arg1, %dma_start3A_40, %dma_start3A_41] : memref<16x79x128xi32, #tpu.memory_space<hbm>> -> memref<1x79x128xi32, #tpu.memory_space<hbm>>
      %dma_start3A_43 = tpu.memref_squeeze %dma_start3A_42 : memref<1x79x128xi32, #tpu.memory_space<hbm>> -> memref<79x128xi32, #tpu.memory_space<hbm>>
      tpu.enqueue_dma source(%dma_start3A_43 : memref<79x128xi32, #tpu.memory_space<hbm>>) target(%arg7 : memref<79x128xi32, #tpu.memory_space<vmem>>) target_semaphore(%run_scoped3A_14 : memref<!tpu.dma_semaphore, #tpu.memory_space<semaphore_mem>>)
      %dma_wait3A = arith.constant 0 : i32
      %dma_wait3A_44 = arith.constant 0 : i32
      %dma_wait3A_45 = arith.constant 0 : i32
      %dma_wait3A_46 = arith.constant 0 : i32
      %dma_wait3A_47 = tpu.memref_slice %arg3[%arg0, %dma_wait3A, %dma_wait3A_44, %dma_wait3A_45, %dma_wait3A_46] : memref<2x2x16x79x128xi32, #tpu.memory_space<hbm>> -> memref<1x2x16x79x128xi32, #tpu.memory_space<hbm>>
      %dma_wait3A_48 = tpu.memref_squeeze %dma_wait3A_47 : memref<1x2x16x79x128xi32, #tpu.memory_space<hbm>> -> memref<2x16x79x128xi32, #tpu.memory_space<hbm>>
      %dma_wait3A_49 = arith.constant 0 : i32
      %dma_wait3A_50 = arith.constant 0 : i32
      %dma_wait3A_51 = arith.constant 0 : i32
      %dma_wait3A_52 = tpu.memref_slice %dma_wait3A_48[%run_scoped3A, %dma_wait3A_49, %dma_wait3A_50, %dma_wait3A_51] : memref<2x16x79x128xi32, #tpu.memory_space<hbm>> -> memref<1x16x79x128xi32, #tpu.memory_space<hbm>>
      %dma_wait3A_53 = tpu.memref_squeeze %dma_wait3A_52 : memref<1x16x79x128xi32, #tpu.memory_space<hbm>> -> memref<16x79x128xi32, #tpu.memory_space<hbm>>
      %dma_wait3A_54 = arith.constant 0 : i32
      %dma_wait3A_55 = arith.constant 0 : i32
      %dma_wait3A_56 = tpu.memref_slice %dma_wait3A_53[%arg1, %dma_wait3A_54, %dma_wait3A_55] : memref<16x79x128xi32, #tpu.memory_space<hbm>> -> memref<1x79x128xi32, #tpu.memory_space<hbm>>
      %dma_wait3A_57 = tpu.memref_squeeze %dma_wait3A_56 : memref<1x79x128xi32, #tpu.memory_space<hbm>> -> memref<79x128xi32, #tpu.memory_space<hbm>>
      %dma_wait3A_58 = arith.constant 0 : i32
      %dma_wait3A_59 = arith.constant 0 : i32
      %dma_wait3A_60 = arith.constant 0 : i32
      %dma_wait3A_61 = arith.constant 0 : i32
      %dma_wait3A_62 = tpu.memref_slice %arg3[%arg0, %dma_wait3A_58, %dma_wait3A_59, %dma_wait3A_60, %dma_wait3A_61] : memref<2x2x16x79x128xi32, #tpu.memory_space<hbm>> -> memref<1x2x16x79x128xi32, #tpu.memory_space<hbm>>
      %dma_wait3A_63 = tpu.memref_squeeze %dma_wait3A_62 : memref<1x2x16x79x128xi32, #tpu.memory_space<hbm>> -> memref<2x16x79x128xi32, #tpu.memory_space<hbm>>
      %dma_wait3A_64 = arith.constant 0 : i32
      %dma_wait3A_65 = arith.constant 0 : i32
      %dma_wait3A_66 = arith.constant 0 : i32
      %dma_wait3A_67 = tpu.memref_slice %dma_wait3A_63[%run_scoped3A, %dma_wait3A_64, %dma_wait3A_65, %dma_wait3A_66] : memref<2x16x79x128xi32, #tpu.memory_space<hbm>> -> memref<1x16x79x128xi32, #tpu.memory_space<hbm>>
      %dma_wait3A_68 = tpu.memref_squeeze %dma_wait3A_67 : memref<1x16x79x128xi32, #tpu.memory_space<hbm>> -> memref<16x79x128xi32, #tpu.memory_space<hbm>>
      %dma_wait3A_69 = arith.constant 0 : i32
      %dma_wait3A_70 = arith.constant 0 : i32
      %dma_wait3A_71 = tpu.memref_slice %dma_wait3A_68[%arg1, %dma_wait3A_69, %dma_wait3A_70] : memref<16x79x128xi32, #tpu.memory_space<hbm>> -> memref<1x79x128xi32, #tpu.memory_space<hbm>>
      %dma_wait3A_72 = tpu.memref_squeeze %dma_wait3A_71 : memref<1x79x128xi32, #tpu.memory_space<hbm>> -> memref<79x128xi32, #tpu.memory_space<hbm>>
      tpu.wait_dma2 semaphore(%run_scoped3A_14 : memref<!tpu.dma_semaphore, #tpu.memory_space<semaphore_mem>>) src(%dma_wait3A_72 : memref<79x128xi32, #tpu.memory_space<hbm>>) dst(%arg7 : memref<79x128xi32, #tpu.memory_space<vmem>>)
      tpu.yield
    }) : () -> ()
    %run_scoped3A_1 = arith.constant 0 : i32
    "tpu.region"() ({
      %run_scoped3A_14 = tpu.sem_alloc : memref<!tpu.dma_semaphore, #tpu.memory_space<semaphore_mem>>
      %dma_start3A = arith.constant 0 : i32
      %dma_start3A_15 = arith.constant 0 : i32
      %dma_start3A_16 = arith.constant 0 : i32
      %dma_start3A_17 = arith.constant 0 : i32
      %dma_start3A_18 = tpu.memref_slice %arg4[%arg0, %dma_start3A, %dma_start3A_15, %dma_start3A_16, %dma_start3A_17] : memref<2x2x16x79x128xi32, #tpu.memory_space<hbm>> -> memref<1x2x16x79x128xi32, #tpu.memory_space<hbm>>
      %dma_start3A_19 = tpu.memref_squeeze %dma_start3A_18 : memref<1x2x16x79x128xi32, #tpu.memory_space<hbm>> -> memref<2x16x79x128xi32, #tpu.memory_space<hbm>>
      %dma_start3A_20 = arith.constant 0 : i32
      %dma_start3A_21 = arith.constant 0 : i32
      %dma_start3A_22 = arith.constant 0 : i32
      %dma_start3A_23 = tpu.memref_slice %dma_start3A_19[%run_scoped3A_1, %dma_start3A_20, %dma_start3A_21, %dma_start3A_22] : memref<2x16x79x128xi32, #tpu.memory_space<hbm>> -> memref<1x16x79x128xi32, #tpu.memory_space<hbm>>
      %dma_start3A_24 = tpu.memref_squeeze %dma_start3A_23 : memref<1x16x79x128xi32, #tpu.memory_space<hbm>> -> memref<16x79x128xi32, #tpu.memory_space<hbm>>
      %dma_start3A_25 = arith.constant 0 : i32
      %dma_start3A_26 = arith.constant 0 : i32
      %dma_start3A_27 = tpu.memref_slice %dma_start3A_24[%arg1, %dma_start3A_25, %dma_start3A_26] : memref<16x79x128xi32, #tpu.memory_space<hbm>> -> memref<1x79x128xi32, #tpu.memory_space<hbm>>
      %dma_start3A_28 = tpu.memref_squeeze %dma_start3A_27 : memref<1x79x128xi32, #tpu.memory_space<hbm>> -> memref<79x128xi32, #tpu.memory_space<hbm>>
      %dma_start3A_29 = arith.constant 0 : i32
      %dma_start3A_30 = arith.constant 0 : i32
      %dma_start3A_31 = arith.constant 0 : i32
      %dma_start3A_32 = arith.constant 0 : i32
      %dma_start3A_33 = tpu.memref_slice %arg4[%arg0, %dma_start3A_29, %dma_start3A_30, %dma_start3A_31, %dma_start3A_32] : memref<2x2x16x79x128xi32, #tpu.memory_space<hbm>> -> memref<1x2x16x79x128xi32, #tpu.memory_space<hbm>>
      %dma_start3A_34 = tpu.memref_squeeze %dma_start3A_33 : memref<1x2x16x79x128xi32, #tpu.memory_space<hbm>> -> memref<2x16x79x128xi32, #tpu.memory_space<hbm>>
      %dma_start3A_35 = arith.constant 0 : i32
      %dma_start3A_36 = arith.constant 0 : i32
      %dma_start3A_37 = arith.constant 0 : i32
      %dma_start3A_38 = tpu.memref_slice %dma_start3A_34[%run_scoped3A_1, %dma_start3A_35, %dma_start3A_36, %dma_start3A_37] : memref<2x16x79x128xi32, #tpu.memory_space<hbm>> -> memref<1x16x79x128xi32, #tpu.memory_space<hbm>>
      %dma_start3A_39 = tpu.memref_squeeze %dma_start3A_38 : memref<1x16x79x128xi32, #tpu.memory_space<hbm>> -> memref<16x79x128xi32, #tpu.memory_space<hbm>>
      %dma_start3A_40 = arith.constant 0 : i32
      %dma_start3A_41 = arith.constant 0 : i32
      %dma_start3A_42 = tpu.memref_slice %dma_start3A_39[%arg1, %dma_start3A_40, %dma_start3A_41] : memref<16x79x128xi32, #tpu.memory_space<hbm>> -> memref<1x79x128xi32, #tpu.memory_space<hbm>>
      %dma_start3A_43 = tpu.memref_squeeze %dma_start3A_42 : memref<1x79x128xi32, #tpu.memory_space<hbm>> -> memref<79x128xi32, #tpu.memory_space<hbm>>
      tpu.enqueue_dma source(%dma_start3A_43 : memref<79x128xi32, #tpu.memory_space<hbm>>) target(%arg8 : memref<79x128xi32, #tpu.memory_space<vmem>>) target_semaphore(%run_scoped3A_14 : memref<!tpu.dma_semaphore, #tpu.memory_space<semaphore_mem>>)
      %dma_wait3A = arith.constant 0 : i32
      %dma_wait3A_44 = arith.constant 0 : i32
      %dma_wait3A_45 = arith.constant 0 : i32
      %dma_wait3A_46 = arith.constant 0 : i32
      %dma_wait3A_47 = tpu.memref_slice %arg4[%arg0, %dma_wait3A, %dma_wait3A_44, %dma_wait3A_45, %dma_wait3A_46] : memref<2x2x16x79x128xi32, #tpu.memory_space<hbm>> -> memref<1x2x16x79x128xi32, #tpu.memory_space<hbm>>
      %dma_wait3A_48 = tpu.memref_squeeze %dma_wait3A_47 : memref<1x2x16x79x128xi32, #tpu.memory_space<hbm>> -> memref<2x16x79x128xi32, #tpu.memory_space<hbm>>
      %dma_wait3A_49 = arith.constant 0 : i32
      %dma_wait3A_50 = arith.constant 0 : i32
      %dma_wait3A_51 = arith.constant 0 : i32
      %dma_wait3A_52 = tpu.memref_slice %dma_wait3A_48[%run_scoped3A_1, %dma_wait3A_49, %dma_wait3A_50, %dma_wait3A_51] : memref<2x16x79x128xi32, #tpu.memory_space<hbm>> -> memref<1x16x79x128xi32, #tpu.memory_space<hbm>>
      %dma_wait3A_53 = tpu.memref_squeeze %dma_wait3A_52 : memref<1x16x79x128xi32, #tpu.memory_space<hbm>> -> memref<16x79x128xi32, #tpu.memory_space<hbm>>
      %dma_wait3A_54 = arith.constant 0 : i32
      %dma_wait3A_55 = arith.constant 0 : i32
      %dma_wait3A_56 = tpu.memref_slice %dma_wait3A_53[%arg1, %dma_wait3A_54, %dma_wait3A_55] : memref<16x79x128xi32, #tpu.memory_space<hbm>> -> memref<1x79x128xi32, #tpu.memory_space<hbm>>
      %dma_wait3A_57 = tpu.memref_squeeze %dma_wait3A_56 : memref<1x79x128xi32, #tpu.memory_space<hbm>> -> memref<79x128xi32, #tpu.memory_space<hbm>>
      %dma_wait3A_58 = arith.constant 0 : i32
      %dma_wait3A_59 = arith.constant 0 : i32
      %dma_wait3A_60 = arith.constant 0 : i32
      %dma_wait3A_61 = arith.constant 0 : i32
      %dma_wait3A_62 = tpu.memref_slice %arg4[%arg0, %dma_wait3A_58, %dma_wait3A_59, %dma_wait3A_60, %dma_wait3A_61] : memref<2x2x16x79x128xi32, #tpu.memory_space<hbm>> -> memref<1x2x16x79x128xi32, #tpu.memory_space<hbm>>
      %dma_wait3A_63 = tpu.memref_squeeze %dma_wait3A_62 : memref<1x2x16x79x128xi32, #tpu.memory_space<hbm>> -> memref<2x16x79x128xi32, #tpu.memory_space<hbm>>
      %dma_wait3A_64 = arith.constant 0 : i32
      %dma_wait3A_65 = arith.constant 0 : i32
      %dma_wait3A_66 = arith.constant 0 : i32
      %dma_wait3A_67 = tpu.memref_slice %dma_wait3A_63[%run_scoped3A_1, %dma_wait3A_64, %dma_wait3A_65, %dma_wait3A_66] : memref<2x16x79x128xi32, #tpu.memory_space<hbm>> -> memref<1x16x79x128xi32, #tpu.memory_space<hbm>>
      %dma_wait3A_68 = tpu.memref_squeeze %dma_wait3A_67 : memref<1x16x79x128xi32, #tpu.memory_space<hbm>> -> memref<16x79x128xi32, #tpu.memory_space<hbm>>
      %dma_wait3A_69 = arith.constant 0 : i32
      %dma_wait3A_70 = arith.constant 0 : i32
      %dma_wait3A_71 = tpu.memref_slice %dma_wait3A_68[%arg1, %dma_wait3A_69, %dma_wait3A_70] : memref<16x79x128xi32, #tpu.memory_space<hbm>> -> memref<1x79x128xi32, #tpu.memory_space<hbm>>
      %dma_wait3A_72 = tpu.memref_squeeze %dma_wait3A_71 : memref<1x79x128xi32, #tpu.memory_space<hbm>> -> memref<79x128xi32, #tpu.memory_space<hbm>>
      tpu.wait_dma2 semaphore(%run_scoped3A_14 : memref<!tpu.dma_semaphore, #tpu.memory_space<semaphore_mem>>) src(%dma_wait3A_72 : memref<79x128xi32, #tpu.memory_space<hbm>>) dst(%arg8 : memref<79x128xi32, #tpu.memory_space<vmem>>)
      tpu.yield
    }) : () -> ()
    %scan3A = arith.constant 0 : i32
    %scan3A_2 = arith.constant 79 : i32
    %scan3A_3 = arith.addi %scan3A, %scan3A_2 : i32
    %scan3A_4 = arith.constant 1 : i32
    scf.for %scan3A_14 = %scan3A to %scan3A_3 step %scan3A_4  : i32 {
      %mul3A_15 = arith.constant 1 : i32
      %mul3A_16 = arith.muli %scan3A_14, %mul3A_15 : i32
      %add3A = arith.constant 0 : i32
      %add3A_17 = arith.addi %add3A, %mul3A_16 : i32
      "tpu.region"() ({
        %run_scoped3A_18 = tpu.sem_alloc : memref<!tpu.dma_semaphore, #tpu.memory_space<semaphore_mem>>
        %dma_start3A = arith.constant 0 : i32
        %dma_start3A_19 = tpu.memref_slice %arg7[%add3A_17, %dma_start3A] : memref<79x128xi32, #tpu.memory_space<vmem>> -> memref<1x128xi32, #tpu.memory_space<vmem>>
        %dma_start3A_20 = tpu.memref_squeeze %dma_start3A_19 : memref<1x128xi32, #tpu.memory_space<vmem>> -> memref<128xi32, #tpu.memory_space<vmem>>
        %dma_start3A_21 = arith.constant 0 : i32
        %dma_start3A_22 = arith.constant 0 : i32
        %dma_start3A_23 = tpu.memref_slice %arg2[%dma_start3A_21, %dma_start3A_22] : memref<20224x128xf32, #tpu.memory_space<hbm>> -> memref<20224x128xf32, #tpu.memory_space<hbm>>
        tpu.enqueue_indirect_dma source(%dma_start3A_23 : memref<20224x128xf32, #tpu.memory_space<hbm>>) target(%arg9 : memref<128x128xf32, #tpu.memory_space<vmem>>) offsets(%dma_start3A_20 : memref<128xi32, #tpu.memory_space<vmem>>) semaphore(%run_scoped3A_18 : memref<!tpu.dma_semaphore, #tpu.memory_space<semaphore_mem>>)
        %dma_wait3A = arith.constant 0 : i32
        %dma_wait3A_24 = tpu.memref_slice %arg7[%add3A_17, %dma_wait3A] : memref<79x128xi32, #tpu.memory_space<vmem>> -> memref<1x128xi32, #tpu.memory_space<vmem>>
        %dma_wait3A_25 = tpu.memref_squeeze %dma_wait3A_24 : memref<1x128xi32, #tpu.memory_space<vmem>> -> memref<128xi32, #tpu.memory_space<vmem>>
        %dma_wait3A_26 = arith.constant 0 : i32
        %dma_wait3A_27 = arith.constant 0 : i32
        %dma_wait3A_28 = tpu.memref_slice %arg2[%dma_wait3A_26, %dma_wait3A_27] : memref<20224x128xf32, #tpu.memory_space<hbm>> -> memref<20224x128xf32, #tpu.memory_space<hbm>>
        tpu.wait_indirect_dma semaphore(%run_scoped3A_18 : memref<!tpu.dma_semaphore, #tpu.memory_space<semaphore_mem>>) src(%dma_wait3A_28 : memref<20224x128xf32, #tpu.memory_space<hbm>>) dst(%arg9 : memref<128x128xf32, #tpu.memory_space<vmem>>)
        tpu.yield
      }) : () -> ()
      "tpu.region"() ({
        %run_scoped3A_18 = tpu.sem_alloc : memref<!tpu.dma_semaphore, #tpu.memory_space<semaphore_mem>>
        %dma_start3A = arith.constant 0 : i32
        %dma_start3A_19 = tpu.memref_slice %arg8[%add3A_17, %dma_start3A] : memref<79x128xi32, #tpu.memory_space<vmem>> -> memref<1x128xi32, #tpu.memory_space<vmem>>
        %dma_start3A_20 = tpu.memref_squeeze %dma_start3A_19 : memref<1x128xi32, #tpu.memory_space<vmem>> -> memref<128xi32, #tpu.memory_space<vmem>>
        %dma_start3A_21 = arith.constant 0 : i32
        %dma_start3A_22 = arith.constant 0 : i32
        %dma_start3A_23 = tpu.memref_slice %arg10[%dma_start3A_21, %dma_start3A_22] : memref<10112x128xf32, #tpu.memory_space<vmem_shared>> -> memref<10112x128xf32, #tpu.memory_space<vmem_shared>>
        tpu.enqueue_indirect_dma source(%arg9 : memref<128x128xf32, #tpu.memory_space<vmem>>) target(%dma_start3A_23 : memref<10112x128xf32, #tpu.memory_space<vmem_shared>>) offsets(%dma_start3A_20 : memref<128xi32, #tpu.memory_space<vmem>>) semaphore(%run_scoped3A_18 : memref<!tpu.dma_semaphore, #tpu.memory_space<semaphore_mem>>) {add = true}
        %dma_wait3A = arith.constant 0 : i32
        %dma_wait3A_24 = tpu.memref_slice %arg8[%add3A_17, %dma_wait3A] : memref<79x128xi32, #tpu.memory_space<vmem>> -> memref<1x128xi32, #tpu.memory_space<vmem>>
        %dma_wait3A_25 = tpu.memref_squeeze %dma_wait3A_24 : memref<1x128xi32, #tpu.memory_space<vmem>> -> memref<128xi32, #tpu.memory_space<vmem>>
        %dma_wait3A_26 = arith.constant 0 : i32
        %dma_wait3A_27 = arith.constant 0 : i32
        %dma_wait3A_28 = tpu.memref_slice %arg10[%dma_wait3A_26, %dma_wait3A_27] : memref<10112x128xf32, #tpu.memory_space<vmem_shared>> -> memref<10112x128xf32, #tpu.memory_space<vmem_shared>>
        tpu.wait_indirect_dma semaphore(%run_scoped3A_18 : memref<!tpu.dma_semaphore, #tpu.memory_space<semaphore_mem>>) src(%arg9 : memref<128x128xf32, #tpu.memory_space<vmem>>) dst(%dma_wait3A_28 : memref<10112x128xf32, #tpu.memory_space<vmem_shared>>)
        tpu.yield
      }) : () -> ()
    }
    %scan3A_5 = arith.constant 79 : i32
    %run_scoped3A_6 = arith.constant 1 : i32
    "tpu.region"() ({
      %run_scoped3A_14 = tpu.sem_alloc : memref<!tpu.dma_semaphore, #tpu.memory_space<semaphore_mem>>
      %dma_start3A = arith.constant 0 : i32
      %dma_start3A_15 = arith.constant 0 : i32
      %dma_start3A_16 = arith.constant 0 : i32
      %dma_start3A_17 = arith.constant 0 : i32
      %dma_start3A_18 = tpu.memref_slice %arg3[%arg0, %dma_start3A, %dma_start3A_15, %dma_start3A_16, %dma_start3A_17] : memref<2x2x16x79x128xi32, #tpu.memory_space<hbm>> -> memref<1x2x16x79x128xi32, #tpu.memory_space<hbm>>
      %dma_start3A_19 = tpu.memref_squeeze %dma_start3A_18 : memref<1x2x16x79x128xi32, #tpu.memory_space<hbm>> -> memref<2x16x79x128xi32, #tpu.memory_space<hbm>>
      %dma_start3A_20 = arith.constant 0 : i32
      %dma_start3A_21 = arith.constant 0 : i32
      %dma_start3A_22 = arith.constant 0 : i32
      %dma_start3A_23 = tpu.memref_slice %dma_start3A_19[%run_scoped3A_6, %dma_start3A_20, %dma_start3A_21, %dma_start3A_22] : memref<2x16x79x128xi32, #tpu.memory_space<hbm>> -> memref<1x16x79x128xi32, #tpu.memory_space<hbm>>
      %dma_start3A_24 = tpu.memref_squeeze %dma_start3A_23 : memref<1x16x79x128xi32, #tpu.memory_space<hbm>> -> memref<16x79x128xi32, #tpu.memory_space<hbm>>
      %dma_start3A_25 = arith.constant 0 : i32
      %dma_start3A_26 = arith.constant 0 : i32
      %dma_start3A_27 = tpu.memref_slice %dma_start3A_24[%arg1, %dma_start3A_25, %dma_start3A_26] : memref<16x79x128xi32, #tpu.memory_space<hbm>> -> memref<1x79x128xi32, #tpu.memory_space<hbm>>
      %dma_start3A_28 = tpu.memref_squeeze %dma_start3A_27 : memref<1x79x128xi32, #tpu.memory_space<hbm>> -> memref<79x128xi32, #tpu.memory_space<hbm>>
      %dma_start3A_29 = arith.constant 0 : i32
      %dma_start3A_30 = arith.constant 0 : i32
      %dma_start3A_31 = arith.constant 0 : i32
      %dma_start3A_32 = arith.constant 0 : i32
      %dma_start3A_33 = tpu.memref_slice %arg3[%arg0, %dma_start3A_29, %dma_start3A_30, %dma_start3A_31, %dma_start3A_32] : memref<2x2x16x79x128xi32, #tpu.memory_space<hbm>> -> memref<1x2x16x79x128xi32, #tpu.memory_space<hbm>>
      %dma_start3A_34 = tpu.memref_squeeze %dma_start3A_33 : memref<1x2x16x79x128xi32, #tpu.memory_space<hbm>> -> memref<2x16x79x128xi32, #tpu.memory_space<hbm>>
      %dma_start3A_35 = arith.constant 0 : i32
      %dma_start3A_36 = arith.constant 0 : i32
      %dma_start3A_37 = arith.constant 0 : i32
      %dma_start3A_38 = tpu.memref_slice %dma_start3A_34[%run_scoped3A_6, %dma_start3A_35, %dma_start3A_36, %dma_start3A_37] : memref<2x16x79x128xi32, #tpu.memory_space<hbm>> -> memref<1x16x79x128xi32, #tpu.memory_space<hbm>>
      %dma_start3A_39 = tpu.memref_squeeze %dma_start3A_38 : memref<1x16x79x128xi32, #tpu.memory_space<hbm>> -> memref<16x79x128xi32, #tpu.memory_space<hbm>>
      %dma_start3A_40 = arith.constant 0 : i32
      %dma_start3A_41 = arith.constant 0 : i32
      %dma_start3A_42 = tpu.memref_slice %dma_start3A_39[%arg1, %dma_start3A_40, %dma_start3A_41] : memref<16x79x128xi32, #tpu.memory_space<hbm>> -> memref<1x79x128xi32, #tpu.memory_space<hbm>>
      %dma_start3A_43 = tpu.memref_squeeze %dma_start3A_42 : memref<1x79x128xi32, #tpu.memory_space<hbm>> -> memref<79x128xi32, #tpu.memory_space<hbm>>
      tpu.enqueue_dma source(%dma_start3A_43 : memref<79x128xi32, #tpu.memory_space<hbm>>) target(%arg7 : memref<79x128xi32, #tpu.memory_space<vmem>>) target_semaphore(%run_scoped3A_14 : memref<!tpu.dma_semaphore, #tpu.memory_space<semaphore_mem>>)
      %dma_wait3A = arith.constant 0 : i32
      %dma_wait3A_44 = arith.constant 0 : i32
      %dma_wait3A_45 = arith.constant 0 : i32
      %dma_wait3A_46 = arith.constant 0 : i32
      %dma_wait3A_47 = tpu.memref_slice %arg3[%arg0, %dma_wait3A, %dma_wait3A_44, %dma_wait3A_45, %dma_wait3A_46] : memref<2x2x16x79x128xi32, #tpu.memory_space<hbm>> -> memref<1x2x16x79x128xi32, #tpu.memory_space<hbm>>
      %dma_wait3A_48 = tpu.memref_squeeze %dma_wait3A_47 : memref<1x2x16x79x128xi32, #tpu.memory_space<hbm>> -> memref<2x16x79x128xi32, #tpu.memory_space<hbm>>
      %dma_wait3A_49 = arith.constant 0 : i32
      %dma_wait3A_50 = arith.constant 0 : i32
      %dma_wait3A_51 = arith.constant 0 : i32
      %dma_wait3A_52 = tpu.memref_slice %dma_wait3A_48[%run_scoped3A_6, %dma_wait3A_49, %dma_wait3A_50, %dma_wait3A_51] : memref<2x16x79x128xi32, #tpu.memory_space<hbm>> -> memref<1x16x79x128xi32, #tpu.memory_space<hbm>>
      %dma_wait3A_53 = tpu.memref_squeeze %dma_wait3A_52 : memref<1x16x79x128xi32, #tpu.memory_space<hbm>> -> memref<16x79x128xi32, #tpu.memory_space<hbm>>
      %dma_wait3A_54 = arith.constant 0 : i32
      %dma_wait3A_55 = arith.constant 0 : i32
      %dma_wait3A_56 = tpu.memref_slice %dma_wait3A_53[%arg1, %dma_wait3A_54, %dma_wait3A_55] : memref<16x79x128xi32, #tpu.memory_space<hbm>> -> memref<1x79x128xi32, #tpu.memory_space<hbm>>
      %dma_wait3A_57 = tpu.memref_squeeze %dma_wait3A_56 : memref<1x79x128xi32, #tpu.memory_space<hbm>> -> memref<79x128xi32, #tpu.memory_space<hbm>>
      %dma_wait3A_58 = arith.constant 0 : i32
      %dma_wait3A_59 = arith.constant 0 : i32
      %dma_wait3A_60 = arith.constant 0 : i32
      %dma_wait3A_61 = arith.constant 0 : i32
      %dma_wait3A_62 = tpu.memref_slice %arg3[%arg0, %dma_wait3A_58, %dma_wait3A_59, %dma_wait3A_60, %dma_wait3A_61] : memref<2x2x16x79x128xi32, #tpu.memory_space<hbm>> -> memref<1x2x16x79x128xi32, #tpu.memory_space<hbm>>
      %dma_wait3A_63 = tpu.memref_squeeze %dma_wait3A_62 : memref<1x2x16x79x128xi32, #tpu.memory_space<hbm>> -> memref<2x16x79x128xi32, #tpu.memory_space<hbm>>
      %dma_wait3A_64 = arith.constant 0 : i32
      %dma_wait3A_65 = arith.constant 0 : i32
      %dma_wait3A_66 = arith.constant 0 : i32
      %dma_wait3A_67 = tpu.memref_slice %dma_wait3A_63[%run_scoped3A_6, %dma_wait3A_64, %dma_wait3A_65, %dma_wait3A_66] : memref<2x16x79x128xi32, #tpu.memory_space<hbm>> -> memref<1x16x79x128xi32, #tpu.memory_space<hbm>>
      %dma_wait3A_68 = tpu.memref_squeeze %dma_wait3A_67 : memref<1x16x79x128xi32, #tpu.memory_space<hbm>> -> memref<16x79x128xi32, #tpu.memory_space<hbm>>
      %dma_wait3A_69 = arith.constant 0 : i32
      %dma_wait3A_70 = arith.constant 0 : i32
      %dma_wait3A_71 = tpu.memref_slice %dma_wait3A_68[%arg1, %dma_wait3A_69, %dma_wait3A_70] : memref<16x79x128xi32, #tpu.memory_space<hbm>> -> memref<1x79x128xi32, #tpu.memory_space<hbm>>
      %dma_wait3A_72 = tpu.memref_squeeze %dma_wait3A_71 : memref<1x79x128xi32, #tpu.memory_space<hbm>> -> memref<79x128xi32, #tpu.memory_space<hbm>>
      tpu.wait_dma2 semaphore(%run_scoped3A_14 : memref<!tpu.dma_semaphore, #tpu.memory_space<semaphore_mem>>) src(%dma_wait3A_72 : memref<79x128xi32, #tpu.memory_space<hbm>>) dst(%arg7 : memref<79x128xi32, #tpu.memory_space<vmem>>)
      tpu.yield
    }) : () -> ()
    %run_scoped3A_7 = arith.constant 1 : i32
    "tpu.region"() ({
      %run_scoped3A_14 = tpu.sem_alloc : memref<!tpu.dma_semaphore, #tpu.memory_space<semaphore_mem>>
      %dma_start3A = arith.constant 0 : i32
      %dma_start3A_15 = arith.constant 0 : i32
      %dma_start3A_16 = arith.constant 0 : i32
      %dma_start3A_17 = arith.constant 0 : i32
      %dma_start3A_18 = tpu.memref_slice %arg4[%arg0, %dma_start3A, %dma_start3A_15, %dma_start3A_16, %dma_start3A_17] : memref<2x2x16x79x128xi32, #tpu.memory_space<hbm>> -> memref<1x2x16x79x128xi32, #tpu.memory_space<hbm>>
      %dma_start3A_19 = tpu.memref_squeeze %dma_start3A_18 : memref<1x2x16x79x128xi32, #tpu.memory_space<hbm>> -> memref<2x16x79x128xi32, #tpu.memory_space<hbm>>
      %dma_start3A_20 = arith.constant 0 : i32
      %dma_start3A_21 = arith.constant 0 : i32
      %dma_start3A_22 = arith.constant 0 : i32
      %dma_start3A_23 = tpu.memref_slice %dma_start3A_19[%run_scoped3A_7, %dma_start3A_20, %dma_start3A_21, %dma_start3A_22] : memref<2x16x79x128xi32, #tpu.memory_space<hbm>> -> memref<1x16x79x128xi32, #tpu.memory_space<hbm>>
      %dma_start3A_24 = tpu.memref_squeeze %dma_start3A_23 : memref<1x16x79x128xi32, #tpu.memory_space<hbm>> -> memref<16x79x128xi32, #tpu.memory_space<hbm>>
      %dma_start3A_25 = arith.constant 0 : i32
      %dma_start3A_26 = arith.constant 0 : i32
      %dma_start3A_27 = tpu.memref_slice %dma_start3A_24[%arg1, %dma_start3A_25, %dma_start3A_26] : memref<16x79x128xi32, #tpu.memory_space<hbm>> -> memref<1x79x128xi32, #tpu.memory_space<hbm>>
      %dma_start3A_28 = tpu.memref_squeeze %dma_start3A_27 : memref<1x79x128xi32, #tpu.memory_space<hbm>> -> memref<79x128xi32, #tpu.memory_space<hbm>>
      %dma_start3A_29 = arith.constant 0 : i32
      %dma_start3A_30 = arith.constant 0 : i32
      %dma_start3A_31 = arith.constant 0 : i32
      %dma_start3A_32 = arith.constant 0 : i32
      %dma_start3A_33 = tpu.memref_slice %arg4[%arg0, %dma_start3A_29, %dma_start3A_30, %dma_start3A_31, %dma_start3A_32] : memref<2x2x16x79x128xi32, #tpu.memory_space<hbm>> -> memref<1x2x16x79x128xi32, #tpu.memory_space<hbm>>
      %dma_start3A_34 = tpu.memref_squeeze %dma_start3A_33 : memref<1x2x16x79x128xi32, #tpu.memory_space<hbm>> -> memref<2x16x79x128xi32, #tpu.memory_space<hbm>>
      %dma_start3A_35 = arith.constant 0 : i32
      %dma_start3A_36 = arith.constant 0 : i32
      %dma_start3A_37 = arith.constant 0 : i32
      %dma_start3A_38 = tpu.memref_slice %dma_start3A_34[%run_scoped3A_7, %dma_start3A_35, %dma_start3A_36, %dma_start3A_37] : memref<2x16x79x128xi32, #tpu.memory_space<hbm>> -> memref<1x16x79x128xi32, #tpu.memory_space<hbm>>
      %dma_start3A_39 = tpu.memref_squeeze %dma_start3A_38 : memref<1x16x79x128xi32, #tpu.memory_space<hbm>> -> memref<16x79x128xi32, #tpu.memory_space<hbm>>
      %dma_start3A_40 = arith.constant 0 : i32
      %dma_start3A_41 = arith.constant 0 : i32
      %dma_start3A_42 = tpu.memref_slice %dma_start3A_39[%arg1, %dma_start3A_40, %dma_start3A_41] : memref<16x79x128xi32, #tpu.memory_space<hbm>> -> memref<1x79x128xi32, #tpu.memory_space<hbm>>
      %dma_start3A_43 = tpu.memref_squeeze %dma_start3A_42 : memref<1x79x128xi32, #tpu.memory_space<hbm>> -> memref<79x128xi32, #tpu.memory_space<hbm>>
      tpu.enqueue_dma source(%dma_start3A_43 : memref<79x128xi32, #tpu.memory_space<hbm>>) target(%arg8 : memref<79x128xi32, #tpu.memory_space<vmem>>) target_semaphore(%run_scoped3A_14 : memref<!tpu.dma_semaphore, #tpu.memory_space<semaphore_mem>>)
      %dma_wait3A = arith.constant 0 : i32
      %dma_wait3A_44 = arith.constant 0 : i32
      %dma_wait3A_45 = arith.constant 0 : i32
      %dma_wait3A_46 = arith.constant 0 : i32
      %dma_wait3A_47 = tpu.memref_slice %arg4[%arg0, %dma_wait3A, %dma_wait3A_44, %dma_wait3A_45, %dma_wait3A_46] : memref<2x2x16x79x128xi32, #tpu.memory_space<hbm>> -> memref<1x2x16x79x128xi32, #tpu.memory_space<hbm>>
      %dma_wait3A_48 = tpu.memref_squeeze %dma_wait3A_47 : memref<1x2x16x79x128xi32, #tpu.memory_space<hbm>> -> memref<2x16x79x128xi32, #tpu.memory_space<hbm>>
      %dma_wait3A_49 = arith.constant 0 : i32
      %dma_wait3A_50 = arith.constant 0 : i32
      %dma_wait3A_51 = arith.constant 0 : i32
      %dma_wait3A_52 = tpu.memref_slice %dma_wait3A_48[%run_scoped3A_7, %dma_wait3A_49, %dma_wait3A_50, %dma_wait3A_51] : memref<2x16x79x128xi32, #tpu.memory_space<hbm>> -> memref<1x16x79x128xi32, #tpu.memory_space<hbm>>
      %dma_wait3A_53 = tpu.memref_squeeze %dma_wait3A_52 : memref<1x16x79x128xi32, #tpu.memory_space<hbm>> -> memref<16x79x128xi32, #tpu.memory_space<hbm>>
      %dma_wait3A_54 = arith.constant 0 : i32
      %dma_wait3A_55 = arith.constant 0 : i32
      %dma_wait3A_56 = tpu.memref_slice %dma_wait3A_53[%arg1, %dma_wait3A_54, %dma_wait3A_55] : memref<16x79x128xi32, #tpu.memory_space<hbm>> -> memref<1x79x128xi32, #tpu.memory_space<hbm>>
      %dma_wait3A_57 = tpu.memref_squeeze %dma_wait3A_56 : memref<1x79x128xi32, #tpu.memory_space<hbm>> -> memref<79x128xi32, #tpu.memory_space<hbm>>
      %dma_wait3A_58 = arith.constant 0 : i32
      %dma_wait3A_59 = arith.constant 0 : i32
      %dma_wait3A_60 = arith.constant 0 : i32
      %dma_wait3A_61 = arith.constant 0 : i32
      %dma_wait3A_62 = tpu.memref_slice %arg4[%arg0, %dma_wait3A_58, %dma_wait3A_59, %dma_wait3A_60, %dma_wait3A_61] : memref<2x2x16x79x128xi32, #tpu.memory_space<hbm>> -> memref<1x2x16x79x128xi32, #tpu.memory_space<hbm>>
      %dma_wait3A_63 = tpu.memref_squeeze %dma_wait3A_62 : memref<1x2x16x79x128xi32, #tpu.memory_space<hbm>> -> memref<2x16x79x128xi32, #tpu.memory_space<hbm>>
      %dma_wait3A_64 = arith.constant 0 : i32
      %dma_wait3A_65 = arith.constant 0 : i32
      %dma_wait3A_66 = arith.constant 0 : i32
      %dma_wait3A_67 = tpu.memref_slice %dma_wait3A_63[%run_scoped3A_7, %dma_wait3A_64, %dma_wait3A_65, %dma_wait3A_66] : memref<2x16x79x128xi32, #tpu.memory_space<hbm>> -> memref<1x16x79x128xi32, #tpu.memory_space<hbm>>
      %dma_wait3A_68 = tpu.memref_squeeze %dma_wait3A_67 : memref<1x16x79x128xi32, #tpu.memory_space<hbm>> -> memref<16x79x128xi32, #tpu.memory_space<hbm>>
      %dma_wait3A_69 = arith.constant 0 : i32
      %dma_wait3A_70 = arith.constant 0 : i32
      %dma_wait3A_71 = tpu.memref_slice %dma_wait3A_68[%arg1, %dma_wait3A_69, %dma_wait3A_70] : memref<16x79x128xi32, #tpu.memory_space<hbm>> -> memref<1x79x128xi32, #tpu.memory_space<hbm>>
      %dma_wait3A_72 = tpu.memref_squeeze %dma_wait3A_71 : memref<1x79x128xi32, #tpu.memory_space<hbm>> -> memref<79x128xi32, #tpu.memory_space<hbm>>
      tpu.wait_dma2 semaphore(%run_scoped3A_14 : memref<!tpu.dma_semaphore, #tpu.memory_space<semaphore_mem>>) src(%dma_wait3A_72 : memref<79x128xi32, #tpu.memory_space<hbm>>) dst(%arg8 : memref<79x128xi32, #tpu.memory_space<vmem>>)
      tpu.yield
    }) : () -> ()
    %scan3A_8 = arith.constant 0 : i32
    %scan3A_9 = arith.constant 79 : i32
    %scan3A_10 = arith.addi %scan3A_8, %scan3A_9 : i32
    %scan3A_11 = arith.constant 1 : i32
    scf.for %scan3A_14 = %scan3A_8 to %scan3A_10 step %scan3A_11  : i32 {
      %mul3A_15 = arith.constant 1 : i32
      %mul3A_16 = arith.muli %scan3A_14, %mul3A_15 : i32
      %add3A = arith.constant 0 : i32
      %add3A_17 = arith.addi %add3A, %mul3A_16 : i32
      "tpu.region"() ({
        %run_scoped3A_18 = tpu.sem_alloc : memref<!tpu.dma_semaphore, #tpu.memory_space<semaphore_mem>>
        %dma_start3A = arith.constant 0 : i32
        %dma_start3A_19 = tpu.memref_slice %arg7[%add3A_17, %dma_start3A] : memref<79x128xi32, #tpu.memory_space<vmem>> -> memref<1x128xi32, #tpu.memory_space<vmem>>
        %dma_start3A_20 = tpu.memref_squeeze %dma_start3A_19 : memref<1x128xi32, #tpu.memory_space<vmem>> -> memref<128xi32, #tpu.memory_space<vmem>>
        %dma_start3A_21 = arith.constant 0 : i32
        %dma_start3A_22 = arith.constant 0 : i32
        %dma_start3A_23 = tpu.memref_slice %arg2[%dma_start3A_21, %dma_start3A_22] : memref<20224x128xf32, #tpu.memory_space<hbm>> -> memref<20224x128xf32, #tpu.memory_space<hbm>>
        tpu.enqueue_indirect_dma source(%dma_start3A_23 : memref<20224x128xf32, #tpu.memory_space<hbm>>) target(%arg9 : memref<128x128xf32, #tpu.memory_space<vmem>>) offsets(%dma_start3A_20 : memref<128xi32, #tpu.memory_space<vmem>>) semaphore(%run_scoped3A_18 : memref<!tpu.dma_semaphore, #tpu.memory_space<semaphore_mem>>)
        %dma_wait3A = arith.constant 0 : i32
        %dma_wait3A_24 = tpu.memref_slice %arg7[%add3A_17, %dma_wait3A] : memref<79x128xi32, #tpu.memory_space<vmem>> -> memref<1x128xi32, #tpu.memory_space<vmem>>
        %dma_wait3A_25 = tpu.memref_squeeze %dma_wait3A_24 : memref<1x128xi32, #tpu.memory_space<vmem>> -> memref<128xi32, #tpu.memory_space<vmem>>
        %dma_wait3A_26 = arith.constant 0 : i32
        %dma_wait3A_27 = arith.constant 0 : i32
        %dma_wait3A_28 = tpu.memref_slice %arg2[%dma_wait3A_26, %dma_wait3A_27] : memref<20224x128xf32, #tpu.memory_space<hbm>> -> memref<20224x128xf32, #tpu.memory_space<hbm>>
        tpu.wait_indirect_dma semaphore(%run_scoped3A_18 : memref<!tpu.dma_semaphore, #tpu.memory_space<semaphore_mem>>) src(%dma_wait3A_28 : memref<20224x128xf32, #tpu.memory_space<hbm>>) dst(%arg9 : memref<128x128xf32, #tpu.memory_space<vmem>>)
        tpu.yield
      }) : () -> ()
      "tpu.region"() ({
        %run_scoped3A_18 = tpu.sem_alloc : memref<!tpu.dma_semaphore, #tpu.memory_space<semaphore_mem>>
        %dma_start3A = arith.constant 0 : i32
        %dma_start3A_19 = tpu.memref_slice %arg8[%add3A_17, %dma_start3A] : memref<79x128xi32, #tpu.memory_space<vmem>> -> memref<1x128xi32, #tpu.memory_space<vmem>>
        %dma_start3A_20 = tpu.memref_squeeze %dma_start3A_19 : memref<1x128xi32, #tpu.memory_space<vmem>> -> memref<128xi32, #tpu.memory_space<vmem>>
        %dma_start3A_21 = arith.constant 0 : i32
        %dma_start3A_22 = arith.constant 0 : i32
        %dma_start3A_23 = tpu.memref_slice %arg10[%dma_start3A_21, %dma_start3A_22] : memref<10112x128xf32, #tpu.memory_space<vmem_shared>> -> memref<10112x128xf32, #tpu.memory_space<vmem_shared>>
        tpu.enqueue_indirect_dma source(%arg9 : memref<128x128xf32, #tpu.memory_space<vmem>>) target(%dma_start3A_23 : memref<10112x128xf32, #tpu.memory_space<vmem_shared>>) offsets(%dma_start3A_20 : memref<128xi32, #tpu.memory_space<vmem>>) semaphore(%run_scoped3A_18 : memref<!tpu.dma_semaphore, #tpu.memory_space<semaphore_mem>>) {add = true}
        %dma_wait3A = arith.constant 0 : i32
        %dma_wait3A_24 = tpu.memref_slice %arg8[%add3A_17, %dma_wait3A] : memref<79x128xi32, #tpu.memory_space<vmem>> -> memref<1x128xi32, #tpu.memory_space<vmem>>
        %dma_wait3A_25 = tpu.memref_squeeze %dma_wait3A_24 : memref<1x128xi32, #tpu.memory_space<vmem>> -> memref<128xi32, #tpu.memory_space<vmem>>
        %dma_wait3A_26 = arith.constant 0 : i32
        %dma_wait3A_27 = arith.constant 0 : i32
        %dma_wait3A_28 = tpu.memref_slice %arg10[%dma_wait3A_26, %dma_wait3A_27] : memref<10112x128xf32, #tpu.memory_space<vmem_shared>> -> memref<10112x128xf32, #tpu.memory_space<vmem_shared>>
        tpu.wait_indirect_dma semaphore(%run_scoped3A_18 : memref<!tpu.dma_semaphore, #tpu.memory_space<semaphore_mem>>) src(%arg9 : memref<128x128xf32, #tpu.memory_space<vmem>>) dst(%dma_wait3A_28 : memref<10112x128xf32, #tpu.memory_space<vmem_shared>>)
        tpu.yield
      }) : () -> ()
    }
    %scan3A_12 = arith.constant 79 : i32
    %barrier3A_13 = arith.constant 0 : index
    tpu.barrier barrier_id(%barrier3A_13)
    "tpu.region"() ({
      %run_scoped3A_14 = tpu.sem_alloc : memref<!tpu.dma_semaphore, #tpu.memory_space<semaphore_mem>>
      %dma_start3A = arith.constant 0 : i32
      %dma_start3A_15 = arith.constant 0 : i32
      %dma_start3A_16 = tpu.memref_slice %arg6[%arg0, %dma_start3A, %dma_start3A_15] : memref<2x10112x128xf32, #tpu.memory_space<hbm>> -> memref<1x10112x128xf32, #tpu.memory_space<hbm>>
      %dma_start3A_17 = tpu.memref_squeeze %dma_start3A_16 : memref<1x10112x128xf32, #tpu.memory_space<hbm>> -> memref<10112x128xf32, #tpu.memory_space<hbm>>
      %dma_start3A_18 = arith.constant 0 : i32
      %dma_start3A_19 = tpu.memref_slice %dma_start3A_17[%mul3A_0, %dma_start3A_18] : memref<10112x128xf32, #tpu.memory_space<hbm>> -> memref<632x128xf32, #tpu.memory_space<hbm>>
      %dma_start3A_20 = arith.constant 0 : i32
      %dma_start3A_21 = tpu.memref_slice %arg10[%mul3A_0, %dma_start3A_20] : memref<10112x128xf32, #tpu.memory_space<vmem_shared>> -> memref<632x128xf32, #tpu.memory_space<vmem_shared>>
      tpu.enqueue_dma source(%dma_start3A_21 : memref<632x128xf32, #tpu.memory_space<vmem_shared>>) target(%dma_start3A_19 : memref<632x128xf32, #tpu.memory_space<hbm>>) target_semaphore(%run_scoped3A_14 : memref<!tpu.dma_semaphore, #tpu.memory_space<semaphore_mem>>)
      %dma_wait3A = arith.constant 0 : i32
      %dma_wait3A_22 = arith.constant 0 : i32
      %dma_wait3A_23 = tpu.memref_slice %arg6[%arg0, %dma_wait3A, %dma_wait3A_22] : memref<2x10112x128xf32, #tpu.memory_space<hbm>> -> memref<1x10112x128xf32, #tpu.memory_space<hbm>>
      %dma_wait3A_24 = tpu.memref_squeeze %dma_wait3A_23 : memref<1x10112x128xf32, #tpu.memory_space<hbm>> -> memref<10112x128xf32, #tpu.memory_space<hbm>>
      %dma_wait3A_25 = arith.constant 0 : i32
      %dma_wait3A_26 = tpu.memref_slice %dma_wait3A_24[%mul3A_0, %dma_wait3A_25] : memref<10112x128xf32, #tpu.memory_space<hbm>> -> memref<632x128xf32, #tpu.memory_space<hbm>>
      %dma_wait3A_27 = arith.constant 0 : i32
      %dma_wait3A_28 = tpu.memref_slice %arg10[%mul3A_0, %dma_wait3A_27] : memref<10112x128xf32, #tpu.memory_space<vmem_shared>> -> memref<632x128xf32, #tpu.memory_space<vmem_shared>>
      tpu.wait_dma2 semaphore(%run_scoped3A_14 : memref<!tpu.dma_semaphore, #tpu.memory_space<semaphore_mem>>) src(%dma_wait3A_28 : memref<632x128xf32, #tpu.memory_space<vmem_shared>>) dst(%dma_wait3A_26 : memref<632x128xf32, #tpu.memory_space<hbm>>)
      tpu.yield
    }) : () -> ()
    return
  }
}

#map = affine_map<(d0, d1) -> (0, 0)>
#map1 = affine_map<(d0, d1) -> (0, 0, 0, 0, 0)>
#map2 = affine_map<(d0, d1) -> (0, 0, 0)>
module attributes {stable_mosaic.version = 14 : i64} {
  func.func @k(%arg0: i32, %arg1: i32, %arg2: memref<20224x128xf32, #tpu.memory_space<hbm>>, %arg3: memref<2x2x16x79x128xi32, #tpu.memory_space<hbm>>, %arg4: memref<2x2x16x79x128xi32, #tpu.memory_space<hbm>>, %arg5: memref<10112x128xf32, #tpu.memory_space<hbm>>, %arg6: memref<2x10112x128xf32, #tpu.memory_space<hbm>>, %arg7: memref<79x128xi32, #tpu.memory_space<vmem>>, %arg8: memref<79x128xi32, #tpu.memory_space<vmem>>, %arg9: memref<128x128xf32, #tpu.memory_space<vmem>>, %arg10: memref<10112x128xf32, #tpu.memory_space<vmem_shared>>) attributes {dimension_semantics = [#tpu.dimension_semantics<core_parallel>, #tpu.dimension_semantics<subcore_parallel>], iteration_bounds = array<i64: 2, 16>, scalar_prefetch = 0 : i64, scratch_operands = 4 : i64, tpu.core_type = #tpu.core_type<sc_vector_subcore>, window_params = [{transform_indices = #map}, {transform_indices = #map1}, {transform_indices = #map1}, {transform_indices = #map}, {transform_indices = #map2}]} {
    %mul3A = arith.constant 632 : i32
    %mul3A_0 = arith.muli %arg1, %mul3A : i32
    "tpu.region"() ({
      %run_scoped3A_14 = tpu.sem_alloc : memref<!tpu.dma_semaphore, #tpu.memory_space<semaphore_mem>>
      %dma_start3A = arith.constant 0 : i32
      %dma_start3A_15 = tpu.memref_slice %arg10[%mul3A_0, %dma_start3A] : memref<10112x128xf32, #tpu.memory_space<vmem_shared>> -> memref<632x128xf32, #tpu.memory_space<vmem_shared>>
      %dma_start3A_16 = arith.constant 0 : i32
      %dma_start3A_17 = tpu.memref_slice %arg5[%mul3A_0, %dma_start3A_16] : memref<10112x128xf32, #tpu.memory_space<hbm>> -> memref<632x128xf32, #tpu.memory_space<hbm>>
      tpu.enqueue_dma source(%dma_start3A_17 : memref<632x128xf32, #tpu.memory_space<hbm>>) target(%dma_start3A_15 : memref<632x128xf32, #tpu.memory_space<vmem_shared>>) target_semaphore(%run_scoped3A_14 : memref<!tpu.dma_semaphore, #tpu.memory_space<semaphore_mem>>)
      %dma_wait3A = arith.constant 0 : i32
      %dma_wait3A_18 = tpu.memref_slice %arg10[%mul3A_0, %dma_wait3A] : memref<10112x128xf32, #tpu.memory_space<vmem_shared>> -> memref<632x128xf32, #tpu.memory_space<vmem_shared>>
      %dma_wait3A_19 = arith.constant 0 : i32
      %dma_wait3A_20 = tpu.memref_slice %arg5[%mul3A_0, %dma_wait3A_19] : memref<10112x128xf32, #tpu.memory_space<hbm>> -> memref<632x128xf32, #tpu.memory_space<hbm>>
      tpu.wait_dma2 semaphore(%run_scoped3A_14 : memref<!tpu.dma_semaphore, #tpu.memory_space<semaphore_mem>>) src(%dma_wait3A_20 : memref<632x128xf32, #tpu.memory_space<hbm>>) dst(%dma_wait3A_18 : memref<632x128xf32, #tpu.memory_space<vmem_shared>>)
      tpu.yield
    }) : () -> ()
    %barrier3A = arith.constant 0 : index
    tpu.barrier barrier_id(%barrier3A)
    %run_scoped3A = arith.constant 0 : i32
    "tpu.region"() ({
      %run_scoped3A_14 = tpu.sem_alloc : memref<!tpu.dma_semaphore, #tpu.memory_space<semaphore_mem>>
      %dma_start3A = arith.constant 0 : i32
      %dma_start3A_15 = arith.constant 0 : i32
      %dma_start3A_16 = arith.constant 0 : i32
      %dma_start3A_17 = arith.constant 0 : i32
      %dma_start3A_18 = tpu.memref_slice %arg3[%arg0, %dma_start3A, %dma_start3A_15, %dma_start3A_16, %dma_start3A_17] : memref<2x2x16x79x128xi32, #tpu.memory_space<hbm>> -> memref<1x2x16x79x128xi32, #tpu.memory_space<hbm>>
      %dma_start3A_19 = tpu.memref_squeeze %dma_start3A_18 : memref<1x2x16x79x128xi32, #tpu.memory_space<hbm>> -> memref<2x16x79x128xi32, #tpu.memory_space<hbm>>
      %dma_start3A_20 = arith.constant 0 : i32
      %dma_start3A_21 = arith.constant 0 : i32
      %dma_start3A_22 = arith.constant 0 : i32
      %dma_start3A_23 = tpu.memref_slice %dma_start3A_19[%run_scoped3A, %dma_start3A_20, %dma_start3A_21, %dma_start3A_22] : memref<2x16x79x128xi32, #tpu.memory_space<hbm>> -> memref<1x16x79x128xi32, #tpu.memory_space<hbm>>
      %dma_start3A_24 = tpu.memref_squeeze %dma_start3A_23 : memref<1x16x79x128xi32, #tpu.memory_space<hbm>> -> memref<16x79x128xi32, #tpu.memory_space<hbm>>
      %dma_start3A_25 = arith.constant 0 : i32
      %dma_start3A_26 = arith.constant 0 : i32
      %dma_start3A_27 = tpu.memref_slice %dma_start3A_24[%arg1, %dma_start3A_25, %dma_start3A_26] : memref<16x79x128xi32, #tpu.memory_space<hbm>> -> memref<1x79x128xi32, #tpu.memory_space<hbm>>
      %dma_start3A_28 = tpu.memref_squeeze %dma_start3A_27 : memref<1x79x128xi32, #tpu.memory_space<hbm>> -> memref<79x128xi32, #tpu.memory_space<hbm>>
      %dma_start3A_29 = arith.constant 0 : i32
      %dma_start3A_30 = arith.constant 0 : i32
      %dma_start3A_31 = arith.constant 0 : i32
      %dma_start3A_32 = arith.constant 0 : i32
      %dma_start3A_33 = tpu.memref_slice %arg3[%arg0, %dma_start3A_29, %dma_start3A_30, %dma_start3A_31, %dma_start3A_32] : memref<2x2x16x79x128xi32, #tpu.memory_space<hbm>> -> memref<1x2x16x79x128xi32, #tpu.memory_space<hbm>>
      %dma_start3A_34 = tpu.memref_squeeze %dma_start3A_33 : memref<1x2x16x79x128xi32, #tpu.memory_space<hbm>> -> memref<2x16x79x128xi32, #tpu.memory_space<hbm>>
      %dma_start3A_35 = arith.constant 0 : i32
      %dma_start3A_36 = arith.constant 0 : i32
      %dma_start3A_37 = arith.constant 0 : i32
      %dma_start3A_38 = tpu.memref_slice %dma_start3A_34[%run_scoped3A, %dma_start3A_35, %dma_start3A_36, %dma_start3A_37] : memref<2x16x79x128xi32, #tpu.memory_space<hbm>> -> memref<1x16x79x128xi32, #tpu.memory_space<hbm>>
      %dma_start3A_39 = tpu.memref_squeeze %dma_start3A_38 : memref<1x16x79x128xi32, #tpu.memory_space<hbm>> -> memref<16x79x128xi32, #tpu.memory_space<hbm>>
      %dma_start3A_40 = arith.constant 0 : i32
      %dma_start3A_41 = arith.constant 0 : i32
      %dma_start3A_42 = tpu.memref_slice %dma_start3A_39[%arg1, %dma_start3A_40, %dma_start3A_41] : memref<16x79x128xi32, #tpu.memory_space<hbm>> -> memref<1x79x128xi32, #tpu.memory_space<hbm>>
      %dma_start3A_43 = tpu.memref_squeeze %dma_start3A_42 : memref<1x79x128xi32, #tpu.memory_space<hbm>> -> memref<79x128xi32, #tpu.memory_space<hbm>>
      tpu.enqueue_dma source(%dma_start3A_43 : memref<79x128xi32, #tpu.memory_space<hbm>>) target(%arg7 : memref<79x128xi32, #tpu.memory_space<vmem>>) target_semaphore(%run_scoped3A_14 : memref<!tpu.dma_semaphore, #tpu.memory_space<semaphore_mem>>)
      %dma_wait3A = arith.constant 0 : i32
      %dma_wait3A_44 = arith.constant 0 : i32
      %dma_wait3A_45 = arith.constant 0 : i32
      %dma_wait3A_46 = arith.constant 0 : i32
      %dma_wait3A_47 = tpu.memref_slice %arg3[%arg0, %dma_wait3A, %dma_wait3A_44, %dma_wait3A_45, %dma_wait3A_46] : memref<2x2x16x79x128xi32, #tpu.memory_space<hbm>> -> memref<1x2x16x79x128xi32, #tpu.memory_space<hbm>>
      %dma_wait3A_48 = tpu.memref_squeeze %dma_wait3A_47 : memref<1x2x16x79x128xi32, #tpu.memory_space<hbm>> -> memref<2x16x79x128xi32, #tpu.memory_space<hbm>>
      %dma_wait3A_49 = arith.constant 0 : i32
      %dma_wait3A_50 = arith.constant 0 : i32
      %dma_wait3A_51 = arith.constant 0 : i32
      %dma_wait3A_52 = tpu.memref_slice %dma_wait3A_48[%run_scoped3A, %dma_wait3A_49, %dma_wait3A_50, %dma_wait3A_51] : memref<2x16x79x128xi32, #tpu.memory_space<hbm>> -> memref<1x16x79x128xi32, #tpu.memory_space<hbm>>
      %dma_wait3A_53 = tpu.memref_squeeze %dma_wait3A_52 : memref<1x16x79x128xi32, #tpu.memory_space<hbm>> -> memref<16x79x128xi32, #tpu.memory_space<hbm>>
      %dma_wait3A_54 = arith.constant 0 : i32
      %dma_wait3A_55 = arith.constant 0 : i32
      %dma_wait3A_56 = tpu.memref_slice %dma_wait3A_53[%arg1, %dma_wait3A_54, %dma_wait3A_55] : memref<16x79x128xi32, #tpu.memory_space<hbm>> -> memref<1x79x128xi32, #tpu.memory_space<hbm>>
      %dma_wait3A_57 = tpu.memref_squeeze %dma_wait3A_56 : memref<1x79x128xi32, #tpu.memory_space<hbm>> -> memref<79x128xi32, #tpu.memory_space<hbm>>
      %dma_wait3A_58 = arith.constant 0 : i32
      %dma_wait3A_59 = arith.constant 0 : i32
      %dma_wait3A_60 = arith.constant 0 : i32
      %dma_wait3A_61 = arith.constant 0 : i32
      %dma_wait3A_62 = tpu.memref_slice %arg3[%arg0, %dma_wait3A_58, %dma_wait3A_59, %dma_wait3A_60, %dma_wait3A_61] : memref<2x2x16x79x128xi32, #tpu.memory_space<hbm>> -> memref<1x2x16x79x128xi32, #tpu.memory_space<hbm>>
      %dma_wait3A_63 = tpu.memref_squeeze %dma_wait3A_62 : memref<1x2x16x79x128xi32, #tpu.memory_space<hbm>> -> memref<2x16x79x128xi32, #tpu.memory_space<hbm>>
      %dma_wait3A_64 = arith.constant 0 : i32
      %dma_wait3A_65 = arith.constant 0 : i32
      %dma_wait3A_66 = arith.constant 0 : i32
      %dma_wait3A_67 = tpu.memref_slice %dma_wait3A_63[%run_scoped3A, %dma_wait3A_64, %dma_wait3A_65, %dma_wait3A_66] : memref<2x16x79x128xi32, #tpu.memory_space<hbm>> -> memref<1x16x79x128xi32, #tpu.memory_space<hbm>>
      %dma_wait3A_68 = tpu.memref_squeeze %dma_wait3A_67 : memref<1x16x79x128xi32, #tpu.memory_space<hbm>> -> memref<16x79x128xi32, #tpu.memory_space<hbm>>
      %dma_wait3A_69 = arith.constant 0 : i32
      %dma_wait3A_70 = arith.constant 0 : i32
      %dma_wait3A_71 = tpu.memref_slice %dma_wait3A_68[%arg1, %dma_wait3A_69, %dma_wait3A_70] : memref<16x79x128xi32, #tpu.memory_space<hbm>> -> memref<1x79x128xi32, #tpu.memory_space<hbm>>
      %dma_wait3A_72 = tpu.memref_squeeze %dma_wait3A_71 : memref<1x79x128xi32, #tpu.memory_space<hbm>> -> memref<79x128xi32, #tpu.memory_space<hbm>>
      tpu.wait_dma2 semaphore(%run_scoped3A_14 : memref<!tpu.dma_semaphore, #tpu.memory_space<semaphore_mem>>) src(%dma_wait3A_72 : memref<79x128xi32, #tpu.memory_space<hbm>>) dst(%arg7 : memref<79x128xi32, #tpu.memory_space<vmem>>)
      tpu.yield
    }) : () -> ()
    %run_scoped3A_1 = arith.constant 0 : i32
    "tpu.region"() ({
      %run_scoped3A_14 = tpu.sem_alloc : memref<!tpu.dma_semaphore, #tpu.memory_space<semaphore_mem>>
      %dma_start3A = arith.constant 0 : i32
      %dma_start3A_15 = arith.constant 0 : i32
      %dma_start3A_16 = arith.constant 0 : i32
      %dma_start3A_17 = arith.constant 0 : i32
      %dma_start3A_18 = tpu.memref_slice %arg4[%arg0, %dma_start3A, %dma_start3A_15, %dma_start3A_16, %dma_start3A_17] : memref<2x2x16x79x128xi32, #tpu.memory_space<hbm>> -> memref<1x2x16x79x128xi32, #tpu.memory_space<hbm>>
      %dma_start3A_19 = tpu.memref_squeeze %dma_start3A_18 : memref<1x2x16x79x128xi32, #tpu.memory_space<hbm>> -> memref<2x16x79x128xi32, #tpu.memory_space<hbm>>
      %dma_start3A_20 = arith.constant 0 : i32
      %dma_start3A_21 = arith.constant 0 : i32
      %dma_start3A_22 = arith.constant 0 : i32
      %dma_start3A_23 = tpu.memref_slice %dma_start3A_19[%run_scoped3A_1, %dma_start3A_20, %dma_start3A_21, %dma_start3A_22] : memref<2x16x79x128xi32, #tpu.memory_space<hbm>> -> memref<1x16x79x128xi32, #tpu.memory_space<hbm>>
      %dma_start3A_24 = tpu.memref_squeeze %dma_start3A_23 : memref<1x16x79x128xi32, #tpu.memory_space<hbm>> -> memref<16x79x128xi32, #tpu.memory_space<hbm>>
      %dma_start3A_25 = arith.constant 0 : i32
      %dma_start3A_26 = arith.constant 0 : i32
      %dma_start3A_27 = tpu.memref_slice %dma_start3A_24[%arg1, %dma_start3A_25, %dma_start3A_26] : memref<16x79x128xi32, #tpu.memory_space<hbm>> -> memref<1x79x128xi32, #tpu.memory_space<hbm>>
      %dma_start3A_28 = tpu.memref_squeeze %dma_start3A_27 : memref<1x79x128xi32, #tpu.memory_space<hbm>> -> memref<79x128xi32, #tpu.memory_space<hbm>>
      %dma_start3A_29 = arith.constant 0 : i32
      %dma_start3A_30 = arith.constant 0 : i32
      %dma_start3A_31 = arith.constant 0 : i32
      %dma_start3A_32 = arith.constant 0 : i32
      %dma_start3A_33 = tpu.memref_slice %arg4[%arg0, %dma_start3A_29, %dma_start3A_30, %dma_start3A_31, %dma_start3A_32] : memref<2x2x16x79x128xi32, #tpu.memory_space<hbm>> -> memref<1x2x16x79x128xi32, #tpu.memory_space<hbm>>
      %dma_start3A_34 = tpu.memref_squeeze %dma_start3A_33 : memref<1x2x16x79x128xi32, #tpu.memory_space<hbm>> -> memref<2x16x79x128xi32, #tpu.memory_space<hbm>>
      %dma_start3A_35 = arith.constant 0 : i32
      %dma_start3A_36 = arith.constant 0 : i32
      %dma_start3A_37 = arith.constant 0 : i32
      %dma_start3A_38 = tpu.memref_slice %dma_start3A_34[%run_scoped3A_1, %dma_start3A_35, %dma_start3A_36, %dma_start3A_37] : memref<2x16x79x128xi32, #tpu.memory_space<hbm>> -> memref<1x16x79x128xi32, #tpu.memory_space<hbm>>
      %dma_start3A_39 = tpu.memref_squeeze %dma_start3A_38 : memref<1x16x79x128xi32, #tpu.memory_space<hbm>> -> memref<16x79x128xi32, #tpu.memory_space<hbm>>
      %dma_start3A_40 = arith.constant 0 : i32
      %dma_start3A_41 = arith.constant 0 : i32
      %dma_start3A_42 = tpu.memref_slice %dma_start3A_39[%arg1, %dma_start3A_40, %dma_start3A_41] : memref<16x79x128xi32, #tpu.memory_space<hbm>> -> memref<1x79x128xi32, #tpu.memory_space<hbm>>
      %dma_start3A_43 = tpu.memref_squeeze %dma_start3A_42 : memref<1x79x128xi32, #tpu.memory_space<hbm>> -> memref<79x128xi32, #tpu.memory_space<hbm>>
      tpu.enqueue_dma source(%dma_start3A_43 : memref<79x128xi32, #tpu.memory_space<hbm>>) target(%arg8 : memref<79x128xi32, #tpu.memory_space<vmem>>) target_semaphore(%run_scoped3A_14 : memref<!tpu.dma_semaphore, #tpu.memory_space<semaphore_mem>>)
      %dma_wait3A = arith.constant 0 : i32
      %dma_wait3A_44 = arith.constant 0 : i32
      %dma_wait3A_45 = arith.constant 0 : i32
      %dma_wait3A_46 = arith.constant 0 : i32
      %dma_wait3A_47 = tpu.memref_slice %arg4[%arg0, %dma_wait3A, %dma_wait3A_44, %dma_wait3A_45, %dma_wait3A_46] : memref<2x2x16x79x128xi32, #tpu.memory_space<hbm>> -> memref<1x2x16x79x128xi32, #tpu.memory_space<hbm>>
      %dma_wait3A_48 = tpu.memref_squeeze %dma_wait3A_47 : memref<1x2x16x79x128xi32, #tpu.memory_space<hbm>> -> memref<2x16x79x128xi32, #tpu.memory_space<hbm>>
      %dma_wait3A_49 = arith.constant 0 : i32
      %dma_wait3A_50 = arith.constant 0 : i32
      %dma_wait3A_51 = arith.constant 0 : i32
      %dma_wait3A_52 = tpu.memref_slice %dma_wait3A_48[%run_scoped3A_1, %dma_wait3A_49, %dma_wait3A_50, %dma_wait3A_51] : memref<2x16x79x128xi32, #tpu.memory_space<hbm>> -> memref<1x16x79x128xi32, #tpu.memory_space<hbm>>
      %dma_wait3A_53 = tpu.memref_squeeze %dma_wait3A_52 : memref<1x16x79x128xi32, #tpu.memory_space<hbm>> -> memref<16x79x128xi32, #tpu.memory_space<hbm>>
      %dma_wait3A_54 = arith.constant 0 : i32
      %dma_wait3A_55 = arith.constant 0 : i32
      %dma_wait3A_56 = tpu.memref_slice %dma_wait3A_53[%arg1, %dma_wait3A_54, %dma_wait3A_55] : memref<16x79x128xi32, #tpu.memory_space<hbm>> -> memref<1x79x128xi32, #tpu.memory_space<hbm>>
      %dma_wait3A_57 = tpu.memref_squeeze %dma_wait3A_56 : memref<1x79x128xi32, #tpu.memory_space<hbm>> -> memref<79x128xi32, #tpu.memory_space<hbm>>
      %dma_wait3A_58 = arith.constant 0 : i32
      %dma_wait3A_59 = arith.constant 0 : i32
      %dma_wait3A_60 = arith.constant 0 : i32
      %dma_wait3A_61 = arith.constant 0 : i32
      %dma_wait3A_62 = tpu.memref_slice %arg4[%arg0, %dma_wait3A_58, %dma_wait3A_59, %dma_wait3A_60, %dma_wait3A_61] : memref<2x2x16x79x128xi32, #tpu.memory_space<hbm>> -> memref<1x2x16x79x128xi32, #tpu.memory_space<hbm>>
      %dma_wait3A_63 = tpu.memref_squeeze %dma_wait3A_62 : memref<1x2x16x79x128xi32, #tpu.memory_space<hbm>> -> memref<2x16x79x128xi32, #tpu.memory_space<hbm>>
      %dma_wait3A_64 = arith.constant 0 : i32
      %dma_wait3A_65 = arith.constant 0 : i32
      %dma_wait3A_66 = arith.constant 0 : i32
      %dma_wait3A_67 = tpu.memref_slice %dma_wait3A_63[%run_scoped3A_1, %dma_wait3A_64, %dma_wait3A_65, %dma_wait3A_66] : memref<2x16x79x128xi32, #tpu.memory_space<hbm>> -> memref<1x16x79x128xi32, #tpu.memory_space<hbm>>
      %dma_wait3A_68 = tpu.memref_squeeze %dma_wait3A_67 : memref<1x16x79x128xi32, #tpu.memory_space<hbm>> -> memref<16x79x128xi32, #tpu.memory_space<hbm>>
      %dma_wait3A_69 = arith.constant 0 : i32
      %dma_wait3A_70 = arith.constant 0 : i32
      %dma_wait3A_71 = tpu.memref_slice %dma_wait3A_68[%arg1, %dma_wait3A_69, %dma_wait3A_70] : memref<16x79x128xi32, #tpu.memory_space<hbm>> -> memref<1x79x128xi32, #tpu.memory_space<hbm>>
      %dma_wait3A_72 = tpu.memref_squeeze %dma_wait3A_71 : memref<1x79x128xi32, #tpu.memory_space<hbm>> -> memref<79x128xi32, #tpu.memory_space<hbm>>
      tpu.wait_dma2 semaphore(%run_scoped3A_14 : memref<!tpu.dma_semaphore, #tpu.memory_space<semaphore_mem>>) src(%dma_wait3A_72 : memref<79x128xi32, #tpu.memory_space<hbm>>) dst(%arg8 : memref<79x128xi32, #tpu.memory_space<vmem>>)
      tpu.yield
    }) : () -> ()
    %scan3A = arith.constant 0 : i32
    %scan3A_2 = arith.constant 79 : i32
    %scan3A_3 = arith.addi %scan3A, %scan3A_2 : i32
    %scan3A_4 = arith.constant 1 : i32
    scf.for %scan3A_14 = %scan3A to %scan3A_3 step %scan3A_4  : i32 {
      %mul3A_15 = arith.constant 1 : i32
      %mul3A_16 = arith.muli %scan3A_14, %mul3A_15 : i32
      %add3A = arith.constant 0 : i32
      %add3A_17 = arith.addi %add3A, %mul3A_16 : i32
      "tpu.region"() ({
        %run_scoped3A_18 = tpu.sem_alloc : memref<!tpu.dma_semaphore, #tpu.memory_space<semaphore_mem>>
        %dma_start3A = arith.constant 0 : i32
        %dma_start3A_19 = tpu.memref_slice %arg7[%add3A_17, %dma_start3A] : memref<79x128xi32, #tpu.memory_space<vmem>> -> memref<1x128xi32, #tpu.memory_space<vmem>>
        %dma_start3A_20 = tpu.memref_squeeze %dma_start3A_19 : memref<1x128xi32, #tpu.memory_space<vmem>> -> memref<128xi32, #tpu.memory_space<vmem>>
        %dma_start3A_21 = arith.constant 0 : i32
        %dma_start3A_22 = arith.constant 0 : i32
        %dma_start3A_23 = tpu.memref_slice %arg2[%dma_start3A_21, %dma_start3A_22] : memref<20224x128xf32, #tpu.memory_space<hbm>> -> memref<20224x128xf32, #tpu.memory_space<hbm>>
        tpu.enqueue_indirect_dma source(%dma_start3A_23 : memref<20224x128xf32, #tpu.memory_space<hbm>>) target(%arg9 : memref<128x128xf32, #tpu.memory_space<vmem>>) offsets(%dma_start3A_20 : memref<128xi32, #tpu.memory_space<vmem>>) semaphore(%run_scoped3A_18 : memref<!tpu.dma_semaphore, #tpu.memory_space<semaphore_mem>>)
        %dma_wait3A = arith.constant 0 : i32
        %dma_wait3A_24 = tpu.memref_slice %arg7[%add3A_17, %dma_wait3A] : memref<79x128xi32, #tpu.memory_space<vmem>> -> memref<1x128xi32, #tpu.memory_space<vmem>>
        %dma_wait3A_25 = tpu.memref_squeeze %dma_wait3A_24 : memref<1x128xi32, #tpu.memory_space<vmem>> -> memref<128xi32, #tpu.memory_space<vmem>>
        %dma_wait3A_26 = arith.constant 0 : i32
        %dma_wait3A_27 = arith.constant 0 : i32
        %dma_wait3A_28 = tpu.memref_slice %arg2[%dma_wait3A_26, %dma_wait3A_27] : memref<20224x128xf32, #tpu.memory_space<hbm>> -> memref<20224x128xf32, #tpu.memory_space<hbm>>
        tpu.wait_indirect_dma semaphore(%run_scoped3A_18 : memref<!tpu.dma_semaphore, #tpu.memory_space<semaphore_mem>>) src(%dma_wait3A_28 : memref<20224x128xf32, #tpu.memory_space<hbm>>) dst(%arg9 : memref<128x128xf32, #tpu.memory_space<vmem>>)
        tpu.yield
      }) : () -> ()
      "tpu.region"() ({
        %run_scoped3A_18 = tpu.sem_alloc : memref<!tpu.dma_semaphore, #tpu.memory_space<semaphore_mem>>
        %dma_start3A = arith.constant 0 : i32
        %dma_start3A_19 = tpu.memref_slice %arg8[%add3A_17, %dma_start3A] : memref<79x128xi32, #tpu.memory_space<vmem>> -> memref<1x128xi32, #tpu.memory_space<vmem>>
        %dma_start3A_20 = tpu.memref_squeeze %dma_start3A_19 : memref<1x128xi32, #tpu.memory_space<vmem>> -> memref<128xi32, #tpu.memory_space<vmem>>
        %dma_start3A_21 = arith.constant 0 : i32
        %dma_start3A_22 = arith.constant 0 : i32
        %dma_start3A_23 = tpu.memref_slice %arg10[%dma_start3A_21, %dma_start3A_22] : memref<10112x128xf32, #tpu.memory_space<vmem_shared>> -> memref<10112x128xf32, #tpu.memory_space<vmem_shared>>
        tpu.enqueue_indirect_dma source(%arg9 : memref<128x128xf32, #tpu.memory_space<vmem>>) target(%dma_start3A_23 : memref<10112x128xf32, #tpu.memory_space<vmem_shared>>) offsets(%dma_start3A_20 : memref<128xi32, #tpu.memory_space<vmem>>) semaphore(%run_scoped3A_18 : memref<!tpu.dma_semaphore, #tpu.memory_space<semaphore_mem>>) {add = true}
        %dma_wait3A = arith.constant 0 : i32
        %dma_wait3A_24 = tpu.memref_slice %arg8[%add3A_17, %dma_wait3A] : memref<79x128xi32, #tpu.memory_space<vmem>> -> memref<1x128xi32, #tpu.memory_space<vmem>>
        %dma_wait3A_25 = tpu.memref_squeeze %dma_wait3A_24 : memref<1x128xi32, #tpu.memory_space<vmem>> -> memref<128xi32, #tpu.memory_space<vmem>>
        %dma_wait3A_26 = arith.constant 0 : i32
        %dma_wait3A_27 = arith.constant 0 : i32
        %dma_wait3A_28 = tpu.memref_slice %arg10[%dma_wait3A_26, %dma_wait3A_27] : memref<10112x128xf32, #tpu.memory_space<vmem_shared>> -> memref<10112x128xf32, #tpu.memory_space<vmem_shared>>
        tpu.wait_indirect_dma semaphore(%run_scoped3A_18 : memref<!tpu.dma_semaphore, #tpu.memory_space<semaphore_mem>>) src(%arg9 : memref<128x128xf32, #tpu.memory_space<vmem>>) dst(%dma_wait3A_28 : memref<10112x128xf32, #tpu.memory_space<vmem_shared>>)
        tpu.yield
      }) : () -> ()
    }
    %scan3A_5 = arith.constant 79 : i32
    %run_scoped3A_6 = arith.constant 1 : i32
    "tpu.region"() ({
      %run_scoped3A_14 = tpu.sem_alloc : memref<!tpu.dma_semaphore, #tpu.memory_space<semaphore_mem>>
      %dma_start3A = arith.constant 0 : i32
      %dma_start3A_15 = arith.constant 0 : i32
      %dma_start3A_16 = arith.constant 0 : i32
      %dma_start3A_17 = arith.constant 0 : i32
      %dma_start3A_18 = tpu.memref_slice %arg3[%arg0, %dma_start3A, %dma_start3A_15, %dma_start3A_16, %dma_start3A_17] : memref<2x2x16x79x128xi32, #tpu.memory_space<hbm>> -> memref<1x2x16x79x128xi32, #tpu.memory_space<hbm>>
      %dma_start3A_19 = tpu.memref_squeeze %dma_start3A_18 : memref<1x2x16x79x128xi32, #tpu.memory_space<hbm>> -> memref<2x16x79x128xi32, #tpu.memory_space<hbm>>
      %dma_start3A_20 = arith.constant 0 : i32
      %dma_start3A_21 = arith.constant 0 : i32
      %dma_start3A_22 = arith.constant 0 : i32
      %dma_start3A_23 = tpu.memref_slice %dma_start3A_19[%run_scoped3A_6, %dma_start3A_20, %dma_start3A_21, %dma_start3A_22] : memref<2x16x79x128xi32, #tpu.memory_space<hbm>> -> memref<1x16x79x128xi32, #tpu.memory_space<hbm>>
      %dma_start3A_24 = tpu.memref_squeeze %dma_start3A_23 : memref<1x16x79x128xi32, #tpu.memory_space<hbm>> -> memref<16x79x128xi32, #tpu.memory_space<hbm>>
      %dma_start3A_25 = arith.constant 0 : i32
      %dma_start3A_26 = arith.constant 0 : i32
      %dma_start3A_27 = tpu.memref_slice %dma_start3A_24[%arg1, %dma_start3A_25, %dma_start3A_26] : memref<16x79x128xi32, #tpu.memory_space<hbm>> -> memref<1x79x128xi32, #tpu.memory_space<hbm>>
      %dma_start3A_28 = tpu.memref_squeeze %dma_start3A_27 : memref<1x79x128xi32, #tpu.memory_space<hbm>> -> memref<79x128xi32, #tpu.memory_space<hbm>>
      %dma_start3A_29 = arith.constant 0 : i32
      %dma_start3A_30 = arith.constant 0 : i32
      %dma_start3A_31 = arith.constant 0 : i32
      %dma_start3A_32 = arith.constant 0 : i32
      %dma_start3A_33 = tpu.memref_slice %arg3[%arg0, %dma_start3A_29, %dma_start3A_30, %dma_start3A_31, %dma_start3A_32] : memref<2x2x16x79x128xi32, #tpu.memory_space<hbm>> -> memref<1x2x16x79x128xi32, #tpu.memory_space<hbm>>
      %dma_start3A_34 = tpu.memref_squeeze %dma_start3A_33 : memref<1x2x16x79x128xi32, #tpu.memory_space<hbm>> -> memref<2x16x79x128xi32, #tpu.memory_space<hbm>>
      %dma_start3A_35 = arith.constant 0 : i32
      %dma_start3A_36 = arith.constant 0 : i32
      %dma_start3A_37 = arith.constant 0 : i32
      %dma_start3A_38 = tpu.memref_slice %dma_start3A_34[%run_scoped3A_6, %dma_start3A_35, %dma_start3A_36, %dma_start3A_37] : memref<2x16x79x128xi32, #tpu.memory_space<hbm>> -> memref<1x16x79x128xi32, #tpu.memory_space<hbm>>
      %dma_start3A_39 = tpu.memref_squeeze %dma_start3A_38 : memref<1x16x79x128xi32, #tpu.memory_space<hbm>> -> memref<16x79x128xi32, #tpu.memory_space<hbm>>
      %dma_start3A_40 = arith.constant 0 : i32
      %dma_start3A_41 = arith.constant 0 : i32
      %dma_start3A_42 = tpu.memref_slice %dma_start3A_39[%arg1, %dma_start3A_40, %dma_start3A_41] : memref<16x79x128xi32, #tpu.memory_space<hbm>> -> memref<1x79x128xi32, #tpu.memory_space<hbm>>
      %dma_start3A_43 = tpu.memref_squeeze %dma_start3A_42 : memref<1x79x128xi32, #tpu.memory_space<hbm>> -> memref<79x128xi32, #tpu.memory_space<hbm>>
      tpu.enqueue_dma source(%dma_start3A_43 : memref<79x128xi32, #tpu.memory_space<hbm>>) target(%arg7 : memref<79x128xi32, #tpu.memory_space<vmem>>) target_semaphore(%run_scoped3A_14 : memref<!tpu.dma_semaphore, #tpu.memory_space<semaphore_mem>>)
      %dma_wait3A = arith.constant 0 : i32
      %dma_wait3A_44 = arith.constant 0 : i32
      %dma_wait3A_45 = arith.constant 0 : i32
      %dma_wait3A_46 = arith.constant 0 : i32
      %dma_wait3A_47 = tpu.memref_slice %arg3[%arg0, %dma_wait3A, %dma_wait3A_44, %dma_wait3A_45, %dma_wait3A_46] : memref<2x2x16x79x128xi32, #tpu.memory_space<hbm>> -> memref<1x2x16x79x128xi32, #tpu.memory_space<hbm>>
      %dma_wait3A_48 = tpu.memref_squeeze %dma_wait3A_47 : memref<1x2x16x79x128xi32, #tpu.memory_space<hbm>> -> memref<2x16x79x128xi32, #tpu.memory_space<hbm>>
      %dma_wait3A_49 = arith.constant 0 : i32
      %dma_wait3A_50 = arith.constant 0 : i32
      %dma_wait3A_51 = arith.constant 0 : i32
      %dma_wait3A_52 = tpu.memref_slice %dma_wait3A_48[%run_scoped3A_6, %dma_wait3A_49, %dma_wait3A_50, %dma_wait3A_51] : memref<2x16x79x128xi32, #tpu.memory_space<hbm>> -> memref<1x16x79x128xi32, #tpu.memory_space<hbm>>
      %dma_wait3A_53 = tpu.memref_squeeze %dma_wait3A_52 : memref<1x16x79x128xi32, #tpu.memory_space<hbm>> -> memref<16x79x128xi32, #tpu.memory_space<hbm>>
      %dma_wait3A_54 = arith.constant 0 : i32
      %dma_wait3A_55 = arith.constant 0 : i32
      %dma_wait3A_56 = tpu.memref_slice %dma_wait3A_53[%arg1, %dma_wait3A_54, %dma_wait3A_55] : memref<16x79x128xi32, #tpu.memory_space<hbm>> -> memref<1x79x128xi32, #tpu.memory_space<hbm>>
      %dma_wait3A_57 = tpu.memref_squeeze %dma_wait3A_56 : memref<1x79x128xi32, #tpu.memory_space<hbm>> -> memref<79x128xi32, #tpu.memory_space<hbm>>
      %dma_wait3A_58 = arith.constant 0 : i32
      %dma_wait3A_59 = arith.constant 0 : i32
      %dma_wait3A_60 = arith.constant 0 : i32
      %dma_wait3A_61 = arith.constant 0 : i32
      %dma_wait3A_62 = tpu.memref_slice %arg3[%arg0, %dma_wait3A_58, %dma_wait3A_59, %dma_wait3A_60, %dma_wait3A_61] : memref<2x2x16x79x128xi32, #tpu.memory_space<hbm>> -> memref<1x2x16x79x128xi32, #tpu.memory_space<hbm>>
      %dma_wait3A_63 = tpu.memref_squeeze %dma_wait3A_62 : memref<1x2x16x79x128xi32, #tpu.memory_space<hbm>> -> memref<2x16x79x128xi32, #tpu.memory_space<hbm>>
      %dma_wait3A_64 = arith.constant 0 : i32
      %dma_wait3A_65 = arith.constant 0 : i32
      %dma_wait3A_66 = arith.constant 0 : i32
      %dma_wait3A_67 = tpu.memref_slice %dma_wait3A_63[%run_scoped3A_6, %dma_wait3A_64, %dma_wait3A_65, %dma_wait3A_66] : memref<2x16x79x128xi32, #tpu.memory_space<hbm>> -> memref<1x16x79x128xi32, #tpu.memory_space<hbm>>
      %dma_wait3A_68 = tpu.memref_squeeze %dma_wait3A_67 : memref<1x16x79x128xi32, #tpu.memory_space<hbm>> -> memref<16x79x128xi32, #tpu.memory_space<hbm>>
      %dma_wait3A_69 = arith.constant 0 : i32
      %dma_wait3A_70 = arith.constant 0 : i32
      %dma_wait3A_71 = tpu.memref_slice %dma_wait3A_68[%arg1, %dma_wait3A_69, %dma_wait3A_70] : memref<16x79x128xi32, #tpu.memory_space<hbm>> -> memref<1x79x128xi32, #tpu.memory_space<hbm>>
      %dma_wait3A_72 = tpu.memref_squeeze %dma_wait3A_71 : memref<1x79x128xi32, #tpu.memory_space<hbm>> -> memref<79x128xi32, #tpu.memory_space<hbm>>
      tpu.wait_dma2 semaphore(%run_scoped3A_14 : memref<!tpu.dma_semaphore, #tpu.memory_space<semaphore_mem>>) src(%dma_wait3A_72 : memref<79x128xi32, #tpu.memory_space<hbm>>) dst(%arg7 : memref<79x128xi32, #tpu.memory_space<vmem>>)
      tpu.yield
    }) : () -> ()
    %run_scoped3A_7 = arith.constant 1 : i32
    "tpu.region"() ({
      %run_scoped3A_14 = tpu.sem_alloc : memref<!tpu.dma_semaphore, #tpu.memory_space<semaphore_mem>>
      %dma_start3A = arith.constant 0 : i32
      %dma_start3A_15 = arith.constant 0 : i32
      %dma_start3A_16 = arith.constant 0 : i32
      %dma_start3A_17 = arith.constant 0 : i32
      %dma_start3A_18 = tpu.memref_slice %arg4[%arg0, %dma_start3A, %dma_start3A_15, %dma_start3A_16, %dma_start3A_17] : memref<2x2x16x79x128xi32, #tpu.memory_space<hbm>> -> memref<1x2x16x79x128xi32, #tpu.memory_space<hbm>>
      %dma_start3A_19 = tpu.memref_squeeze %dma_start3A_18 : memref<1x2x16x79x128xi32, #tpu.memory_space<hbm>> -> memref<2x16x79x128xi32, #tpu.memory_space<hbm>>
      %dma_start3A_20 = arith.constant 0 : i32
      %dma_start3A_21 = arith.constant 0 : i32
      %dma_start3A_22 = arith.constant 0 : i32
      %dma_start3A_23 = tpu.memref_slice %dma_start3A_19[%run_scoped3A_7, %dma_start3A_20, %dma_start3A_21, %dma_start3A_22] : memref<2x16x79x128xi32, #tpu.memory_space<hbm>> -> memref<1x16x79x128xi32, #tpu.memory_space<hbm>>
      %dma_start3A_24 = tpu.memref_squeeze %dma_start3A_23 : memref<1x16x79x128xi32, #tpu.memory_space<hbm>> -> memref<16x79x128xi32, #tpu.memory_space<hbm>>
      %dma_start3A_25 = arith.constant 0 : i32
      %dma_start3A_26 = arith.constant 0 : i32
      %dma_start3A_27 = tpu.memref_slice %dma_start3A_24[%arg1, %dma_start3A_25, %dma_start3A_26] : memref<16x79x128xi32, #tpu.memory_space<hbm>> -> memref<1x79x128xi32, #tpu.memory_space<hbm>>
      %dma_start3A_28 = tpu.memref_squeeze %dma_start3A_27 : memref<1x79x128xi32, #tpu.memory_space<hbm>> -> memref<79x128xi32, #tpu.memory_space<hbm>>
      %dma_start3A_29 = arith.constant 0 : i32
      %dma_start3A_30 = arith.constant 0 : i32
      %dma_start3A_31 = arith.constant 0 : i32
      %dma_start3A_32 = arith.constant 0 : i32
      %dma_start3A_33 = tpu.memref_slice %arg4[%arg0, %dma_start3A_29, %dma_start3A_30, %dma_start3A_31, %dma_start3A_32] : memref<2x2x16x79x128xi32, #tpu.memory_space<hbm>> -> memref<1x2x16x79x128xi32, #tpu.memory_space<hbm>>
      %dma_start3A_34 = tpu.memref_squeeze %dma_start3A_33 : memref<1x2x16x79x128xi32, #tpu.memory_space<hbm>> -> memref<2x16x79x128xi32, #tpu.memory_space<hbm>>
      %dma_start3A_35 = arith.constant 0 : i32
      %dma_start3A_36 = arith.constant 0 : i32
      %dma_start3A_37 = arith.constant 0 : i32
      %dma_start3A_38 = tpu.memref_slice %dma_start3A_34[%run_scoped3A_7, %dma_start3A_35, %dma_start3A_36, %dma_start3A_37] : memref<2x16x79x128xi32, #tpu.memory_space<hbm>> -> memref<1x16x79x128xi32, #tpu.memory_space<hbm>>
      %dma_start3A_39 = tpu.memref_squeeze %dma_start3A_38 : memref<1x16x79x128xi32, #tpu.memory_space<hbm>> -> memref<16x79x128xi32, #tpu.memory_space<hbm>>
      %dma_start3A_40 = arith.constant 0 : i32
      %dma_start3A_41 = arith.constant 0 : i32
      %dma_start3A_42 = tpu.memref_slice %dma_start3A_39[%arg1, %dma_start3A_40, %dma_start3A_41] : memref<16x79x128xi32, #tpu.memory_space<hbm>> -> memref<1x79x128xi32, #tpu.memory_space<hbm>>
      %dma_start3A_43 = tpu.memref_squeeze %dma_start3A_42 : memref<1x79x128xi32, #tpu.memory_space<hbm>> -> memref<79x128xi32, #tpu.memory_space<hbm>>
      tpu.enqueue_dma source(%dma_start3A_43 : memref<79x128xi32, #tpu.memory_space<hbm>>) target(%arg8 : memref<79x128xi32, #tpu.memory_space<vmem>>) target_semaphore(%run_scoped3A_14 : memref<!tpu.dma_semaphore, #tpu.memory_space<semaphore_mem>>)
      %dma_wait3A = arith.constant 0 : i32
      %dma_wait3A_44 = arith.constant 0 : i32
      %dma_wait3A_45 = arith.constant 0 : i32
      %dma_wait3A_46 = arith.constant 0 : i32
      %dma_wait3A_47 = tpu.memref_slice %arg4[%arg0, %dma_wait3A, %dma_wait3A_44, %dma_wait3A_45, %dma_wait3A_46] : memref<2x2x16x79x128xi32, #tpu.memory_space<hbm>> -> memref<1x2x16x79x128xi32, #tpu.memory_space<hbm>>
      %dma_wait3A_48 = tpu.memref_squeeze %dma_wait3A_47 : memref<1x2x16x79x128xi32, #tpu.memory_space<hbm>> -> memref<2x16x79x128xi32, #tpu.memory_space<hbm>>
      %dma_wait3A_49 = arith.constant 0 : i32
      %dma_wait3A_50 = arith.constant 0 : i32
      %dma_wait3A_51 = arith.constant 0 : i32
      %dma_wait3A_52 = tpu.memref_slice %dma_wait3A_48[%run_scoped3A_7, %dma_wait3A_49, %dma_wait3A_50, %dma_wait3A_51] : memref<2x16x79x128xi32, #tpu.memory_space<hbm>> -> memref<1x16x79x128xi32, #tpu.memory_space<hbm>>
      %dma_wait3A_53 = tpu.memref_squeeze %dma_wait3A_52 : memref<1x16x79x128xi32, #tpu.memory_space<hbm>> -> memref<16x79x128xi32, #tpu.memory_space<hbm>>
      %dma_wait3A_54 = arith.constant 0 : i32
      %dma_wait3A_55 = arith.constant 0 : i32
      %dma_wait3A_56 = tpu.memref_slice %dma_wait3A_53[%arg1, %dma_wait3A_54, %dma_wait3A_55] : memref<16x79x128xi32, #tpu.memory_space<hbm>> -> memref<1x79x128xi32, #tpu.memory_space<hbm>>
      %dma_wait3A_57 = tpu.memref_squeeze %dma_wait3A_56 : memref<1x79x128xi32, #tpu.memory_space<hbm>> -> memref<79x128xi32, #tpu.memory_space<hbm>>
      %dma_wait3A_58 = arith.constant 0 : i32
      %dma_wait3A_59 = arith.constant 0 : i32
      %dma_wait3A_60 = arith.constant 0 : i32
      %dma_wait3A_61 = arith.constant 0 : i32
      %dma_wait3A_62 = tpu.memref_slice %arg4[%arg0, %dma_wait3A_58, %dma_wait3A_59, %dma_wait3A_60, %dma_wait3A_61] : memref<2x2x16x79x128xi32, #tpu.memory_space<hbm>> -> memref<1x2x16x79x128xi32, #tpu.memory_space<hbm>>
      %dma_wait3A_63 = tpu.memref_squeeze %dma_wait3A_62 : memref<1x2x16x79x128xi32, #tpu.memory_space<hbm>> -> memref<2x16x79x128xi32, #tpu.memory_space<hbm>>
      %dma_wait3A_64 = arith.constant 0 : i32
      %dma_wait3A_65 = arith.constant 0 : i32
      %dma_wait3A_66 = arith.constant 0 : i32
      %dma_wait3A_67 = tpu.memref_slice %dma_wait3A_63[%run_scoped3A_7, %dma_wait3A_64, %dma_wait3A_65, %dma_wait3A_66] : memref<2x16x79x128xi32, #tpu.memory_space<hbm>> -> memref<1x16x79x128xi32, #tpu.memory_space<hbm>>
      %dma_wait3A_68 = tpu.memref_squeeze %dma_wait3A_67 : memref<1x16x79x128xi32, #tpu.memory_space<hbm>> -> memref<16x79x128xi32, #tpu.memory_space<hbm>>
      %dma_wait3A_69 = arith.constant 0 : i32
      %dma_wait3A_70 = arith.constant 0 : i32
      %dma_wait3A_71 = tpu.memref_slice %dma_wait3A_68[%arg1, %dma_wait3A_69, %dma_wait3A_70] : memref<16x79x128xi32, #tpu.memory_space<hbm>> -> memref<1x79x128xi32, #tpu.memory_space<hbm>>
      %dma_wait3A_72 = tpu.memref_squeeze %dma_wait3A_71 : memref<1x79x128xi32, #tpu.memory_space<hbm>> -> memref<79x128xi32, #tpu.memory_space<hbm>>
      tpu.wait_dma2 semaphore(%run_scoped3A_14 : memref<!tpu.dma_semaphore, #tpu.memory_space<semaphore_mem>>) src(%dma_wait3A_72 : memref<79x128xi32, #tpu.memory_space<hbm>>) dst(%arg8 : memref<79x128xi32, #tpu.memory_space<vmem>>)
      tpu.yield
    }) : () -> ()
    %scan3A_8 = arith.constant 0 : i32
    %scan3A_9 = arith.constant 79 : i32
    %scan3A_10 = arith.addi %scan3A_8, %scan3A_9 : i32
    %scan3A_11 = arith.constant 1 : i32
    scf.for %scan3A_14 = %scan3A_8 to %scan3A_10 step %scan3A_11  : i32 {
      %mul3A_15 = arith.constant 1 : i32
      %mul3A_16 = arith.muli %scan3A_14, %mul3A_15 : i32
      %add3A = arith.constant 0 : i32
      %add3A_17 = arith.addi %add3A, %mul3A_16 : i32
      "tpu.region"() ({
        %run_scoped3A_18 = tpu.sem_alloc : memref<!tpu.dma_semaphore, #tpu.memory_space<semaphore_mem>>
        %dma_start3A = arith.constant 0 : i32
        %dma_start3A_19 = tpu.memref_slice %arg7[%add3A_17, %dma_start3A] : memref<79x128xi32, #tpu.memory_space<vmem>> -> memref<1x128xi32, #tpu.memory_space<vmem>>
        %dma_start3A_20 = tpu.memref_squeeze %dma_start3A_19 : memref<1x128xi32, #tpu.memory_space<vmem>> -> memref<128xi32, #tpu.memory_space<vmem>>
        %dma_start3A_21 = arith.constant 0 : i32
        %dma_start3A_22 = arith.constant 0 : i32
        %dma_start3A_23 = tpu.memref_slice %arg2[%dma_start3A_21, %dma_start3A_22] : memref<20224x128xf32, #tpu.memory_space<hbm>> -> memref<20224x128xf32, #tpu.memory_space<hbm>>
        tpu.enqueue_indirect_dma source(%dma_start3A_23 : memref<20224x128xf32, #tpu.memory_space<hbm>>) target(%arg9 : memref<128x128xf32, #tpu.memory_space<vmem>>) offsets(%dma_start3A_20 : memref<128xi32, #tpu.memory_space<vmem>>) semaphore(%run_scoped3A_18 : memref<!tpu.dma_semaphore, #tpu.memory_space<semaphore_mem>>)
        %dma_wait3A = arith.constant 0 : i32
        %dma_wait3A_24 = tpu.memref_slice %arg7[%add3A_17, %dma_wait3A] : memref<79x128xi32, #tpu.memory_space<vmem>> -> memref<1x128xi32, #tpu.memory_space<vmem>>
        %dma_wait3A_25 = tpu.memref_squeeze %dma_wait3A_24 : memref<1x128xi32, #tpu.memory_space<vmem>> -> memref<128xi32, #tpu.memory_space<vmem>>
        %dma_wait3A_26 = arith.constant 0 : i32
        %dma_wait3A_27 = arith.constant 0 : i32
        %dma_wait3A_28 = tpu.memref_slice %arg2[%dma_wait3A_26, %dma_wait3A_27] : memref<20224x128xf32, #tpu.memory_space<hbm>> -> memref<20224x128xf32, #tpu.memory_space<hbm>>
        tpu.wait_indirect_dma semaphore(%run_scoped3A_18 : memref<!tpu.dma_semaphore, #tpu.memory_space<semaphore_mem>>) src(%dma_wait3A_28 : memref<20224x128xf32, #tpu.memory_space<hbm>>) dst(%arg9 : memref<128x128xf32, #tpu.memory_space<vmem>>)
        tpu.yield
      }) : () -> ()
      "tpu.region"() ({
        %run_scoped3A_18 = tpu.sem_alloc : memref<!tpu.dma_semaphore, #tpu.memory_space<semaphore_mem>>
        %dma_start3A = arith.constant 0 : i32
        %dma_start3A_19 = tpu.memref_slice %arg8[%add3A_17, %dma_start3A] : memref<79x128xi32, #tpu.memory_space<vmem>> -> memref<1x128xi32, #tpu.memory_space<vmem>>
        %dma_start3A_20 = tpu.memref_squeeze %dma_start3A_19 : memref<1x128xi32, #tpu.memory_space<vmem>> -> memref<128xi32, #tpu.memory_space<vmem>>
        %dma_start3A_21 = arith.constant 0 : i32
        %dma_start3A_22 = arith.constant 0 : i32
        %dma_start3A_23 = tpu.memref_slice %arg10[%dma_start3A_21, %dma_start3A_22] : memref<10112x128xf32, #tpu.memory_space<vmem_shared>> -> memref<10112x128xf32, #tpu.memory_space<vmem_shared>>
        tpu.enqueue_indirect_dma source(%arg9 : memref<128x128xf32, #tpu.memory_space<vmem>>) target(%dma_start3A_23 : memref<10112x128xf32, #tpu.memory_space<vmem_shared>>) offsets(%dma_start3A_20 : memref<128xi32, #tpu.memory_space<vmem>>) semaphore(%run_scoped3A_18 : memref<!tpu.dma_semaphore, #tpu.memory_space<semaphore_mem>>) {add = true}
        %dma_wait3A = arith.constant 0 : i32
        %dma_wait3A_24 = tpu.memref_slice %arg8[%add3A_17, %dma_wait3A] : memref<79x128xi32, #tpu.memory_space<vmem>> -> memref<1x128xi32, #tpu.memory_space<vmem>>
        %dma_wait3A_25 = tpu.memref_squeeze %dma_wait3A_24 : memref<1x128xi32, #tpu.memory_space<vmem>> -> memref<128xi32, #tpu.memory_space<vmem>>
        %dma_wait3A_26 = arith.constant 0 : i32
        %dma_wait3A_27 = arith.constant 0 : i32
        %dma_wait3A_28 = tpu.memref_slice %arg10[%dma_wait3A_26, %dma_wait3A_27] : memref<10112x128xf32, #tpu.memory_space<vmem_shared>> -> memref<10112x128xf32, #tpu.memory_space<vmem_shared>>
        tpu.wait_indirect_dma semaphore(%run_scoped3A_18 : memref<!tpu.dma_semaphore, #tpu.memory_space<semaphore_mem>>) src(%arg9 : memref<128x128xf32, #tpu.memory_space<vmem>>) dst(%dma_wait3A_28 : memref<10112x128xf32, #tpu.memory_space<vmem_shared>>)
        tpu.yield
      }) : () -> ()
    }
    %scan3A_12 = arith.constant 79 : i32
    %barrier3A_13 = arith.constant 0 : index
    tpu.barrier barrier_id(%barrier3A_13)
    "tpu.region"() ({
      %run_scoped3A_14 = tpu.sem_alloc : memref<!tpu.dma_semaphore, #tpu.memory_space<semaphore_mem>>
      %dma_start3A = arith.constant 0 : i32
      %dma_start3A_15 = arith.constant 0 : i32
      %dma_start3A_16 = tpu.memref_slice %arg6[%arg0, %dma_start3A, %dma_start3A_15] : memref<2x10112x128xf32, #tpu.memory_space<hbm>> -> memref<1x10112x128xf32, #tpu.memory_space<hbm>>
      %dma_start3A_17 = tpu.memref_squeeze %dma_start3A_16 : memref<1x10112x128xf32, #tpu.memory_space<hbm>> -> memref<10112x128xf32, #tpu.memory_space<hbm>>
      %dma_start3A_18 = arith.constant 0 : i32
      %dma_start3A_19 = tpu.memref_slice %dma_start3A_17[%mul3A_0, %dma_start3A_18] : memref<10112x128xf32, #tpu.memory_space<hbm>> -> memref<632x128xf32, #tpu.memory_space<hbm>>
      %dma_start3A_20 = arith.constant 0 : i32
      %dma_start3A_21 = tpu.memref_slice %arg10[%mul3A_0, %dma_start3A_20] : memref<10112x128xf32, #tpu.memory_space<vmem_shared>> -> memref<632x128xf32, #tpu.memory_space<vmem_shared>>
      tpu.enqueue_dma source(%dma_start3A_21 : memref<632x128xf32, #tpu.memory_space<vmem_shared>>) target(%dma_start3A_19 : memref<632x128xf32, #tpu.memory_space<hbm>>) target_semaphore(%run_scoped3A_14 : memref<!tpu.dma_semaphore, #tpu.memory_space<semaphore_mem>>)
      %dma_wait3A = arith.constant 0 : i32
      %dma_wait3A_22 = arith.constant 0 : i32
      %dma_wait3A_23 = tpu.memref_slice %arg6[%arg0, %dma_wait3A, %dma_wait3A_22] : memref<2x10112x128xf32, #tpu.memory_space<hbm>> -> memref<1x10112x128xf32, #tpu.memory_space<hbm>>
      %dma_wait3A_24 = tpu.memref_squeeze %dma_wait3A_23 : memref<1x10112x128xf32, #tpu.memory_space<hbm>> -> memref<10112x128xf32, #tpu.memory_space<hbm>>
      %dma_wait3A_25 = arith.constant 0 : i32
      %dma_wait3A_26 = tpu.memref_slice %dma_wait3A_24[%mul3A_0, %dma_wait3A_25] : memref<10112x128xf32, #tpu.memory_space<hbm>> -> memref<632x128xf32, #tpu.memory_space<hbm>>
      %dma_wait3A_27 = arith.constant 0 : i32
      %dma_wait3A_28 = tpu.memref_slice %arg10[%mul3A_0, %dma_wait3A_27] : memref<10112x128xf32, #tpu.memory_space<vmem_shared>> -> memref<632x128xf32, #tpu.memory_space<vmem_shared>>
      tpu.wait_dma2 semaphore(%run_scoped3A_14 : memref<!tpu.dma_semaphore, #tpu.memory_space<semaphore_mem>>) src(%dma_wait3A_28 : memref<632x128xf32, #tpu.memory_space<vmem_shared>>) dst(%dma_wait3A_26 : memref<632x128xf32, #tpu.memory_space<hbm>>)
      tpu.yield
    }) : () -> ()
    return
  }
}

module attributes {stable_mosaic.version = 14 : i64} {
  func.func @body(%arg0: i32, %arg1: memref<1264x32xf32, #tpu.memory_space<vmem>>, %arg2: memref<32x128xf32, #tpu.memory_space<vmem>>, %arg3: memref<1x128xf32, #tpu.memory_space<vmem>>, %arg4: memref<128x128xf32, #tpu.memory_space<vmem>>, %arg5: memref<1x128xf32, #tpu.memory_space<vmem>>, %arg6: memref<1264x128xf32, #tpu.memory_space<vmem>>) attributes {dimension_semantics = [#tpu.dimension_semantics<arbitrary>], iteration_bounds = array<i64: 16>, scalar_prefetch = 0 : i64, scratch_operands = 0 : i64, tpu.core_type = #tpu.core_type<tc>, window_params = [{transform_indices = @transform_0, window_bounds = array<i64: 1264, 32>}, {pipeline_mode = #tpu.pipeline_mode<synchronous>, transform_indices = @transform_1, window_bounds = array<i64: 32, 128>}, {pipeline_mode = #tpu.pipeline_mode<synchronous>, transform_indices = @transform_2, window_bounds = array<i64: 1, 128>}, {pipeline_mode = #tpu.pipeline_mode<synchronous>, transform_indices = @transform_3, window_bounds = array<i64: 128, 128>}, {pipeline_mode = #tpu.pipeline_mode<synchronous>, transform_indices = @transform_4, window_bounds = array<i64: 1, 128>}, {transform_indices = @transform_5, window_bounds = array<i64: 1264, 128>}]} {
    %get3A = arith.constant 0 : index
    %get3A_0 = arith.constant 0 : index
    %get3A_1 = vector.load %arg1[%get3A, %get3A_0] : memref<1264x32xf32, #tpu.memory_space<vmem>>, vector<1264x32xf32>
    %get3A_2 = arith.constant 0 : index
    %get3A_3 = arith.constant 0 : index
    %get3A_4 = vector.load %arg2[%get3A_2, %get3A_3] : memref<32x128xf32, #tpu.memory_space<vmem>>, vector<32x128xf32>
    %dot_general3A = arith.constant dense<0.000000e+00> : vector<1264x128xf32>
    %dot_general3A_5 = tpu.matmul %get3A_1, %get3A_4, %dot_general3A {dimension_numbers = #tpu.dot_dimension_numbers<[1], [0], [0], [1], [0, 0, 1, 1], [], []>, transpose_lhs_hint = false} : vector<1264x32xf32>, vector<32x128xf32>, vector<1264x128xf32> -> vector<1264x128xf32>
    %get3A_6 = arith.constant 0 : index
    %get3A_7 = arith.constant 0 : index
    %get3A_8 = vector.load %arg3[%get3A_6, %get3A_7] : memref<1x128xf32, #tpu.memory_space<vmem>>, vector<1x128xf32>
    %add3A = vector.broadcast %get3A_8 : vector<1x128xf32> to vector<1264x128xf32>
    %add3A_9 = arith.addf %dot_general3A_5, %add3A : vector<1264x128xf32>
    %get3A_10 = arith.constant 0 : index
    %get3A_11 = arith.constant 0 : index
    %get3A_12 = vector.load %arg4[%get3A_10, %get3A_11] : memref<128x128xf32, #tpu.memory_space<vmem>>, vector<128x128xf32>
    %dot_general3A_13 = arith.constant dense<0.000000e+00> : vector<1264x128xf32>
    %dot_general3A_14 = tpu.matmul %add3A_9, %get3A_12, %dot_general3A_13 {dimension_numbers = #tpu.dot_dimension_numbers<[1], [0], [0], [1], [0, 0, 1, 1], [], []>, transpose_lhs_hint = false} : vector<1264x128xf32>, vector<128x128xf32>, vector<1264x128xf32> -> vector<1264x128xf32>
    %get3A_15 = arith.constant 0 : index
    %get3A_16 = arith.constant 0 : index
    %get3A_17 = vector.load %arg5[%get3A_15, %get3A_16] : memref<1x128xf32, #tpu.memory_space<vmem>>, vector<1x128xf32>
    %add3A_18 = vector.broadcast %get3A_17 : vector<1x128xf32> to vector<1264x128xf32>
    %add3A_19 = arith.addf %dot_general3A_14, %add3A_18 : vector<1264x128xf32>
    %tanh3A = math.tanh %add3A_19 : vector<1264x128xf32>
    %swap3A = arith.constant 0 : index
    %swap3A_20 = arith.constant 0 : index
    %swap3A_21 = vector.load %arg6[%swap3A, %swap3A_20] : memref<1264x128xf32, #tpu.memory_space<vmem>>, vector<1264x128xf32>
    tpu.vector_store %arg6[%swap3A, %swap3A_20], %tanh3A {strides = array<i32>} : memref<1264x128xf32, #tpu.memory_space<vmem>>, vector<1264x128xf32>,
    return
  }
  func.func @transform_0(%arg0: i32) -> (i32, i32) {
    %c0_i32 = arith.constant 0 : i32
    %c0_i32_0 = arith.constant 0 : i32
    return %arg0, %c0_i32 : i32, i32
  }
  func.func @transform_1(%arg0: i32) -> (i32, i32) {
    %c0_i32 = arith.constant 0 : i32
    %c0_i32_0 = arith.constant 0 : i32
    %c0_i32_1 = arith.constant 0 : i32
    return %c0_i32, %c0_i32_0 : i32, i32
  }
  func.func @transform_2(%arg0: i32) -> (i32, i32) {
    %c0_i32 = arith.constant 0 : i32
    %c0_i32_0 = arith.constant 0 : i32
    %c0_i32_1 = arith.constant 0 : i32
    return %c0_i32, %c0_i32_0 : i32, i32
  }
  func.func @transform_3(%arg0: i32) -> (i32, i32) {
    %c0_i32 = arith.constant 0 : i32
    %c0_i32_0 = arith.constant 0 : i32
    %c0_i32_1 = arith.constant 0 : i32
    return %c0_i32, %c0_i32_0 : i32, i32
  }
  func.func @transform_4(%arg0: i32) -> (i32, i32) {
    %c0_i32 = arith.constant 0 : i32
    %c0_i32_0 = arith.constant 0 : i32
    %c0_i32_1 = arith.constant 0 : i32
    return %c0_i32, %c0_i32_0 : i32, i32
  }
  func.func @transform_5(%arg0: i32) -> (i32, i32) {
    %c0_i32 = arith.constant 0 : i32
    %c0_i32_0 = arith.constant 0 : i32
    return %arg0, %c0_i32 : i32, i32
  }
}

module attributes {stable_mosaic.version = 14 : i64} {
  func.func @body(%arg0: i32, %arg1: memref<1264x128xf32, #tpu.memory_space<vmem>>, %arg2: memref<1264x8xf32, #tpu.memory_space<vmem>>, %arg3: memref<128x128xf32, #tpu.memory_space<vmem>>, %arg4: memref<1x128xf32, #tpu.memory_space<vmem>>, %arg5: memref<1264x128xf32, #tpu.memory_space<vmem>>) attributes {dimension_semantics = [#tpu.dimension_semantics<arbitrary>], iteration_bounds = array<i64: 16>, scalar_prefetch = 0 : i64, scratch_operands = 0 : i64, tpu.core_type = #tpu.core_type<tc>, window_params = [{transform_indices = @transform_0, window_bounds = array<i64: 1264, 128>}, {transform_indices = @transform_1, window_bounds = array<i64: 1264, 8>}, {pipeline_mode = #tpu.pipeline_mode<synchronous>, transform_indices = @transform_2, window_bounds = array<i64: 128, 128>}, {pipeline_mode = #tpu.pipeline_mode<synchronous>, transform_indices = @transform_3, window_bounds = array<i64: 1, 128>}, {transform_indices = @transform_4, window_bounds = array<i64: 1264, 128>}]} {
    %get3A = arith.constant 0 : index
    %get3A_0 = arith.constant 0 : index
    %get3A_1 = vector.load %arg1[%get3A, %get3A_0] : memref<1264x128xf32, #tpu.memory_space<vmem>>, vector<1264x128xf32>
    %get3A_2 = arith.constant 0 : index
    %get3A_3 = arith.constant 0 : index
    %get3A_4 = vector.load %arg2[%get3A_2, %get3A_3] : memref<1264x8xf32, #tpu.memory_space<vmem>>, vector<1264x1xf32>
    %add3A = arith.constant 9.99999997E-7 : f32
    %add3A_5 = vector.broadcast %add3A : f32 to vector<1264x1xf32>
    %add3A_6 = arith.addf %get3A_4, %add3A_5 : vector<1264x1xf32>
    %div3A = vector.broadcast %add3A_6 : vector<1264x1xf32> to vector<1264x128xf32>
    %div3A_7 = arith.divf %get3A_1, %div3A : vector<1264x128xf32>
    %get3A_8 = arith.constant 0 : index
    %get3A_9 = arith.constant 0 : index
    %get3A_10 = vector.load %arg3[%get3A_8, %get3A_9] : memref<128x128xf32, #tpu.memory_space<vmem>>, vector<128x128xf32>
    %dot_general3A = arith.constant dense<0.000000e+00> : vector<1264x128xf32>
    %dot_general3A_11 = tpu.matmul %div3A_7, %get3A_10, %dot_general3A {dimension_numbers = #tpu.dot_dimension_numbers<[1], [0], [0], [1], [0, 0, 1, 1], [], []>, transpose_lhs_hint = false} : vector<1264x128xf32>, vector<128x128xf32>, vector<1264x128xf32> -> vector<1264x128xf32>
    %get3A_12 = arith.constant 0 : index
    %get3A_13 = arith.constant 0 : index
    %get3A_14 = vector.load %arg4[%get3A_12, %get3A_13] : memref<1x128xf32, #tpu.memory_space<vmem>>, vector<1x128xf32>
    %add3A_15 = vector.broadcast %get3A_14 : vector<1x128xf32> to vector<1264x128xf32>
    %add3A_16 = arith.addf %dot_general3A_11, %add3A_15 : vector<1264x128xf32>
    %tanh3A = math.tanh %add3A_16 : vector<1264x128xf32>
    %swap3A = arith.constant 0 : index
    %swap3A_17 = arith.constant 0 : index
    %swap3A_18 = vector.load %arg5[%swap3A, %swap3A_17] : memref<1264x128xf32, #tpu.memory_space<vmem>>, vector<1264x128xf32>
    tpu.vector_store %arg5[%swap3A, %swap3A_17], %tanh3A {strides = array<i32>} : memref<1264x128xf32, #tpu.memory_space<vmem>>, vector<1264x128xf32>,
    return
  }
  func.func @transform_0(%arg0: i32) -> (i32, i32) {
    %c0_i32 = arith.constant 0 : i32
    %c0_i32_0 = arith.constant 0 : i32
    return %arg0, %c0_i32 : i32, i32
  }
  func.func @transform_1(%arg0: i32) -> (i32, i32) {
    %c0_i32 = arith.constant 0 : i32
    %c0_i32_0 = arith.constant 0 : i32
    return %arg0, %c0_i32 : i32, i32
  }
  func.func @transform_2(%arg0: i32) -> (i32, i32) {
    %c0_i32 = arith.constant 0 : i32
    %c0_i32_0 = arith.constant 0 : i32
    %c0_i32_1 = arith.constant 0 : i32
    return %c0_i32, %c0_i32_0 : i32, i32
  }
  func.func @transform_3(%arg0: i32) -> (i32, i32) {
    %c0_i32 = arith.constant 0 : i32
    %c0_i32_0 = arith.constant 0 : i32
    %c0_i32_1 = arith.constant 0 : i32
    return %c0_i32, %c0_i32_0 : i32, i32
  }
  func.func @transform_4(%arg0: i32) -> (i32, i32) {
    %c0_i32 = arith.constant 0 : i32
    %c0_i32_0 = arith.constant 0 : i32
    return %arg0, %c0_i32 : i32, i32
  }
}

module attributes {stable_mosaic.version = 14 : i64} {
  func.func @body(%arg0: memref<8x64xf32, #tpu.memory_space<vmem>>, %arg1: memref<64x64xf32, #tpu.memory_space<vmem>>, %arg2: memref<1x64xf32, #tpu.memory_space<vmem>>, %arg3: memref<64x128xf32, #tpu.memory_space<vmem>>, %arg4: memref<1x128xf32, #tpu.memory_space<vmem>>, %arg5: memref<8x128xf32, #tpu.memory_space<vmem>>) attributes {dimension_semantics = [], scalar_prefetch = 0 : i64, scratch_operands = 0 : i64, tpu.core_type = #tpu.core_type<tc>} {
    %get3A = arith.constant 0 : index
    %get3A_0 = arith.constant 0 : index
    %get3A_1 = vector.load %arg0[%get3A, %get3A_0] : memref<8x64xf32, #tpu.memory_space<vmem>>, vector<8x64xf32>
    %get3A_2 = arith.constant 0 : index
    %get3A_3 = arith.constant 0 : index
    %get3A_4 = vector.load %arg1[%get3A_2, %get3A_3] : memref<64x64xf32, #tpu.memory_space<vmem>>, vector<64x64xf32>
    %dot_general3A = arith.constant dense<0.000000e+00> : vector<8x64xf32>
    %dot_general3A_5 = tpu.matmul %get3A_1, %get3A_4, %dot_general3A {dimension_numbers = #tpu.dot_dimension_numbers<[1], [0], [0], [1], [0, 0, 1, 1], [], []>, transpose_lhs_hint = false} : vector<8x64xf32>, vector<64x64xf32>, vector<8x64xf32> -> vector<8x64xf32>
    %get3A_6 = arith.constant 0 : index
    %get3A_7 = arith.constant 0 : index
    %get3A_8 = vector.load %arg2[%get3A_6, %get3A_7] : memref<1x64xf32, #tpu.memory_space<vmem>>, vector<1x64xf32>
    %add3A = vector.broadcast %get3A_8 : vector<1x64xf32> to vector<8x64xf32>
    %add3A_9 = arith.addf %dot_general3A_5, %add3A : vector<8x64xf32>
    %tanh3A = math.tanh %add3A_9 : vector<8x64xf32>
    %get3A_10 = arith.constant 0 : index
    %get3A_11 = arith.constant 0 : index
    %get3A_12 = vector.load %arg3[%get3A_10, %get3A_11] : memref<64x128xf32, #tpu.memory_space<vmem>>, vector<64x128xf32>
    %dot_general3A_13 = arith.constant dense<0.000000e+00> : vector<8x128xf32>
    %dot_general3A_14 = tpu.matmul %tanh3A, %get3A_12, %dot_general3A_13 {dimension_numbers = #tpu.dot_dimension_numbers<[1], [0], [0], [1], [0, 0, 1, 1], [], []>, transpose_lhs_hint = false} : vector<8x64xf32>, vector<64x128xf32>, vector<8x128xf32> -> vector<8x128xf32>
    %get3A_15 = arith.constant 0 : index
    %get3A_16 = arith.constant 0 : index
    %get3A_17 = vector.load %arg4[%get3A_15, %get3A_16] : memref<1x128xf32, #tpu.memory_space<vmem>>, vector<1x128xf32>
    %add3A_18 = vector.broadcast %get3A_17 : vector<1x128xf32> to vector<8x128xf32>
    %add3A_19 = arith.addf %dot_general3A_14, %add3A_18 : vector<8x128xf32>
    %tanh3A_20 = math.tanh %add3A_19 : vector<8x128xf32>
    %swap3A = arith.constant 0 : index
    %swap3A_21 = arith.constant 0 : index
    %swap3A_22 = vector.load %arg5[%swap3A, %swap3A_21] : memref<8x128xf32, #tpu.memory_space<vmem>>, vector<8x128xf32>
    tpu.vector_store %arg5[%swap3A, %swap3A_21], %tanh3A_20 {strides = array<i32>} : memref<8x128xf32, #tpu.memory_space<vmem>>, vector<8x128xf32>,
    return
  }
}

module attributes {stable_mosaic.version = 14 : i64} {
  func.func @body(%arg0: i32, %arg1: memref<1264x128xf32, #tpu.memory_space<vmem>>, %arg2: memref<1264x8xf32, #tpu.memory_space<vmem>>, %arg3: memref<1264x128xf32, #tpu.memory_space<vmem>>) attributes {dimension_semantics = [#tpu.dimension_semantics<arbitrary>], iteration_bounds = array<i64: 16>, scalar_prefetch = 0 : i64, scratch_operands = 0 : i64, tpu.core_type = #tpu.core_type<tc>, window_params = [{transform_indices = @transform_0, window_bounds = array<i64: 1264, 128>}, {transform_indices = @transform_1, window_bounds = array<i64: 1264, 8>}, {transform_indices = @transform_2, window_bounds = array<i64: 1264, 128>}]} {
    %get3A = arith.constant 0 : index
    %get3A_0 = arith.constant 0 : index
    %get3A_1 = vector.load %arg1[%get3A, %get3A_0] : memref<1264x128xf32, #tpu.memory_space<vmem>>, vector<1264x128xf32>
    %get3A_2 = arith.constant 0 : index
    %get3A_3 = arith.constant 0 : index
    %get3A_4 = vector.load %arg2[%get3A_2, %get3A_3] : memref<1264x8xf32, #tpu.memory_space<vmem>>, vector<1264x1xf32>
    %add3A = arith.constant 9.99999997E-7 : f32
    %add3A_5 = vector.broadcast %add3A : f32 to vector<1264x1xf32>
    %add3A_6 = arith.addf %get3A_4, %add3A_5 : vector<1264x1xf32>
    %div3A = vector.broadcast %add3A_6 : vector<1264x1xf32> to vector<1264x128xf32>
    %div3A_7 = arith.divf %get3A_1, %div3A : vector<1264x128xf32>
    %swap3A = arith.constant 0 : index
    %swap3A_8 = arith.constant 0 : index
    %swap3A_9 = vector.load %arg3[%swap3A, %swap3A_8] : memref<1264x128xf32, #tpu.memory_space<vmem>>, vector<1264x128xf32>
    tpu.vector_store %arg3[%swap3A, %swap3A_8], %div3A_7 {strides = array<i32>} : memref<1264x128xf32, #tpu.memory_space<vmem>>, vector<1264x128xf32>,
    return
  }
  func.func @transform_0(%arg0: i32) -> (i32, i32) {
    %c0_i32 = arith.constant 0 : i32
    %c0_i32_0 = arith.constant 0 : i32
    return %arg0, %c0_i32 : i32, i32
  }
  func.func @transform_1(%arg0: i32) -> (i32, i32) {
    %c0_i32 = arith.constant 0 : i32
    %c0_i32_0 = arith.constant 0 : i32
    return %arg0, %c0_i32 : i32, i32
  }
  func.func @transform_2(%arg0: i32) -> (i32, i32) {
    %c0_i32 = arith.constant 0 : i32
    %c0_i32_0 = arith.constant 0 : i32
    return %arg0, %c0_i32 : i32, i32
  }
}

</mosaic_0001>

<sc_bundles>
// kernel: kernel.13.cloned.1.call-start
scs
__scs_entry_jumppad:
0x0: {  	(pc) =	sbr.rel $0x88, $3  }
0x1: {  	(tag) =	ssettag $0x0;
	lr =	simm.s32 $0x1  }
0x2: {  	[smem:$0x3F93] =	sst lr;
	_ =	strace $0xD0000000  }
0x3: {  	_ = 	snop  }
0x4: {  	_ = 	snop  }
0x5: {  	_ = 	snop  }
0x6: {  	_ = 	snop  }
0x7: {  	_ = 	snop  }
__scs_overlays_trampoline_lowered:
0x8: {  	[smem:$0x3FA2] =	sst s0  }
0x9: {  	[smem:$0x3FA3] =	sst s1  }
0xa: {  	[smem:$0x3FA4] =	sst s2  }
0xb: {  	[smem:$0x3FA5] =	sst s3  }
0xc: {  	[smem:$0x3FA6] =	sst s4  }
0xd: {  	[smem:$0x3FA7] =	sst s5  }
0xe: {  	[smem:$0x3FA8] =	sst s6  }
0xf: {  	[smem:$0x3FA9] =	sst s7  }
0x10: {  	[smem:$0x3FAA] =	sst s8  }
0x11: {  	[smem:$0x3FAB] =	sst s9;
	s0 =	simm.s32 @!p0 $0x0  }
0x12: {  	s1 =	sld [smem:$0x3F91];
	s0 =	simm.s32 @p0 $0x1  }
0x13: {  	[smem:$0x3FAC] =	sst s0;
	s0 =	simm.s32 @!p1 $0x0  }
0x14: {  	s2 =	sld [smem:$0x3F90];
	s0 =	simm.s32 @p1 $0x1  }
0x15: {  	[smem:$0x3FAD] =	sst s0;
	s0 =	simm.s32 @!p2 $0x0  }
0x16: {  	s3 =	sld [smem:$0x3FDB];
	s0 =	simm.s32 @p2 $0x1  }
0x17: {  	s4 =	simm.s32 $0x1BF5;
	[smem:$0x3FAF] =	sst s0  }
0x18: {  	s0 =	sld [smem:$0x3F92];
	_ =	swait.ge [sflag:s4], $0x0  }
0x19: {  	s7 =	sld [smem:$0x3F93]  }
0x1a: {  	s8 =	sadd.s32 $0xFFFFE003, lr  }
0x1b: {  	s9 =	sadd.s32 $0xFFFFFEF7, lr;
	s5 =	simm.s32 $0xFFFFFFFF;
	p2 =	slt.u32 s8, $0xFFFFF086  }
0x1c: {  	p1 =	slt.u32 s9, $0xF7A;
	s5 =	simm.s32 @!p2 $0x0  }
0x1d: {  	s5 =	simm.s32 @p1 $0x1;
	p0 =	seq.s32 s7, s2  }
0x1e: {  	s7 =	smul.u32 @!p0 $0xF7A, s2;
	p2 =	seq.s32 @!p0 s5, $0x0  }
0x1f: {  	s9 =	smul.u32 $0xF7A, s1;
	s8 =	simm.s32 @!p0 $0x1BF5;
	p2 =	por !p2, p0  }
0x20: {  	[sflag:s8] =	ssyncset.s32 @!p0 $0xFFFFF086;
	s6 =	sadd.s32 @!p0 s3, s7;
	s7 =	simm.s32 @!p0 $0x108  }
0x21: {  	s3 =	sadd.s32 s3, s9;
	s6 =	sadd.s32 @!p0 $0x88, s6;
	s7 =	simm.s32 @p2 $0x1082  }
0x22: {  	[simem:s7], [sflag:s8] =	dma.local @!p0 [hbm:s6], $0xF7A  }
0x23: {  	s9 =	sor.u32 $0xD0000000, s2;
	s6 =	simm.s32 $0x108;
	_ =	swait.ge @!p0 [sflag:s8], $0x0  }
0x24: {  	s3 =	sadd.s32 $0x88, s3;
	s6 =	simm.s32 @!p1 $0x1082;
	[sflag:s4] =	ssyncset.s32 $0xFFFFF086  }
0x25: {  	[simem:s6], [sflag:s4] =	dma.local [hbm:s3], $0xF7A  }
0x26: {  	[smem:$0x3F93] =	sst s1;
	(tag) =	ssettag s2;
	_ =	strace s9  }
0x27: {  	s1 =	sld [smem:$0x3FA3]  }
0x28: {  	s2 =	sld [smem:$0x3FA4]  }
0x29: {  	s4 =	sld [smem:$0x3FA6]  }
0x2a: {  	p0 =	seq.s32 s5, $0x0;
	s5 =	sld [smem:$0x3FA7]  }
0x2b: {  	s6 =	sld [smem:$0x3FA8]  }
0x2c: {  	s7 =	sld [smem:$0x3FA9]  }
0x2d: {  	s3 =	simm.s32 $0x108;
	s8 =	sld [smem:$0x3FAA]  }
0x2e: {  	s3 =	simm.s32 @!p0 $0x1082;
	s9 =	sld [smem:$0x3FAB]  }
0x2f: {  	lr =	sadd.s32 s0, s3;
	s0 =	sld [smem:$0x3FA2]  }
0x30: {  	s3 =	sld [smem:$0x3FA5]  }
0x31: {  	[smem:$0x3FAE] =	sst s10  }
0x32: {  	s10 =	sld [smem:$0x3FAC];
	_ =	sdelay $0x3  }
0x33: {  	p0 =	seq.s32 s10, $0x1;
	s10 =	sld [smem:$0x3FAE];
	_ =	sdelay $0x3  }
0x34: {  	[smem:$0x3FAE] =	sst s10  }
0x35: {  	s10 =	sld [smem:$0x3FAD];
	_ =	sdelay $0x3  }
0x36: {  	p1 =	seq.s32 s10, $0x1;
	s10 =	sld [smem:$0x3FAE];
	_ =	sdelay $0x3  }
0x37: {  	[smem:$0x3FAE] =	sst s10  }
0x38: {  	s10 =	sld [smem:$0x3FAF]  }
0x39: {  	_ = 	snop;
	(pc) =	sbr.ind lr, $3  }
0x3a: {  	_ = 	snop  }
0x3b: {  	_ = 	snop  }
0x3c: {  	p2 =	seq.s32 s10, $0x1;
	s10 =	sld [smem:$0x3FAE]  }
0x3d: {  	_ =	shalt  }
0x3e: {  	_ =	shalt  }
0x3f: {  	_ =	shalt  }
0x40: {  	_ =	shalt  }
0x41: {  	_ =	shalt  }
0x42: {  	_ =	shalt  }
0x43: {  	_ =	shalt  }
0x44: {  	_ =	shalt  }
0x45: {  	_ =	shalt  }
0x46: {  	_ =	shalt  }
0x47: {  	_ =	shalt  }
0x48: {  	_ =	shalt  }
0x49: {  	_ =	shalt  }
0x4a: {  	_ =	shalt  }
0x4b: {  	_ =	shalt  }
0x4c: {  	_ =	shalt  }
0x4d: {  	_ =	shalt  }
0x4e: {  	_ =	shalt  }
0x4f: {  	_ =	shalt  }
0x50: {  	_ =	shalt  }
0x51: {  	_ =	shalt  }
0x52: {  	_ =	shalt  }
0x53: {  	_ =	shalt  }
0x54: {  	_ =	shalt  }
0x55: {  	_ =	shalt  }
0x56: {  	_ =	shalt  }
0x57: {  	_ =	shalt  }
0x58: {  	_ =	shalt  }
0x59: {  	_ =	shalt  }
0x5a: {  	_ =	shalt  }
0x5b: {  	_ =	shalt  }
0x5c: {  	_ =	shalt  }
0x5d: {  	_ =	shalt  }
0x5e: {  	_ =	shalt  }
0x5f: {  	_ =	shalt  }
0x60: {  	_ =	shalt  }
0x61: {  	_ =	shalt  }
0x62: {  	_ =	shalt  }
0x63: {  	_ =	shalt  }
0x64: {  	_ =	shalt  }
0x65: {  	_ =	shalt  }
0x66: {  	_ =	shalt  }
0x67: {  	_ =	shalt  }
0x68: {  	_ =	shalt  }
0x69: {  	_ =	shalt  }
0x6a: {  	_ =	shalt  }
0x6b: {  	_ =	shalt  }
0x6c: {  	_ =	shalt  }
0x6d: {  	_ =	shalt  }
0x6e: {  	_ =	shalt  }
0x6f: {  	_ =	shalt  }
0x70: {  	_ =	shalt  }
0x71: {  	_ =	shalt  }
0x72: {  	_ =	shalt  }
0x73: {  	_ =	shalt  }
0x74: {  	_ =	shalt  }
0x75: {  	_ =	shalt  }
0x76: {  	_ =	shalt  }
0x77: {  	_ =	shalt  }
0x78: {  	_ =	shalt  }
0x79: {  	_ =	shalt  }
0x7a: {  	_ =	shalt  }
0x7b: {  	_ =	shalt  }
0x7c: {  	_ =	shalt  }
0x7d: {  	_ =	shalt  }
0x7e: {  	_ =	shalt  }
0x7f: {  	_ =	shalt  }
0x80: {  	_ =	shalt  }
0x81: {  	_ =	shalt  }
0x82: {  	_ =	shalt  }
0x83: {  	_ =	shalt  }
0x84: {  	_ =	shalt  }
0x85: {  	_ =	shalt  }
0x86: {  	_ =	shalt  }
0x87: {  	_ =	shalt  }
.Lfunc_end0:
.L_simem_size_0:
called_computation_lowered:
.L_overlay_start_0:
0x88: {  	s2 =	sld [smem:$0x3FD9]  }
0x89: {  	s3 =	sld [smem:$0x3FFE];
	_ =	sdelay $0x1  }
0x8a: {  	s1 =	srdreg.scid  }
0x8b: {  	s0 =	sand.u32 $0x1, s1  }
0x8c: {  	s14 =	sshll.u32 s0, $0xA;
	s2 =	sadd.s32 s3, s2  }
0x8d: {  	s2 =	sadd.s32 s2, s14  }
0x8e: {  	[smem:$0x3FBA] =	sst s2  }
0x8f: {  	_ = 	snop  }
0x90: {  	s2 =	sld [smem:$0x3FD0];
	_ =	sdelay $0x2  }
0x91: {  	s15 =	simm.s32 $0xB;
	s4 =	simm.s32 $0x10  }
0x92: {  	[smem:s4], [sflag:s15] =	dma.local [hbm:s2], $0x1  }
0x93: {  	_ =	swait.eq [sflag:s15], $0x1  }
0x94: {  	[sflag:s15] =	ssyncset.done $0x0  }
0x95: {  	[sflag:s15] =	ssyncadd.s32 $0xFFFFFFFF  }
0x96: {  	s16 =	sld [smem:$0x10];
	(tm) =	ssettm $0x1  }
0x97: {  	s17 =	sld [smem:$0x3FFB];
	_ =	sdelay $0x3  }
0x98: {  	_ =	strace s17  }
0x99: {  	s3 =	sld [smem:$0x3FFC];
	_ =	sdelay $0x3  }
0x9a: {  	_ =	strace s3  }
0x9b: {  	s3 =	sld [smem:$0x3FFD];
	_ =	sdelay $0x3  }
0x9c: {  	_ =	strace s3  }
0x9d: {  	_ =	strace $0x8FFFFFFF  }
0x9e: {  	s18 =	sld [smem:$0x3FDB];
	_ =	sdelay $0x1  }
0x9f: {  	s19 =	simm.s32 $_scs_section_size  }
0xa0: {  	s5 =	simm.s32 $_size__tile_overlayer_lowered;
	s6 =	simm.s32 $_tile_overlayer_lowered  }
0xa1: {  	s22 =	simm.s32 $0x1BFF;
	s21 =	sshll.u32 s6, $0x1;
	s3 =	sadd.s32 s19, s18  }
0xa2: {  	s7 =	simm.s32 $0x0;
	s20 =	sshll.u32 s5, $0x1;
	s5 =	sadd.s32 s21, s3  }
0xa3: {  	[timem:s7], [sflag:s22] =	dma.local [hbm:s5], s20  }
0xa4: {  	_ =	swait.ge [sflag:s22], s20  }
0xa5: {  	s4 =	ssub.s32 $0x0, s20;
	[sflag:s22] =	ssyncset.done $0x0  }
0xa6: {  	[sflag:s22] =	ssyncadd.s32 s4;
	_ =	sdelay $0x1  }
0xa7: {  	s23 =	simm.s32 $0x1B8B  }
0xa8: {  	_ =	swait.ge [sflag:s23], $0x1  }
0xa9: {  	[sflag:s23] =	ssyncset.done $0x0  }
0xaa: {  	s25 =	simm.s32 $0x1B8E;
	s24 =	sld [smem:$0x3FFE];
	[sflag:s23] =	ssyncadd.s32 $0xFFFFFFFF  }
0xab: {  	s26 =	simm.s32 $execute0_lowered;
	[smem:$0x3FD2] =	sst s25  }
0xac: {  	s5 =	sshll.u32 s26, $0x1;
	_ =	strace $0x80000046;
	[dreg:$0x1] =	wrdreg $0xFFFFFFFF  }
0xad: {  	s28 =	simm.s32 $_size_execute0_lowered;
	s3 =	sadd.s32 s3, s5;
	[dreg:$0x0] =	wrdreg $0x0  }
0xae: {  	s5 =	sshll.u32 s28, $0x1;
	[dreg:$0x2] =	wrdreg s3  }
0xaf: {  	[dreg:$0x3] =	wrdreg s5  }
0xb0: {  	[dreg:$0x4] =	wrdreg $0xC0  }
0xb1: {  	_ =	task [dreg:s7], $0x5FFFF  }
0xb2: {  	[dreg:$0x1] =	wrdreg $0xFFFFFFFF  }
0xb3: {  	[dreg:$0x0] =	wrdreg $0x60  }
0xb4: {  	[dreg:$0x2] =	wrdreg s16  }
0xb5: {  	[dreg:$0x3] =	wrdreg s24  }
0xb6: {  	[dreg:$0x4] =	wrdreg $0x68000  }
0xb7: {  	[dreg:$0x5] =	wrdreg $0x9  }
0xb8: {  	_ =	task.clear_ibuf [dreg:s7], $0x6FFFF;
	_ =	strace $0x90000046  }
0xb9: {  	s29 =	simm.s32 $0x9;
	_ =	strace $0x80000048  }
0xba: {  	_ =	swait.ge [sflag:s29], $0x1  }
0xbb: {  	[sflag:s29] =	ssyncadd.s32 $0xFFFFFFFF  }
0xbc: {  	_ =	strace $0x90000048  }
0xbd: {  	_ =	sfence  }
0xbe: {  	s30 =	sld [smem:$0x0];
	_ =	sdelay $0x2  }
0xbf: {  	s31 =	sshll.u32 s1, $0xD;
	s1 =	sshrl.u32 s1, $0x2  }
0xc0: {  	s3 =	sand.u32 $0x4000, s31;
	s1 =	sadd.s32 s1, s30  }
0xc1: {  	s0 =	sor.u32 s3, s0;
	s1 =	sshll.u32 s1, $0x11  }
0xc2: {  	s0 =	sor.u32 s1, s0  }
0xc3: {  	s0 =	sadd.s32 $0x8F2B, s0  }
0xc4: {  	[sflag:s0] =	ssyncadd.remote.s32 $0x1  }
0xc5: {  	_ =	sfence.sel $0xFFFF  }
0xc6: {  	[dreg:$0x0] =	wrdreg $0xFFFFFFFF;
	(pc) =	sbr.abs _section_cstart, $3  }
0xc7: {  	[dreg:$0x1] =	wrdreg $0xFFFFFFFF  }
0xc8: {  	_ =	task.clear_ibuf [dreg:s7], $0x2FFFF;
	_ =	strace $0x9FFFFFFF  }
0xc9: {  	(tm) =	ssettm $0x7FFFFFFF  }
tec
execute0_lowered:
.L_overlay_start_1:
0x0: {  	(tag) =	ssettag $0x1  }
0x1: {  	s6 =	rddreg [dreg:$0x0]  }
0x2: {  	s7 =	rddreg [dreg:$0x1]  }
0x3: {  	s2 =	rddreg [dreg:$0x2]  }
0x4: {  	s0 =	rddreg [dreg:$0x3];
	s1 =	stileid.u32  }
0x5: {  	s4 =	srdreg.scid;
	s3 =	simm.s32 $0x0;
	s17 =	smul.u32 $0x2780, s1  }
0x6: {  	s5 =	sand.u32 $0x1, s4;
	[smem:$0x7FF] =	sst s3;
	s9 =	smul.u32 $0x4F000, s1  }
0x7: {  	s4 =	sadd.s32 $0x2CA00, s7;
	s15 =	smul.u32 $0x500, s1;
	s19 =	sadd.s32 $0x14000, s6  }
0x8: {  	s20 =	sadd.s32 $0x7C200, s7;
	s30 =	sshll.u32 s1, $0x6;
	s16 =	smul.u32 $0x27800, s5  }
0x9: {  	_ =	strace $0x80000047;
	s11 =	ssub.s32 $0x2, s5;
	s14 =	smul.u32 $0xA000, s5  }
0xa: {  	s8 =	sadd.s32 s17, s7;
	s12 =	sshrl.u32 s11, $0x1;
	s9 =	sshrl.u32 s9, $0x2  }
0xb: {  	s10 =	sadd.s32 s16, s7;
	s11 =	ssub.s32 s11, s12;
	s29 =	sadd.s32 s9, s2  }
0xc: {  	s5 =	sadd.s32 $0x5200, s8;
	s13 =	sadd.s32 s6, s14;
	s7 =	simm.s32 $0x2800  }
0xd: {  	s8 =	simm.s32 $0x1;
	s9 =	sor.u32 $0x1C01, s30;
	s12 =	simm.s32 $0x80  }
0xe: {  	s19 =	sadd.s32 s14, s19;
	s31 =	sadd.s32 s16, s20;
	s18 =	sadd.s32 $0x2D200, s10  }
0xf: {  	s6 =	smax.u32 s11, $0x1;
	s10 =	sshrl.u32 s29, $0x3;
	s11 =	sadd.s32 s15, s13  }
0x10: {  	s15 =	sadd.s32 s15, s19;
	s13 =	sadd.s32 $0x5000, s11;
	s14 =	sadd.s32 s17, s18  }
0x11: {  	s16 =	sadd.s32 $0x5000, s15;
	s17 =	sadd.s32 s17, s31;
	s18 =	simm.s32 $0x0  }
.LBB2_1:
0x12: {  	[tilespmem:s7], [sflag:$0x1] =	stream.linear.gather [hbm4b:s4+s3], $0x4000, $0x38;
	[tilespmem:$0x1A400] =	vst v63  }
0x13: {  	_ =	swait.ge [sflag:s8], $0x4000  }
0x14: {  	[sflag:s8] =	ssyncset.done $0x0  }
0x15: {  	[sflag:s8] =	ssyncadd.s32 $0xFFFFC000  }
0x16: {  	[spmem:s10], [sflag:s9] =	dma.local [hbm:s5], $0x2780  }
0x17: {  	_ =	swait.ge [sflag:s8], $0x2780  }
0x18: {  	[sflag:s8] =	ssyncset.done $0x0  }
0x19: {  	[sflag:s8] =	ssyncadd.s32 $0xFFFFD880  }
0x1a: {  	[bflag:$0x0] =	sbarrier.arrive $0xFFFF  }
0x1b: {  	[tilespmem:s3], [sflag:$0x1] =	stream.linear.gather [hbm4b:s11+s3], $0x2780, $0x38;
	[tilespmem:$0x1A400] =	vst v63  }
0x1c: {  	_ =	swait.ge [sflag:s8], $0x2780  }
0x1d: {  	[sflag:s8] =	ssyncset.done $0x0  }
0x1e: {  	s19 =	simm.s32 $0x0;
	[sflag:s8] =	ssyncadd.s32 $0xFFFFD880  }
0x1f: {  	[spmem:s2] =	stream.indirect.scatter.add.f32 [tilespmem:s7], [sflag:$0x1], $0x80, s19, s12, $0xb8;
	[tilespmem:$0x1A400] =	vst v63  }
0x20: {  	_ =	swait.ge [sflag:s8], $0x4000  }
0x21: {  	s19 =	simm.s32 $0x200;
	[sflag:s8] =	ssyncset.done $0x0  }
.LBB2_2:
0x22: {  	s20 =	sshra.s32 s19, $0x2;
	[sflag:s8] =	ssyncadd.s32 $0xFFFFC000;
	p0 =	sne.s32 s19, $0x9C00  }
0x23: {  	[spmem:s2] =	stream.indirect.scatter.add.f32 [tilespmem:s7], [sflag:$0x1], $0x80, s20, s12, $0xb8;
	[tilespmem:$0x1A400] =	vst v63  }
.Ltmp0:
0x24: {  	_ = 	snop;
	(pc) =	sbr.rel @p0 .LBB2_2-.Ltmp0, $4  }
0x25: {  	_ = 	snop  }
0x26: {  	s19 =	sadd.s32 $0x200, s19  }
0x27: {  	_ =	swait.ge [sflag:s8], $0x4000  }
0x28: {  	[sflag:s8] =	ssyncset.done $0x0  }
0x29: {  	[sflag:s8] =	ssyncadd.s32 $0xFFFFC000;
	s19 =	simm.s32 $0x0  }
0x2a: {  	[tilespmem:s19], [sflag:$0x1] =	stream.linear.gather [hbm4b:s13+s19], $0x2780, $0x38;
	[tilespmem:$0x1A400] =	vst v63  }
0x2b: {  	_ =	swait.ge [sflag:s8], $0x2780  }
0x2c: {  	[sflag:s8] =	ssyncset.done $0x0  }
0x2d: {  	s31 =	simm.s32 $0x0;
	[sflag:s8] =	ssyncadd.s32 $0xFFFFD880  }
0x2e: {  	[spmem:s2] =	stream.indirect.scatter.add.f32 [tilespmem:s7], [sflag:$0x1], $0x80, s31, s12, $0xb8;
	[tilespmem:$0x1A400] =	vst v63  }
0x2f: {  	_ =	swait.ge [sflag:s8], $0x4000  }
0x30: {  	s19 =	simm.s32 $0x200;
	[sflag:s8] =	ssyncset.done $0x0  }
.LBB2_4:
0x31: {  	s20 =	sshra.s32 s19, $0x2;
	[sflag:s8] =	ssyncadd.s32 $0xFFFFC000;
	p0 =	sne.s32 s19, $0x9C00  }
0x32: {  	[spmem:s2] =	stream.indirect.scatter.add.f32 [tilespmem:s7], [sflag:$0x1], $0x80, s20, s12, $0xb8;
	[tilespmem:$0x1A400] =	vst v63  }
.Ltmp1:
0x33: {  	_ = 	snop;
	(pc) =	sbr.rel @p0 .LBB2_4-.Ltmp1, $4  }
0x34: {  	_ = 	snop  }
0x35: {  	s19 =	sadd.s32 $0x200, s19  }
0x36: {  	_ =	swait.ge [sflag:s8], $0x4000  }
0x37: {  	[sflag:s8] =	ssyncset.done $0x0  }
0x38: {  	[sflag:s8] =	ssyncadd.s32 $0xFFFFC000  }
0x39: {  	[bflag:$0x0] =	sbarrier.arrive $0xFFFF  }
0x3a: {  	[hbm:s14], [sflag:s9] =	dma.local [spmem:s10], $0x2780  }
0x3b: {  	_ =	swait.ge [sflag:s8], $0x2780  }
0x3c: {  	[sflag:s8] =	ssyncset.done $0x0  }
0x3d: {  	[sflag:s8] =	ssyncadd.s32 $0xFFFFD880  }
0x3e: {  	[spmem:s10], [sflag:s9] =	dma.local [hbm:s5], $0x2780  }
0x3f: {  	_ =	swait.ge [sflag:s8], $0x2780  }
0x40: {  	[sflag:s8] =	ssyncset.done $0x0  }
0x41: {  	[sflag:s8] =	ssyncadd.s32 $0xFFFFD880  }
0x42: {  	s19 =	simm.s32 $0x0;
	[bflag:$0x0] =	sbarrier.arrive $0xFFFF  }
0x43: {  	[tilespmem:s19], [sflag:$0x1] =	stream.linear.gather [hbm4b:s15+s19], $0x2780, $0x38;
	[tilespmem:$0x1A400] =	vst v63  }
0x44: {  	_ =	swait.ge [sflag:s8], $0x2780  }
0x45: {  	[sflag:s8] =	ssyncset.done $0x0  }
0x46: {  	s31 =	simm.s32 $0x0;
	[sflag:s8] =	ssyncadd.s32 $0xFFFFD880  }
0x47: {  	[spmem:s2] =	stream.indirect.scatter.add.f32 [tilespmem:s7], [sflag:$0x1], $0x80, s31, s12, $0xb8;
	[tilespmem:$0x1A400] =	vst v63  }
0x48: {  	_ =	swait.ge [sflag:s8], $0x4000  }
0x49: {  	s19 =	simm.s32 $0x200;
	[sflag:s8] =	ssyncset.done $0x0  }
.LBB2_6:
0x4a: {  	s20 =	sshra.s32 s19, $0x2;
	[sflag:s8] =	ssyncadd.s32 $0xFFFFC000;
	p0 =	sne.s32 s19, $0x9C00  }
0x4b: {  	[spmem:s2] =	stream.indirect.scatter.add.f32 [tilespmem:s7], [sflag:$0x1], $0x80, s20, s12, $0xb8;
	[tilespmem:$0x1A400] =	vst v63  }
.Ltmp2:
0x4c: {  	_ = 	snop;
	(pc) =	sbr.rel @p0 .LBB2_6-.Ltmp2, $4  }
0x4d: {  	_ = 	snop  }
0x4e: {  	s19 =	sadd.s32 $0x200, s19  }
0x4f: {  	_ =	swait.ge [sflag:s8], $0x4000  }
0x50: {  	[sflag:s8] =	ssyncset.done $0x0  }
0x51: {  	[sflag:s8] =	ssyncadd.s32 $0xFFFFC000;
	s19 =	simm.s32 $0x0  }
0x52: {  	[tilespmem:s19], [sflag:$0x1] =	stream.linear.gather [hbm4b:s16+s19], $0x2780, $0x38;
	[tilespmem:$0x1A400] =	vst v63  }
0x53: {  	_ =	swait.ge [sflag:s8], $0x2780  }
0x54: {  	[sflag:s8] =	ssyncset.done $0x0  }
0x55: {  	s31 =	simm.s32 $0x0;
	[sflag:s8] =	ssyncadd.s32 $0xFFFFD880  }
0x56: {  	[spmem:s2] =	stream.indirect.scatter.add.f32 [tilespmem:s7], [sflag:$0x1], $0x80, s31, s12, $0xb8;
	[tilespmem:$0x1A400] =	vst v63  }
0x57: {  	_ =	swait.ge [sflag:s8], $0x4000  }
0x58: {  	s19 =	simm.s32 $0x200;
	[sflag:s8] =	ssyncset.done $0x0  }
.LBB2_8:
0x59: {  	s20 =	sshra.s32 s19, $0x2;
	[sflag:s8] =	ssyncadd.s32 $0xFFFFC000;
	p0 =	sne.s32 s19, $0x9C00  }
0x5a: {  	[spmem:s2] =	stream.indirect.scatter.add.f32 [tilespmem:s7], [sflag:$0x1], $0x80, s20, s12, $0xb8;
	[tilespmem:$0x1A400] =	vst v63  }
.Ltmp3:
0x5b: {  	_ = 	snop;
	(pc) =	sbr.rel @p0 .LBB2_8-.Ltmp3, $4  }
0x5c: {  	_ = 	snop  }
0x5d: {  	s19 =	sadd.s32 $0x200, s19  }
0x5e: {  	_ =	swait.ge [sflag:s8], $0x4000  }
0x5f: {  	[sflag:s8] =	ssyncset.done $0x0  }
0x60: {  	s18 =	sadd.s32 $0x1, s18  }
0x61: {  	[sflag:s8] =	ssyncadd.s32 $0xFFFFC000;
	p0 =	sne.s32 s18, s6  }
.Ltmp4:
0x62: {  	[bflag:$0x0] =	sbarrier.arrive $0xFFFF;
	(pc) =	sbr.rel @p0 .LBB2_1-.Ltmp4, $4  }
0x63: {  	[hbm:s17], [sflag:s9] =	dma.local [spmem:s10], $0x2780  }
0x64: {  	_ =	swait.ge [sflag:s8], $0x2780  }
0x65: {  	[sflag:s8] =	ssyncset.done $0x0  }
0x66: {  	[sflag:s8] =	ssyncadd.s32 $0xFFFFD880  }
0x67: {  	_ =	sfence.sel $0x180000  }
0x68: {  	[bflag:$0x0] =	sbarrier.arrive $0xFFFF  }
0x69: {  	p0 =	sne.s32 s1, $0x0;
	_ =	strace $0x90000047  }
0x6a: {  	s0 =	sadd.s32 @!p0 $0x100000, s0;
	[bflag:$0x2] =	sbarrier.arrive $0xFFFF  }
0x6b: {  	[sflag:s0] =	ssyncadd.tile.s32 @!p0 $0x1;
	_ =	shalt  }
.Lfunc_end2:
_tile_overlayer_lowered:
.L_overlay_start_2:
0x6c: {  	(tag) =	ssettag $0x2  }
0x6d: {  	s0 =	rddreg [dreg:$0x0];
	s2 =	stileid.u32  }
0x6e: {  	s1 =	rddreg [dreg:$0x1];
	p0 =	sne.s32 s2, $0x0  }
0x6f: {  	s3 =	rddreg [dreg:$0x2];
	[bflag:$0x3] =	sbarrier.arrive $0xFFFF;
	s2 =	simm.s32 @!p0 $0x1C01  }
0x70: {  	[timem:s3], [sflag:s2] =	dma.local @!p0 [hbm:s0], s1  }
0x71: {  	s0 =	simm.s32 @!p0 $0x1  }
0x72: {  	_ =	swait.ge @!p0 [sflag:s0], s1  }
0x73: {  	s1 =	ssub.s32 @!p0 $0x0, s1;
	[sflag:s0] =	ssyncset.done @!p0 $0x0  }
0x74: {  	[sflag:s0] =	ssyncadd.s32 @!p0 s1  }
0x75: {  	[bflag:$0x3] =	sbarrier.arrive $0xFFFF  }
0x76: {  	_ =	shalt  }

// kernel: kernel.16.cloned.1.call-start
scs
__scs_entry_jumppad:
0x0: {  	(pc) =	sbr.rel $0x88, $3  }
0x1: {  	(tag) =	ssettag $0x0;
	lr =	simm.s32 $0x1  }
0x2: {  	[smem:$0x3F93] =	sst lr;
	_ =	strace $0xD0000000  }
0x3: {  	_ = 	snop  }
0x4: {  	_ = 	snop  }
0x5: {  	_ = 	snop  }
0x6: {  	_ = 	snop  }
0x7: {  	_ = 	snop  }
__scs_overlays_trampoline_lowered:
0x8: {  	[smem:$0x3FA2] =	sst s0  }
0x9: {  	[smem:$0x3FA3] =	sst s1  }
0xa: {  	[smem:$0x3FA4] =	sst s2  }
0xb: {  	[smem:$0x3FA5] =	sst s3  }
0xc: {  	[smem:$0x3FA6] =	sst s4  }
0xd: {  	[smem:$0x3FA7] =	sst s5  }
0xe: {  	[smem:$0x3FA8] =	sst s6  }
0xf: {  	[smem:$0x3FA9] =	sst s7  }
0x10: {  	[smem:$0x3FAA] =	sst s8  }
0x11: {  	[smem:$0x3FAB] =	sst s9;
	s0 =	simm.s32 @!p0 $0x0  }
0x12: {  	s1 =	sld [smem:$0x3F91];
	s0 =	simm.s32 @p0 $0x1  }
0x13: {  	[smem:$0x3FAC] =	sst s0;
	s0 =	simm.s32 @!p1 $0x0  }
0x14: {  	s2 =	sld [smem:$0x3F90];
	s0 =	simm.s32 @p1 $0x1  }
0x15: {  	[smem:$0x3FAD] =	sst s0;
	s0 =	simm.s32 @!p2 $0x0  }
0x16: {  	s3 =	sld [smem:$0x3FDB];
	s0 =	simm.s32 @p2 $0x1  }
0x17: {  	s4 =	simm.s32 $0x1BF5;
	[smem:$0x3FAF] =	sst s0  }
0x18: {  	s0 =	sld [smem:$0x3F92];
	_ =	swait.ge [sflag:s4], $0x0  }
0x19: {  	s7 =	sld [smem:$0x3F93]  }
0x1a: {  	s8 =	sadd.s32 $0xFFFFE003, lr  }
0x1b: {  	s9 =	sadd.s32 $0xFFFFFEF7, lr;
	s5 =	simm.s32 $0xFFFFFFFF;
	p2 =	slt.u32 s8, $0xFFFFF086  }
0x1c: {  	p1 =	slt.u32 s9, $0xF7A;
	s5 =	simm.s32 @!p2 $0x0  }
0x1d: {  	s5 =	simm.s32 @p1 $0x1;
	p0 =	seq.s32 s7, s2  }
0x1e: {  	s7 =	smul.u32 @!p0 $0xF7A, s2;
	p2 =	seq.s32 @!p0 s5, $0x0  }
0x1f: {  	s9 =	smul.u32 $0xF7A, s1;
	s8 =	simm.s32 @!p0 $0x1BF5;
	p2 =	por !p2, p0  }
0x20: {  	[sflag:s8] =	ssyncset.s32 @!p0 $0xFFFFF086;
	s6 =	sadd.s32 @!p0 s3, s7;
	s7 =	simm.s32 @!p0 $0x108  }
0x21: {  	s3 =	sadd.s32 s3, s9;
	s6 =	sadd.s32 @!p0 $0x88, s6;
	s7 =	simm.s32 @p2 $0x1082  }
0x22: {  	[simem:s7], [sflag:s8] =	dma.local @!p0 [hbm:s6], $0xF7A  }
0x23: {  	s9 =	sor.u32 $0xD0000000, s2;
	s6 =	simm.s32 $0x108;
	_ =	swait.ge @!p0 [sflag:s8], $0x0  }
0x24: {  	s3 =	sadd.s32 $0x88, s3;
	s6 =	simm.s32 @!p1 $0x1082;
	[sflag:s4] =	ssyncset.s32 $0xFFFFF086  }
0x25: {  	[simem:s6], [sflag:s4] =	dma.local [hbm:s3], $0xF7A  }
0x26: {  	[smem:$0x3F93] =	sst s1;
	(tag) =	ssettag s2;
	_ =	strace s9  }
0x27: {  	s1 =	sld [smem:$0x3FA3]  }
0x28: {  	s2 =	sld [smem:$0x3FA4]  }
0x29: {  	s4 =	sld [smem:$0x3FA6]  }
0x2a: {  	p0 =	seq.s32 s5, $0x0;
	s5 =	sld [smem:$0x3FA7]  }
0x2b: {  	s6 =	sld [smem:$0x3FA8]  }
0x2c: {  	s7 =	sld [smem:$0x3FA9]  }
0x2d: {  	s3 =	simm.s32 $0x108;
	s8 =	sld [smem:$0x3FAA]  }
0x2e: {  	s3 =	simm.s32 @!p0 $0x1082;
	s9 =	sld [smem:$0x3FAB]  }
0x2f: {  	lr =	sadd.s32 s0, s3;
	s0 =	sld [smem:$0x3FA2]  }
0x30: {  	s3 =	sld [smem:$0x3FA5]  }
0x31: {  	[smem:$0x3FAE] =	sst s10  }
0x32: {  	s10 =	sld [smem:$0x3FAC];
	_ =	sdelay $0x3  }
0x33: {  	p0 =	seq.s32 s10, $0x1;
	s10 =	sld [smem:$0x3FAE];
	_ =	sdelay $0x3  }
0x34: {  	[smem:$0x3FAE] =	sst s10  }
0x35: {  	s10 =	sld [smem:$0x3FAD];
	_ =	sdelay $0x3  }
0x36: {  	p1 =	seq.s32 s10, $0x1;
	s10 =	sld [smem:$0x3FAE];
	_ =	sdelay $0x3  }
0x37: {  	[smem:$0x3FAE] =	sst s10  }
0x38: {  	s10 =	sld [smem:$0x3FAF]  }
0x39: {  	_ = 	snop;
	(pc) =	sbr.ind lr, $3  }
0x3a: {  	_ = 	snop  }
0x3b: {  	_ = 	snop  }
0x3c: {  	p2 =	seq.s32 s10, $0x1;
	s10 =	sld [smem:$0x3FAE]  }
0x3d: {  	_ =	shalt  }
0x3e: {  	_ =	shalt  }
0x3f: {  	_ =	shalt  }
0x40: {  	_ =	shalt  }
0x41: {  	_ =	shalt  }
0x42: {  	_ =	shalt  }
0x43: {  	_ =	shalt  }
0x44: {  	_ =	shalt  }
0x45: {  	_ =	shalt  }
0x46: {  	_ =	shalt  }
0x47: {  	_ =	shalt  }
0x48: {  	_ =	shalt  }
0x49: {  	_ =	shalt  }
0x4a: {  	_ =	shalt  }
0x4b: {  	_ =	shalt  }
0x4c: {  	_ =	shalt  }
0x4d: {  	_ =	shalt  }
0x4e: {  	_ =	shalt  }
0x4f: {  	_ =	shalt  }
0x50: {  	_ =	shalt  }
0x51: {  	_ =	shalt  }
0x52: {  	_ =	shalt  }
0x53: {  	_ =	shalt  }
0x54: {  	_ =	shalt  }
0x55: {  	_ =	shalt  }
0x56: {  	_ =	shalt  }
0x57: {  	_ =	shalt  }
0x58: {  	_ =	shalt  }
0x59: {  	_ =	shalt  }
0x5a: {  	_ =	shalt  }
0x5b: {  	_ =	shalt  }
0x5c: {  	_ =	shalt  }
0x5d: {  	_ =	shalt  }
0x5e: {  	_ =	shalt  }
0x5f: {  	_ =	shalt  }
0x60: {  	_ =	shalt  }
0x61: {  	_ =	shalt  }
0x62: {  	_ =	shalt  }
0x63: {  	_ =	shalt  }
0x64: {  	_ =	shalt  }
0x65: {  	_ =	shalt  }
0x66: {  	_ =	shalt  }
0x67: {  	_ =	shalt  }
0x68: {  	_ =	shalt  }
0x69: {  	_ =	shalt  }
0x6a: {  	_ =	shalt  }
0x6b: {  	_ =	shalt  }
0x6c: {  	_ =	shalt  }
0x6d: {  	_ =	shalt  }
0x6e: {  	_ =	shalt  }
0x6f: {  	_ =	shalt  }
0x70: {  	_ =	shalt  }
0x71: {  	_ =	shalt  }
0x72: {  	_ =	shalt  }
0x73: {  	_ =	shalt  }
0x74: {  	_ =	shalt  }
0x75: {  	_ =	shalt  }
0x76: {  	_ =	shalt  }
0x77: {  	_ =	shalt  }
0x78: {  	_ =	shalt  }
0x79: {  	_ =	shalt  }
0x7a: {  	_ =	shalt  }
0x7b: {  	_ =	shalt  }
0x7c: {  	_ =	shalt  }
0x7d: {  	_ =	shalt  }
0x7e: {  	_ =	shalt  }
0x7f: {  	_ =	shalt  }
0x80: {  	_ =	shalt  }
0x81: {  	_ =	shalt  }
0x82: {  	_ =	shalt  }
0x83: {  	_ =	shalt  }
0x84: {  	_ =	shalt  }
0x85: {  	_ =	shalt  }
0x86: {  	_ =	shalt  }
0x87: {  	_ =	shalt  }
.Lfunc_end0:
.L_simem_size_0:
called_computation.1_lowered:
.L_overlay_start_0:
0x88: {  	s2 =	sld [smem:$0x3FD9]  }
0x89: {  	s3 =	sld [smem:$0x3FFE];
	_ =	sdelay $0x1  }
0x8a: {  	s1 =	srdreg.scid  }
0x8b: {  	s0 =	sand.u32 $0x1, s1  }
0x8c: {  	s17 =	sshll.u32 s0, $0xA;
	s2 =	sadd.s32 s3, s2  }
0x8d: {  	s2 =	sadd.s32 s2, s17  }
0x8e: {  	[smem:$0x3FBA] =	sst s2  }
0x8f: {  	_ = 	snop  }
0x90: {  	(tm) =	ssettm $0x1  }
0x91: {  	s18 =	sld [smem:$0x3FFB];
	_ =	sdelay $0x3  }
0x92: {  	_ =	strace s18  }
0x93: {  	s2 =	sld [smem:$0x3FFC];
	_ =	sdelay $0x3  }
0x94: {  	_ =	strace s2  }
0x95: {  	s2 =	sld [smem:$0x3FFD];
	_ =	sdelay $0x3  }
0x96: {  	_ =	strace s2  }
0x97: {  	_ =	strace $0x8FFFFFFF  }
0x98: {  	s19 =	sld [smem:$0x3FDB];
	_ =	sdelay $0x1  }
0x99: {  	s20 =	simm.s32 $_scs_section_size  }
0x9a: {  	s4 =	simm.s32 $_size__tile_overlayer_lowered;
	s5 =	simm.s32 $_tile_overlayer_lowered  }
0x9b: {  	s6 =	simm.s32 $0x1BFF;
	s21 =	sshll.u32 s5, $0x1;
	s3 =	sadd.s32 s20, s19  }
0x9c: {  	s22 =	simm.s32 $0x0;
	s4 =	sshll.u32 s4, $0x1;
	s5 =	sadd.s32 s21, s3  }
0x9d: {  	[timem:s22], [sflag:s6] =	dma.local [hbm:s5], s4  }
0x9e: {  	_ =	swait.ge [sflag:s6], s4  }
0x9f: {  	s4 =	ssub.s32 $0x0, s4;
	[sflag:s6] =	ssyncset.done $0x0  }
0xa0: {  	[sflag:s6] =	ssyncadd.s32 s4;
	_ =	sdelay $0x1  }
0xa1: {  	s23 =	simm.s32 $0x1B8B  }
0xa2: {  	_ =	swait.ge [sflag:s23], $0x1  }
0xa3: {  	[sflag:s23] =	ssyncset.done $0x0  }
0xa4: {  	[sflag:s23] =	ssyncadd.s32 $0xFFFFFFFF  }
0xa5: {  	s4 =	sld [smem:$0x0]  }
0xa6: {  	s5 =	sand.u32 $0xFFFFFFFE, s1  }
0xa7: {  	p0 =	sne.s32 s1, s5  }
0xa8: {  	s5 =	sshll.u32 @p0 s5, $0xE  }
0xa9: {  	s5 =	sadd.s32 @p0 $0x11B8D, s5;
	s6 =	sshll.u32 @p0 s4, $0x11  }
0xaa: {  	s5 =	sor.u32 @p0 s6, s5  }
0xab: {  	[sflag:s5] =	ssyncadd.remote.s32 @p0 $0x1;
	_ =	sdelay $0x1  }
0xac: {  	s5 =	simm.s32 @p0 $0x1B8D  }
0xad: {  	_ =	swait.eq @p0 [sflag:s5], $0x1  }
0xae: {  	[sflag:s5] =	ssyncadd.s32 @p0 $0xFFFFFFFF  }
0xaf: {  	s6 =	sshll.u32 @!p0 s1, $0xE  }
0xb0: {  	s6 =	sor.u32 @!p0 $0x4000, s6;
	s5 =	simm.s32 @!p0 $0x1B8D  }
0xb1: {  	s4 =	sshll.u32 @!p0 s4, $0x11;
	s6 =	sadd.s32 @!p0 $0x11B8D, s6;
	_ =	swait.eq @!p0 [sflag:s5], $0x1  }
0xb2: {  	s4 =	sor.u32 @!p0 s4, s6;
	[sflag:s5] =	ssyncadd.s32 @!p0 $0xFFFFFFFF  }
0xb3: {  	s25 =	simm.s32 $0x1B8E;
	s24 =	sld [smem:$0x3FFE];
	[sflag:s4] =	ssyncadd.remote.s32 @!p0 $0x1  }
0xb4: {  	s26 =	simm.s32 $execute0_lowered;
	[smem:$0x3FD2] =	sst s25  }
0xb5: {  	s5 =	sshll.u32 s26, $0x1;
	_ =	strace $0x80000049;
	[dreg:$0x1] =	wrdreg $0xFFFFFFFF  }
0xb6: {  	s28 =	simm.s32 $_size_execute0_lowered;
	s3 =	sadd.s32 s3, s5;
	[dreg:$0x0] =	wrdreg $0x0  }
0xb7: {  	s5 =	sshll.u32 s28, $0x1;
	[dreg:$0x2] =	wrdreg s3  }
0xb8: {  	[dreg:$0x3] =	wrdreg s5  }
0xb9: {  	[dreg:$0x4] =	wrdreg $0xC0  }
0xba: {  	_ =	task [dreg:s22], $0x5FFFF  }
0xbb: {  	[dreg:$0x1] =	wrdreg $0xFFFFFFFF  }
0xbc: {  	[dreg:$0x0] =	wrdreg $0x60  }
0xbd: {  	[dreg:$0x2] =	wrdreg s24  }
0xbe: {  	[dreg:$0x3] =	wrdreg $0x90000  }
0xbf: {  	[dreg:$0x4] =	wrdreg $0xA  }
0xc0: {  	_ =	task.clear_ibuf [dreg:s22], $0x5FFFF;
	_ =	strace $0x90000049  }
0xc1: {  	s29 =	simm.s32 $0xA;
	_ =	strace $0x8000004B  }
0xc2: {  	_ =	swait.ge [sflag:s29], $0x1  }
0xc3: {  	[sflag:s29] =	ssyncadd.s32 $0xFFFFFFFF  }
0xc4: {  	_ =	strace $0x9000004B  }
0xc5: {  	_ =	sfence  }
0xc6: {  	s30 =	sld [smem:$0x0];
	_ =	sdelay $0x2  }
0xc7: {  	s31 =	sshll.u32 s1, $0xD;
	s1 =	sshrl.u32 s1, $0x2  }
0xc8: {  	s4 =	sand.u32 $0x4000, s31;
	s1 =	sadd.s32 s1, s30  }
0xc9: {  	s0 =	sor.u32 s4, s0;
	s1 =	sshll.u32 s1, $0x11  }
0xca: {  	s0 =	sor.u32 s1, s0  }
0xcb: {  	s0 =	sadd.s32 $0x8F2B, s0  }
0xcc: {  	[sflag:s0] =	ssyncadd.remote.s32 $0x1  }
0xcd: {  	_ =	sfence.sel $0xFFFF  }
0xce: {  	[dreg:$0x0] =	wrdreg $0xFFFFFFFF;
	(pc) =	sbr.abs _section_cstart, $3  }
0xcf: {  	[dreg:$0x1] =	wrdreg $0xFFFFFFFF  }
0xd0: {  	_ =	task.clear_ibuf [dreg:s22], $0x2FFFF;
	_ =	strace $0x9FFFFFFF  }
0xd1: {  	(tm) =	ssettm $0x7FFFFFFF  }
tec
execute0_lowered:
.L_overlay_start_1:
0x0: {  	(tag) =	ssettag $0x1  }
0x1: {  	s5 =	rddreg [dreg:$0x0]  }
0x2: {  	s1 =	rddreg [dreg:$0x1];
	s3 =	srdreg.scid  }
0x3: {  	s0 =	rddreg [dreg:$0x2];
	s6 =	sand.u32 $0x1, s3  }
0x4: {  	s2 =	simm.s32 $0x0;
	s3 =	stileid.u32;
	s7 =	smul.u32 $0xA000, s6  }
0x5: {  	s14 =	simm.s32 $0x5000;
	[smem:$0x7FF] =	sst s2;
	s17 =	smul.u32 $0x2780, s3  }
0x6: {  	s4 =	sadd.s32 $0xCB200, s5;
	_ =	strace $0x8000004A;
	s8 =	smul.u32 $0x27800, s6  }
0x7: {  	s6 =	ssub.s32 $0x2, s6;
	s10 =	smul.u32 $0x4F000, s3;
	s30 =	sshll.u32 s3, $0x6  }
0x8: {  	s12 =	smul.u32 $0x500, s3;
	s9 =	sshrl.u32 s6, $0x1;
	s7 =	sadd.s32 s7, s5  }
0x9: {  	s11 =	sadd.s32 s17, s5;
	s8 =	sadd.s32 s8, s5;
	s9 =	ssub.s32 s6, s9  }
0xa: {  	s10 =	sshrl.u32 s10, $0x2;
	s6 =	sor.u32 $0x1C01, s30;
	s5 =	sadd.s32 $0x5200, s11  }
0xb: {  	s31 =	sadd.s32 $0x12E200, s7;
	s10 =	sadd.s32 s10, s1;
	s13 =	sadd.s32 $0x11A200, s7  }
0xc: {  	s18 =	sadd.s32 $0x142200, s8;
	s7 =	smax.u32 s9, $0x1;
	s9 =	simm.s32 $0x1  }
0xd: {  	s8 =	sshrl.u32 s10, $0x3;
	s10 =	sadd.s32 s12, s31;
	s11 =	sadd.s32 s12, s13  }
0xe: {  	s12 =	simm.s32 $0x2800;
	s13 =	simm.s32 $0x80;
	s17 =	sadd.s32 s17, s18  }
0xf: {  	s18 =	simm.s32 $0x0;
	s15 =	sadd.s32 $0x5000, s10;
	s16 =	sadd.s32 $0x5000, s11  }
.LBB2_1:
0x10: {  	[spmem:s8], [sflag:s6] =	dma.local [hbm:s5], $0x2780  }
0x11: {  	_ =	swait.ge [sflag:s9], $0x2780  }
0x12: {  	[sflag:s9] =	ssyncset.done $0x0  }
0x13: {  	[sflag:s9] =	ssyncadd.s32 $0xFFFFD880  }
0x14: {  	[bflag:$0x0] =	sbarrier.arrive $0xFFFF  }
0x15: {  	[tilespmem:s2], [sflag:$0x1] =	stream.linear.gather [hbm4b:s10+s2], $0x2780, $0x38;
	[tilespmem:$0x1CC00] =	vst v63  }
0x16: {  	_ =	swait.ge [sflag:s9], $0x2780  }
0x17: {  	[sflag:s9] =	ssyncset.done $0x0  }
0x18: {  	[sflag:s9] =	ssyncadd.s32 $0xFFFFD880  }
0x19: {  	[tilespmem:s12], [sflag:$0x1] =	stream.linear.gather [hbm4b:s11+s2], $0x2780, $0x38;
	[tilespmem:$0x1CC00] =	vst v63  }
0x1a: {  	_ =	swait.ge [sflag:s9], $0x2780  }
0x1b: {  	[sflag:s9] =	ssyncset.done $0x0  }
0x1c: {  	s19 =	simm.s32 $0x0;
	[sflag:s9] =	ssyncadd.s32 $0xFFFFD880  }
0x1d: {  	[tilespmem:s14], [sflag:$0x1] =	stream.indirect.gather [hbm4b:s4+s13], $0x80, s19, s13, $0xb8;
	[tilespmem:$0x1CC00] =	vst v63  }
0x1e: {  	_ =	swait.ge [sflag:s9], $0x4000  }
0x1f: {  	[sflag:s9] =	ssyncset.done $0x0  }
0x20: {  	s31 =	simm.s32 $0x2800;
	[sflag:s9] =	ssyncadd.s32 $0xFFFFC000  }
0x21: {  	[spmem:s1] =	stream.indirect.scatter.add.f32 [tilespmem:s14], [sflag:$0x1], $0x80, s31, s13, $0xb8;
	[tilespmem:$0x1CC00] =	vst v63  }
0x22: {  	_ =	swait.ge [sflag:s9], $0x4000  }
0x23: {  	s20 =	simm.s32 $0x400;
	s19 =	simm.s32 $0x200;
	[sflag:s9] =	ssyncset.done $0x0  }
.LBB2_2:
0x24: {  	s21 =	sshra.s32 s19, $0x2  }
0x25: {  	[sflag:s9] =	ssyncadd.s32 $0xFFFFC000;
	s19 =	smov.u32 s20;
	s22 =	sadd.s32 $0x200, s20  }
0x26: {  	[tilespmem:s14], [sflag:$0x1] =	stream.indirect.gather [hbm4b:s4+s13], $0x80, s21, s13, $0xb8;
	[tilespmem:$0x1CC00] =	vst v63  }
0x27: {  	p0 =	sne.s32 s20, $0x9C00;
	_ =	swait.ge [sflag:s9], $0x4000  }
.Ltmp0:
0x28: {  	[sflag:s9] =	ssyncset.done $0x0;
	(pc) =	sbr.rel @p0 .LBB2_2-.Ltmp0, $4  }
0x29: {  	s20 =	sadd.s32 $0x2800, s21;
	[sflag:s9] =	ssyncadd.s32 $0xFFFFC000  }
0x2a: {  	[spmem:s1] =	stream.indirect.scatter.add.f32 [tilespmem:s14], [sflag:$0x1], $0x80, s20, s13, $0xb8;
	[tilespmem:$0x1CC00] =	vst v63  }
0x2b: {  	_ =	swait.ge [sflag:s9], $0x4000  }
0x2c: {  	s20 =	smov.u32 s22;
	[sflag:s9] =	ssyncset.done $0x0  }
0x2d: {  	s19 =	sshra.s32 s19, $0x2;
	[sflag:s9] =	ssyncadd.s32 $0xFFFFC000  }
0x2e: {  	[tilespmem:s14], [sflag:$0x1] =	stream.indirect.gather [hbm4b:s4+s13], $0x80, s19, s13, $0xb8;
	[tilespmem:$0x1CC00] =	vst v63  }
0x2f: {  	_ =	swait.ge [sflag:s9], $0x4000  }
0x30: {  	[sflag:s9] =	ssyncset.done $0x0  }
0x31: {  	s19 =	sadd.s32 $0x2800, s19;
	[sflag:s9] =	ssyncadd.s32 $0xFFFFC000  }
0x32: {  	[spmem:s1] =	stream.indirect.scatter.add.f32 [tilespmem:s14], [sflag:$0x1], $0x80, s19, s13, $0xb8;
	[tilespmem:$0x1CC00] =	vst v63  }
0x33: {  	_ =	swait.ge [sflag:s9], $0x4000  }
0x34: {  	[sflag:s9] =	ssyncset.done $0x0  }
0x35: {  	s29 =	simm.s32 $0x0;
	[sflag:s9] =	ssyncadd.s32 $0xFFFFC000  }
0x36: {  	[tilespmem:s29], [sflag:$0x1] =	stream.linear.gather [hbm4b:s15+s29], $0x2780, $0x38;
	[tilespmem:$0x1CC00] =	vst v63  }
0x37: {  	_ =	swait.ge [sflag:s9], $0x2780  }
0x38: {  	[sflag:s9] =	ssyncset.done $0x0  }
0x39: {  	[sflag:s9] =	ssyncadd.s32 $0xFFFFD880  }
0x3a: {  	[tilespmem:s12], [sflag:$0x1] =	stream.linear.gather [hbm4b:s16+s29], $0x2780, $0x38;
	[tilespmem:$0x1CC00] =	vst v63  }
0x3b: {  	_ =	swait.ge [sflag:s9], $0x2780  }
0x3c: {  	[sflag:s9] =	ssyncset.done $0x0  }
0x3d: {  	s30 =	simm.s32 $0x0;
	[sflag:s9] =	ssyncadd.s32 $0xFFFFD880  }
0x3e: {  	[tilespmem:s14], [sflag:$0x1] =	stream.indirect.gather [hbm4b:s4+s13], $0x80, s30, s13, $0xb8;
	[tilespmem:$0x1CC00] =	vst v63  }
0x3f: {  	_ =	swait.ge [sflag:s9], $0x4000  }
0x40: {  	[sflag:s9] =	ssyncset.done $0x0  }
0x41: {  	s31 =	simm.s32 $0x2800;
	[sflag:s9] =	ssyncadd.s32 $0xFFFFC000  }
0x42: {  	[spmem:s1] =	stream.indirect.scatter.add.f32 [tilespmem:s14], [sflag:$0x1], $0x80, s31, s13, $0xb8;
	[tilespmem:$0x1CC00] =	vst v63  }
0x43: {  	_ =	swait.ge [sflag:s9], $0x4000  }
0x44: {  	s20 =	simm.s32 $0x400;
	s19 =	simm.s32 $0x200;
	[sflag:s9] =	ssyncset.done $0x0  }
.LBB2_4:
0x45: {  	s21 =	sshra.s32 s19, $0x2  }
0x46: {  	[sflag:s9] =	ssyncadd.s32 $0xFFFFC000;
	s19 =	smov.u32 s20;
	s22 =	sadd.s32 $0x200, s20  }
0x47: {  	[tilespmem:s14], [sflag:$0x1] =	stream.indirect.gather [hbm4b:s4+s13], $0x80, s21, s13, $0xb8;
	[tilespmem:$0x1CC00] =	vst v63  }
0x48: {  	p0 =	sne.s32 s20, $0x9C00;
	_ =	swait.ge [sflag:s9], $0x4000  }
.Ltmp1:
0x49: {  	[sflag:s9] =	ssyncset.done $0x0;
	(pc) =	sbr.rel @p0 .LBB2_4-.Ltmp1, $4  }
0x4a: {  	s20 =	sadd.s32 $0x2800, s21;
	[sflag:s9] =	ssyncadd.s32 $0xFFFFC000  }
0x4b: {  	[spmem:s1] =	stream.indirect.scatter.add.f32 [tilespmem:s14], [sflag:$0x1], $0x80, s20, s13, $0xb8;
	[tilespmem:$0x1CC00] =	vst v63  }
0x4c: {  	_ =	swait.ge [sflag:s9], $0x4000  }
0x4d: {  	s20 =	smov.u32 s22;
	[sflag:s9] =	ssyncset.done $0x0  }
0x4e: {  	s19 =	sshra.s32 s19, $0x2;
	[sflag:s9] =	ssyncadd.s32 $0xFFFFC000  }
0x4f: {  	[tilespmem:s14], [sflag:$0x1] =	stream.indirect.gather [hbm4b:s4+s13], $0x80, s19, s13, $0xb8;
	[tilespmem:$0x1CC00] =	vst v63  }
0x50: {  	_ =	swait.ge [sflag:s9], $0x4000  }
0x51: {  	[sflag:s9] =	ssyncset.done $0x0  }
0x52: {  	s19 =	sadd.s32 $0x2800, s19;
	[sflag:s9] =	ssyncadd.s32 $0xFFFFC000  }
0x53: {  	[spmem:s1] =	stream.indirect.scatter.add.f32 [tilespmem:s14], [sflag:$0x1], $0x80, s19, s13, $0xb8;
	[tilespmem:$0x1CC00] =	vst v63  }
0x54: {  	_ =	swait.ge [sflag:s9], $0x4000  }
0x55: {  	s18 =	sadd.s32 $0x1, s18;
	[sflag:s9] =	ssyncset.done $0x0  }
0x56: {  	p0 =	sne.s32 s18, s7;
	[sflag:s9] =	ssyncadd.s32 $0xFFFFC000  }
.Ltmp2:
0x57: {  	[bflag:$0x0] =	sbarrier.arrive $0xFFFF;
	(pc) =	sbr.rel @p0 .LBB2_1-.Ltmp2, $4  }
0x58: {  	[hbm:s17], [sflag:s6] =	dma.local [spmem:s8], $0x2780  }
0x59: {  	_ =	swait.ge [sflag:s9], $0x2780  }
0x5a: {  	[sflag:s9] =	ssyncset.done $0x0  }
0x5b: {  	[sflag:s9] =	ssyncadd.s32 $0xFFFFD880  }
0x5c: {  	_ =	sfence.sel $0x180000  }
0x5d: {  	[bflag:$0x0] =	sbarrier.arrive $0xFFFF  }
0x5e: {  	p0 =	sne.s32 s3, $0x0;
	_ =	strace $0x9000004A  }
0x5f: {  	s0 =	sadd.s32 @!p0 $0x100000, s0;
	[bflag:$0x2] =	sbarrier.arrive $0xFFFF  }
0x60: {  	[sflag:s0] =	ssyncadd.tile.s32 @!p0 $0x1;
	_ =	shalt  }
.Lfunc_end2:
_tile_overlayer_lowered:
.L_overlay_start_2:
0x61: {  	(tag) =	ssettag $0x2  }
0x62: {  	s0 =	rddreg [dreg:$0x0];
	s2 =	stileid.u32  }
0x63: {  	s1 =	rddreg [dreg:$0x1];
	p0 =	sne.s32 s2, $0x0  }
0x64: {  	s3 =	rddreg [dreg:$0x2];
	[bflag:$0x3] =	sbarrier.arrive $0xFFFF;
	s2 =	simm.s32 @!p0 $0x1C01  }
0x65: {  	[timem:s3], [sflag:s2] =	dma.local @!p0 [hbm:s0], s1  }
0x66: {  	s0 =	simm.s32 @!p0 $0x1  }
0x67: {  	_ =	swait.ge @!p0 [sflag:s0], s1  }
0x68: {  	s1 =	ssub.s32 @!p0 $0x0, s1;
	[sflag:s0] =	ssyncset.done @!p0 $0x0  }
0x69: {  	[sflag:s0] =	ssyncadd.s32 @!p0 s1  }
0x6a: {  	[bflag:$0x3] =	sbarrier.arrive $0xFFFF  }
0x6b: {  	_ =	shalt  }

// kernel: kernel.19.cloned.1.call-start
scs
__scs_entry_jumppad:
0x0: {  	(pc) =	sbr.rel $0x88, $3  }
0x1: {  	(tag) =	ssettag $0x0;
	lr =	simm.s32 $0x1  }
0x2: {  	[smem:$0x3F93] =	sst lr;
	_ =	strace $0xD0000000  }
0x3: {  	_ = 	snop  }
0x4: {  	_ = 	snop  }
0x5: {  	_ = 	snop  }
0x6: {  	_ = 	snop  }
0x7: {  	_ = 	snop  }
__scs_overlays_trampoline_lowered:
0x8: {  	[smem:$0x3FA2] =	sst s0  }
0x9: {  	[smem:$0x3FA3] =	sst s1  }
0xa: {  	[smem:$0x3FA4] =	sst s2  }
0xb: {  	[smem:$0x3FA5] =	sst s3  }
0xc: {  	[smem:$0x3FA6] =	sst s4  }
0xd: {  	[smem:$0x3FA7] =	sst s5  }
0xe: {  	[smem:$0x3FA8] =	sst s6  }
0xf: {  	[smem:$0x3FA9] =	sst s7  }
0x10: {  	[smem:$0x3FAA] =	sst s8  }
0x11: {  	[smem:$0x3FAB] =	sst s9;
	s0 =	simm.s32 @!p0 $0x0  }
0x12: {  	s1 =	sld [smem:$0x3F91];
	s0 =	simm.s32 @p0 $0x1  }
0x13: {  	[smem:$0x3FAC] =	sst s0;
	s0 =	simm.s32 @!p1 $0x0  }
0x14: {  	s2 =	sld [smem:$0x3F90];
	s0 =	simm.s32 @p1 $0x1  }
0x15: {  	[smem:$0x3FAD] =	sst s0;
	s0 =	simm.s32 @!p2 $0x0  }
0x16: {  	s3 =	sld [smem:$0x3FDB];
	s0 =	simm.s32 @p2 $0x1  }
0x17: {  	s4 =	simm.s32 $0x1BF5;
	[smem:$0x3FAF] =	sst s0  }
0x18: {  	s0 =	sld [smem:$0x3F92];
	_ =	swait.ge [sflag:s4], $0x0  }
0x19: {  	s7 =	sld [smem:$0x3F93]  }
0x1a: {  	s8 =	sadd.s32 $0xFFFFE003, lr  }
0x1b: {  	s9 =	sadd.s32 $0xFFFFFEF7, lr;
	s5 =	simm.s32 $0xFFFFFFFF;
	p2 =	slt.u32 s8, $0xFFFFF086  }
0x1c: {  	p1 =	slt.u32 s9, $0xF7A;
	s5 =	simm.s32 @!p2 $0x0  }
0x1d: {  	s5 =	simm.s32 @p1 $0x1;
	p0 =	seq.s32 s7, s2  }
0x1e: {  	s7 =	smul.u32 @!p0 $0xF7A, s2;
	p2 =	seq.s32 @!p0 s5, $0x0  }
0x1f: {  	s9 =	smul.u32 $0xF7A, s1;
	s8 =	simm.s32 @!p0 $0x1BF5;
	p2 =	por !p2, p0  }
0x20: {  	[sflag:s8] =	ssyncset.s32 @!p0 $0xFFFFF086;
	s6 =	sadd.s32 @!p0 s3, s7;
	s7 =	simm.s32 @!p0 $0x108  }
0x21: {  	s3 =	sadd.s32 s3, s9;
	s6 =	sadd.s32 @!p0 $0x88, s6;
	s7 =	simm.s32 @p2 $0x1082  }
0x22: {  	[simem:s7], [sflag:s8] =	dma.local @!p0 [hbm:s6], $0xF7A  }
0x23: {  	s9 =	sor.u32 $0xD0000000, s2;
	s6 =	simm.s32 $0x108;
	_ =	swait.ge @!p0 [sflag:s8], $0x0  }
0x24: {  	s3 =	sadd.s32 $0x88, s3;
	s6 =	simm.s32 @!p1 $0x1082;
	[sflag:s4] =	ssyncset.s32 $0xFFFFF086  }
0x25: {  	[simem:s6], [sflag:s4] =	dma.local [hbm:s3], $0xF7A  }
0x26: {  	[smem:$0x3F93] =	sst s1;
	(tag) =	ssettag s2;
	_ =	strace s9  }
0x27: {  	s1 =	sld [smem:$0x3FA3]  }
0x28: {  	s2 =	sld [smem:$0x3FA4]  }
0x29: {  	s4 =	sld [smem:$0x3FA6]  }
0x2a: {  	p0 =	seq.s32 s5, $0x0;
	s5 =	sld [smem:$0x3FA7]  }
0x2b: {  	s6 =	sld [smem:$0x3FA8]  }
0x2c: {  	s7 =	sld [smem:$0x3FA9]  }
0x2d: {  	s3 =	simm.s32 $0x108;
	s8 =	sld [smem:$0x3FAA]  }
0x2e: {  	s3 =	simm.s32 @!p0 $0x1082;
	s9 =	sld [smem:$0x3FAB]  }
0x2f: {  	lr =	sadd.s32 s0, s3;
	s0 =	sld [smem:$0x3FA2]  }
0x30: {  	s3 =	sld [smem:$0x3FA5]  }
0x31: {  	[smem:$0x3FAE] =	sst s10  }
0x32: {  	s10 =	sld [smem:$0x3FAC];
	_ =	sdelay $0x3  }
0x33: {  	p0 =	seq.s32 s10, $0x1;
	s10 =	sld [smem:$0x3FAE];
	_ =	sdelay $0x3  }
0x34: {  	[smem:$0x3FAE] =	sst s10  }
0x35: {  	s10 =	sld [smem:$0x3FAD];
	_ =	sdelay $0x3  }
0x36: {  	p1 =	seq.s32 s10, $0x1;
	s10 =	sld [smem:$0x3FAE];
	_ =	sdelay $0x3  }
0x37: {  	[smem:$0x3FAE] =	sst s10  }
0x38: {  	s10 =	sld [smem:$0x3FAF]  }
0x39: {  	_ = 	snop;
	(pc) =	sbr.ind lr, $3  }
0x3a: {  	_ = 	snop  }
0x3b: {  	_ = 	snop  }
0x3c: {  	p2 =	seq.s32 s10, $0x1;
	s10 =	sld [smem:$0x3FAE]  }
0x3d: {  	_ =	shalt  }
0x3e: {  	_ =	shalt  }
0x3f: {  	_ =	shalt  }
0x40: {  	_ =	shalt  }
0x41: {  	_ =	shalt  }
0x42: {  	_ =	shalt  }
0x43: {  	_ =	shalt  }
0x44: {  	_ =	shalt  }
0x45: {  	_ =	shalt  }
0x46: {  	_ =	shalt  }
0x47: {  	_ =	shalt  }
0x48: {  	_ =	shalt  }
0x49: {  	_ =	shalt  }
0x4a: {  	_ =	shalt  }
0x4b: {  	_ =	shalt  }
0x4c: {  	_ =	shalt  }
0x4d: {  	_ =	shalt  }
0x4e: {  	_ =	shalt  }
0x4f: {  	_ =	shalt  }
0x50: {  	_ =	shalt  }
0x51: {  	_ =	shalt  }
0x52: {  	_ =	shalt  }
0x53: {  	_ =	shalt  }
0x54: {  	_ =	shalt  }
0x55: {  	_ =	shalt  }
0x56: {  	_ =	shalt  }
0x57: {  	_ =	shalt  }
0x58: {  	_ =	shalt  }
0x59: {  	_ =	shalt  }
0x5a: {  	_ =	shalt  }
0x5b: {  	_ =	shalt  }
0x5c: {  	_ =	shalt  }
0x5d: {  	_ =	shalt  }
0x5e: {  	_ =	shalt  }
0x5f: {  	_ =	shalt  }
0x60: {  	_ =	shalt  }
0x61: {  	_ =	shalt  }
0x62: {  	_ =	shalt  }
0x63: {  	_ =	shalt  }
0x64: {  	_ =	shalt  }
0x65: {  	_ =	shalt  }
0x66: {  	_ =	shalt  }
0x67: {  	_ =	shalt  }
0x68: {  	_ =	shalt  }
0x69: {  	_ =	shalt  }
0x6a: {  	_ =	shalt  }
0x6b: {  	_ =	shalt  }
0x6c: {  	_ =	shalt  }
0x6d: {  	_ =	shalt  }
0x6e: {  	_ =	shalt  }
0x6f: {  	_ =	shalt  }
0x70: {  	_ =	shalt  }
0x71: {  	_ =	shalt  }
0x72: {  	_ =	shalt  }
0x73: {  	_ =	shalt  }
0x74: {  	_ =	shalt  }
0x75: {  	_ =	shalt  }
0x76: {  	_ =	shalt  }
0x77: {  	_ =	shalt  }
0x78: {  	_ =	shalt  }
0x79: {  	_ =	shalt  }
0x7a: {  	_ =	shalt  }
0x7b: {  	_ =	shalt  }
0x7c: {  	_ =	shalt  }
0x7d: {  	_ =	shalt  }
0x7e: {  	_ =	shalt  }
0x7f: {  	_ =	shalt  }
0x80: {  	_ =	shalt  }
0x81: {  	_ =	shalt  }
0x82: {  	_ =	shalt  }
0x83: {  	_ =	shalt  }
0x84: {  	_ =	shalt  }
0x85: {  	_ =	shalt  }
0x86: {  	_ =	shalt  }
0x87: {  	_ =	shalt  }
.Lfunc_end0:
.L_simem_size_0:
called_computation.2_lowered:
.L_overlay_start_0:
0x88: {  	s2 =	sld [smem:$0x3FD9]  }
0x89: {  	s3 =	sld [smem:$0x3FFE];
	_ =	sdelay $0x1  }
0x8a: {  	s1 =	srdreg.scid  }
0x8b: {  	s0 =	sand.u32 $0x1, s1  }
0x8c: {  	s16 =	sshll.u32 s0, $0xA;
	s2 =	sadd.s32 s3, s2  }
0x8d: {  	s2 =	sadd.s32 s2, s16  }
0x8e: {  	[smem:$0x3FBA] =	sst s2  }
0x8f: {  	_ = 	snop  }
0x90: {  	(tm) =	ssettm $0x1  }
0x91: {  	s17 =	sld [smem:$0x3FFB];
	_ =	sdelay $0x3  }
0x92: {  	_ =	strace s17  }
0x93: {  	s2 =	sld [smem:$0x3FFC];
	_ =	sdelay $0x3  }
0x94: {  	_ =	strace s2  }
0x95: {  	s2 =	sld [smem:$0x3FFD];
	_ =	sdelay $0x3  }
0x96: {  	_ =	strace s2  }
0x97: {  	_ =	strace $0x8FFFFFFF  }
0x98: {  	s18 =	sld [smem:$0x3FDB];
	_ =	sdelay $0x1  }
0x99: {  	s19 =	simm.s32 $_scs_section_size  }
0x9a: {  	s4 =	simm.s32 $_size__tile_overlayer_lowered;
	s5 =	simm.s32 $_tile_overlayer_lowered  }
0x9b: {  	s22 =	simm.s32 $0x1BFF;
	s21 =	sshll.u32 s5, $0x1;
	s2 =	sadd.s32 s19, s18  }
0x9c: {  	s6 =	simm.s32 $0x0;
	s20 =	sshll.u32 s4, $0x1;
	s4 =	sadd.s32 s21, s2  }
0x9d: {  	[timem:s6], [sflag:s22] =	dma.local [hbm:s4], s20  }
0x9e: {  	_ =	swait.ge [sflag:s22], s20  }
0x9f: {  	s3 =	ssub.s32 $0x0, s20;
	[sflag:s22] =	ssyncset.done $0x0  }
0xa0: {  	[sflag:s22] =	ssyncadd.s32 s3;
	_ =	sdelay $0x1  }
0xa1: {  	s23 =	simm.s32 $0x1B8B  }
0xa2: {  	_ =	swait.ge [sflag:s23], $0x1  }
0xa3: {  	[sflag:s23] =	ssyncset.done $0x0  }
0xa4: {  	s25 =	simm.s32 $0x1B8E;
	s24 =	sld [smem:$0x3FFE];
	[sflag:s23] =	ssyncadd.s32 $0xFFFFFFFF  }
0xa5: {  	s26 =	simm.s32 $execute0_lowered;
	[smem:$0x3FD2] =	sst s25  }
0xa6: {  	s4 =	sshll.u32 s26, $0x1;
	_ =	strace $0x8000004C;
	[dreg:$0x1] =	wrdreg $0xFFFFFFFF  }
0xa7: {  	s28 =	simm.s32 $_size_execute0_lowered;
	s2 =	sadd.s32 s2, s4;
	[dreg:$0x0] =	wrdreg $0x0  }
0xa8: {  	s4 =	sshll.u32 s28, $0x1;
	[dreg:$0x2] =	wrdreg s2  }
0xa9: {  	[dreg:$0x3] =	wrdreg s4  }
0xaa: {  	[dreg:$0x4] =	wrdreg $0xC0  }
0xab: {  	_ =	task [dreg:s6], $0x5FFFF  }
0xac: {  	[dreg:$0x1] =	wrdreg $0xFFFFFFFF  }
0xad: {  	[dreg:$0x0] =	wrdreg $0x60  }
0xae: {  	[dreg:$0x2] =	wrdreg s24  }
0xaf: {  	[dreg:$0x3] =	wrdreg $0x90000  }
0xb0: {  	[dreg:$0x4] =	wrdreg $0x9  }
0xb1: {  	_ =	task.clear_ibuf [dreg:s6], $0x5FFFF;
	_ =	strace $0x9000004C  }
0xb2: {  	s29 =	simm.s32 $0x9;
	_ =	strace $0x8000004E  }
0xb3: {  	_ =	swait.ge [sflag:s29], $0x1  }
0xb4: {  	[sflag:s29] =	ssyncadd.s32 $0xFFFFFFFF  }
0xb5: {  	_ =	strace $0x9000004E  }
0xb6: {  	_ =	sfence  }
0xb7: {  	s30 =	sld [smem:$0x0];
	_ =	sdelay $0x2  }
0xb8: {  	s31 =	sshll.u32 s1, $0xD;
	s1 =	sshrl.u32 s1, $0x2  }
0xb9: {  	s3 =	sand.u32 $0x4000, s31;
	s1 =	sadd.s32 s1, s30  }
0xba: {  	s0 =	sor.u32 s3, s0;
	s1 =	sshll.u32 s1, $0x11  }
0xbb: {  	s0 =	sor.u32 s1, s0  }
0xbc: {  	s0 =	sadd.s32 $0x8F2B, s0  }
0xbd: {  	[sflag:s0] =	ssyncadd.remote.s32 $0x1  }
0xbe: {  	_ =	sfence.sel $0xFFFF  }
0xbf: {  	[dreg:$0x0] =	wrdreg $0xFFFFFFFF;
	(pc) =	sbr.abs _section_cstart, $3  }
0xc0: {  	[dreg:$0x1] =	wrdreg $0xFFFFFFFF  }
0xc1: {  	_ =	task.clear_ibuf [dreg:s6], $0x2FFFF;
	_ =	strace $0x9FFFFFFF  }
0xc2: {  	(tm) =	ssettm $0x7FFFFFFF  }
0xc3: {  	_ =	shalt  }
tec
execute0_lowered:
.L_overlay_start_1:
0x0: {  	(tag) =	ssettag $0x1  }
0x1: {  	s5 =	rddreg [dreg:$0x0]  }
0x2: {  	s1 =	rddreg [dreg:$0x1];
	s2 =	srdreg.scid  }
0x3: {  	s0 =	rddreg [dreg:$0x2];
	s6 =	sand.u32 $0x1, s2  }
0x4: {  	s3 =	simm.s32 $0x0;
	s2 =	stileid.u32;
	s7 =	smul.u32 $0xA000, s6  }
0x5: {  	[smem:$0x7FF] =	sst s3;
	s4 =	sadd.s32 $0x142200, s5;
	s17 =	smul.u32 $0x2780, s2  }
0x6: {  	s14 =	simm.s32 $0x5000;
	_ =	strace $0x8000004D;
	s8 =	smul.u32 $0x27800, s6  }
0x7: {  	s9 =	smul.u32 $0x4F000, s2;
	s6 =	ssub.s32 $0x2, s6;
	s30 =	sshll.u32 s2, $0x6  }
0x8: {  	s12 =	smul.u32 $0x500, s2;
	s29 =	sshrl.u32 s6, $0x1;
	s7 =	sadd.s32 s7, s5  }
0x9: {  	s10 =	sadd.s32 s17, s5;
	s8 =	sadd.s32 s8, s5;
	s9 =	sshrl.u32 s9, $0x2  }
0xa: {  	s11 =	ssub.s32 s6, s29;
	s6 =	sor.u32 $0x1C01, s30;
	s9 =	sadd.s32 s9, s1  }
0xb: {  	s5 =	sadd.s32 $0x5200, s10;
	s31 =	sadd.s32 $0x1A5200, s7;
	s13 =	sadd.s32 $0x191200, s7  }
0xc: {  	s18 =	sadd.s32 $0x2CA00, s8;
	s7 =	smax.u32 s11, $0x1;
	s8 =	sshrl.u32 s9, $0x3  }
0xd: {  	s9 =	simm.s32 $0x1;
	s10 =	sadd.s32 s12, s31;
	s11 =	sadd.s32 s12, s13  }
0xe: {  	s12 =	simm.s32 $0x2800;
	s13 =	simm.s32 $0x80;
	s17 =	sadd.s32 s17, s18  }
0xf: {  	s18 =	simm.s32 $0x0;
	s15 =	sadd.s32 $0x5000, s10;
	s16 =	sadd.s32 $0x5000, s11  }
.LBB2_1:
0x10: {  	[spmem:s8], [sflag:s6] =	dma.local [hbm:s5], $0x2780  }
0x11: {  	_ =	swait.ge [sflag:s9], $0x2780  }
0x12: {  	[sflag:s9] =	ssyncset.done $0x0  }
0x13: {  	[sflag:s9] =	ssyncadd.s32 $0xFFFFD880  }
0x14: {  	[bflag:$0x0] =	sbarrier.arrive $0xFFFF  }
0x15: {  	[tilespmem:s3], [sflag:$0x1] =	stream.linear.gather [hbm4b:s10+s3], $0x2780, $0x38;
	[tilespmem:$0x1CC00] =	vst v63  }
0x16: {  	_ =	swait.ge [sflag:s9], $0x2780  }
0x17: {  	[sflag:s9] =	ssyncset.done $0x0  }
0x18: {  	[sflag:s9] =	ssyncadd.s32 $0xFFFFD880  }
0x19: {  	[tilespmem:s12], [sflag:$0x1] =	stream.linear.gather [hbm4b:s11+s3], $0x2780, $0x38;
	[tilespmem:$0x1CC00] =	vst v63  }
0x1a: {  	_ =	swait.ge [sflag:s9], $0x2780  }
0x1b: {  	[sflag:s9] =	ssyncset.done $0x0  }
0x1c: {  	s19 =	simm.s32 $0x0;
	[sflag:s9] =	ssyncadd.s32 $0xFFFFD880  }
0x1d: {  	[tilespmem:s14], [sflag:$0x1] =	stream.indirect.gather [hbm4b:s4+s13], $0x80, s19, s13, $0xb8;
	[tilespmem:$0x1CC00] =	vst v63  }
0x1e: {  	_ =	swait.ge [sflag:s9], $0x4000  }
0x1f: {  	[sflag:s9] =	ssyncset.done $0x0  }
0x20: {  	s31 =	simm.s32 $0x2800;
	[sflag:s9] =	ssyncadd.s32 $0xFFFFC000  }
0x21: {  	[spmem:s1] =	stream.indirect.scatter.add.f32 [tilespmem:s14], [sflag:$0x1], $0x80, s31, s13, $0xb8;
	[tilespmem:$0x1CC00] =	vst v63  }
0x22: {  	_ =	swait.ge [sflag:s9], $0x4000  }
0x23: {  	s20 =	simm.s32 $0x400;
	s19 =	simm.s32 $0x200;
	[sflag:s9] =	ssyncset.done $0x0  }
.LBB2_2:
0x24: {  	s21 =	sshra.s32 s19, $0x2  }
0x25: {  	[sflag:s9] =	ssyncadd.s32 $0xFFFFC000;
	s19 =	smov.u32 s20;
	s22 =	sadd.s32 $0x200, s20  }
0x26: {  	[tilespmem:s14], [sflag:$0x1] =	stream.indirect.gather [hbm4b:s4+s13], $0x80, s21, s13, $0xb8;
	[tilespmem:$0x1CC00] =	vst v63  }
0x27: {  	p0 =	sne.s32 s20, $0x9C00;
	_ =	swait.ge [sflag:s9], $0x4000  }
.Ltmp0:
0x28: {  	[sflag:s9] =	ssyncset.done $0x0;
	(pc) =	sbr.rel @p0 .LBB2_2-.Ltmp0, $4  }
0x29: {  	s20 =	sadd.s32 $0x2800, s21;
	[sflag:s9] =	ssyncadd.s32 $0xFFFFC000  }
0x2a: {  	[spmem:s1] =	stream.indirect.scatter.add.f32 [tilespmem:s14], [sflag:$0x1], $0x80, s20, s13, $0xb8;
	[tilespmem:$0x1CC00] =	vst v63  }
0x2b: {  	_ =	swait.ge [sflag:s9], $0x4000  }
0x2c: {  	s20 =	smov.u32 s22;
	[sflag:s9] =	ssyncset.done $0x0  }
0x2d: {  	s19 =	sshra.s32 s19, $0x2;
	[sflag:s9] =	ssyncadd.s32 $0xFFFFC000  }
0x2e: {  	[tilespmem:s14], [sflag:$0x1] =	stream.indirect.gather [hbm4b:s4+s13], $0x80, s19, s13, $0xb8;
	[tilespmem:$0x1CC00] =	vst v63  }
0x2f: {  	_ =	swait.ge [sflag:s9], $0x4000  }
0x30: {  	[sflag:s9] =	ssyncset.done $0x0  }
0x31: {  	s19 =	sadd.s32 $0x2800, s19;
	[sflag:s9] =	ssyncadd.s32 $0xFFFFC000  }
0x32: {  	[spmem:s1] =	stream.indirect.scatter.add.f32 [tilespmem:s14], [sflag:$0x1], $0x80, s19, s13, $0xb8;
	[tilespmem:$0x1CC00] =	vst v63  }
0x33: {  	_ =	swait.ge [sflag:s9], $0x4000  }
0x34: {  	[sflag:s9] =	ssyncset.done $0x0  }
0x35: {  	s29 =	simm.s32 $0x0;
	[sflag:s9] =	ssyncadd.s32 $0xFFFFC000  }
0x36: {  	[tilespmem:s29], [sflag:$0x1] =	stream.linear.gather [hbm4b:s15+s29], $0x2780, $0x38;
	[tilespmem:$0x1CC00] =	vst v63  }
0x37: {  	_ =	swait.ge [sflag:s9], $0x2780  }
0x38: {  	[sflag:s9] =	ssyncset.done $0x0  }
0x39: {  	[sflag:s9] =	ssyncadd.s32 $0xFFFFD880  }
0x3a: {  	[tilespmem:s12], [sflag:$0x1] =	stream.linear.gather [hbm4b:s16+s29], $0x2780, $0x38;
	[tilespmem:$0x1CC00] =	vst v63  }
0x3b: {  	_ =	swait.ge [sflag:s9], $0x2780  }
0x3c: {  	[sflag:s9] =	ssyncset.done $0x0  }
0x3d: {  	s30 =	simm.s32 $0x0;
	[sflag:s9] =	ssyncadd.s32 $0xFFFFD880  }
0x3e: {  	[tilespmem:s14], [sflag:$0x1] =	stream.indirect.gather [hbm4b:s4+s13], $0x80, s30, s13, $0xb8;
	[tilespmem:$0x1CC00] =	vst v63  }
0x3f: {  	_ =	swait.ge [sflag:s9], $0x4000  }
0x40: {  	[sflag:s9] =	ssyncset.done $0x0  }
0x41: {  	s31 =	simm.s32 $0x2800;
	[sflag:s9] =	ssyncadd.s32 $0xFFFFC000  }
0x42: {  	[spmem:s1] =	stream.indirect.scatter.add.f32 [tilespmem:s14], [sflag:$0x1], $0x80, s31, s13, $0xb8;
	[tilespmem:$0x1CC00] =	vst v63  }
0x43: {  	_ =	swait.ge [sflag:s9], $0x4000  }
0x44: {  	s20 =	simm.s32 $0x400;
	s19 =	simm.s32 $0x200;
	[sflag:s9] =	ssyncset.done $0x0  }
.LBB2_4:
0x45: {  	s21 =	sshra.s32 s19, $0x2  }
0x46: {  	[sflag:s9] =	ssyncadd.s32 $0xFFFFC000;
	s19 =	smov.u32 s20;
	s22 =	sadd.s32 $0x200, s20  }
0x47: {  	[tilespmem:s14], [sflag:$0x1] =	stream.indirect.gather [hbm4b:s4+s13], $0x80, s21, s13, $0xb8;
	[tilespmem:$0x1CC00] =	vst v63  }
0x48: {  	p0 =	sne.s32 s20, $0x9C00;
	_ =	swait.ge [sflag:s9], $0x4000  }
.Ltmp1:
0x49: {  	[sflag:s9] =	ssyncset.done $0x0;
	(pc) =	sbr.rel @p0 .LBB2_4-.Ltmp1, $4  }
0x4a: {  	s20 =	sadd.s32 $0x2800, s21;
	[sflag:s9] =	ssyncadd.s32 $0xFFFFC000  }
0x4b: {  	[spmem:s1] =	stream.indirect.scatter.add.f32 [tilespmem:s14], [sflag:$0x1], $0x80, s20, s13, $0xb8;
	[tilespmem:$0x1CC00] =	vst v63  }
0x4c: {  	_ =	swait.ge [sflag:s9], $0x4000  }
0x4d: {  	s20 =	smov.u32 s22;
	[sflag:s9] =	ssyncset.done $0x0  }
0x4e: {  	s19 =	sshra.s32 s19, $0x2;
	[sflag:s9] =	ssyncadd.s32 $0xFFFFC000  }
0x4f: {  	[tilespmem:s14], [sflag:$0x1] =	stream.indirect.gather [hbm4b:s4+s13], $0x80, s19, s13, $0xb8;
	[tilespmem:$0x1CC00] =	vst v63  }
0x50: {  	_ =	swait.ge [sflag:s9], $0x4000  }
0x51: {  	[sflag:s9] =	ssyncset.done $0x0  }
0x52: {  	s19 =	sadd.s32 $0x2800, s19;
	[sflag:s9] =	ssyncadd.s32 $0xFFFFC000  }
0x53: {  	[spmem:s1] =	stream.indirect.scatter.add.f32 [tilespmem:s14], [sflag:$0x1], $0x80, s19, s13, $0xb8;
	[tilespmem:$0x1CC00] =	vst v63  }
0x54: {  	_ =	swait.ge [sflag:s9], $0x4000  }
0x55: {  	s18 =	sadd.s32 $0x1, s18;
	[sflag:s9] =	ssyncset.done $0x0  }
0x56: {  	p0 =	sne.s32 s18, s7;
	[sflag:s9] =	ssyncadd.s32 $0xFFFFC000  }
.Ltmp2:
0x57: {  	[bflag:$0x0] =	sbarrier.arrive $0xFFFF;
	(pc) =	sbr.rel @p0 .LBB2_1-.Ltmp2, $4  }
0x58: {  	[hbm:s17], [sflag:s6] =	dma.local [spmem:s8], $0x2780  }
0x59: {  	_ =	swait.ge [sflag:s9], $0x2780  }
0x5a: {  	[sflag:s9] =	ssyncset.done $0x0  }
0x5b: {  	[sflag:s9] =	ssyncadd.s32 $0xFFFFD880  }
0x5c: {  	_ =	sfence.sel $0x180000  }
0x5d: {  	[bflag:$0x0] =	sbarrier.arrive $0xFFFF  }
0x5e: {  	p0 =	sne.s32 s2, $0x0;
	_ =	strace $0x9000004D  }
0x5f: {  	s0 =	sadd.s32 @!p0 $0x100000, s0;
	[bflag:$0x2] =	sbarrier.arrive $0xFFFF  }
0x60: {  	[sflag:s0] =	ssyncadd.tile.s32 @!p0 $0x1;
	_ =	shalt  }
.Lfunc_end2:
_tile_overlayer_lowered:
.L_overlay_start_2:
0x61: {  	(tag) =	ssettag $0x2  }
0x62: {  	s0 =	rddreg [dreg:$0x0];
	s2 =	stileid.u32  }
0x63: {  	s1 =	rddreg [dreg:$0x1];
	p0 =	sne.s32 s2, $0x0  }
0x64: {  	s3 =	rddreg [dreg:$0x2];
	[bflag:$0x3] =	sbarrier.arrive $0xFFFF;
	s2 =	simm.s32 @!p0 $0x1C01  }
0x65: {  	[timem:s3], [sflag:s2] =	dma.local @!p0 [hbm:s0], s1  }
0x66: {  	s0 =	simm.s32 @!p0 $0x1  }
0x67: {  	_ =	swait.ge @!p0 [sflag:s0], s1  }
0x68: {  	s1 =	ssub.s32 @!p0 $0x0, s1;
	[sflag:s0] =	ssyncset.done @!p0 $0x0  }
0x69: {  	[sflag:s0] =	ssyncadd.s32 @!p0 s1  }
0x6a: {  	[bflag:$0x3] =	sbarrier.arrive $0xFFFF  }
0x6b: {  	_ =	shalt  }

// kernel: kernel.22.cloned.1.call-start
scs
__scs_entry_jumppad:
0x0: {  	(pc) =	sbr.rel $0x88, $3  }
0x1: {  	(tag) =	ssettag $0x0;
	lr =	simm.s32 $0x1  }
0x2: {  	[smem:$0x3F93] =	sst lr;
	_ =	strace $0xD0000000  }
0x3: {  	_ = 	snop  }
0x4: {  	_ = 	snop  }
0x5: {  	_ = 	snop  }
0x6: {  	_ = 	snop  }
0x7: {  	_ = 	snop  }
__scs_overlays_trampoline_lowered:
0x8: {  	[smem:$0x3FA2] =	sst s0  }
0x9: {  	[smem:$0x3FA3] =	sst s1  }
0xa: {  	[smem:$0x3FA4] =	sst s2  }
0xb: {  	[smem:$0x3FA5] =	sst s3  }
0xc: {  	[smem:$0x3FA6] =	sst s4  }
0xd: {  	[smem:$0x3FA7] =	sst s5  }
0xe: {  	[smem:$0x3FA8] =	sst s6  }
0xf: {  	[smem:$0x3FA9] =	sst s7  }
0x10: {  	[smem:$0x3FAA] =	sst s8  }
0x11: {  	[smem:$0x3FAB] =	sst s9;
	s0 =	simm.s32 @!p0 $0x0  }
0x12: {  	s1 =	sld [smem:$0x3F91];
	s0 =	simm.s32 @p0 $0x1  }
0x13: {  	[smem:$0x3FAC] =	sst s0;
	s0 =	simm.s32 @!p1 $0x0  }
0x14: {  	s2 =	sld [smem:$0x3F90];
	s0 =	simm.s32 @p1 $0x1  }
0x15: {  	[smem:$0x3FAD] =	sst s0;
	s0 =	simm.s32 @!p2 $0x0  }
0x16: {  	s3 =	sld [smem:$0x3FDB];
	s0 =	simm.s32 @p2 $0x1  }
0x17: {  	s4 =	simm.s32 $0x1BF5;
	[smem:$0x3FAF] =	sst s0  }
0x18: {  	s0 =	sld [smem:$0x3F92];
	_ =	swait.ge [sflag:s4], $0x0  }
0x19: {  	s7 =	sld [smem:$0x3F93]  }
0x1a: {  	s8 =	sadd.s32 $0xFFFFE003, lr  }
0x1b: {  	s9 =	sadd.s32 $0xFFFFFEF7, lr;
	s5 =	simm.s32 $0xFFFFFFFF;
	p2 =	slt.u32 s8, $0xFFFFF086  }
0x1c: {  	p1 =	slt.u32 s9, $0xF7A;
	s5 =	simm.s32 @!p2 $0x0  }
0x1d: {  	s5 =	simm.s32 @p1 $0x1;
	p0 =	seq.s32 s7, s2  }
0x1e: {  	s7 =	smul.u32 @!p0 $0xF7A, s2;
	p2 =	seq.s32 @!p0 s5, $0x0  }
0x1f: {  	s9 =	smul.u32 $0xF7A, s1;
	s8 =	simm.s32 @!p0 $0x1BF5;
	p2 =	por !p2, p0  }
0x20: {  	[sflag:s8] =	ssyncset.s32 @!p0 $0xFFFFF086;
	s6 =	sadd.s32 @!p0 s3, s7;
	s7 =	simm.s32 @!p0 $0x108  }
0x21: {  	s3 =	sadd.s32 s3, s9;
	s6 =	sadd.s32 @!p0 $0x88, s6;
	s7 =	simm.s32 @p2 $0x1082  }
0x22: {  	[simem:s7], [sflag:s8] =	dma.local @!p0 [hbm:s6], $0xF7A  }
0x23: {  	s9 =	sor.u32 $0xD0000000, s2;
	s6 =	simm.s32 $0x108;
	_ =	swait.ge @!p0 [sflag:s8], $0x0  }
0x24: {  	s3 =	sadd.s32 $0x88, s3;
	s6 =	simm.s32 @!p1 $0x1082;
	[sflag:s4] =	ssyncset.s32 $0xFFFFF086  }
0x25: {  	[simem:s6], [sflag:s4] =	dma.local [hbm:s3], $0xF7A  }
0x26: {  	[smem:$0x3F93] =	sst s1;
	(tag) =	ssettag s2;
	_ =	strace s9  }
0x27: {  	s1 =	sld [smem:$0x3FA3]  }
0x28: {  	s2 =	sld [smem:$0x3FA4]  }
0x29: {  	s4 =	sld [smem:$0x3FA6]  }
0x2a: {  	p0 =	seq.s32 s5, $0x0;
	s5 =	sld [smem:$0x3FA7]  }
0x2b: {  	s6 =	sld [smem:$0x3FA8]  }
0x2c: {  	s7 =	sld [smem:$0x3FA9]  }
0x2d: {  	s3 =	simm.s32 $0x108;
	s8 =	sld [smem:$0x3FAA]  }
0x2e: {  	s3 =	simm.s32 @!p0 $0x1082;
	s9 =	sld [smem:$0x3FAB]  }
0x2f: {  	lr =	sadd.s32 s0, s3;
	s0 =	sld [smem:$0x3FA2]  }
0x30: {  	s3 =	sld [smem:$0x3FA5]  }
0x31: {  	[smem:$0x3FAE] =	sst s10  }
0x32: {  	s10 =	sld [smem:$0x3FAC];
	_ =	sdelay $0x3  }
0x33: {  	p0 =	seq.s32 s10, $0x1;
	s10 =	sld [smem:$0x3FAE];
	_ =	sdelay $0x3  }
0x34: {  	[smem:$0x3FAE] =	sst s10  }
0x35: {  	s10 =	sld [smem:$0x3FAD];
	_ =	sdelay $0x3  }
0x36: {  	p1 =	seq.s32 s10, $0x1;
	s10 =	sld [smem:$0x3FAE];
	_ =	sdelay $0x3  }
0x37: {  	[smem:$0x3FAE] =	sst s10  }
0x38: {  	s10 =	sld [smem:$0x3FAF]  }
0x39: {  	_ = 	snop;
	(pc) =	sbr.ind lr, $3  }
0x3a: {  	_ = 	snop  }
0x3b: {  	_ = 	snop  }
0x3c: {  	p2 =	seq.s32 s10, $0x1;
	s10 =	sld [smem:$0x3FAE]  }
0x3d: {  	_ =	shalt  }
0x3e: {  	_ =	shalt  }
0x3f: {  	_ =	shalt  }
0x40: {  	_ =	shalt  }
0x41: {  	_ =	shalt  }
0x42: {  	_ =	shalt  }
0x43: {  	_ =	shalt  }
0x44: {  	_ =	shalt  }
0x45: {  	_ =	shalt  }
0x46: {  	_ =	shalt  }
0x47: {  	_ =	shalt  }
0x48: {  	_ =	shalt  }
0x49: {  	_ =	shalt  }
0x4a: {  	_ =	shalt  }
0x4b: {  	_ =	shalt  }
0x4c: {  	_ =	shalt  }
0x4d: {  	_ =	shalt  }
0x4e: {  	_ =	shalt  }
0x4f: {  	_ =	shalt  }
0x50: {  	_ =	shalt  }
0x51: {  	_ =	shalt  }
0x52: {  	_ =	shalt  }
0x53: {  	_ =	shalt  }
0x54: {  	_ =	shalt  }
0x55: {  	_ =	shalt  }
0x56: {  	_ =	shalt  }
0x57: {  	_ =	shalt  }
0x58: {  	_ =	shalt  }
0x59: {  	_ =	shalt  }
0x5a: {  	_ =	shalt  }
0x5b: {  	_ =	shalt  }
0x5c: {  	_ =	shalt  }
0x5d: {  	_ =	shalt  }
0x5e: {  	_ =	shalt  }
0x5f: {  	_ =	shalt  }
0x60: {  	_ =	shalt  }
0x61: {  	_ =	shalt  }
0x62: {  	_ =	shalt  }
0x63: {  	_ =	shalt  }
0x64: {  	_ =	shalt  }
0x65: {  	_ =	shalt  }
0x66: {  	_ =	shalt  }
0x67: {  	_ =	shalt  }
0x68: {  	_ =	shalt  }
0x69: {  	_ =	shalt  }
0x6a: {  	_ =	shalt  }
0x6b: {  	_ =	shalt  }
0x6c: {  	_ =	shalt  }
0x6d: {  	_ =	shalt  }
0x6e: {  	_ =	shalt  }
0x6f: {  	_ =	shalt  }
0x70: {  	_ =	shalt  }
0x71: {  	_ =	shalt  }
0x72: {  	_ =	shalt  }
0x73: {  	_ =	shalt  }
0x74: {  	_ =	shalt  }
0x75: {  	_ =	shalt  }
0x76: {  	_ =	shalt  }
0x77: {  	_ =	shalt  }
0x78: {  	_ =	shalt  }
0x79: {  	_ =	shalt  }
0x7a: {  	_ =	shalt  }
0x7b: {  	_ =	shalt  }
0x7c: {  	_ =	shalt  }
0x7d: {  	_ =	shalt  }
0x7e: {  	_ =	shalt  }
0x7f: {  	_ =	shalt  }
0x80: {  	_ =	shalt  }
0x81: {  	_ =	shalt  }
0x82: {  	_ =	shalt  }
0x83: {  	_ =	shalt  }
0x84: {  	_ =	shalt  }
0x85: {  	_ =	shalt  }
0x86: {  	_ =	shalt  }
0x87: {  	_ =	shalt  }
.Lfunc_end0:
.L_simem_size_0:
called_computation.3_lowered:
.L_overlay_start_0:
0x88: {  	s2 =	sld [smem:$0x3FD9]  }
0x89: {  	s3 =	sld [smem:$0x3FFE];
	_ =	sdelay $0x1  }
0x8a: {  	s1 =	srdreg.scid  }
0x8b: {  	s0 =	sand.u32 $0x1, s1  }
0x8c: {  	s16 =	sshll.u32 s0, $0xA;
	s2 =	sadd.s32 s3, s2  }
0x8d: {  	s2 =	sadd.s32 s2, s16  }
0x8e: {  	[smem:$0x3FBA] =	sst s2  }
0x8f: {  	_ = 	snop  }
0x90: {  	(tm) =	ssettm $0x1  }
0x91: {  	s17 =	sld [smem:$0x3FFB];
	_ =	sdelay $0x3  }
0x92: {  	_ =	strace s17  }
0x93: {  	s2 =	sld [smem:$0x3FFC];
	_ =	sdelay $0x3  }
0x94: {  	_ =	strace s2  }
0x95: {  	s2 =	sld [smem:$0x3FFD];
	_ =	sdelay $0x3  }
0x96: {  	_ =	strace s2  }
0x97: {  	_ =	strace $0x8FFFFFFF  }
0x98: {  	s18 =	sld [smem:$0x3FDB];
	_ =	sdelay $0x1  }
0x99: {  	s19 =	simm.s32 $_scs_section_size  }
0x9a: {  	s4 =	simm.s32 $_size__tile_overlayer_lowered;
	s5 =	simm.s32 $_tile_overlayer_lowered  }
0x9b: {  	s22 =	simm.s32 $0x1BFF;
	s21 =	sshll.u32 s5, $0x1;
	s2 =	sadd.s32 s19, s18  }
0x9c: {  	s6 =	simm.s32 $0x0;
	s20 =	sshll.u32 s4, $0x1;
	s4 =	sadd.s32 s21, s2  }
0x9d: {  	[timem:s6], [sflag:s22] =	dma.local [hbm:s4], s20  }
0x9e: {  	_ =	swait.ge [sflag:s22], s20  }
0x9f: {  	s3 =	ssub.s32 $0x0, s20;
	[sflag:s22] =	ssyncset.done $0x0  }
0xa0: {  	[sflag:s22] =	ssyncadd.s32 s3;
	_ =	sdelay $0x1  }
0xa1: {  	s23 =	simm.s32 $0x1B8B  }
0xa2: {  	_ =	swait.ge [sflag:s23], $0x1  }
0xa3: {  	[sflag:s23] =	ssyncset.done $0x0  }
0xa4: {  	s25 =	simm.s32 $0x1B8E;
	s24 =	sld [smem:$0x3FFE];
	[sflag:s23] =	ssyncadd.s32 $0xFFFFFFFF  }
0xa5: {  	s26 =	simm.s32 $execute0_lowered;
	[smem:$0x3FD2] =	sst s25  }
0xa6: {  	s4 =	sshll.u32 s26, $0x1;
	_ =	strace $0x8000004F;
	[dreg:$0x1] =	wrdreg $0xFFFFFFFF  }
0xa7: {  	s28 =	simm.s32 $_size_execute0_lowered;
	s2 =	sadd.s32 s2, s4;
	[dreg:$0x0] =	wrdreg $0x0  }
0xa8: {  	s4 =	sshll.u32 s28, $0x1;
	[dreg:$0x2] =	wrdreg s2  }
0xa9: {  	[dreg:$0x3] =	wrdreg s4  }
0xaa: {  	[dreg:$0x4] =	wrdreg $0xC0  }
0xab: {  	_ =	task [dreg:s6], $0x5FFFF  }
0xac: {  	[dreg:$0x1] =	wrdreg $0xFFFFFFFF  }
0xad: {  	[dreg:$0x0] =	wrdreg $0x60  }
0xae: {  	[dreg:$0x2] =	wrdreg s24  }
0xaf: {  	[dreg:$0x3] =	wrdreg $0x90000  }
0xb0: {  	[dreg:$0x4] =	wrdreg $0x9  }
0xb1: {  	_ =	task.clear_ibuf [dreg:s6], $0x5FFFF;
	_ =	strace $0x9000004F  }
0xb2: {  	s29 =	simm.s32 $0x9;
	_ =	strace $0x80000051  }
0xb3: {  	_ =	swait.ge [sflag:s29], $0x1  }
0xb4: {  	[sflag:s29] =	ssyncadd.s32 $0xFFFFFFFF  }
0xb5: {  	_ =	strace $0x90000051  }
0xb6: {  	_ =	sfence  }
0xb7: {  	s30 =	sld [smem:$0x0];
	_ =	sdelay $0x2  }
0xb8: {  	s31 =	sshll.u32 s1, $0xD;
	s1 =	sshrl.u32 s1, $0x2  }
0xb9: {  	s3 =	sand.u32 $0x4000, s31;
	s1 =	sadd.s32 s1, s30  }
0xba: {  	s0 =	sor.u32 s3, s0;
	s1 =	sshll.u32 s1, $0x11  }
0xbb: {  	s0 =	sor.u32 s1, s0  }
0xbc: {  	s0 =	sadd.s32 $0x8F2B, s0  }
0xbd: {  	[sflag:s0] =	ssyncadd.remote.s32 $0x1  }
0xbe: {  	_ =	sfence.sel $0xFFFF  }
0xbf: {  	[dreg:$0x0] =	wrdreg $0xFFFFFFFF;
	(pc) =	sbr.abs _section_cstart, $3  }
0xc0: {  	[dreg:$0x1] =	wrdreg $0xFFFFFFFF  }
0xc1: {  	_ =	task.clear_ibuf [dreg:s6], $0x2FFFF;
	_ =	strace $0x9FFFFFFF  }
0xc2: {  	(tm) =	ssettm $0x7FFFFFFF  }
0xc3: {  	_ =	shalt  }
tec
execute0_lowered:
.L_overlay_start_1:
0x0: {  	(tag) =	ssettag $0x1  }
0x1: {  	s5 =	rddreg [dreg:$0x0]  }
0x2: {  	s1 =	rddreg [dreg:$0x1];
	s2 =	srdreg.scid  }
0x3: {  	s0 =	rddreg [dreg:$0x2];
	s6 =	sand.u32 $0x1, s2  }
0x4: {  	s3 =	simm.s32 $0x0;
	s2 =	stileid.u32;
	s7 =	smul.u32 $0xA000, s6  }
0x5: {  	[smem:$0x7FF] =	sst s3;
	s4 =	sadd.s32 $0x142200, s5;
	s17 =	smul.u32 $0x2780, s2  }
0x6: {  	s14 =	simm.s32 $0x5000;
	_ =	strace $0x80000050;
	s8 =	smul.u32 $0x27800, s6  }
0x7: {  	s9 =	smul.u32 $0x4F000, s2;
	s6 =	ssub.s32 $0x2, s6;
	s30 =	sshll.u32 s2, $0x6  }
0x8: {  	s12 =	smul.u32 $0x500, s2;
	s29 =	sshrl.u32 s6, $0x1;
	s7 =	sadd.s32 s7, s5  }
0x9: {  	s10 =	sadd.s32 s17, s5;
	s8 =	sadd.s32 s8, s5;
	s9 =	sshrl.u32 s9, $0x2  }
0xa: {  	s11 =	ssub.s32 s6, s29;
	s6 =	sor.u32 $0x1C01, s30;
	s5 =	sadd.s32 $0x5200, s10  }
0xb: {  	s9 =	sadd.s32 s9, s1;
	s31 =	sadd.s32 $0x12E200, s7;
	s13 =	sadd.s32 $0x11A200, s7  }
0xc: {  	s18 =	sadd.s32 $0x2CA00, s8;
	s7 =	smax.u32 s11, $0x1;
	s8 =	sshrl.u32 s9, $0x3  }
0xd: {  	s9 =	simm.s32 $0x1;
	s10 =	sadd.s32 s12, s31;
	s11 =	sadd.s32 s12, s13  }
0xe: {  	s12 =	simm.s32 $0x2800;
	s13 =	simm.s32 $0x80;
	s17 =	sadd.s32 s17, s18  }
0xf: {  	s18 =	simm.s32 $0x0;
	s15 =	sadd.s32 $0x5000, s10;
	s16 =	sadd.s32 $0x5000, s11  }
.LBB2_1:
0x10: {  	[spmem:s8], [sflag:s6] =	dma.local [hbm:s5], $0x2780  }
0x11: {  	_ =	swait.ge [sflag:s9], $0x2780  }
0x12: {  	[sflag:s9] =	ssyncset.done $0x0  }
0x13: {  	[sflag:s9] =	ssyncadd.s32 $0xFFFFD880  }
0x14: {  	[bflag:$0x0] =	sbarrier.arrive $0xFFFF  }
0x15: {  	[tilespmem:s3], [sflag:$0x1] =	stream.linear.gather [hbm4b:s10+s3], $0x2780, $0x38;
	[tilespmem:$0x1CC00] =	vst v63  }
0x16: {  	_ =	swait.ge [sflag:s9], $0x2780  }
0x17: {  	[sflag:s9] =	ssyncset.done $0x0  }
0x18: {  	[sflag:s9] =	ssyncadd.s32 $0xFFFFD880  }
0x19: {  	[tilespmem:s12], [sflag:$0x1] =	stream.linear.gather [hbm4b:s11+s3], $0x2780, $0x38;
	[tilespmem:$0x1CC00] =	vst v63  }
0x1a: {  	_ =	swait.ge [sflag:s9], $0x2780  }
0x1b: {  	[sflag:s9] =	ssyncset.done $0x0  }
0x1c: {  	s19 =	simm.s32 $0x0;
	[sflag:s9] =	ssyncadd.s32 $0xFFFFD880  }
0x1d: {  	[tilespmem:s14], [sflag:$0x1] =	stream.indirect.gather [hbm4b:s4+s13], $0x80, s19, s13, $0xb8;
	[tilespmem:$0x1CC00] =	vst v63  }
0x1e: {  	_ =	swait.ge [sflag:s9], $0x4000  }
0x1f: {  	[sflag:s9] =	ssyncset.done $0x0  }
0x20: {  	s31 =	simm.s32 $0x2800;
	[sflag:s9] =	ssyncadd.s32 $0xFFFFC000  }
0x21: {  	[spmem:s1] =	stream.indirect.scatter.add.f32 [tilespmem:s14], [sflag:$0x1], $0x80, s31, s13, $0xb8;
	[tilespmem:$0x1CC00] =	vst v63  }
0x22: {  	_ =	swait.ge [sflag:s9], $0x4000  }
0x23: {  	s20 =	simm.s32 $0x400;
	s19 =	simm.s32 $0x200;
	[sflag:s9] =	ssyncset.done $0x0  }
.LBB2_2:
0x24: {  	s21 =	sshra.s32 s19, $0x2  }
0x25: {  	[sflag:s9] =	ssyncadd.s32 $0xFFFFC000;
	s19 =	smov.u32 s20;
	s22 =	sadd.s32 $0x200, s20  }
0x26: {  	[tilespmem:s14], [sflag:$0x1] =	stream.indirect.gather [hbm4b:s4+s13], $0x80, s21, s13, $0xb8;
	[tilespmem:$0x1CC00] =	vst v63  }
0x27: {  	p0 =	sne.s32 s20, $0x9C00;
	_ =	swait.ge [sflag:s9], $0x4000  }
.Ltmp0:
0x28: {  	[sflag:s9] =	ssyncset.done $0x0;
	(pc) =	sbr.rel @p0 .LBB2_2-.Ltmp0, $4  }
0x29: {  	s20 =	sadd.s32 $0x2800, s21;
	[sflag:s9] =	ssyncadd.s32 $0xFFFFC000  }
0x2a: {  	[spmem:s1] =	stream.indirect.scatter.add.f32 [tilespmem:s14], [sflag:$0x1], $0x80, s20, s13, $0xb8;
	[tilespmem:$0x1CC00] =	vst v63  }
0x2b: {  	_ =	swait.ge [sflag:s9], $0x4000  }
0x2c: {  	s20 =	smov.u32 s22;
	[sflag:s9] =	ssyncset.done $0x0  }
0x2d: {  	s19 =	sshra.s32 s19, $0x2;
	[sflag:s9] =	ssyncadd.s32 $0xFFFFC000  }
0x2e: {  	[tilespmem:s14], [sflag:$0x1] =	stream.indirect.gather [hbm4b:s4+s13], $0x80, s19, s13, $0xb8;
	[tilespmem:$0x1CC00] =	vst v63  }
0x2f: {  	_ =	swait.ge [sflag:s9], $0x4000  }
0x30: {  	[sflag:s9] =	ssyncset.done $0x0  }
0x31: {  	s19 =	sadd.s32 $0x2800, s19;
	[sflag:s9] =	ssyncadd.s32 $0xFFFFC000  }
0x32: {  	[spmem:s1] =	stream.indirect.scatter.add.f32 [tilespmem:s14], [sflag:$0x1], $0x80, s19, s13, $0xb8;
	[tilespmem:$0x1CC00] =	vst v63  }
0x33: {  	_ =	swait.ge [sflag:s9], $0x4000  }
0x34: {  	[sflag:s9] =	ssyncset.done $0x0  }
0x35: {  	s29 =	simm.s32 $0x0;
	[sflag:s9] =	ssyncadd.s32 $0xFFFFC000  }
0x36: {  	[tilespmem:s29], [sflag:$0x1] =	stream.linear.gather [hbm4b:s15+s29], $0x2780, $0x38;
	[tilespmem:$0x1CC00] =	vst v63  }
0x37: {  	_ =	swait.ge [sflag:s9], $0x2780  }
0x38: {  	[sflag:s9] =	ssyncset.done $0x0  }
0x39: {  	[sflag:s9] =	ssyncadd.s32 $0xFFFFD880  }
0x3a: {  	[tilespmem:s12], [sflag:$0x1] =	stream.linear.gather [hbm4b:s16+s29], $0x2780, $0x38;
	[tilespmem:$0x1CC00] =	vst v63  }
0x3b: {  	_ =	swait.ge [sflag:s9], $0x2780  }
0x3c: {  	[sflag:s9] =	ssyncset.done $0x0  }
0x3d: {  	s30 =	simm.s32 $0x0;
	[sflag:s9] =	ssyncadd.s32 $0xFFFFD880  }
0x3e: {  	[tilespmem:s14], [sflag:$0x1] =	stream.indirect.gather [hbm4b:s4+s13], $0x80, s30, s13, $0xb8;
	[tilespmem:$0x1CC00] =	vst v63  }
0x3f: {  	_ =	swait.ge [sflag:s9], $0x4000  }
0x40: {  	[sflag:s9] =	ssyncset.done $0x0  }
0x41: {  	s31 =	simm.s32 $0x2800;
	[sflag:s9] =	ssyncadd.s32 $0xFFFFC000  }
0x42: {  	[spmem:s1] =	stream.indirect.scatter.add.f32 [tilespmem:s14], [sflag:$0x1], $0x80, s31, s13, $0xb8;
	[tilespmem:$0x1CC00] =	vst v63  }
0x43: {  	_ =	swait.ge [sflag:s9], $0x4000  }
0x44: {  	s20 =	simm.s32 $0x400;
	s19 =	simm.s32 $0x200;
	[sflag:s9] =	ssyncset.done $0x0  }
.LBB2_4:
0x45: {  	s21 =	sshra.s32 s19, $0x2  }
0x46: {  	[sflag:s9] =	ssyncadd.s32 $0xFFFFC000;
	s19 =	smov.u32 s20;
	s22 =	sadd.s32 $0x200, s20  }
0x47: {  	[tilespmem:s14], [sflag:$0x1] =	stream.indirect.gather [hbm4b:s4+s13], $0x80, s21, s13, $0xb8;
	[tilespmem:$0x1CC00] =	vst v63  }
0x48: {  	p0 =	sne.s32 s20, $0x9C00;
	_ =	swait.ge [sflag:s9], $0x4000  }
.Ltmp1:
0x49: {  	[sflag:s9] =	ssyncset.done $0x0;
	(pc) =	sbr.rel @p0 .LBB2_4-.Ltmp1, $4  }
0x4a: {  	s20 =	sadd.s32 $0x2800, s21;
	[sflag:s9] =	ssyncadd.s32 $0xFFFFC000  }
0x4b: {  	[spmem:s1] =	stream.indirect.scatter.add.f32 [tilespmem:s14], [sflag:$0x1], $0x80, s20, s13, $0xb8;
	[tilespmem:$0x1CC00] =	vst v63  }
0x4c: {  	_ =	swait.ge [sflag:s9], $0x4000  }
0x4d: {  	s20 =	smov.u32 s22;
	[sflag:s9] =	ssyncset.done $0x0  }
0x4e: {  	s19 =	sshra.s32 s19, $0x2;
	[sflag:s9] =	ssyncadd.s32 $0xFFFFC000  }
0x4f: {  	[tilespmem:s14], [sflag:$0x1] =	stream.indirect.gather [hbm4b:s4+s13], $0x80, s19, s13, $0xb8;
	[tilespmem:$0x1CC00] =	vst v63  }
0x50: {  	_ =	swait.ge [sflag:s9], $0x4000  }
0x51: {  	[sflag:s9] =	ssyncset.done $0x0  }
0x52: {  	s19 =	sadd.s32 $0x2800, s19;
	[sflag:s9] =	ssyncadd.s32 $0xFFFFC000  }
0x53: {  	[spmem:s1] =	stream.indirect.scatter.add.f32 [tilespmem:s14], [sflag:$0x1], $0x80, s19, s13, $0xb8;
	[tilespmem:$0x1CC00] =	vst v63  }
0x54: {  	_ =	swait.ge [sflag:s9], $0x4000  }
0x55: {  	s18 =	sadd.s32 $0x1, s18;
	[sflag:s9] =	ssyncset.done $0x0  }
0x56: {  	p0 =	sne.s32 s18, s7;
	[sflag:s9] =	ssyncadd.s32 $0xFFFFC000  }
.Ltmp2:
0x57: {  	[bflag:$0x0] =	sbarrier.arrive $0xFFFF;
	(pc) =	sbr.rel @p0 .LBB2_1-.Ltmp2, $4  }
0x58: {  	[hbm:s17], [sflag:s6] =	dma.local [spmem:s8], $0x2780  }
0x59: {  	_ =	swait.ge [sflag:s9], $0x2780  }
0x5a: {  	[sflag:s9] =	ssyncset.done $0x0  }
0x5b: {  	[sflag:s9] =	ssyncadd.s32 $0xFFFFD880  }
0x5c: {  	_ =	sfence.sel $0x180000  }
0x5d: {  	[bflag:$0x0] =	sbarrier.arrive $0xFFFF  }
0x5e: {  	p0 =	sne.s32 s2, $0x0;
	_ =	strace $0x90000050  }
0x5f: {  	s0 =	sadd.s32 @!p0 $0x100000, s0;
	[bflag:$0x2] =	sbarrier.arrive $0xFFFF  }
0x60: {  	[sflag:s0] =	ssyncadd.tile.s32 @!p0 $0x1;
	_ =	shalt  }
.Lfunc_end2:
_tile_overlayer_lowered:
.L_overlay_start_2:
0x61: {  	(tag) =	ssettag $0x2  }
0x62: {  	s0 =	rddreg [dreg:$0x0];
	s2 =	stileid.u32  }
0x63: {  	s1 =	rddreg [dreg:$0x1];
	p0 =	sne.s32 s2, $0x0  }
0x64: {  	s3 =	rddreg [dreg:$0x2];
	[bflag:$0x3] =	sbarrier.arrive $0xFFFF;
	s2 =	simm.s32 @!p0 $0x1C01  }
0x65: {  	[timem:s3], [sflag:s2] =	dma.local @!p0 [hbm:s0], s1  }
0x66: {  	s0 =	simm.s32 @!p0 $0x1  }
0x67: {  	_ =	swait.ge @!p0 [sflag:s0], s1  }
0x68: {  	s1 =	ssub.s32 @!p0 $0x0, s1;
	[sflag:s0] =	ssyncset.done @!p0 $0x0  }
0x69: {  	[sflag:s0] =	ssyncadd.s32 @!p0 s1  }
0x6a: {  	[bflag:$0x3] =	sbarrier.arrive $0xFFFF  }
0x6b: {  	_ =	shalt  }

// kernel: kernel.25.cloned.1.call-start
scs
__scs_entry_jumppad:
0x0: {  	(pc) =	sbr.rel $0x88, $3  }
0x1: {  	(tag) =	ssettag $0x0;
	lr =	simm.s32 $0x1  }
0x2: {  	[smem:$0x3F93] =	sst lr;
	_ =	strace $0xD0000000  }
0x3: {  	_ = 	snop  }
0x4: {  	_ = 	snop  }
0x5: {  	_ = 	snop  }
0x6: {  	_ = 	snop  }
0x7: {  	_ = 	snop  }
__scs_overlays_trampoline_lowered:
0x8: {  	[smem:$0x3FA2] =	sst s0  }
0x9: {  	[smem:$0x3FA3] =	sst s1  }
0xa: {  	[smem:$0x3FA4] =	sst s2  }
0xb: {  	[smem:$0x3FA5] =	sst s3  }
0xc: {  	[smem:$0x3FA6] =	sst s4  }
0xd: {  	[smem:$0x3FA7] =	sst s5  }
0xe: {  	[smem:$0x3FA8] =	sst s6  }
0xf: {  	[smem:$0x3FA9] =	sst s7  }
0x10: {  	[smem:$0x3FAA] =	sst s8  }
0x11: {  	[smem:$0x3FAB] =	sst s9;
	s0 =	simm.s32 @!p0 $0x0  }
0x12: {  	s1 =	sld [smem:$0x3F91];
	s0 =	simm.s32 @p0 $0x1  }
0x13: {  	[smem:$0x3FAC] =	sst s0;
	s0 =	simm.s32 @!p1 $0x0  }
0x14: {  	s2 =	sld [smem:$0x3F90];
	s0 =	simm.s32 @p1 $0x1  }
0x15: {  	[smem:$0x3FAD] =	sst s0;
	s0 =	simm.s32 @!p2 $0x0  }
0x16: {  	s3 =	sld [smem:$0x3FDB];
	s0 =	simm.s32 @p2 $0x1  }
0x17: {  	s4 =	simm.s32 $0x1BF5;
	[smem:$0x3FAF] =	sst s0  }
0x18: {  	s0 =	sld [smem:$0x3F92];
	_ =	swait.ge [sflag:s4], $0x0  }
0x19: {  	s7 =	sld [smem:$0x3F93]  }
0x1a: {  	s8 =	sadd.s32 $0xFFFFE003, lr  }
0x1b: {  	s9 =	sadd.s32 $0xFFFFFEF7, lr;
	s5 =	simm.s32 $0xFFFFFFFF;
	p2 =	slt.u32 s8, $0xFFFFF086  }
0x1c: {  	p1 =	slt.u32 s9, $0xF7A;
	s5 =	simm.s32 @!p2 $0x0  }
0x1d: {  	s5 =	simm.s32 @p1 $0x1;
	p0 =	seq.s32 s7, s2  }
0x1e: {  	s7 =	smul.u32 @!p0 $0xF7A, s2;
	p2 =	seq.s32 @!p0 s5, $0x0  }
0x1f: {  	s9 =	smul.u32 $0xF7A, s1;
	s8 =	simm.s32 @!p0 $0x1BF5;
	p2 =	por !p2, p0  }
0x20: {  	[sflag:s8] =	ssyncset.s32 @!p0 $0xFFFFF086;
	s6 =	sadd.s32 @!p0 s3, s7;
	s7 =	simm.s32 @!p0 $0x108  }
0x21: {  	s3 =	sadd.s32 s3, s9;
	s6 =	sadd.s32 @!p0 $0x88, s6;
	s7 =	simm.s32 @p2 $0x1082  }
0x22: {  	[simem:s7], [sflag:s8] =	dma.local @!p0 [hbm:s6], $0xF7A  }
0x23: {  	s9 =	sor.u32 $0xD0000000, s2;
	s6 =	simm.s32 $0x108;
	_ =	swait.ge @!p0 [sflag:s8], $0x0  }
0x24: {  	s3 =	sadd.s32 $0x88, s3;
	s6 =	simm.s32 @!p1 $0x1082;
	[sflag:s4] =	ssyncset.s32 $0xFFFFF086  }
0x25: {  	[simem:s6], [sflag:s4] =	dma.local [hbm:s3], $0xF7A  }
0x26: {  	[smem:$0x3F93] =	sst s1;
	(tag) =	ssettag s2;
	_ =	strace s9  }
0x27: {  	s1 =	sld [smem:$0x3FA3]  }
0x28: {  	s2 =	sld [smem:$0x3FA4]  }
0x29: {  	s4 =	sld [smem:$0x3FA6]  }
0x2a: {  	p0 =	seq.s32 s5, $0x0;
	s5 =	sld [smem:$0x3FA7]  }
0x2b: {  	s6 =	sld [smem:$0x3FA8]  }
0x2c: {  	s7 =	sld [smem:$0x3FA9]  }
0x2d: {  	s3 =	simm.s32 $0x108;
	s8 =	sld [smem:$0x3FAA]  }
0x2e: {  	s3 =	simm.s32 @!p0 $0x1082;
	s9 =	sld [smem:$0x3FAB]  }
0x2f: {  	lr =	sadd.s32 s0, s3;
	s0 =	sld [smem:$0x3FA2]  }
0x30: {  	s3 =	sld [smem:$0x3FA5]  }
0x31: {  	[smem:$0x3FAE] =	sst s10  }
0x32: {  	s10 =	sld [smem:$0x3FAC];
	_ =	sdelay $0x3  }
0x33: {  	p0 =	seq.s32 s10, $0x1;
	s10 =	sld [smem:$0x3FAE];
	_ =	sdelay $0x3  }
0x34: {  	[smem:$0x3FAE] =	sst s10  }
0x35: {  	s10 =	sld [smem:$0x3FAD];
	_ =	sdelay $0x3  }
0x36: {  	p1 =	seq.s32 s10, $0x1;
	s10 =	sld [smem:$0x3FAE];
	_ =	sdelay $0x3  }
0x37: {  	[smem:$0x3FAE] =	sst s10  }
0x38: {  	s10 =	sld [smem:$0x3FAF]  }
0x39: {  	_ = 	snop;
	(pc) =	sbr.ind lr, $3  }
0x3a: {  	_ = 	snop  }
0x3b: {  	_ = 	snop  }
0x3c: {  	p2 =	seq.s32 s10, $0x1;
	s10 =	sld [smem:$0x3FAE]  }
0x3d: {  	_ =	shalt  }
0x3e: {  	_ =	shalt  }
0x3f: {  	_ =	shalt  }
0x40: {  	_ =	shalt  }
0x41: {  	_ =	shalt  }
0x42: {  	_ =	shalt  }
0x43: {  	_ =	shalt  }
0x44: {  	_ =	shalt  }
0x45: {  	_ =	shalt  }
0x46: {  	_ =	shalt  }
0x47: {  	_ =	shalt  }
0x48: {  	_ =	shalt  }
0x49: {  	_ =	shalt  }
0x4a: {  	_ =	shalt  }
0x4b: {  	_ =	shalt  }
0x4c: {  	_ =	shalt  }
0x4d: {  	_ =	shalt  }
0x4e: {  	_ =	shalt  }
0x4f: {  	_ =	shalt  }
0x50: {  	_ =	shalt  }
0x51: {  	_ =	shalt  }
0x52: {  	_ =	shalt  }
0x53: {  	_ =	shalt  }
0x54: {  	_ =	shalt  }
0x55: {  	_ =	shalt  }
0x56: {  	_ =	shalt  }
0x57: {  	_ =	shalt  }
0x58: {  	_ =	shalt  }
0x59: {  	_ =	shalt  }
0x5a: {  	_ =	shalt  }
0x5b: {  	_ =	shalt  }
0x5c: {  	_ =	shalt  }
0x5d: {  	_ =	shalt  }
0x5e: {  	_ =	shalt  }
0x5f: {  	_ =	shalt  }
0x60: {  	_ =	shalt  }
0x61: {  	_ =	shalt  }
0x62: {  	_ =	shalt  }
0x63: {  	_ =	shalt  }
0x64: {  	_ =	shalt  }
0x65: {  	_ =	shalt  }
0x66: {  	_ =	shalt  }
0x67: {  	_ =	shalt  }
0x68: {  	_ =	shalt  }
0x69: {  	_ =	shalt  }
0x6a: {  	_ =	shalt  }
0x6b: {  	_ =	shalt  }
0x6c: {  	_ =	shalt  }
0x6d: {  	_ =	shalt  }
0x6e: {  	_ =	shalt  }
0x6f: {  	_ =	shalt  }
0x70: {  	_ =	shalt  }
0x71: {  	_ =	shalt  }
0x72: {  	_ =	shalt  }
0x73: {  	_ =	shalt  }
0x74: {  	_ =	shalt  }
0x75: {  	_ =	shalt  }
0x76: {  	_ =	shalt  }
0x77: {  	_ =	shalt  }
0x78: {  	_ =	shalt  }
0x79: {  	_ =	shalt  }
0x7a: {  	_ =	shalt  }
0x7b: {  	_ =	shalt  }
0x7c: {  	_ =	shalt  }
0x7d: {  	_ =	shalt  }
0x7e: {  	_ =	shalt  }
0x7f: {  	_ =	shalt  }
0x80: {  	_ =	shalt  }
0x81: {  	_ =	shalt  }
0x82: {  	_ =	shalt  }
0x83: {  	_ =	shalt  }
0x84: {  	_ =	shalt  }
0x85: {  	_ =	shalt  }
0x86: {  	_ =	shalt  }
0x87: {  	_ =	shalt  }
.Lfunc_end0:
.L_simem_size_0:
called_computation.4_lowered:
.L_overlay_start_0:
0x88: {  	s2 =	sld [smem:$0x3FD9]  }
0x89: {  	s3 =	sld [smem:$0x3FFE];
	_ =	sdelay $0x1  }
0x8a: {  	s1 =	srdreg.scid  }
0x8b: {  	s0 =	sand.u32 $0x1, s1  }
0x8c: {  	s16 =	sshll.u32 s0, $0xA;
	s2 =	sadd.s32 s3, s2  }
0x8d: {  	s2 =	sadd.s32 s2, s16  }
0x8e: {  	[smem:$0x3FBA] =	sst s2  }
0x8f: {  	_ = 	snop  }
0x90: {  	(tm) =	ssettm $0x1  }
0x91: {  	s17 =	sld [smem:$0x3FFB];
	_ =	sdelay $0x3  }
0x92: {  	_ =	strace s17  }
0x93: {  	s2 =	sld [smem:$0x3FFC];
	_ =	sdelay $0x3  }
0x94: {  	_ =	strace s2  }
0x95: {  	s2 =	sld [smem:$0x3FFD];
	_ =	sdelay $0x3  }
0x96: {  	_ =	strace s2  }
0x97: {  	_ =	strace $0x8FFFFFFF  }
0x98: {  	s18 =	sld [smem:$0x3FDB];
	_ =	sdelay $0x1  }
0x99: {  	s19 =	simm.s32 $_scs_section_size  }
0x9a: {  	s4 =	simm.s32 $_size__tile_overlayer_lowered;
	s5 =	simm.s32 $_tile_overlayer_lowered  }
0x9b: {  	s22 =	simm.s32 $0x1BFF;
	s21 =	sshll.u32 s5, $0x1;
	s2 =	sadd.s32 s19, s18  }
0x9c: {  	s6 =	simm.s32 $0x0;
	s20 =	sshll.u32 s4, $0x1;
	s4 =	sadd.s32 s21, s2  }
0x9d: {  	[timem:s6], [sflag:s22] =	dma.local [hbm:s4], s20  }
0x9e: {  	_ =	swait.ge [sflag:s22], s20  }
0x9f: {  	s3 =	ssub.s32 $0x0, s20;
	[sflag:s22] =	ssyncset.done $0x0  }
0xa0: {  	[sflag:s22] =	ssyncadd.s32 s3;
	_ =	sdelay $0x1  }
0xa1: {  	s23 =	simm.s32 $0x1B8B  }
0xa2: {  	_ =	swait.ge [sflag:s23], $0x1  }
0xa3: {  	[sflag:s23] =	ssyncset.done $0x0  }
0xa4: {  	s25 =	simm.s32 $0x1B8E;
	s24 =	sld [smem:$0x3FFE];
	[sflag:s23] =	ssyncadd.s32 $0xFFFFFFFF  }
0xa5: {  	s26 =	simm.s32 $execute0_lowered;
	[smem:$0x3FD2] =	sst s25  }
0xa6: {  	s4 =	sshll.u32 s26, $0x1;
	_ =	strace $0x80000052;
	[dreg:$0x1] =	wrdreg $0xFFFFFFFF  }
0xa7: {  	s28 =	simm.s32 $_size_execute0_lowered;
	s2 =	sadd.s32 s2, s4;
	[dreg:$0x0] =	wrdreg $0x0  }
0xa8: {  	s4 =	sshll.u32 s28, $0x1;
	[dreg:$0x2] =	wrdreg s2  }
0xa9: {  	[dreg:$0x3] =	wrdreg s4  }
0xaa: {  	[dreg:$0x4] =	wrdreg $0xC0  }
0xab: {  	_ =	task [dreg:s6], $0x5FFFF  }
0xac: {  	[dreg:$0x1] =	wrdreg $0xFFFFFFFF  }
0xad: {  	[dreg:$0x0] =	wrdreg $0x60  }
0xae: {  	[dreg:$0x2] =	wrdreg s24  }
0xaf: {  	[dreg:$0x3] =	wrdreg $0x90000  }
0xb0: {  	[dreg:$0x4] =	wrdreg $0x9  }
0xb1: {  	_ =	task.clear_ibuf [dreg:s6], $0x5FFFF;
	_ =	strace $0x90000052  }
0xb2: {  	s29 =	simm.s32 $0x9;
	_ =	strace $0x80000054  }
0xb3: {  	_ =	swait.ge [sflag:s29], $0x1  }
0xb4: {  	[sflag:s29] =	ssyncadd.s32 $0xFFFFFFFF  }
0xb5: {  	_ =	strace $0x90000054  }
0xb6: {  	_ =	sfence  }
0xb7: {  	s30 =	sld [smem:$0x0];
	_ =	sdelay $0x2  }
0xb8: {  	s31 =	sshll.u32 s1, $0xD;
	s1 =	sshrl.u32 s1, $0x2  }
0xb9: {  	s3 =	sand.u32 $0x4000, s31;
	s1 =	sadd.s32 s1, s30  }
0xba: {  	s0 =	sor.u32 s3, s0;
	s1 =	sshll.u32 s1, $0x11  }
0xbb: {  	s0 =	sor.u32 s1, s0  }
0xbc: {  	s0 =	sadd.s32 $0x8F2B, s0  }
0xbd: {  	[sflag:s0] =	ssyncadd.remote.s32 $0x1  }
0xbe: {  	_ =	sfence.sel $0xFFFF  }
0xbf: {  	[dreg:$0x0] =	wrdreg $0xFFFFFFFF;
	(pc) =	sbr.abs _section_cstart, $3  }
0xc0: {  	[dreg:$0x1] =	wrdreg $0xFFFFFFFF  }
0xc1: {  	_ =	task.clear_ibuf [dreg:s6], $0x2FFFF;
	_ =	strace $0x9FFFFFFF  }
0xc2: {  	(tm) =	ssettm $0x7FFFFFFF  }
0xc3: {  	_ =	shalt  }
tec
execute0_lowered:
.L_overlay_start_1:
0x0: {  	(tag) =	ssettag $0x1  }
0x1: {  	s5 =	rddreg [dreg:$0x0]  }
0x2: {  	s1 =	rddreg [dreg:$0x1];
	s2 =	srdreg.scid  }
0x3: {  	s0 =	rddreg [dreg:$0x2];
	s6 =	sand.u32 $0x1, s2  }
0x4: {  	s3 =	simm.s32 $0x0;
	s2 =	stileid.u32;
	s7 =	smul.u32 $0xA000, s6  }
0x5: {  	[smem:$0x7FF] =	sst s3;
	s4 =	sadd.s32 $0x1B9200, s5;
	s17 =	smul.u32 $0x2780, s2  }
0x6: {  	s14 =	simm.s32 $0x5000;
	_ =	strace $0x80000053;
	s8 =	smul.u32 $0x27800, s6  }
0x7: {  	s9 =	smul.u32 $0x4F000, s2;
	s6 =	ssub.s32 $0x2, s6;
	s30 =	sshll.u32 s2, $0x6  }
0x8: {  	s12 =	smul.u32 $0x500, s2;
	s29 =	sshrl.u32 s6, $0x1;
	s7 =	sadd.s32 s7, s5  }
0x9: {  	s10 =	sadd.s32 s17, s5;
	s8 =	sadd.s32 s8, s5;
	s9 =	sshrl.u32 s9, $0x2  }
0xa: {  	s11 =	ssub.s32 s6, s29;
	s6 =	sor.u32 $0x1C01, s30;
	s9 =	sadd.s32 s9, s1  }
0xb: {  	s5 =	sadd.s32 $0x5200, s10;
	s31 =	sadd.s32 $0x1A5200, s7;
	s13 =	sadd.s32 $0x191200, s7  }
0xc: {  	s18 =	sadd.s32 $0x2CA00, s8;
	s7 =	smax.u32 s11, $0x1;
	s8 =	sshrl.u32 s9, $0x3  }
0xd: {  	s9 =	simm.s32 $0x1;
	s10 =	sadd.s32 s12, s31;
	s11 =	sadd.s32 s12, s13  }
0xe: {  	s12 =	simm.s32 $0x2800;
	s13 =	simm.s32 $0x80;
	s17 =	sadd.s32 s17, s18  }
0xf: {  	s18 =	simm.s32 $0x0;
	s15 =	sadd.s32 $0x5000, s10;
	s16 =	sadd.s32 $0x5000, s11  }
.LBB2_1:
0x10: {  	[spmem:s8], [sflag:s6] =	dma.local [hbm:s5], $0x2780  }
0x11: {  	_ =	swait.ge [sflag:s9], $0x2780  }
0x12: {  	[sflag:s9] =	ssyncset.done $0x0  }
0x13: {  	[sflag:s9] =	ssyncadd.s32 $0xFFFFD880  }
0x14: {  	[bflag:$0x0] =	sbarrier.arrive $0xFFFF  }
0x15: {  	[tilespmem:s3], [sflag:$0x1] =	stream.linear.gather [hbm4b:s10+s3], $0x2780, $0x38;
	[tilespmem:$0x1CC00] =	vst v63  }
0x16: {  	_ =	swait.ge [sflag:s9], $0x2780  }
0x17: {  	[sflag:s9] =	ssyncset.done $0x0  }
0x18: {  	[sflag:s9] =	ssyncadd.s32 $0xFFFFD880  }
0x19: {  	[tilespmem:s12], [sflag:$0x1] =	stream.linear.gather [hbm4b:s11+s3], $0x2780, $0x38;
	[tilespmem:$0x1CC00] =	vst v63  }
0x1a: {  	_ =	swait.ge [sflag:s9], $0x2780  }
0x1b: {  	[sflag:s9] =	ssyncset.done $0x0  }
0x1c: {  	s19 =	simm.s32 $0x0;
	[sflag:s9] =	ssyncadd.s32 $0xFFFFD880  }
0x1d: {  	[tilespmem:s14], [sflag:$0x1] =	stream.indirect.gather [hbm4b:s4+s13], $0x80, s19, s13, $0xb8;
	[tilespmem:$0x1CC00] =	vst v63  }
0x1e: {  	_ =	swait.ge [sflag:s9], $0x4000  }
0x1f: {  	[sflag:s9] =	ssyncset.done $0x0  }
0x20: {  	s31 =	simm.s32 $0x2800;
	[sflag:s9] =	ssyncadd.s32 $0xFFFFC000  }
0x21: {  	[spmem:s1] =	stream.indirect.scatter.add.f32 [tilespmem:s14], [sflag:$0x1], $0x80, s31, s13, $0xb8;
	[tilespmem:$0x1CC00] =	vst v63  }
0x22: {  	_ =	swait.ge [sflag:s9], $0x4000  }
0x23: {  	s20 =	simm.s32 $0x400;
	s19 =	simm.s32 $0x200;
	[sflag:s9] =	ssyncset.done $0x0  }
.LBB2_2:
0x24: {  	s21 =	sshra.s32 s19, $0x2  }
0x25: {  	[sflag:s9] =	ssyncadd.s32 $0xFFFFC000;
	s19 =	smov.u32 s20;
	s22 =	sadd.s32 $0x200, s20  }
0x26: {  	[tilespmem:s14], [sflag:$0x1] =	stream.indirect.gather [hbm4b:s4+s13], $0x80, s21, s13, $0xb8;
	[tilespmem:$0x1CC00] =	vst v63  }
0x27: {  	p0 =	sne.s32 s20, $0x9C00;
	_ =	swait.ge [sflag:s9], $0x4000  }
.Ltmp0:
0x28: {  	[sflag:s9] =	ssyncset.done $0x0;
	(pc) =	sbr.rel @p0 .LBB2_2-.Ltmp0, $4  }
0x29: {  	s20 =	sadd.s32 $0x2800, s21;
	[sflag:s9] =	ssyncadd.s32 $0xFFFFC000  }
0x2a: {  	[spmem:s1] =	stream.indirect.scatter.add.f32 [tilespmem:s14], [sflag:$0x1], $0x80, s20, s13, $0xb8;
	[tilespmem:$0x1CC00] =	vst v63  }
0x2b: {  	_ =	swait.ge [sflag:s9], $0x4000  }
0x2c: {  	s20 =	smov.u32 s22;
	[sflag:s9] =	ssyncset.done $0x0  }
0x2d: {  	s19 =	sshra.s32 s19, $0x2;
	[sflag:s9] =	ssyncadd.s32 $0xFFFFC000  }
0x2e: {  	[tilespmem:s14], [sflag:$0x1] =	stream.indirect.gather [hbm4b:s4+s13], $0x80, s19, s13, $0xb8;
	[tilespmem:$0x1CC00] =	vst v63  }
0x2f: {  	_ =	swait.ge [sflag:s9], $0x4000  }
0x30: {  	[sflag:s9] =	ssyncset.done $0x0  }
0x31: {  	s19 =	sadd.s32 $0x2800, s19;
	[sflag:s9] =	ssyncadd.s32 $0xFFFFC000  }
0x32: {  	[spmem:s1] =	stream.indirect.scatter.add.f32 [tilespmem:s14], [sflag:$0x1], $0x80, s19, s13, $0xb8;
	[tilespmem:$0x1CC00] =	vst v63  }
0x33: {  	_ =	swait.ge [sflag:s9], $0x4000  }
0x34: {  	[sflag:s9] =	ssyncset.done $0x0  }
0x35: {  	s29 =	simm.s32 $0x0;
	[sflag:s9] =	ssyncadd.s32 $0xFFFFC000  }
0x36: {  	[tilespmem:s29], [sflag:$0x1] =	stream.linear.gather [hbm4b:s15+s29], $0x2780, $0x38;
	[tilespmem:$0x1CC00] =	vst v63  }
0x37: {  	_ =	swait.ge [sflag:s9], $0x2780  }
0x38: {  	[sflag:s9] =	ssyncset.done $0x0  }
0x39: {  	[sflag:s9] =	ssyncadd.s32 $0xFFFFD880  }
0x3a: {  	[tilespmem:s12], [sflag:$0x1] =	stream.linear.gather [hbm4b:s16+s29], $0x2780, $0x38;
	[tilespmem:$0x1CC00] =	vst v63  }
0x3b: {  	_ =	swait.ge [sflag:s9], $0x2780  }
0x3c: {  	[sflag:s9] =	ssyncset.done $0x0  }
0x3d: {  	s30 =	simm.s32 $0x0;
	[sflag:s9] =	ssyncadd.s32 $0xFFFFD880  }
0x3e: {  	[tilespmem:s14], [sflag:$0x1] =	stream.indirect.gather [hbm4b:s4+s13], $0x80, s30, s13, $0xb8;
	[tilespmem:$0x1CC00] =	vst v63  }
0x3f: {  	_ =	swait.ge [sflag:s9], $0x4000  }
0x40: {  	[sflag:s9] =	ssyncset.done $0x0  }
0x41: {  	s31 =	simm.s32 $0x2800;
	[sflag:s9] =	ssyncadd.s32 $0xFFFFC000  }
0x42: {  	[spmem:s1] =	stream.indirect.scatter.add.f32 [tilespmem:s14], [sflag:$0x1], $0x80, s31, s13, $0xb8;
	[tilespmem:$0x1CC00] =	vst v63  }
0x43: {  	_ =	swait.ge [sflag:s9], $0x4000  }
0x44: {  	s20 =	simm.s32 $0x400;
	s19 =	simm.s32 $0x200;
	[sflag:s9] =	ssyncset.done $0x0  }
.LBB2_4:
0x45: {  	s21 =	sshra.s32 s19, $0x2  }
0x46: {  	[sflag:s9] =	ssyncadd.s32 $0xFFFFC000;
	s19 =	smov.u32 s20;
	s22 =	sadd.s32 $0x200, s20  }
0x47: {  	[tilespmem:s14], [sflag:$0x1] =	stream.indirect.gather [hbm4b:s4+s13], $0x80, s21, s13, $0xb8;
	[tilespmem:$0x1CC00] =	vst v63  }
0x48: {  	p0 =	sne.s32 s20, $0x9C00;
	_ =	swait.ge [sflag:s9], $0x4000  }
.Ltmp1:
0x49: {  	[sflag:s9] =	ssyncset.done $0x0;
	(pc) =	sbr.rel @p0 .LBB2_4-.Ltmp1, $4  }
0x4a: {  	s20 =	sadd.s32 $0x2800, s21;
	[sflag:s9] =	ssyncadd.s32 $0xFFFFC000  }
0x4b: {  	[spmem:s1] =	stream.indirect.scatter.add.f32 [tilespmem:s14], [sflag:$0x1], $0x80, s20, s13, $0xb8;
	[tilespmem:$0x1CC00] =	vst v63  }
0x4c: {  	_ =	swait.ge [sflag:s9], $0x4000  }
0x4d: {  	s20 =	smov.u32 s22;
	[sflag:s9] =	ssyncset.done $0x0  }
0x4e: {  	s19 =	sshra.s32 s19, $0x2;
	[sflag:s9] =	ssyncadd.s32 $0xFFFFC000  }
0x4f: {  	[tilespmem:s14], [sflag:$0x1] =	stream.indirect.gather [hbm4b:s4+s13], $0x80, s19, s13, $0xb8;
	[tilespmem:$0x1CC00] =	vst v63  }
0x50: {  	_ =	swait.ge [sflag:s9], $0x4000  }
0x51: {  	[sflag:s9] =	ssyncset.done $0x0  }
0x52: {  	s19 =	sadd.s32 $0x2800, s19;
	[sflag:s9] =	ssyncadd.s32 $0xFFFFC000  }
0x53: {  	[spmem:s1] =	stream.indirect.scatter.add.f32 [tilespmem:s14], [sflag:$0x1], $0x80, s19, s13, $0xb8;
	[tilespmem:$0x1CC00] =	vst v63  }
0x54: {  	_ =	swait.ge [sflag:s9], $0x4000  }
0x55: {  	s18 =	sadd.s32 $0x1, s18;
	[sflag:s9] =	ssyncset.done $0x0  }
0x56: {  	p0 =	sne.s32 s18, s7;
	[sflag:s9] =	ssyncadd.s32 $0xFFFFC000  }
.Ltmp2:
0x57: {  	[bflag:$0x0] =	sbarrier.arrive $0xFFFF;
	(pc) =	sbr.rel @p0 .LBB2_1-.Ltmp2, $4  }
0x58: {  	[hbm:s17], [sflag:s6] =	dma.local [spmem:s8], $0x2780  }
0x59: {  	_ =	swait.ge [sflag:s9], $0x2780  }
0x5a: {  	[sflag:s9] =	ssyncset.done $0x0  }
0x5b: {  	[sflag:s9] =	ssyncadd.s32 $0xFFFFD880  }
0x5c: {  	_ =	sfence.sel $0x180000  }
0x5d: {  	[bflag:$0x0] =	sbarrier.arrive $0xFFFF  }
0x5e: {  	p0 =	sne.s32 s2, $0x0;
	_ =	strace $0x90000053  }
0x5f: {  	s0 =	sadd.s32 @!p0 $0x100000, s0;
	[bflag:$0x2] =	sbarrier.arrive $0xFFFF  }
0x60: {  	[sflag:s0] =	ssyncadd.tile.s32 @!p0 $0x1;
	_ =	shalt  }
.Lfunc_end2:
_tile_overlayer_lowered:
.L_overlay_start_2:
0x61: {  	(tag) =	ssettag $0x2  }
0x62: {  	s0 =	rddreg [dreg:$0x0];
	s2 =	stileid.u32  }
0x63: {  	s1 =	rddreg [dreg:$0x1];
	p0 =	sne.s32 s2, $0x0  }
0x64: {  	s3 =	rddreg [dreg:$0x2];
	[bflag:$0x3] =	sbarrier.arrive $0xFFFF;
	s2 =	simm.s32 @!p0 $0x1C01  }
0x65: {  	[timem:s3], [sflag:s2] =	dma.local @!p0 [hbm:s0], s1  }
0x66: {  	s0 =	simm.s32 @!p0 $0x1  }
0x67: {  	_ =	swait.ge @!p0 [sflag:s0], s1  }
0x68: {  	s1 =	ssub.s32 @!p0 $0x0, s1;
	[sflag:s0] =	ssyncset.done @!p0 $0x0  }
0x69: {  	[sflag:s0] =	ssyncadd.s32 @!p0 s1  }
0x6a: {  	[bflag:$0x3] =	sbarrier.arrive $0xFFFF  }
0x6b: {  	_ =	shalt  }

</sc_bundles>
